<compile_context>
chip_gen: v7x
topology: tpu7x:2x2x1
jax: 0.10.2.dev20260603
libtpu: 0.0.44.dev20260713+nightly
codegen_flags: <defaults>
</compile_context>

<pallas_src>
import numpy as np
import jax
import jax.numpy as jnp
from jax import lax
from jax.experimental import pallas as pl
from jax.experimental.pallas import tpu as pltpu
from jax.experimental.pallas import tpu_sc as plsc

X, Y, DIM = 64, 64, 128
N = X * Y
NUM_ITERS = 100
LEARNING_RADIUS = 0.5
SIGMA = max(X, Y) / 2.0
COGNITIVE, SOCIAL, INERTIA = 0.01, 0.1, 0.001

_D2_VALUES = np.array(
    sorted({dx * dx + dy * dy for dx in range(-63, 64) for dy in range(-63, 64)}),
    dtype=np.int64)
KC = len(_D2_VALUES)
D2_MAX = int(_D2_VALUES[-1])
CRK_LEN = 8064
_CEILRANK = np.searchsorted(_D2_VALUES, np.arange(CRK_LEN), side="left").astype(np.int32)

KPAD = 1664
CH = KPAD // 16
PT = N // 16
HT = N // 32
VCH = KPAD // 128

_VR = np.full((KPAD,), D2_MAX + 1, np.int64)
_VR[:KC] = _D2_VALUES
_VR13 = _VR.reshape(VCH, 128).astype(np.int32)

_GI, _GJ = np.meshgrid(np.arange(X), np.arange(Y), indexing="ij")
_GLX = _GI.reshape(32, 128).astype(np.float32)
_GLY = _GJ.reshape(32, 128).astype(np.float32)
_GLXC = _GI.reshape(N, 1).astype(np.float32)
_GLYC = _GJ.reshape(N, 1).astype(np.float32)


def _prep(itn_ref, iv_ref, p_ref, gl_ref, glx_ref, gly_ref, vr_ref,
          d2_ref, dd_ref, misc_ref, csuf_ref):
    decay = 1.0 - itn_ref[0:1, 0:1] / NUM_ITERS
    lr = LEARNING_RADIUS * decay
    s2 = (SIGMA * decay) ** 2
    diff = iv_ref[:] - p_ref[:] + 1e-6
    dists = jnp.sqrt(jnp.sum(diff * diff, axis=1, keepdims=True))
    dmin = jnp.min(dists)
    iota = lax.broadcasted_iota(jnp.int32, (N, 1), 0)
    bmu = jnp.min(jnp.where(dists <= dmin, iota, N))
    gl_row = gl_ref[pl.ds(bmu, 1), :]
    bx = gl_row[0:1, 0:1]
    by = gl_row[0:1, 1:2]
    dx = glx_ref[:] - bx
    dy = gly_ref[:] - by
    d2 = dx * dx + dy * dy
    nbhd = jnp.exp(-(d2 / s2))
    t = nbhd + lr
    lo = jnp.zeros((32, 128), jnp.int32)
    hi = jnp.full((32, 128), D2_MAX + 1, jnp.int32)
    for _ in range(13):
        mid = (lo + hi) // 2
        pred = jnp.exp(-(mid.astype(jnp.float32) / s2)) <= t
        hi = jnp.where(pred, mid, hi)
        lo = jnp.where(pred, lo, mid + 1)
    d2_ref[...] = d2.astype(jnp.int32)
    dd_ref[...] = lo
    misc_ref[0:1, :] = p_ref[pl.ds(bmu, 1), :]
    misc_ref[1:2, :] = jnp.zeros((1, 128), jnp.float32)
    misc_ref[1:2, 0:1] = bx
    misc_ref[1:2, 1:2] = by
    misc_ref[1:2, 2:3] = lr
    misc_ref[1:2, 3:4] = s2
    bi = bx.astype(jnp.int32)
    bj = by.astype(jnp.int32)
    vr = vr_ref[...]
    cnt_lt = jnp.zeros((VCH, 128), jnp.int32)
    for x in range(X):
        q = vr - 1 - (x - bi) * (x - bi)
        qc = jnp.maximum(q, 0)
        w = jnp.sqrt(qc.astype(jnp.float32)).astype(jnp.int32)
        w = jnp.where(w * w > qc, w - 1, w)
        w = jnp.where((w + 1) * (w + 1) <= qc, w + 1, w)
        ln = jnp.minimum(Y - 1, bj + w) - jnp.maximum(0, bj - w) + 1
        cnt_lt = cnt_lt + jnp.where(q < 0, 0, ln)
    csuf_ref[...] = (N - cnt_lt).astype(jnp.float32)


_MESH_CACHE = []


def _get_mesh():
    if not _MESH_CACHE:
        _MESH_CACHE.append(plsc.VectorSubcoreMesh(
            core_axis_name="c", subcore_axis_name="s",
            num_cores=1, num_subcores=16))
    return _MESH_CACHE[0]


def _sc_centroid(p_hbm, d2_hbm, dd_hbm, crk_hbm, zrow_hbm, csuf_hbm,
                 out_hbm,
                 crk_v, d2_v, rank_v, p_v, p_v2, csuf_v,
                 work, tot1, tot_v, dv_v, rrow_v,
                 sums_sh, tot_sh):
    c = lax.axis_index("c")
    s = lax.axis_index("s")
    zb = s * CH
    base = s * PT

    pltpu.sync_copy(crk_hbm, crk_v)
    pltpu.sync_copy(csuf_hbm, csuf_v)
    pltpu.sync_copy(d2_hbm.at[pl.ds(s * 2, 2), :], d2_v)
    pltpu.sync_copy(p_hbm.at[pl.ds(base, 128), :], p_v)
    pltpu.sync_copy(p_hbm.at[pl.ds(base + 128, 128), :], p_v2)

    for j in range(2):
        for k in range(8):
            idx = d2_v[j, pl.ds(k * 16, 16)]
            rank_v[j, (k * 16):((k + 1) * 16)] = plsc.load_gather(crk_v, [idx])

    pltpu.sync_copy(zrow_hbm, sums_sh.at[pl.ds(zb, CH), :])
    plsc.subcore_barrier()

    pltpu.sync_copy(p_v, sums_sh.at[rank_v.at[0]], add=True)
    pltpu.sync_copy(p_v2, sums_sh.at[rank_v.at[1]], add=True)
    plsc.subcore_barrier()

    pltpu.sync_copy(sums_sh.at[pl.ds(zb, CH), :], work)

    def _tot_body(r, acc):
        return tuple(acc[d] + work[r, pl.ds(d * 16, 16)] for d in range(8))

    zero16 = jnp.zeros((16,), jnp.float32)
    tot = lax.fori_loop(0, CH, _tot_body, (zero16,) * 8)
    for d in range(8):
        tot1[0, (d * 16):((d + 1) * 16)] = tot[d]
    pltpu.sync_copy(tot1, tot_sh.at[pl.ds(s, 1), :])
    plsc.subcore_barrier()

    pltpu.sync_copy(tot_sh, tot_v)
    carry = [zero16] * 8
    for k in range(16):
        f = jnp.where(k > s, 1.0, 0.0).astype(jnp.float32)
        for d in range(8):
            carry[d] = carry[d] + f * tot_v[k, pl.ds(d * 16, 16)]

    def _suf_body(i, acc):
        r = CH - 1 - i
        new = tuple(acc[d] + work[r, pl.ds(d * 16, 16)] for d in range(8))
        rr = zb + r
        cnt = plsc.load_gather(
            csuf_v, [jnp.full((16,), rr >> 7, jnp.int32),
                     jnp.full((16,), rr & 127, jnp.int32)])
        for d in range(8):
            work[r, pl.ds(d * 16, 16)] = new[d] / cnt
        return new

    lax.fori_loop(0, CH, _suf_body, tuple(carry))
    pltpu.sync_copy(work, sums_sh.at[pl.ds(zb, CH), :])
    plsc.subcore_barrier()

    del c
    pltpu.sync_copy(dd_hbm.at[pl.ds(s * 2, 2), :], dv_v)
    for g in range(2):
        for k in range(8):
            idx = dv_v[g, pl.ds(k * 16, 16)]
            rrow_v[g, (k * 16):((k + 1) * 16)] = plsc.load_gather(crk_v, [idx])
    pltpu.sync_copy(sums_sh.at[rrow_v.at[0]], p_v)
    pltpu.sync_copy(p_v, out_hbm.at[pl.ds(s * PT, HT), :])
    pltpu.sync_copy(sums_sh.at[rrow_v.at[1]], p_v2)
    pltpu.sync_copy(p_v2, out_hbm.at[pl.ds(s * PT + HT, HT), :])


def _update(p_ref, v_ref, r1_ref, r2_ref, cen_ref, glxc_ref, glyc_ref,
            misc_ref, op_ref, ov_ref):
    gbest = misc_ref[0:1, :]
    bx = misc_ref[1:2, 0:1]
    by = misc_ref[1:2, 1:2]
    lr = misc_ref[1:2, 2:3]
    s2 = misc_ref[1:2, 3:4]
    d2c = (glxc_ref[:] - bx) ** 2 + (glyc_ref[:] - by) ** 2
    nbhd = jnp.exp(-(d2c / s2))
    upd = (1.0 - nbhd) <= lr
    p = p_ref[...]
    v = v_ref[...]
    v_upd = (INERTIA * v + COGNITIVE * r1_ref[...] * (cen_ref[...] - p)
             + SOCIAL * r2_ref[...] * (gbest - p))
    ov_ref[...] = jnp.where(upd, v_upd, v)
    op_ref[...] = jnp.where(upd, p + v_upd, p)


def kernel(input_vec, iter_num, particles, velocities, grid_locations, r1, r2):
    itn = jnp.asarray(iter_num, jnp.float32).reshape(1, 1)
    gl_f = jnp.asarray(np.stack([_GI.reshape(-1), _GJ.reshape(-1)], 1)
                       .astype(np.float32))
    iv = input_vec.reshape(1, DIM)

    d2m, ddm, misc, csuf = pl.pallas_call(
        _prep,
        out_shape=[
            jax.ShapeDtypeStruct((32, 128), jnp.int32),
            jax.ShapeDtypeStruct((32, 128), jnp.int32),
            jax.ShapeDtypeStruct((2, 128), jnp.float32),
            jax.ShapeDtypeStruct((VCH, 128), jnp.float32),
        ],
    )(itn, iv, particles, gl_f, jnp.asarray(_GLX), jnp.asarray(_GLY),
      jnp.asarray(_VR13))

    crk = jnp.asarray(_CEILRANK)
    zrow = jnp.zeros((CH, DIM), jnp.float32)

    sc = pl.kernel(
        _sc_centroid,
        out_type=jax.ShapeDtypeStruct((N, DIM), jnp.float32),
        mesh=_get_mesh(),
        compiler_params=pltpu.CompilerParams(needs_layout_passes=False),
        scratch_types=[
            pltpu.VMEM((CRK_LEN,), jnp.int32),
            pltpu.VMEM((2, 128), jnp.int32),
            pltpu.VMEM((2, 128), jnp.int32),
            pltpu.VMEM((128, DIM), jnp.float32),
            pltpu.VMEM((128, DIM), jnp.float32),
            pltpu.VMEM((VCH, 128), jnp.float32),
            pltpu.VMEM((CH, DIM), jnp.float32),
            pltpu.VMEM((1, DIM), jnp.float32),
            pltpu.VMEM((16, DIM), jnp.float32),
            pltpu.VMEM((2, 128), jnp.int32),
            pltpu.VMEM((2, 128), jnp.int32),
            pltpu.VMEM_SHARED((KPAD, DIM), jnp.float32),
            pltpu.VMEM_SHARED((16, DIM), jnp.float32),
        ],
    )
    cen = sc(particles, d2m, ddm, crk, zrow, csuf)

    BLK = 512
    blk = pl.BlockSpec((BLK, DIM), lambda i: (i, 0))
    cblk = pl.BlockSpec((BLK, 1), lambda i: (i, 0))
    out_p, out_v = pl.pallas_call(
        _update,
        grid=(N // BLK,),
        in_specs=[blk, blk, blk, blk, blk, cblk, cblk,
                  pl.BlockSpec((2, 128), lambda i: (0, 0))],
        out_specs=[blk, blk],
        out_shape=[
            jax.ShapeDtypeStruct((N, DIM), jnp.float32),
            jax.ShapeDtypeStruct((N, DIM), jnp.float32),
        ],
    )(particles, velocities, r1, r2, cen, jnp.asarray(_GLXC), jnp.asarray(_GLYC),
      misc)
    return out_p, out_v

# --- scband reference (transcript-rebuilt; emitter-appended) ---
"""Pipeline reference for scband-som-12309376270685 (READ-ONLY COPY).

The authoritative reference and input builder live on the scoring server;
editing this copy changes nothing except your own understanding.
"""

import jax, jax.numpy as jnp
import numpy as np

X, Y, DIM = 64, 64, 128
N = X * Y
NUM_ITERS = 100
LEARNING_RADIUS = 0.5
SIGMA = max(X, Y) / 2.0
COGNITIVE, SOCIAL, INERTIA = 0.01, 0.1, 0.001


def setup_inputs(seed: int = 0) -> dict:
    key = jax.random.key(seed)
    k1, k2, k3, k4 = jax.random.split(key, 4)
    input_vec = jax.random.normal(k1, (DIM,), dtype=jnp.float32)
    particle_inits = jnp.ones((DIM,), dtype=jnp.float32)
    particles = jax.random.uniform(k2, (N, DIM), dtype=jnp.float32) * particle_inits[None, :]
    velocities = jnp.zeros((N, DIM), dtype=jnp.float32)
    gi, gj = jnp.meshgrid(jnp.arange(X), jnp.arange(Y), indexing='ij')
    grid_locations = jnp.stack([gi.reshape(-1), gj.reshape(-1)], axis=1).astype(jnp.int32)
    # randomness of the PSO update (r1, r2 per particle per dim), fixed seed
    r1 = jax.random.uniform(k3, (N, DIM), dtype=jnp.float32)
    r2 = jax.random.uniform(k4, (N, DIM), dtype=jnp.float32)
    return {
        'input_vec': input_vec,
        'iter_num': 10,
        'particles': particles,
        'velocities': velocities,
        'grid_locations': grid_locations,
        'r1': r1,
        'r2': r2,
    }


def reference(input_vec, iter_num, particles, velocities, grid_locations, r1, r2):
    # pairwise L2 distance between input and each particle (PairwiseDistance eps=1e-6)
    diff = input_vec[None, :] - particles + 1e-6
    dists = jnp.sqrt(jnp.sum(diff * diff, axis=1))
    bmu_idx = jnp.argmin(dists)
    bmu_loc = grid_locations[bmu_idx]
    decay = 1.0 - iter_num / NUM_ITERS
    lr_decay = LEARNING_RADIUS * decay
    sigma_decay = SIGMA * decay
    # gaussian kernel neighborhood over the 2D grid
    gl = grid_locations.astype(jnp.float32)
    d2 = jnp.sum((gl - bmu_loc.astype(jnp.float32)[None, :]) ** 2, axis=1)
    neighborhood = jnp.exp(-(d2 / (sigma_decay ** 2)))
    # particle swarm update (vectorized over the per-particle python loop)
    global_best = particles[bmu_idx]
    global_nbest = neighborhood[bmu_idx]
    upd = (global_nbest - neighborhood) <= lr_decay  # particles NOT skipped
    # region mask: mask[i, j] = neighborhood[j] <= neighborhood[i] + lr_decay
    mask = (neighborhood[None, :] <= (neighborhood[:, None] + lr_decay)).astype(jnp.float32)
    counts = jnp.sum(mask, axis=1, keepdims=True)
    centroid = (mask @ particles) / counts
    v_cognitive = COGNITIVE * r1 * (centroid - particles)
    v_social = SOCIAL * r2 * (global_best[None, :] - particles)
    v_update = INERTIA * velocities + v_cognitive + v_social
    new_velocities = jnp.where(upd[:, None], v_update, velocities)
    new_particles = jnp.where(upd[:, None], particles + v_update, particles)
    return new_particles, new_velocities

if __name__ == "__main__":
    import jax
    _d = setup_inputs()
    print(jax.jit(kernel)(*tuple(_d.values())))

</pallas_src>

<mosaic_0001>
#map = affine_map<(d0, d1) -> (0, 0)>
#map1 = affine_map<(d0, d1) -> (0)>
module attributes {stable_mosaic.version = 14 : i64} {
  func.func @_sc_centroid(%arg0: i32, %arg1: i32, %arg2: memref<4096x128xf32, #tpu.memory_space<hbm>>, %arg3: memref<32x128xi32, #tpu.memory_space<hbm>>, %arg4: memref<32x128xi32, #tpu.memory_space<hbm>>, %arg5: memref<8064xi32, #tpu.memory_space<hbm>>, %arg6: memref<104x128xf32, #tpu.memory_space<hbm>>, %arg7: memref<13x128xf32, #tpu.memory_space<hbm>>, %arg8: memref<4096x128xf32, #tpu.memory_space<hbm>>, %arg9: memref<8064xi32, #tpu.memory_space<vmem>>, %arg10: memref<2x128xi32, #tpu.memory_space<vmem>>, %arg11: memref<2x128xi32, #tpu.memory_space<vmem>>, %arg12: memref<128x128xf32, #tpu.memory_space<vmem>>, %arg13: memref<128x128xf32, #tpu.memory_space<vmem>>, %arg14: memref<13x128xf32, #tpu.memory_space<vmem>>, %arg15: memref<104x128xf32, #tpu.memory_space<vmem>>, %arg16: memref<1x128xf32, #tpu.memory_space<vmem>>, %arg17: memref<16x128xf32, #tpu.memory_space<vmem>>, %arg18: memref<2x128xi32, #tpu.memory_space<vmem>>, %arg19: memref<2x128xi32, #tpu.memory_space<vmem>>, %arg20: memref<1664x128xf32, #tpu.memory_space<vmem_shared>>, %arg21: memref<16x128xf32, #tpu.memory_space<vmem_shared>>) attributes {dimension_semantics = [#tpu.dimension_semantics<core_parallel>, #tpu.dimension_semantics<subcore_parallel>], iteration_bounds = array<i64: 1, 16>, scalar_prefetch = 0 : i64, scratch_operands = 13 : i64, tpu.core_type = #tpu.core_type<sc_vector_subcore>, window_params = [{transform_indices = #map}, {transform_indices = #map}, {transform_indices = #map}, {transform_indices = #map1}, {transform_indices = #map}, {transform_indices = #map}, {transform_indices = #map}]} {
    %mul3A = arith.constant 104 : i32
    %mul3A_0 = arith.muli %arg1, %mul3A : i32
    %mul3A_1 = arith.constant 256 : i32
    %mul3A_2 = arith.muli %arg1, %mul3A_1 : i32
    "tpu.region"() ({
      %run_scoped3A_1322 = tpu.sem_alloc : memref<!tpu.dma_semaphore, #tpu.memory_space<semaphore_mem>>
      tpu.enqueue_dma source(%arg5 : memref<8064xi32, #tpu.memory_space<hbm>>) target(%arg9 : memref<8064xi32, #tpu.memory_space<vmem>>) target_semaphore(%run_scoped3A_1322 : memref<!tpu.dma_semaphore, #tpu.memory_space<semaphore_mem>>)
      tpu.wait_dma2 semaphore(%run_scoped3A_1322 : memref<!tpu.dma_semaphore, #tpu.memory_space<semaphore_mem>>) src(%arg5 : memref<8064xi32, #tpu.memory_space<hbm>>) dst(%arg9 : memref<8064xi32, #tpu.memory_space<vmem>>)
      tpu.yield
    }) : () -> ()
    "tpu.region"() ({
      %run_scoped3A_1322 = tpu.sem_alloc : memref<!tpu.dma_semaphore, #tpu.memory_space<semaphore_mem>>
      tpu.enqueue_dma source(%arg7 : memref<13x128xf32, #tpu.memory_space<hbm>>) target(%arg14 : memref<13x128xf32, #tpu.memory_space<vmem>>) target_semaphore(%run_scoped3A_1322 : memref<!tpu.dma_semaphore, #tpu.memory_space<semaphore_mem>>)
      tpu.wait_dma2 semaphore(%run_scoped3A_1322 : memref<!tpu.dma_semaphore, #tpu.memory_space<semaphore_mem>>) src(%arg7 : memref<13x128xf32, #tpu.memory_space<hbm>>) dst(%arg14 : memref<13x128xf32, #tpu.memory_space<vmem>>)
      tpu.yield
    }) : () -> ()
    %mul3A_3 = arith.constant 2 : i32
    %mul3A_4 = arith.muli %arg1, %mul3A_3 : i32
    "tpu.region"() ({
      %run_scoped3A_1322 = tpu.sem_alloc : memref<!tpu.dma_semaphore, #tpu.memory_space<semaphore_mem>>
      %dma_start3A = arith.constant 0 : i32
      %dma_start3A_1323 = tpu.memref_slice %arg3[%mul3A_4, %dma_start3A] : memref<32x128xi32, #tpu.memory_space<hbm>> -> memref<2x128xi32, #tpu.memory_space<hbm>>
      %dma_start3A_1324 = arith.constant 0 : i32
      %dma_start3A_1325 = tpu.memref_slice %arg3[%mul3A_4, %dma_start3A_1324] : memref<32x128xi32, #tpu.memory_space<hbm>> -> memref<2x128xi32, #tpu.memory_space<hbm>>
      tpu.enqueue_dma source(%dma_start3A_1325 : memref<2x128xi32, #tpu.memory_space<hbm>>) target(%arg10 : memref<2x128xi32, #tpu.memory_space<vmem>>) target_semaphore(%run_scoped3A_1322 : memref<!tpu.dma_semaphore, #tpu.memory_space<semaphore_mem>>)
      %dma_wait3A = arith.constant 0 : i32
      %dma_wait3A_1326 = tpu.memref_slice %arg3[%mul3A_4, %dma_wait3A] : memref<32x128xi32, #tpu.memory_space<hbm>> -> memref<2x128xi32, #tpu.memory_space<hbm>>
      %dma_wait3A_1327 = arith.constant 0 : i32
      %dma_wait3A_1328 = tpu.memref_slice %arg3[%mul3A_4, %dma_wait3A_1327] : memref<32x128xi32, #tpu.memory_space<hbm>> -> memref<2x128xi32, #tpu.memory_space<hbm>>
      tpu.wait_dma2 semaphore(%run_scoped3A_1322 : memref<!tpu.dma_semaphore, #tpu.memory_space<semaphore_mem>>) src(%dma_wait3A_1328 : memref<2x128xi32, #tpu.memory_space<hbm>>) dst(%arg10 : memref<2x128xi32, #tpu.memory_space<vmem>>)
      tpu.yield
    }) : () -> ()
    "tpu.region"() ({
      %run_scoped3A_1322 = tpu.sem_alloc : memref<!tpu.dma_semaphore, #tpu.memory_space<semaphore_mem>>
      %dma_start3A = arith.constant 0 : i32
      %dma_start3A_1323 = tpu.memref_slice %arg2[%mul3A_2, %dma_start3A] : memref<4096x128xf32, #tpu.memory_space<hbm>> -> memref<128x128xf32, #tpu.memory_space<hbm>>
      %dma_start3A_1324 = arith.constant 0 : i32
      %dma_start3A_1325 = tpu.memref_slice %arg2[%mul3A_2, %dma_start3A_1324] : memref<4096x128xf32, #tpu.memory_space<hbm>> -> memref<128x128xf32, #tpu.memory_space<hbm>>
      tpu.enqueue_dma source(%dma_start3A_1325 : memref<128x128xf32, #tpu.memory_space<hbm>>) target(%arg12 : memref<128x128xf32, #tpu.memory_space<vmem>>) target_semaphore(%run_scoped3A_1322 : memref<!tpu.dma_semaphore, #tpu.memory_space<semaphore_mem>>)
      %dma_wait3A = arith.constant 0 : i32
      %dma_wait3A_1326 = tpu.memref_slice %arg2[%mul3A_2, %dma_wait3A] : memref<4096x128xf32, #tpu.memory_space<hbm>> -> memref<128x128xf32, #tpu.memory_space<hbm>>
      %dma_wait3A_1327 = arith.constant 0 : i32
      %dma_wait3A_1328 = tpu.memref_slice %arg2[%mul3A_2, %dma_wait3A_1327] : memref<4096x128xf32, #tpu.memory_space<hbm>> -> memref<128x128xf32, #tpu.memory_space<hbm>>
      tpu.wait_dma2 semaphore(%run_scoped3A_1322 : memref<!tpu.dma_semaphore, #tpu.memory_space<semaphore_mem>>) src(%dma_wait3A_1328 : memref<128x128xf32, #tpu.memory_space<hbm>>) dst(%arg12 : memref<128x128xf32, #tpu.memory_space<vmem>>)
      tpu.yield
    }) : () -> ()
    %add3A = arith.constant 128 : i32
    %add3A_5 = arith.addi %mul3A_2, %add3A : i32
    "tpu.region"() ({
      %run_scoped3A_1322 = tpu.sem_alloc : memref<!tpu.dma_semaphore, #tpu.memory_space<semaphore_mem>>
      %dma_start3A = arith.constant 0 : i32
      %dma_start3A_1323 = tpu.memref_slice %arg2[%add3A_5, %dma_start3A] : memref<4096x128xf32, #tpu.memory_space<hbm>> -> memref<128x128xf32, #tpu.memory_space<hbm>>
      %dma_start3A_1324 = arith.constant 0 : i32
      %dma_start3A_1325 = tpu.memref_slice %arg2[%add3A_5, %dma_start3A_1324] : memref<4096x128xf32, #tpu.memory_space<hbm>> -> memref<128x128xf32, #tpu.memory_space<hbm>>
      tpu.enqueue_dma source(%dma_start3A_1325 : memref<128x128xf32, #tpu.memory_space<hbm>>) target(%arg13 : memref<128x128xf32, #tpu.memory_space<vmem>>) target_semaphore(%run_scoped3A_1322 : memref<!tpu.dma_semaphore, #tpu.memory_space<semaphore_mem>>)
      %dma_wait3A = arith.constant 0 : i32
      %dma_wait3A_1326 = tpu.memref_slice %arg2[%add3A_5, %dma_wait3A] : memref<4096x128xf32, #tpu.memory_space<hbm>> -> memref<128x128xf32, #tpu.memory_space<hbm>>
      %dma_wait3A_1327 = arith.constant 0 : i32
      %dma_wait3A_1328 = tpu.memref_slice %arg2[%add3A_5, %dma_wait3A_1327] : memref<4096x128xf32, #tpu.memory_space<hbm>> -> memref<128x128xf32, #tpu.memory_space<hbm>>
      tpu.wait_dma2 semaphore(%run_scoped3A_1322 : memref<!tpu.dma_semaphore, #tpu.memory_space<semaphore_mem>>) src(%dma_wait3A_1328 : memref<128x128xf32, #tpu.memory_space<hbm>>) dst(%arg13 : memref<128x128xf32, #tpu.memory_space<vmem>>)
      tpu.yield
    }) : () -> ()
    %get3A = arith.constant 0 : i32
    %get3A_6 = arith.index_cast %get3A : i32 to index
    %get3A_7 = arith.constant 0 : index
    %get3A_8 = tpu.vector_load %arg10[%get3A_6, %get3A_7] {strides = array<i32>} : memref<2x128xi32, #tpu.memory_space<vmem>>, vector<16xi32>,
    %gather3A = tpu.vector_load_idx %arg9[%get3A_8] : memref<8064xi32, #tpu.memory_space<vmem>>[vector<16xi32>], vector<16xi32>,
    %swap3A = arith.constant 0 : i32
    %swap3A_9 = arith.index_cast %swap3A : i32 to index
    %swap3A_10 = arith.constant 0 : index
    %swap3A_11 = tpu.vector_load %arg11[%swap3A_9, %swap3A_10] {strides = array<i32>} : memref<2x128xi32, #tpu.memory_space<vmem>>, vector<16xi32>,
    tpu.vector_store %arg11[%swap3A_9, %swap3A_10], %gather3A {strides = array<i32>} : memref<2x128xi32, #tpu.memory_space<vmem>>, vector<16xi32>,
    %get3A_12 = arith.constant 0 : i32
    %get3A_13 = arith.index_cast %get3A_12 : i32 to index
    %get3A_14 = arith.constant 16 : index
    %get3A_15 = tpu.vector_load %arg10[%get3A_13, %get3A_14] {strides = array<i32>} : memref<2x128xi32, #tpu.memory_space<vmem>>, vector<16xi32>,
    %gather3A_16 = tpu.vector_load_idx %arg9[%get3A_15] : memref<8064xi32, #tpu.memory_space<vmem>>[vector<16xi32>], vector<16xi32>,
    %swap3A_17 = arith.constant 0 : i32
    %swap3A_18 = arith.index_cast %swap3A_17 : i32 to index
    %swap3A_19 = arith.constant 16 : index
    %swap3A_20 = tpu.vector_load %arg11[%swap3A_18, %swap3A_19] {strides = array<i32>} : memref<2x128xi32, #tpu.memory_space<vmem>>, vector<16xi32>,
    tpu.vector_store %arg11[%swap3A_18, %swap3A_19], %gather3A_16 {strides = array<i32>} : memref<2x128xi32, #tpu.memory_space<vmem>>, vector<16xi32>,
    %get3A_21 = arith.constant 0 : i32
    %get3A_22 = arith.index_cast %get3A_21 : i32 to index
    %get3A_23 = arith.constant 32 : index
    %get3A_24 = tpu.vector_load %arg10[%get3A_22, %get3A_23] {strides = array<i32>} : memref<2x128xi32, #tpu.memory_space<vmem>>, vector<16xi32>,
    %gather3A_25 = tpu.vector_load_idx %arg9[%get3A_24] : memref<8064xi32, #tpu.memory_space<vmem>>[vector<16xi32>], vector<16xi32>,
    %swap3A_26 = arith.constant 0 : i32
    %swap3A_27 = arith.index_cast %swap3A_26 : i32 to index
    %swap3A_28 = arith.constant 32 : index
    %swap3A_29 = tpu.vector_load %arg11[%swap3A_27, %swap3A_28] {strides = array<i32>} : memref<2x128xi32, #tpu.memory_space<vmem>>, vector<16xi32>,
    tpu.vector_store %arg11[%swap3A_27, %swap3A_28], %gather3A_25 {strides = array<i32>} : memref<2x128xi32, #tpu.memory_space<vmem>>, vector<16xi32>,
    %get3A_30 = arith.constant 0 : i32
    %get3A_31 = arith.index_cast %get3A_30 : i32 to index
    %get3A_32 = arith.constant 48 : index
    %get3A_33 = tpu.vector_load %arg10[%get3A_31, %get3A_32] {strides = array<i32>} : memref<2x128xi32, #tpu.memory_space<vmem>>, vector<16xi32>,
    %gather3A_34 = tpu.vector_load_idx %arg9[%get3A_33] : memref<8064xi32, #tpu.memory_space<vmem>>[vector<16xi32>], vector<16xi32>,
    %swap3A_35 = arith.constant 0 : i32
    %swap3A_36 = arith.index_cast %swap3A_35 : i32 to index
    %swap3A_37 = arith.constant 48 : index
    %swap3A_38 = tpu.vector_load %arg11[%swap3A_36, %swap3A_37] {strides = array<i32>} : memref<2x128xi32, #tpu.memory_space<vmem>>, vector<16xi32>,
    tpu.vector_store %arg11[%swap3A_36, %swap3A_37], %gather3A_34 {strides = array<i32>} : memref<2x128xi32, #tpu.memory_space<vmem>>, vector<16xi32>,
    %get3A_39 = arith.constant 0 : i32
    %get3A_40 = arith.index_cast %get3A_39 : i32 to index
    %get3A_41 = arith.constant 64 : index
    %get3A_42 = tpu.vector_load %arg10[%get3A_40, %get3A_41] {strides = array<i32>} : memref<2x128xi32, #tpu.memory_space<vmem>>, vector<16xi32>,
    %gather3A_43 = tpu.vector_load_idx %arg9[%get3A_42] : memref<8064xi32, #tpu.memory_space<vmem>>[vector<16xi32>], vector<16xi32>,
    %swap3A_44 = arith.constant 0 : i32
    %swap3A_45 = arith.index_cast %swap3A_44 : i32 to index
    %swap3A_46 = arith.constant 64 : index
    %swap3A_47 = tpu.vector_load %arg11[%swap3A_45, %swap3A_46] {strides = array<i32>} : memref<2x128xi32, #tpu.memory_space<vmem>>, vector<16xi32>,
    tpu.vector_store %arg11[%swap3A_45, %swap3A_46], %gather3A_43 {strides = array<i32>} : memref<2x128xi32, #tpu.memory_space<vmem>>, vector<16xi32>,
    %get3A_48 = arith.constant 0 : i32
    %get3A_49 = arith.index_cast %get3A_48 : i32 to index
    %get3A_50 = arith.constant 80 : index
    %get3A_51 = tpu.vector_load %arg10[%get3A_49, %get3A_50] {strides = array<i32>} : memref<2x128xi32, #tpu.memory_space<vmem>>, vector<16xi32>,
    %gather3A_52 = tpu.vector_load_idx %arg9[%get3A_51] : memref<8064xi32, #tpu.memory_space<vmem>>[vector<16xi32>], vector<16xi32>,
    %swap3A_53 = arith.constant 0 : i32
    %swap3A_54 = arith.index_cast %swap3A_53 : i32 to index
    %swap3A_55 = arith.constant 80 : index
    %swap3A_56 = tpu.vector_load %arg11[%swap3A_54, %swap3A_55] {strides = array<i32>} : memref<2x128xi32, #tpu.memory_space<vmem>>, vector<16xi32>,
    tpu.vector_store %arg11[%swap3A_54, %swap3A_55], %gather3A_52 {strides = array<i32>} : memref<2x128xi32, #tpu.memory_space<vmem>>, vector<16xi32>,
    %get3A_57 = arith.constant 0 : i32
    %get3A_58 = arith.index_cast %get3A_57 : i32 to index
    %get3A_59 = arith.constant 96 : index
    %get3A_60 = tpu.vector_load %arg10[%get3A_58, %get3A_59] {strides = array<i32>} : memref<2x128xi32, #tpu.memory_space<vmem>>, vector<16xi32>,
    %gather3A_61 = tpu.vector_load_idx %arg9[%get3A_60] : memref<8064xi32, #tpu.memory_space<vmem>>[vector<16xi32>], vector<16xi32>,
    %swap3A_62 = arith.constant 0 : i32
    %swap3A_63 = arith.index_cast %swap3A_62 : i32 to index
    %swap3A_64 = arith.constant 96 : index
    %swap3A_65 = tpu.vector_load %arg11[%swap3A_63, %swap3A_64] {strides = array<i32>} : memref<2x128xi32, #tpu.memory_space<vmem>>, vector<16xi32>,
    tpu.vector_store %arg11[%swap3A_63, %swap3A_64], %gather3A_61 {strides = array<i32>} : memref<2x128xi32, #tpu.memory_space<vmem>>, vector<16xi32>,
    %get3A_66 = arith.constant 0 : i32
    %get3A_67 = arith.index_cast %get3A_66 : i32 to index
    %get3A_68 = arith.constant 112 : index
    %get3A_69 = tpu.vector_load %arg10[%get3A_67, %get3A_68] {strides = array<i32>} : memref<2x128xi32, #tpu.memory_space<vmem>>, vector<16xi32>,
    %gather3A_70 = tpu.vector_load_idx %arg9[%get3A_69] : memref<8064xi32, #tpu.memory_space<vmem>>[vector<16xi32>], vector<16xi32>,
    %swap3A_71 = arith.constant 0 : i32
    %swap3A_72 = arith.index_cast %swap3A_71 : i32 to index
    %swap3A_73 = arith.constant 112 : index
    %swap3A_74 = tpu.vector_load %arg11[%swap3A_72, %swap3A_73] {strides = array<i32>} : memref<2x128xi32, #tpu.memory_space<vmem>>, vector<16xi32>,
    tpu.vector_store %arg11[%swap3A_72, %swap3A_73], %gather3A_70 {strides = array<i32>} : memref<2x128xi32, #tpu.memory_space<vmem>>, vector<16xi32>,
    %get3A_75 = arith.constant 1 : i32
    %get3A_76 = arith.index_cast %get3A_75 : i32 to index
    %get3A_77 = arith.constant 0 : index
    %get3A_78 = tpu.vector_load %arg10[%get3A_76, %get3A_77] {strides = array<i32>} : memref<2x128xi32, #tpu.memory_space<vmem>>, vector<16xi32>,
    %gather3A_79 = tpu.vector_load_idx %arg9[%get3A_78] : memref<8064xi32, #tpu.memory_space<vmem>>[vector<16xi32>], vector<16xi32>,
    %swap3A_80 = arith.constant 1 : i32
    %swap3A_81 = arith.index_cast %swap3A_80 : i32 to index
    %swap3A_82 = arith.constant 0 : index
    %swap3A_83 = tpu.vector_load %arg11[%swap3A_81, %swap3A_82] {strides = array<i32>} : memref<2x128xi32, #tpu.memory_space<vmem>>, vector<16xi32>,
    tpu.vector_store %arg11[%swap3A_81, %swap3A_82], %gather3A_79 {strides = array<i32>} : memref<2x128xi32, #tpu.memory_space<vmem>>, vector<16xi32>,
    %get3A_84 = arith.constant 1 : i32
    %get3A_85 = arith.index_cast %get3A_84 : i32 to index
    %get3A_86 = arith.constant 16 : index
    %get3A_87 = tpu.vector_load %arg10[%get3A_85, %get3A_86] {strides = array<i32>} : memref<2x128xi32, #tpu.memory_space<vmem>>, vector<16xi32>,
    %gather3A_88 = tpu.vector_load_idx %arg9[%get3A_87] : memref<8064xi32, #tpu.memory_space<vmem>>[vector<16xi32>], vector<16xi32>,
    %swap3A_89 = arith.constant 1 : i32
    %swap3A_90 = arith.index_cast %swap3A_89 : i32 to index
    %swap3A_91 = arith.constant 16 : index
    %swap3A_92 = tpu.vector_load %arg11[%swap3A_90, %swap3A_91] {strides = array<i32>} : memref<2x128xi32, #tpu.memory_space<vmem>>, vector<16xi32>,
    tpu.vector_store %arg11[%swap3A_90, %swap3A_91], %gather3A_88 {strides = array<i32>} : memref<2x128xi32, #tpu.memory_space<vmem>>, vector<16xi32>,
    %get3A_93 = arith.constant 1 : i32
    %get3A_94 = arith.index_cast %get3A_93 : i32 to index
    %get3A_95 = arith.constant 32 : index
    %get3A_96 = tpu.vector_load %arg10[%get3A_94, %get3A_95] {strides = array<i32>} : memref<2x128xi32, #tpu.memory_space<vmem>>, vector<16xi32>,
    %gather3A_97 = tpu.vector_load_idx %arg9[%get3A_96] : memref<8064xi32, #tpu.memory_space<vmem>>[vector<16xi32>], vector<16xi32>,
    %swap3A_98 = arith.constant 1 : i32
    %swap3A_99 = arith.index_cast %swap3A_98 : i32 to index
    %swap3A_100 = arith.constant 32 : index
    %swap3A_101 = tpu.vector_load %arg11[%swap3A_99, %swap3A_100] {strides = array<i32>} : memref<2x128xi32, #tpu.memory_space<vmem>>, vector<16xi32>,
    tpu.vector_store %arg11[%swap3A_99, %swap3A_100], %gather3A_97 {strides = array<i32>} : memref<2x128xi32, #tpu.memory_space<vmem>>, vector<16xi32>,
    %get3A_102 = arith.constant 1 : i32
    %get3A_103 = arith.index_cast %get3A_102 : i32 to index
    %get3A_104 = arith.constant 48 : index
    %get3A_105 = tpu.vector_load %arg10[%get3A_103, %get3A_104] {strides = array<i32>} : memref<2x128xi32, #tpu.memory_space<vmem>>, vector<16xi32>,
    %gather3A_106 = tpu.vector_load_idx %arg9[%get3A_105] : memref<8064xi32, #tpu.memory_space<vmem>>[vector<16xi32>], vector<16xi32>,
    %swap3A_107 = arith.constant 1 : i32
    %swap3A_108 = arith.index_cast %swap3A_107 : i32 to index
    %swap3A_109 = arith.constant 48 : index
    %swap3A_110 = tpu.vector_load %arg11[%swap3A_108, %swap3A_109] {strides = array<i32>} : memref<2x128xi32, #tpu.memory_space<vmem>>, vector<16xi32>,
    tpu.vector_store %arg11[%swap3A_108, %swap3A_109], %gather3A_106 {strides = array<i32>} : memref<2x128xi32, #tpu.memory_space<vmem>>, vector<16xi32>,
    %get3A_111 = arith.constant 1 : i32
    %get3A_112 = arith.index_cast %get3A_111 : i32 to index
    %get3A_113 = arith.constant 64 : index
    %get3A_114 = tpu.vector_load %arg10[%get3A_112, %get3A_113] {strides = array<i32>} : memref<2x128xi32, #tpu.memory_space<vmem>>, vector<16xi32>,
    %gather3A_115 = tpu.vector_load_idx %arg9[%get3A_114] : memref<8064xi32, #tpu.memory_space<vmem>>[vector<16xi32>], vector<16xi32>,
    %swap3A_116 = arith.constant 1 : i32
    %swap3A_117 = arith.index_cast %swap3A_116 : i32 to index
    %swap3A_118 = arith.constant 64 : index
    %swap3A_119 = tpu.vector_load %arg11[%swap3A_117, %swap3A_118] {strides = array<i32>} : memref<2x128xi32, #tpu.memory_space<vmem>>, vector<16xi32>,
    tpu.vector_store %arg11[%swap3A_117, %swap3A_118], %gather3A_115 {strides = array<i32>} : memref<2x128xi32, #tpu.memory_space<vmem>>, vector<16xi32>,
    %get3A_120 = arith.constant 1 : i32
    %get3A_121 = arith.index_cast %get3A_120 : i32 to index
    %get3A_122 = arith.constant 80 : index
    %get3A_123 = tpu.vector_load %arg10[%get3A_121, %get3A_122] {strides = array<i32>} : memref<2x128xi32, #tpu.memory_space<vmem>>, vector<16xi32>,
    %gather3A_124 = tpu.vector_load_idx %arg9[%get3A_123] : memref<8064xi32, #tpu.memory_space<vmem>>[vector<16xi32>], vector<16xi32>,
    %swap3A_125 = arith.constant 1 : i32
    %swap3A_126 = arith.index_cast %swap3A_125 : i32 to index
    %swap3A_127 = arith.constant 80 : index
    %swap3A_128 = tpu.vector_load %arg11[%swap3A_126, %swap3A_127] {strides = array<i32>} : memref<2x128xi32, #tpu.memory_space<vmem>>, vector<16xi32>,
    tpu.vector_store %arg11[%swap3A_126, %swap3A_127], %gather3A_124 {strides = array<i32>} : memref<2x128xi32, #tpu.memory_space<vmem>>, vector<16xi32>,
    %get3A_129 = arith.constant 1 : i32
    %get3A_130 = arith.index_cast %get3A_129 : i32 to index
    %get3A_131 = arith.constant 96 : index
    %get3A_132 = tpu.vector_load %arg10[%get3A_130, %get3A_131] {strides = array<i32>} : memref<2x128xi32, #tpu.memory_space<vmem>>, vector<16xi32>,
    %gather3A_133 = tpu.vector_load_idx %arg9[%get3A_132] : memref<8064xi32, #tpu.memory_space<vmem>>[vector<16xi32>], vector<16xi32>,
    %swap3A_134 = arith.constant 1 : i32
    %swap3A_135 = arith.index_cast %swap3A_134 : i32 to index
    %swap3A_136 = arith.constant 96 : index
    %swap3A_137 = tpu.vector_load %arg11[%swap3A_135, %swap3A_136] {strides = array<i32>} : memref<2x128xi32, #tpu.memory_space<vmem>>, vector<16xi32>,
    tpu.vector_store %arg11[%swap3A_135, %swap3A_136], %gather3A_133 {strides = array<i32>} : memref<2x128xi32, #tpu.memory_space<vmem>>, vector<16xi32>,
    %get3A_138 = arith.constant 1 : i32
    %get3A_139 = arith.index_cast %get3A_138 : i32 to index
    %get3A_140 = arith.constant 112 : index
    %get3A_141 = tpu.vector_load %arg10[%get3A_139, %get3A_140] {strides = array<i32>} : memref<2x128xi32, #tpu.memory_space<vmem>>, vector<16xi32>,
    %gather3A_142 = tpu.vector_load_idx %arg9[%get3A_141] : memref<8064xi32, #tpu.memory_space<vmem>>[vector<16xi32>], vector<16xi32>,
    %swap3A_143 = arith.constant 1 : i32
    %swap3A_144 = arith.index_cast %swap3A_143 : i32 to index
    %swap3A_145 = arith.constant 112 : index
    %swap3A_146 = tpu.vector_load %arg11[%swap3A_144, %swap3A_145] {strides = array<i32>} : memref<2x128xi32, #tpu.memory_space<vmem>>, vector<16xi32>,
    tpu.vector_store %arg11[%swap3A_144, %swap3A_145], %gather3A_142 {strides = array<i32>} : memref<2x128xi32, #tpu.memory_space<vmem>>, vector<16xi32>,
    "tpu.region"() ({
      %run_scoped3A_1322 = tpu.sem_alloc : memref<!tpu.dma_semaphore, #tpu.memory_space<semaphore_mem>>
      %dma_start3A = arith.constant 0 : i32
      %dma_start3A_1323 = tpu.memref_slice %arg20[%mul3A_0, %dma_start3A] : memref<1664x128xf32, #tpu.memory_space<vmem_shared>> -> memref<104x128xf32, #tpu.memory_space<vmem_shared>>
      tpu.enqueue_dma source(%arg6 : memref<104x128xf32, #tpu.memory_space<hbm>>) target(%dma_start3A_1323 : memref<104x128xf32, #tpu.memory_space<vmem_shared>>) target_semaphore(%run_scoped3A_1322 : memref<!tpu.dma_semaphore, #tpu.memory_space<semaphore_mem>>)
      %dma_wait3A = arith.constant 0 : i32
      %dma_wait3A_1324 = tpu.memref_slice %arg20[%mul3A_0, %dma_wait3A] : memref<1664x128xf32, #tpu.memory_space<vmem_shared>> -> memref<104x128xf32, #tpu.memory_space<vmem_shared>>
      tpu.wait_dma2 semaphore(%run_scoped3A_1322 : memref<!tpu.dma_semaphore, #tpu.memory_space<semaphore_mem>>) src(%arg6 : memref<104x128xf32, #tpu.memory_space<hbm>>) dst(%dma_wait3A_1324 : memref<104x128xf32, #tpu.memory_space<vmem_shared>>)
      tpu.yield
    }) : () -> ()
    %barrier3A = arith.constant 0 : index
    tpu.barrier barrier_id(%barrier3A)
    %run_scoped3A = arith.constant 0 : i32
    "tpu.region"() ({
      %run_scoped3A_1322 = tpu.sem_alloc : memref<!tpu.dma_semaphore, #tpu.memory_space<semaphore_mem>>
      %dma_start3A = arith.constant 0 : i32
      %dma_start3A_1323 = tpu.memref_slice %arg11[%run_scoped3A, %dma_start3A] : memref<2x128xi32, #tpu.memory_space<vmem>> -> memref<1x128xi32, #tpu.memory_space<vmem>>
      %dma_start3A_1324 = tpu.memref_squeeze %dma_start3A_1323 : memref<1x128xi32, #tpu.memory_space<vmem>> -> memref<128xi32, #tpu.memory_space<vmem>>
      %dma_start3A_1325 = arith.constant 0 : i32
      %dma_start3A_1326 = arith.constant 0 : i32
      %dma_start3A_1327 = tpu.memref_slice %arg20[%dma_start3A_1325, %dma_start3A_1326] : memref<1664x128xf32, #tpu.memory_space<vmem_shared>> -> memref<1664x128xf32, #tpu.memory_space<vmem_shared>>
      tpu.enqueue_indirect_dma source(%arg12 : memref<128x128xf32, #tpu.memory_space<vmem>>) target(%dma_start3A_1327 : memref<1664x128xf32, #tpu.memory_space<vmem_shared>>) offsets(%dma_start3A_1324 : memref<128xi32, #tpu.memory_space<vmem>>) semaphore(%run_scoped3A_1322 : memref<!tpu.dma_semaphore, #tpu.memory_space<semaphore_mem>>) {add = true}
      %dma_wait3A = arith.constant 0 : i32
      %dma_wait3A_1328 = tpu.memref_slice %arg11[%run_scoped3A, %dma_wait3A] : memref<2x128xi32, #tpu.memory_space<vmem>> -> memref<1x128xi32, #tpu.memory_space<vmem>>
      %dma_wait3A_1329 = tpu.memref_squeeze %dma_wait3A_1328 : memref<1x128xi32, #tpu.memory_space<vmem>> -> memref<128xi32, #tpu.memory_space<vmem>>
      %dma_wait3A_1330 = arith.constant 0 : i32
      %dma_wait3A_1331 = arith.constant 0 : i32
      %dma_wait3A_1332 = tpu.memref_slice %arg20[%dma_wait3A_1330, %dma_wait3A_1331] : memref<1664x128xf32, #tpu.memory_space<vmem_shared>> -> memref<1664x128xf32, #tpu.memory_space<vmem_shared>>
      tpu.wait_indirect_dma semaphore(%run_scoped3A_1322 : memref<!tpu.dma_semaphore, #tpu.memory_space<semaphore_mem>>) src(%arg12 : memref<128x128xf32, #tpu.memory_space<vmem>>) dst(%dma_wait3A_1332 : memref<1664x128xf32, #tpu.memory_space<vmem_shared>>)
      tpu.yield
    }) : () -> ()
    %run_scoped3A_147 = arith.constant 1 : i32
    "tpu.region"() ({
      %run_scoped3A_1322 = tpu.sem_alloc : memref<!tpu.dma_semaphore, #tpu.memory_space<semaphore_mem>>
      %dma_start3A = arith.constant 0 : i32
      %dma_start3A_1323 = tpu.memref_slice %arg11[%run_scoped3A_147, %dma_start3A] : memref<2x128xi32, #tpu.memory_space<vmem>> -> memref<1x128xi32, #tpu.memory_space<vmem>>
      %dma_start3A_1324 = tpu.memref_squeeze %dma_start3A_1323 : memref<1x128xi32, #tpu.memory_space<vmem>> -> memref<128xi32, #tpu.memory_space<vmem>>
      %dma_start3A_1325 = arith.constant 0 : i32
      %dma_start3A_1326 = arith.constant 0 : i32
      %dma_start3A_1327 = tpu.memref_slice %arg20[%dma_start3A_1325, %dma_start3A_1326] : memref<1664x128xf32, #tpu.memory_space<vmem_shared>> -> memref<1664x128xf32, #tpu.memory_space<vmem_shared>>
      tpu.enqueue_indirect_dma source(%arg13 : memref<128x128xf32, #tpu.memory_space<vmem>>) target(%dma_start3A_1327 : memref<1664x128xf32, #tpu.memory_space<vmem_shared>>) offsets(%dma_start3A_1324 : memref<128xi32, #tpu.memory_space<vmem>>) semaphore(%run_scoped3A_1322 : memref<!tpu.dma_semaphore, #tpu.memory_space<semaphore_mem>>) {add = true}
      %dma_wait3A = arith.constant 0 : i32
      %dma_wait3A_1328 = tpu.memref_slice %arg11[%run_scoped3A_147, %dma_wait3A] : memref<2x128xi32, #tpu.memory_space<vmem>> -> memref<1x128xi32, #tpu.memory_space<vmem>>
      %dma_wait3A_1329 = tpu.memref_squeeze %dma_wait3A_1328 : memref<1x128xi32, #tpu.memory_space<vmem>> -> memref<128xi32, #tpu.memory_space<vmem>>
      %dma_wait3A_1330 = arith.constant 0 : i32
      %dma_wait3A_1331 = arith.constant 0 : i32
      %dma_wait3A_1332 = tpu.memref_slice %arg20[%dma_wait3A_1330, %dma_wait3A_1331] : memref<1664x128xf32, #tpu.memory_space<vmem_shared>> -> memref<1664x128xf32, #tpu.memory_space<vmem_shared>>
      tpu.wait_indirect_dma semaphore(%run_scoped3A_1322 : memref<!tpu.dma_semaphore, #tpu.memory_space<semaphore_mem>>) src(%arg13 : memref<128x128xf32, #tpu.memory_space<vmem>>) dst(%dma_wait3A_1332 : memref<1664x128xf32, #tpu.memory_space<vmem_shared>>)
      tpu.yield
    }) : () -> ()
    %barrier3A_148 = arith.constant 0 : index
    tpu.barrier barrier_id(%barrier3A_148)
    "tpu.region"() ({
      %run_scoped3A_1322 = tpu.sem_alloc : memref<!tpu.dma_semaphore, #tpu.memory_space<semaphore_mem>>
      %dma_start3A = arith.constant 0 : i32
      %dma_start3A_1323 = tpu.memref_slice %arg20[%mul3A_0, %dma_start3A] : memref<1664x128xf32, #tpu.memory_space<vmem_shared>> -> memref<104x128xf32, #tpu.memory_space<vmem_shared>>
      %dma_start3A_1324 = arith.constant 0 : i32
      %dma_start3A_1325 = tpu.memref_slice %arg20[%mul3A_0, %dma_start3A_1324] : memref<1664x128xf32, #tpu.memory_space<vmem_shared>> -> memref<104x128xf32, #tpu.memory_space<vmem_shared>>
      tpu.enqueue_dma source(%dma_start3A_1325 : memref<104x128xf32, #tpu.memory_space<vmem_shared>>) target(%arg15 : memref<104x128xf32, #tpu.memory_space<vmem>>) target_semaphore(%run_scoped3A_1322 : memref<!tpu.dma_semaphore, #tpu.memory_space<semaphore_mem>>)
      %dma_wait3A = arith.constant 0 : i32
      %dma_wait3A_1326 = tpu.memref_slice %arg20[%mul3A_0, %dma_wait3A] : memref<1664x128xf32, #tpu.memory_space<vmem_shared>> -> memref<104x128xf32, #tpu.memory_space<vmem_shared>>
      %dma_wait3A_1327 = arith.constant 0 : i32
      %dma_wait3A_1328 = tpu.memref_slice %arg20[%mul3A_0, %dma_wait3A_1327] : memref<1664x128xf32, #tpu.memory_space<vmem_shared>> -> memref<104x128xf32, #tpu.memory_space<vmem_shared>>
      tpu.wait_dma2 semaphore(%run_scoped3A_1322 : memref<!tpu.dma_semaphore, #tpu.memory_space<semaphore_mem>>) src(%dma_wait3A_1328 : memref<104x128xf32, #tpu.memory_space<vmem_shared>>) dst(%arg15 : memref<104x128xf32, #tpu.memory_space<vmem>>)
      tpu.yield
    }) : () -> ()
    %broadcast_in_dim3A = arith.constant 0.000000e+00 : f32
    %broadcast_in_dim3A_149 = vector.broadcast %broadcast_in_dim3A : f32 to vector<16xf32>
    %scan3A = arith.constant 0 : i32
    %scan3A_150 = arith.constant 104 : i32
    %scan3A_151 = arith.addi %scan3A, %scan3A_150 : i32
    %scan3A_152 = arith.constant 1 : i32
    %scan3A_153:8 = scf.for %scan3A_1322 = %scan3A to %scan3A_151 step %scan3A_152 iter_args(%scan3A_1323 = %broadcast_in_dim3A_149, %scan3A_1324 = %broadcast_in_dim3A_149, %scan3A_1325 = %broadcast_in_dim3A_149, %scan3A_1326 = %broadcast_in_dim3A_149, %scan3A_1327 = %broadcast_in_dim3A_149, %scan3A_1328 = %broadcast_in_dim3A_149, %scan3A_1329 = %broadcast_in_dim3A_149, %scan3A_1330 = %broadcast_in_dim3A_149) -> (vector<16xf32>, vector<16xf32>, vector<16xf32>, vector<16xf32>, vector<16xf32>, vector<16xf32>, vector<16xf32>, vector<16xf32>)  : i32 {
      %get3A_1331 = arith.index_cast %scan3A_1322 : i32 to index
      %get3A_1332 = arith.constant 0 : index
      %get3A_1333 = tpu.vector_load %arg15[%get3A_1331, %get3A_1332] {strides = array<i32>} : memref<104x128xf32, #tpu.memory_space<vmem>>, vector<16xf32>,
      %add3A_1334 = arith.addf %scan3A_1323, %get3A_1333 : vector<16xf32>
      %get3A_1335 = arith.index_cast %scan3A_1322 : i32 to index
      %get3A_1336 = arith.constant 16 : index
      %get3A_1337 = tpu.vector_load %arg15[%get3A_1335, %get3A_1336] {strides = array<i32>} : memref<104x128xf32, #tpu.memory_space<vmem>>, vector<16xf32>,
      %add3A_1338 = arith.addf %scan3A_1324, %get3A_1337 : vector<16xf32>
      %get3A_1339 = arith.index_cast %scan3A_1322 : i32 to index
      %get3A_1340 = arith.constant 32 : index
      %get3A_1341 = tpu.vector_load %arg15[%get3A_1339, %get3A_1340] {strides = array<i32>} : memref<104x128xf32, #tpu.memory_space<vmem>>, vector<16xf32>,
      %add3A_1342 = arith.addf %scan3A_1325, %get3A_1341 : vector<16xf32>
      %get3A_1343 = arith.index_cast %scan3A_1322 : i32 to index
      %get3A_1344 = arith.constant 48 : index
      %get3A_1345 = tpu.vector_load %arg15[%get3A_1343, %get3A_1344] {strides = array<i32>} : memref<104x128xf32, #tpu.memory_space<vmem>>, vector<16xf32>,
      %add3A_1346 = arith.addf %scan3A_1326, %get3A_1345 : vector<16xf32>
      %get3A_1347 = arith.index_cast %scan3A_1322 : i32 to index
      %get3A_1348 = arith.constant 64 : index
      %get3A_1349 = tpu.vector_load %arg15[%get3A_1347, %get3A_1348] {strides = array<i32>} : memref<104x128xf32, #tpu.memory_space<vmem>>, vector<16xf32>,
      %add3A_1350 = arith.addf %scan3A_1327, %get3A_1349 : vector<16xf32>
      %get3A_1351 = arith.index_cast %scan3A_1322 : i32 to index
      %get3A_1352 = arith.constant 80 : index
      %get3A_1353 = tpu.vector_load %arg15[%get3A_1351, %get3A_1352] {strides = array<i32>} : memref<104x128xf32, #tpu.memory_space<vmem>>, vector<16xf32>,
      %add3A_1354 = arith.addf %scan3A_1328, %get3A_1353 : vector<16xf32>
      %get3A_1355 = arith.index_cast %scan3A_1322 : i32 to index
      %get3A_1356 = arith.constant 96 : index
      %get3A_1357 = tpu.vector_load %arg15[%get3A_1355, %get3A_1356] {strides = array<i32>} : memref<104x128xf32, #tpu.memory_space<vmem>>, vector<16xf32>,
      %add3A_1358 = arith.addf %scan3A_1329, %get3A_1357 : vector<16xf32>
      %get3A_1359 = arith.index_cast %scan3A_1322 : i32 to index
      %get3A_1360 = arith.constant 112 : index
      %get3A_1361 = tpu.vector_load %arg15[%get3A_1359, %get3A_1360] {strides = array<i32>} : memref<104x128xf32, #tpu.memory_space<vmem>>, vector<16xf32>,
      %add3A_1362 = arith.addf %scan3A_1330, %get3A_1361 : vector<16xf32>
      scf.yield %add3A_1334, %add3A_1338, %add3A_1342, %add3A_1346, %add3A_1350, %add3A_1354, %add3A_1358, %add3A_1362 : vector<16xf32>, vector<16xf32>, vector<16xf32>, vector<16xf32>, vector<16xf32>, vector<16xf32>, vector<16xf32>, vector<16xf32>
    }
    %scan3A_154 = arith.constant 104 : i32
    %swap3A_155 = arith.constant 0 : i32
    %swap3A_156 = arith.index_cast %swap3A_155 : i32 to index
    %swap3A_157 = arith.constant 0 : index
    %swap3A_158 = tpu.vector_load %arg16[%swap3A_156, %swap3A_157] {strides = array<i32>} : memref<1x128xf32, #tpu.memory_space<vmem>>, vector<16xf32>,
    tpu.vector_store %arg16[%swap3A_156, %swap3A_157], %scan3A_153#0 {strides = array<i32>} : memref<1x128xf32, #tpu.memory_space<vmem>>, vector<16xf32>,
    %swap3A_159 = arith.constant 0 : i32
    %swap3A_160 = arith.index_cast %swap3A_159 : i32 to index
    %swap3A_161 = arith.constant 16 : index
    %swap3A_162 = tpu.vector_load %arg16[%swap3A_160, %swap3A_161] {strides = array<i32>} : memref<1x128xf32, #tpu.memory_space<vmem>>, vector<16xf32>,
    tpu.vector_store %arg16[%swap3A_160, %swap3A_161], %scan3A_153#1 {strides = array<i32>} : memref<1x128xf32, #tpu.memory_space<vmem>>, vector<16xf32>,
    %swap3A_163 = arith.constant 0 : i32
    %swap3A_164 = arith.index_cast %swap3A_163 : i32 to index
    %swap3A_165 = arith.constant 32 : index
    %swap3A_166 = tpu.vector_load %arg16[%swap3A_164, %swap3A_165] {strides = array<i32>} : memref<1x128xf32, #tpu.memory_space<vmem>>, vector<16xf32>,
    tpu.vector_store %arg16[%swap3A_164, %swap3A_165], %scan3A_153#2 {strides = array<i32>} : memref<1x128xf32, #tpu.memory_space<vmem>>, vector<16xf32>,
    %swap3A_167 = arith.constant 0 : i32
    %swap3A_168 = arith.index_cast %swap3A_167 : i32 to index
    %swap3A_169 = arith.constant 48 : index
    %swap3A_170 = tpu.vector_load %arg16[%swap3A_168, %swap3A_169] {strides = array<i32>} : memref<1x128xf32, #tpu.memory_space<vmem>>, vector<16xf32>,
    tpu.vector_store %arg16[%swap3A_168, %swap3A_169], %scan3A_153#3 {strides = array<i32>} : memref<1x128xf32, #tpu.memory_space<vmem>>, vector<16xf32>,
    %swap3A_171 = arith.constant 0 : i32
    %swap3A_172 = arith.index_cast %swap3A_171 : i32 to index
    %swap3A_173 = arith.constant 64 : index
    %swap3A_174 = tpu.vector_load %arg16[%swap3A_172, %swap3A_173] {strides = array<i32>} : memref<1x128xf32, #tpu.memory_space<vmem>>, vector<16xf32>,
    tpu.vector_store %arg16[%swap3A_172, %swap3A_173], %scan3A_153#4 {strides = array<i32>} : memref<1x128xf32, #tpu.memory_space<vmem>>, vector<16xf32>,
    %swap3A_175 = arith.constant 0 : i32
    %swap3A_176 = arith.index_cast %swap3A_175 : i32 to index
    %swap3A_177 = arith.constant 80 : index
    %swap3A_178 = tpu.vector_load %arg16[%swap3A_176, %swap3A_177] {strides = array<i32>} : memref<1x128xf32, #tpu.memory_space<vmem>>, vector<16xf32>,
    tpu.vector_store %arg16[%swap3A_176, %swap3A_177], %scan3A_153#5 {strides = array<i32>} : memref<1x128xf32, #tpu.memory_space<vmem>>, vector<16xf32>,
    %swap3A_179 = arith.constant 0 : i32
    %swap3A_180 = arith.index_cast %swap3A_179 : i32 to index
    %swap3A_181 = arith.constant 96 : index
    %swap3A_182 = tpu.vector_load %arg16[%swap3A_180, %swap3A_181] {strides = array<i32>} : memref<1x128xf32, #tpu.memory_space<vmem>>, vector<16xf32>,
    tpu.vector_store %arg16[%swap3A_180, %swap3A_181], %scan3A_153#6 {strides = array<i32>} : memref<1x128xf32, #tpu.memory_space<vmem>>, vector<16xf32>,
    %swap3A_183 = arith.constant 0 : i32
    %swap3A_184 = arith.index_cast %swap3A_183 : i32 to index
    %swap3A_185 = arith.constant 112 : index
    %swap3A_186 = tpu.vector_load %arg16[%swap3A_184, %swap3A_185] {strides = array<i32>} : memref<1x128xf32, #tpu.memory_space<vmem>>, vector<16xf32>,
    tpu.vector_store %arg16[%swap3A_184, %swap3A_185], %scan3A_153#7 {strides = array<i32>} : memref<1x128xf32, #tpu.memory_space<vmem>>, vector<16xf32>,
    "tpu.region"() ({
      %run_scoped3A_1322 = tpu.sem_alloc : memref<!tpu.dma_semaphore, #tpu.memory_space<semaphore_mem>>
      %dma_start3A = arith.constant 0 : i32
      %dma_start3A_1323 = tpu.memref_slice %arg21[%arg1, %dma_start3A] : memref<16x128xf32, #tpu.memory_space<vmem_shared>> -> memref<1x128xf32, #tpu.memory_space<vmem_shared>>
      %dma_start3A_1324 = arith.constant 0 : i32
      %dma_start3A_1325 = tpu.memref_slice %arg21[%arg1, %dma_start3A_1324] : memref<16x128xf32, #tpu.memory_space<vmem_shared>> -> memref<1x128xf32, #tpu.memory_space<vmem_shared>>
      tpu.enqueue_dma source(%arg16 : memref<1x128xf32, #tpu.memory_space<vmem>>) target(%dma_start3A_1325 : memref<1x128xf32, #tpu.memory_space<vmem_shared>>) target_semaphore(%run_scoped3A_1322 : memref<!tpu.dma_semaphore, #tpu.memory_space<semaphore_mem>>)
      %dma_wait3A = arith.constant 0 : i32
      %dma_wait3A_1326 = tpu.memref_slice %arg21[%arg1, %dma_wait3A] : memref<16x128xf32, #tpu.memory_space<vmem_shared>> -> memref<1x128xf32, #tpu.memory_space<vmem_shared>>
      %dma_wait3A_1327 = arith.constant 0 : i32
      %dma_wait3A_1328 = tpu.memref_slice %arg21[%arg1, %dma_wait3A_1327] : memref<16x128xf32, #tpu.memory_space<vmem_shared>> -> memref<1x128xf32, #tpu.memory_space<vmem_shared>>
      tpu.wait_dma2 semaphore(%run_scoped3A_1322 : memref<!tpu.dma_semaphore, #tpu.memory_space<semaphore_mem>>) src(%arg16 : memref<1x128xf32, #tpu.memory_space<vmem>>) dst(%dma_wait3A_1328 : memref<1x128xf32, #tpu.memory_space<vmem_shared>>)
      tpu.yield
    }) : () -> ()
    %barrier3A_187 = arith.constant 0 : index
    tpu.barrier barrier_id(%barrier3A_187)
    "tpu.region"() ({
      %run_scoped3A_1322 = tpu.sem_alloc : memref<!tpu.dma_semaphore, #tpu.memory_space<semaphore_mem>>
      tpu.enqueue_dma source(%arg21 : memref<16x128xf32, #tpu.memory_space<vmem_shared>>) target(%arg17 : memref<16x128xf32, #tpu.memory_space<vmem>>) target_semaphore(%run_scoped3A_1322 : memref<!tpu.dma_semaphore, #tpu.memory_space<semaphore_mem>>)
      tpu.wait_dma2 semaphore(%run_scoped3A_1322 : memref<!tpu.dma_semaphore, #tpu.memory_space<semaphore_mem>>) src(%arg21 : memref<16x128xf32, #tpu.memory_space<vmem_shared>>) dst(%arg17 : memref<16x128xf32, #tpu.memory_space<vmem>>)
      tpu.yield
    }) : () -> ()
    %lt3A = arith.constant 0 : i32
    %lt3A_188 = arith.cmpi slt, %arg1, %lt3A : i32
    %jit3A = arith.constant 1.000000e+00 : f32
    %jit3A_189 = arith.constant 0.000000e+00 : f32
    %select_n3A = arith.select %lt3A_188, %jit3A, %jit3A_189 : f32
    %get3A_190 = arith.constant 0 : i32
    %get3A_191 = arith.index_cast %get3A_190 : i32 to index
    %get3A_192 = arith.constant 0 : index
    %get3A_193 = tpu.vector_load %arg17[%get3A_191, %get3A_192] {strides = array<i32>} : memref<16x128xf32, #tpu.memory_space<vmem>>, vector<16xf32>,
    %mul3A_194 = vector.broadcast %select_n3A : f32 to vector<16xf32>
    %mul3A_195 = arith.mulf %mul3A_194, %get3A_193 : vector<16xf32>
    %add3A_196 = arith.addf %broadcast_in_dim3A_149, %mul3A_195 : vector<16xf32>
    %get3A_197 = arith.constant 0 : i32
    %get3A_198 = arith.index_cast %get3A_197 : i32 to index
    %get3A_199 = arith.constant 16 : index
    %get3A_200 = tpu.vector_load %arg17[%get3A_198, %get3A_199] {strides = array<i32>} : memref<16x128xf32, #tpu.memory_space<vmem>>, vector<16xf32>,
    %mul3A_201 = vector.broadcast %select_n3A : f32 to vector<16xf32>
    %mul3A_202 = arith.mulf %mul3A_201, %get3A_200 : vector<16xf32>
    %add3A_203 = arith.addf %broadcast_in_dim3A_149, %mul3A_202 : vector<16xf32>
    %get3A_204 = arith.constant 0 : i32
    %get3A_205 = arith.index_cast %get3A_204 : i32 to index
    %get3A_206 = arith.constant 32 : index
    %get3A_207 = tpu.vector_load %arg17[%get3A_205, %get3A_206] {strides = array<i32>} : memref<16x128xf32, #tpu.memory_space<vmem>>, vector<16xf32>,
    %mul3A_208 = vector.broadcast %select_n3A : f32 to vector<16xf32>
    %mul3A_209 = arith.mulf %mul3A_208, %get3A_207 : vector<16xf32>
    %add3A_210 = arith.addf %broadcast_in_dim3A_149, %mul3A_209 : vector<16xf32>
    %get3A_211 = arith.constant 0 : i32
    %get3A_212 = arith.index_cast %get3A_211 : i32 to index
    %get3A_213 = arith.constant 48 : index
    %get3A_214 = tpu.vector_load %arg17[%get3A_212, %get3A_213] {strides = array<i32>} : memref<16x128xf32, #tpu.memory_space<vmem>>, vector<16xf32>,
    %mul3A_215 = vector.broadcast %select_n3A : f32 to vector<16xf32>
    %mul3A_216 = arith.mulf %mul3A_215, %get3A_214 : vector<16xf32>
    %add3A_217 = arith.addf %broadcast_in_dim3A_149, %mul3A_216 : vector<16xf32>
    %get3A_218 = arith.constant 0 : i32
    %get3A_219 = arith.index_cast %get3A_218 : i32 to index
    %get3A_220 = arith.constant 64 : index
    %get3A_221 = tpu.vector_load %arg17[%get3A_219, %get3A_220] {strides = array<i32>} : memref<16x128xf32, #tpu.memory_space<vmem>>, vector<16xf32>,
    %mul3A_222 = vector.broadcast %select_n3A : f32 to vector<16xf32>
    %mul3A_223 = arith.mulf %mul3A_222, %get3A_221 : vector<16xf32>
    %add3A_224 = arith.addf %broadcast_in_dim3A_149, %mul3A_223 : vector<16xf32>
    %get3A_225 = arith.constant 0 : i32
    %get3A_226 = arith.index_cast %get3A_225 : i32 to index
    %get3A_227 = arith.constant 80 : index
    %get3A_228 = tpu.vector_load %arg17[%get3A_226, %get3A_227] {strides = array<i32>} : memref<16x128xf32, #tpu.memory_space<vmem>>, vector<16xf32>,
    %mul3A_229 = vector.broadcast %select_n3A : f32 to vector<16xf32>
    %mul3A_230 = arith.mulf %mul3A_229, %get3A_228 : vector<16xf32>
    %add3A_231 = arith.addf %broadcast_in_dim3A_149, %mul3A_230 : vector<16xf32>
    %get3A_232 = arith.constant 0 : i32
    %get3A_233 = arith.index_cast %get3A_232 : i32 to index
    %get3A_234 = arith.constant 96 : index
    %get3A_235 = tpu.vector_load %arg17[%get3A_233, %get3A_234] {strides = array<i32>} : memref<16x128xf32, #tpu.memory_space<vmem>>, vector<16xf32>,
    %mul3A_236 = vector.broadcast %select_n3A : f32 to vector<16xf32>
    %mul3A_237 = arith.mulf %mul3A_236, %get3A_235 : vector<16xf32>
    %add3A_238 = arith.addf %broadcast_in_dim3A_149, %mul3A_237 : vector<16xf32>
    %get3A_239 = arith.constant 0 : i32
    %get3A_240 = arith.index_cast %get3A_239 : i32 to index
    %get3A_241 = arith.constant 112 : index
    %get3A_242 = tpu.vector_load %arg17[%get3A_240, %get3A_241] {strides = array<i32>} : memref<16x128xf32, #tpu.memory_space<vmem>>, vector<16xf32>,
    %mul3A_243 = vector.broadcast %select_n3A : f32 to vector<16xf32>
    %mul3A_244 = arith.mulf %mul3A_243, %get3A_242 : vector<16xf32>
    %add3A_245 = arith.addf %broadcast_in_dim3A_149, %mul3A_244 : vector<16xf32>
    %lt3A_246 = arith.constant 1 : i32
    %lt3A_247 = arith.cmpi slt, %arg1, %lt3A_246 : i32
    %jit3A_248 = arith.constant 1.000000e+00 : f32
    %jit3A_249 = arith.constant 0.000000e+00 : f32
    %select_n3A_250 = arith.select %lt3A_247, %jit3A_248, %jit3A_249 : f32
    %get3A_251 = arith.constant 1 : i32
    %get3A_252 = arith.index_cast %get3A_251 : i32 to index
    %get3A_253 = arith.constant 0 : index
    %get3A_254 = tpu.vector_load %arg17[%get3A_252, %get3A_253] {strides = array<i32>} : memref<16x128xf32, #tpu.memory_space<vmem>>, vector<16xf32>,
    %mul3A_255 = vector.broadcast %select_n3A_250 : f32 to vector<16xf32>
    %mul3A_256 = arith.mulf %mul3A_255, %get3A_254 : vector<16xf32>
    %add3A_257 = arith.addf %add3A_196, %mul3A_256 : vector<16xf32>
    %get3A_258 = arith.constant 1 : i32
    %get3A_259 = arith.index_cast %get3A_258 : i32 to index
    %get3A_260 = arith.constant 16 : index
    %get3A_261 = tpu.vector_load %arg17[%get3A_259, %get3A_260] {strides = array<i32>} : memref<16x128xf32, #tpu.memory_space<vmem>>, vector<16xf32>,
    %mul3A_262 = vector.broadcast %select_n3A_250 : f32 to vector<16xf32>
    %mul3A_263 = arith.mulf %mul3A_262, %get3A_261 : vector<16xf32>
    %add3A_264 = arith.addf %add3A_203, %mul3A_263 : vector<16xf32>
    %get3A_265 = arith.constant 1 : i32
    %get3A_266 = arith.index_cast %get3A_265 : i32 to index
    %get3A_267 = arith.constant 32 : index
    %get3A_268 = tpu.vector_load %arg17[%get3A_266, %get3A_267] {strides = array<i32>} : memref<16x128xf32, #tpu.memory_space<vmem>>, vector<16xf32>,
    %mul3A_269 = vector.broadcast %select_n3A_250 : f32 to vector<16xf32>
    %mul3A_270 = arith.mulf %mul3A_269, %get3A_268 : vector<16xf32>
    %add3A_271 = arith.addf %add3A_210, %mul3A_270 : vector<16xf32>
    %get3A_272 = arith.constant 1 : i32
    %get3A_273 = arith.index_cast %get3A_272 : i32 to index
    %get3A_274 = arith.constant 48 : index
    %get3A_275 = tpu.vector_load %arg17[%get3A_273, %get3A_274] {strides = array<i32>} : memref<16x128xf32, #tpu.memory_space<vmem>>, vector<16xf32>,
    %mul3A_276 = vector.broadcast %select_n3A_250 : f32 to vector<16xf32>
    %mul3A_277 = arith.mulf %mul3A_276, %get3A_275 : vector<16xf32>
    %add3A_278 = arith.addf %add3A_217, %mul3A_277 : vector<16xf32>
    %get3A_279 = arith.constant 1 : i32
    %get3A_280 = arith.index_cast %get3A_279 : i32 to index
    %get3A_281 = arith.constant 64 : index
    %get3A_282 = tpu.vector_load %arg17[%get3A_280, %get3A_281] {strides = array<i32>} : memref<16x128xf32, #tpu.memory_space<vmem>>, vector<16xf32>,
    %mul3A_283 = vector.broadcast %select_n3A_250 : f32 to vector<16xf32>
    %mul3A_284 = arith.mulf %mul3A_283, %get3A_282 : vector<16xf32>
    %add3A_285 = arith.addf %add3A_224, %mul3A_284 : vector<16xf32>
    %get3A_286 = arith.constant 1 : i32
    %get3A_287 = arith.index_cast %get3A_286 : i32 to index
    %get3A_288 = arith.constant 80 : index
    %get3A_289 = tpu.vector_load %arg17[%get3A_287, %get3A_288] {strides = array<i32>} : memref<16x128xf32, #tpu.memory_space<vmem>>, vector<16xf32>,
    %mul3A_290 = vector.broadcast %select_n3A_250 : f32 to vector<16xf32>
    %mul3A_291 = arith.mulf %mul3A_290, %get3A_289 : vector<16xf32>
    %add3A_292 = arith.addf %add3A_231, %mul3A_291 : vector<16xf32>
    %get3A_293 = arith.constant 1 : i32
    %get3A_294 = arith.index_cast %get3A_293 : i32 to index
    %get3A_295 = arith.constant 96 : index
    %get3A_296 = tpu.vector_load %arg17[%get3A_294, %get3A_295] {strides = array<i32>} : memref<16x128xf32, #tpu.memory_space<vmem>>, vector<16xf32>,
    %mul3A_297 = vector.broadcast %select_n3A_250 : f32 to vector<16xf32>
    %mul3A_298 = arith.mulf %mul3A_297, %get3A_296 : vector<16xf32>
    %add3A_299 = arith.addf %add3A_238, %mul3A_298 : vector<16xf32>
    %get3A_300 = arith.constant 1 : i32
    %get3A_301 = arith.index_cast %get3A_300 : i32 to index
    %get3A_302 = arith.constant 112 : index
    %get3A_303 = tpu.vector_load %arg17[%get3A_301, %get3A_302] {strides = array<i32>} : memref<16x128xf32, #tpu.memory_space<vmem>>, vector<16xf32>,
    %mul3A_304 = vector.broadcast %select_n3A_250 : f32 to vector<16xf32>
    %mul3A_305 = arith.mulf %mul3A_304, %get3A_303 : vector<16xf32>
    %add3A_306 = arith.addf %add3A_245, %mul3A_305 : vector<16xf32>
    %lt3A_307 = arith.constant 2 : i32
    %lt3A_308 = arith.cmpi slt, %arg1, %lt3A_307 : i32
    %jit3A_309 = arith.constant 1.000000e+00 : f32
    %jit3A_310 = arith.constant 0.000000e+00 : f32
    %select_n3A_311 = arith.select %lt3A_308, %jit3A_309, %jit3A_310 : f32
    %get3A_312 = arith.constant 2 : i32
    %get3A_313 = arith.index_cast %get3A_312 : i32 to index
    %get3A_314 = arith.constant 0 : index
    %get3A_315 = tpu.vector_load %arg17[%get3A_313, %get3A_314] {strides = array<i32>} : memref<16x128xf32, #tpu.memory_space<vmem>>, vector<16xf32>,
    %mul3A_316 = vector.broadcast %select_n3A_311 : f32 to vector<16xf32>
    %mul3A_317 = arith.mulf %mul3A_316, %get3A_315 : vector<16xf32>
    %add3A_318 = arith.addf %add3A_257, %mul3A_317 : vector<16xf32>
    %get3A_319 = arith.constant 2 : i32
    %get3A_320 = arith.index_cast %get3A_319 : i32 to index
    %get3A_321 = arith.constant 16 : index
    %get3A_322 = tpu.vector_load %arg17[%get3A_320, %get3A_321] {strides = array<i32>} : memref<16x128xf32, #tpu.memory_space<vmem>>, vector<16xf32>,
    %mul3A_323 = vector.broadcast %select_n3A_311 : f32 to vector<16xf32>
    %mul3A_324 = arith.mulf %mul3A_323, %get3A_322 : vector<16xf32>
    %add3A_325 = arith.addf %add3A_264, %mul3A_324 : vector<16xf32>
    %get3A_326 = arith.constant 2 : i32
    %get3A_327 = arith.index_cast %get3A_326 : i32 to index
    %get3A_328 = arith.constant 32 : index
    %get3A_329 = tpu.vector_load %arg17[%get3A_327, %get3A_328] {strides = array<i32>} : memref<16x128xf32, #tpu.memory_space<vmem>>, vector<16xf32>,
    %mul3A_330 = vector.broadcast %select_n3A_311 : f32 to vector<16xf32>
    %mul3A_331 = arith.mulf %mul3A_330, %get3A_329 : vector<16xf32>
    %add3A_332 = arith.addf %add3A_271, %mul3A_331 : vector<16xf32>
    %get3A_333 = arith.constant 2 : i32
    %get3A_334 = arith.index_cast %get3A_333 : i32 to index
    %get3A_335 = arith.constant 48 : index
    %get3A_336 = tpu.vector_load %arg17[%get3A_334, %get3A_335] {strides = array<i32>} : memref<16x128xf32, #tpu.memory_space<vmem>>, vector<16xf32>,
    %mul3A_337 = vector.broadcast %select_n3A_311 : f32 to vector<16xf32>
    %mul3A_338 = arith.mulf %mul3A_337, %get3A_336 : vector<16xf32>
    %add3A_339 = arith.addf %add3A_278, %mul3A_338 : vector<16xf32>
    %get3A_340 = arith.constant 2 : i32
    %get3A_341 = arith.index_cast %get3A_340 : i32 to index
    %get3A_342 = arith.constant 64 : index
    %get3A_343 = tpu.vector_load %arg17[%get3A_341, %get3A_342] {strides = array<i32>} : memref<16x128xf32, #tpu.memory_space<vmem>>, vector<16xf32>,
    %mul3A_344 = vector.broadcast %select_n3A_311 : f32 to vector<16xf32>
    %mul3A_345 = arith.mulf %mul3A_344, %get3A_343 : vector<16xf32>
    %add3A_346 = arith.addf %add3A_285, %mul3A_345 : vector<16xf32>
    %get3A_347 = arith.constant 2 : i32
    %get3A_348 = arith.index_cast %get3A_347 : i32 to index
    %get3A_349 = arith.constant 80 : index
    %get3A_350 = tpu.vector_load %arg17[%get3A_348, %get3A_349] {strides = array<i32>} : memref<16x128xf32, #tpu.memory_space<vmem>>, vector<16xf32>,
    %mul3A_351 = vector.broadcast %select_n3A_311 : f32 to vector<16xf32>
    %mul3A_352 = arith.mulf %mul3A_351, %get3A_350 : vector<16xf32>
    %add3A_353 = arith.addf %add3A_292, %mul3A_352 : vector<16xf32>
    %get3A_354 = arith.constant 2 : i32
    %get3A_355 = arith.index_cast %get3A_354 : i32 to index
    %get3A_356 = arith.constant 96 : index
    %get3A_357 = tpu.vector_load %arg17[%get3A_355, %get3A_356] {strides = array<i32>} : memref<16x128xf32, #tpu.memory_space<vmem>>, vector<16xf32>,
    %mul3A_358 = vector.broadcast %select_n3A_311 : f32 to vector<16xf32>
    %mul3A_359 = arith.mulf %mul3A_358, %get3A_357 : vector<16xf32>
    %add3A_360 = arith.addf %add3A_299, %mul3A_359 : vector<16xf32>
    %get3A_361 = arith.constant 2 : i32
    %get3A_362 = arith.index_cast %get3A_361 : i32 to index
    %get3A_363 = arith.constant 112 : index
    %get3A_364 = tpu.vector_load %arg17[%get3A_362, %get3A_363] {strides = array<i32>} : memref<16x128xf32, #tpu.memory_space<vmem>>, vector<16xf32>,
    %mul3A_365 = vector.broadcast %select_n3A_311 : f32 to vector<16xf32>
    %mul3A_366 = arith.mulf %mul3A_365, %get3A_364 : vector<16xf32>
    %add3A_367 = arith.addf %add3A_306, %mul3A_366 : vector<16xf32>
    %lt3A_368 = arith.constant 3 : i32
    %lt3A_369 = arith.cmpi slt, %arg1, %lt3A_368 : i32
    %jit3A_370 = arith.constant 1.000000e+00 : f32
    %jit3A_371 = arith.constant 0.000000e+00 : f32
    %select_n3A_372 = arith.select %lt3A_369, %jit3A_370, %jit3A_371 : f32
    %get3A_373 = arith.constant 3 : i32
    %get3A_374 = arith.index_cast %get3A_373 : i32 to index
    %get3A_375 = arith.constant 0 : index
    %get3A_376 = tpu.vector_load %arg17[%get3A_374, %get3A_375] {strides = array<i32>} : memref<16x128xf32, #tpu.memory_space<vmem>>, vector<16xf32>,
    %mul3A_377 = vector.broadcast %select_n3A_372 : f32 to vector<16xf32>
    %mul3A_378 = arith.mulf %mul3A_377, %get3A_376 : vector<16xf32>
    %add3A_379 = arith.addf %add3A_318, %mul3A_378 : vector<16xf32>
    %get3A_380 = arith.constant 3 : i32
    %get3A_381 = arith.index_cast %get3A_380 : i32 to index
    %get3A_382 = arith.constant 16 : index
    %get3A_383 = tpu.vector_load %arg17[%get3A_381, %get3A_382] {strides = array<i32>} : memref<16x128xf32, #tpu.memory_space<vmem>>, vector<16xf32>,
    %mul3A_384 = vector.broadcast %select_n3A_372 : f32 to vector<16xf32>
    %mul3A_385 = arith.mulf %mul3A_384, %get3A_383 : vector<16xf32>
    %add3A_386 = arith.addf %add3A_325, %mul3A_385 : vector<16xf32>
    %get3A_387 = arith.constant 3 : i32
    %get3A_388 = arith.index_cast %get3A_387 : i32 to index
    %get3A_389 = arith.constant 32 : index
    %get3A_390 = tpu.vector_load %arg17[%get3A_388, %get3A_389] {strides = array<i32>} : memref<16x128xf32, #tpu.memory_space<vmem>>, vector<16xf32>,
    %mul3A_391 = vector.broadcast %select_n3A_372 : f32 to vector<16xf32>
    %mul3A_392 = arith.mulf %mul3A_391, %get3A_390 : vector<16xf32>
    %add3A_393 = arith.addf %add3A_332, %mul3A_392 : vector<16xf32>
    %get3A_394 = arith.constant 3 : i32
    %get3A_395 = arith.index_cast %get3A_394 : i32 to index
    %get3A_396 = arith.constant 48 : index
    %get3A_397 = tpu.vector_load %arg17[%get3A_395, %get3A_396] {strides = array<i32>} : memref<16x128xf32, #tpu.memory_space<vmem>>, vector<16xf32>,
    %mul3A_398 = vector.broadcast %select_n3A_372 : f32 to vector<16xf32>
    %mul3A_399 = arith.mulf %mul3A_398, %get3A_397 : vector<16xf32>
    %add3A_400 = arith.addf %add3A_339, %mul3A_399 : vector<16xf32>
    %get3A_401 = arith.constant 3 : i32
    %get3A_402 = arith.index_cast %get3A_401 : i32 to index
    %get3A_403 = arith.constant 64 : index
    %get3A_404 = tpu.vector_load %arg17[%get3A_402, %get3A_403] {strides = array<i32>} : memref<16x128xf32, #tpu.memory_space<vmem>>, vector<16xf32>,
    %mul3A_405 = vector.broadcast %select_n3A_372 : f32 to vector<16xf32>
    %mul3A_406 = arith.mulf %mul3A_405, %get3A_404 : vector<16xf32>
    %add3A_407 = arith.addf %add3A_346, %mul3A_406 : vector<16xf32>
    %get3A_408 = arith.constant 3 : i32
    %get3A_409 = arith.index_cast %get3A_408 : i32 to index
    %get3A_410 = arith.constant 80 : index
    %get3A_411 = tpu.vector_load %arg17[%get3A_409, %get3A_410] {strides = array<i32>} : memref<16x128xf32, #tpu.memory_space<vmem>>, vector<16xf32>,
    %mul3A_412 = vector.broadcast %select_n3A_372 : f32 to vector<16xf32>
    %mul3A_413 = arith.mulf %mul3A_412, %get3A_411 : vector<16xf32>
    %add3A_414 = arith.addf %add3A_353, %mul3A_413 : vector<16xf32>
    %get3A_415 = arith.constant 3 : i32
    %get3A_416 = arith.index_cast %get3A_415 : i32 to index
    %get3A_417 = arith.constant 96 : index
    %get3A_418 = tpu.vector_load %arg17[%get3A_416, %get3A_417] {strides = array<i32>} : memref<16x128xf32, #tpu.memory_space<vmem>>, vector<16xf32>,
    %mul3A_419 = vector.broadcast %select_n3A_372 : f32 to vector<16xf32>
    %mul3A_420 = arith.mulf %mul3A_419, %get3A_418 : vector<16xf32>
    %add3A_421 = arith.addf %add3A_360, %mul3A_420 : vector<16xf32>
    %get3A_422 = arith.constant 3 : i32
    %get3A_423 = arith.index_cast %get3A_422 : i32 to index
    %get3A_424 = arith.constant 112 : index
    %get3A_425 = tpu.vector_load %arg17[%get3A_423, %get3A_424] {strides = array<i32>} : memref<16x128xf32, #tpu.memory_space<vmem>>, vector<16xf32>,
    %mul3A_426 = vector.broadcast %select_n3A_372 : f32 to vector<16xf32>
    %mul3A_427 = arith.mulf %mul3A_426, %get3A_425 : vector<16xf32>
    %add3A_428 = arith.addf %add3A_367, %mul3A_427 : vector<16xf32>
    %lt3A_429 = arith.constant 4 : i32
    %lt3A_430 = arith.cmpi slt, %arg1, %lt3A_429 : i32
    %jit3A_431 = arith.constant 1.000000e+00 : f32
    %jit3A_432 = arith.constant 0.000000e+00 : f32
    %select_n3A_433 = arith.select %lt3A_430, %jit3A_431, %jit3A_432 : f32
    %get3A_434 = arith.constant 4 : i32
    %get3A_435 = arith.index_cast %get3A_434 : i32 to index
    %get3A_436 = arith.constant 0 : index
    %get3A_437 = tpu.vector_load %arg17[%get3A_435, %get3A_436] {strides = array<i32>} : memref<16x128xf32, #tpu.memory_space<vmem>>, vector<16xf32>,
    %mul3A_438 = vector.broadcast %select_n3A_433 : f32 to vector<16xf32>
    %mul3A_439 = arith.mulf %mul3A_438, %get3A_437 : vector<16xf32>
    %add3A_440 = arith.addf %add3A_379, %mul3A_439 : vector<16xf32>
    %get3A_441 = arith.constant 4 : i32
    %get3A_442 = arith.index_cast %get3A_441 : i32 to index
    %get3A_443 = arith.constant 16 : index
    %get3A_444 = tpu.vector_load %arg17[%get3A_442, %get3A_443] {strides = array<i32>} : memref<16x128xf32, #tpu.memory_space<vmem>>, vector<16xf32>,
    %mul3A_445 = vector.broadcast %select_n3A_433 : f32 to vector<16xf32>
    %mul3A_446 = arith.mulf %mul3A_445, %get3A_444 : vector<16xf32>
    %add3A_447 = arith.addf %add3A_386, %mul3A_446 : vector<16xf32>
    %get3A_448 = arith.constant 4 : i32
    %get3A_449 = arith.index_cast %get3A_448 : i32 to index
    %get3A_450 = arith.constant 32 : index
    %get3A_451 = tpu.vector_load %arg17[%get3A_449, %get3A_450] {strides = array<i32>} : memref<16x128xf32, #tpu.memory_space<vmem>>, vector<16xf32>,
    %mul3A_452 = vector.broadcast %select_n3A_433 : f32 to vector<16xf32>
    %mul3A_453 = arith.mulf %mul3A_452, %get3A_451 : vector<16xf32>
    %add3A_454 = arith.addf %add3A_393, %mul3A_453 : vector<16xf32>
    %get3A_455 = arith.constant 4 : i32
    %get3A_456 = arith.index_cast %get3A_455 : i32 to index
    %get3A_457 = arith.constant 48 : index
    %get3A_458 = tpu.vector_load %arg17[%get3A_456, %get3A_457] {strides = array<i32>} : memref<16x128xf32, #tpu.memory_space<vmem>>, vector<16xf32>,
    %mul3A_459 = vector.broadcast %select_n3A_433 : f32 to vector<16xf32>
    %mul3A_460 = arith.mulf %mul3A_459, %get3A_458 : vector<16xf32>
    %add3A_461 = arith.addf %add3A_400, %mul3A_460 : vector<16xf32>
    %get3A_462 = arith.constant 4 : i32
    %get3A_463 = arith.index_cast %get3A_462 : i32 to index
    %get3A_464 = arith.constant 64 : index
    %get3A_465 = tpu.vector_load %arg17[%get3A_463, %get3A_464] {strides = array<i32>} : memref<16x128xf32, #tpu.memory_space<vmem>>, vector<16xf32>,
    %mul3A_466 = vector.broadcast %select_n3A_433 : f32 to vector<16xf32>
    %mul3A_467 = arith.mulf %mul3A_466, %get3A_465 : vector<16xf32>
    %add3A_468 = arith.addf %add3A_407, %mul3A_467 : vector<16xf32>
    %get3A_469 = arith.constant 4 : i32
    %get3A_470 = arith.index_cast %get3A_469 : i32 to index
    %get3A_471 = arith.constant 80 : index
    %get3A_472 = tpu.vector_load %arg17[%get3A_470, %get3A_471] {strides = array<i32>} : memref<16x128xf32, #tpu.memory_space<vmem>>, vector<16xf32>,
    %mul3A_473 = vector.broadcast %select_n3A_433 : f32 to vector<16xf32>
    %mul3A_474 = arith.mulf %mul3A_473, %get3A_472 : vector<16xf32>
    %add3A_475 = arith.addf %add3A_414, %mul3A_474 : vector<16xf32>
    %get3A_476 = arith.constant 4 : i32
    %get3A_477 = arith.index_cast %get3A_476 : i32 to index
    %get3A_478 = arith.constant 96 : index
    %get3A_479 = tpu.vector_load %arg17[%get3A_477, %get3A_478] {strides = array<i32>} : memref<16x128xf32, #tpu.memory_space<vmem>>, vector<16xf32>,
    %mul3A_480 = vector.broadcast %select_n3A_433 : f32 to vector<16xf32>
    %mul3A_481 = arith.mulf %mul3A_480, %get3A_479 : vector<16xf32>
    %add3A_482 = arith.addf %add3A_421, %mul3A_481 : vector<16xf32>
    %get3A_483 = arith.constant 4 : i32
    %get3A_484 = arith.index_cast %get3A_483 : i32 to index
    %get3A_485 = arith.constant 112 : index
    %get3A_486 = tpu.vector_load %arg17[%get3A_484, %get3A_485] {strides = array<i32>} : memref<16x128xf32, #tpu.memory_space<vmem>>, vector<16xf32>,
    %mul3A_487 = vector.broadcast %select_n3A_433 : f32 to vector<16xf32>
    %mul3A_488 = arith.mulf %mul3A_487, %get3A_486 : vector<16xf32>
    %add3A_489 = arith.addf %add3A_428, %mul3A_488 : vector<16xf32>
    %lt3A_490 = arith.constant 5 : i32
    %lt3A_491 = arith.cmpi slt, %arg1, %lt3A_490 : i32
    %jit3A_492 = arith.constant 1.000000e+00 : f32
    %jit3A_493 = arith.constant 0.000000e+00 : f32
    %select_n3A_494 = arith.select %lt3A_491, %jit3A_492, %jit3A_493 : f32
    %get3A_495 = arith.constant 5 : i32
    %get3A_496 = arith.index_cast %get3A_495 : i32 to index
    %get3A_497 = arith.constant 0 : index
    %get3A_498 = tpu.vector_load %arg17[%get3A_496, %get3A_497] {strides = array<i32>} : memref<16x128xf32, #tpu.memory_space<vmem>>, vector<16xf32>,
    %mul3A_499 = vector.broadcast %select_n3A_494 : f32 to vector<16xf32>
    %mul3A_500 = arith.mulf %mul3A_499, %get3A_498 : vector<16xf32>
    %add3A_501 = arith.addf %add3A_440, %mul3A_500 : vector<16xf32>
    %get3A_502 = arith.constant 5 : i32
    %get3A_503 = arith.index_cast %get3A_502 : i32 to index
    %get3A_504 = arith.constant 16 : index
    %get3A_505 = tpu.vector_load %arg17[%get3A_503, %get3A_504] {strides = array<i32>} : memref<16x128xf32, #tpu.memory_space<vmem>>, vector<16xf32>,
    %mul3A_506 = vector.broadcast %select_n3A_494 : f32 to vector<16xf32>
    %mul3A_507 = arith.mulf %mul3A_506, %get3A_505 : vector<16xf32>
    %add3A_508 = arith.addf %add3A_447, %mul3A_507 : vector<16xf32>
    %get3A_509 = arith.constant 5 : i32
    %get3A_510 = arith.index_cast %get3A_509 : i32 to index
    %get3A_511 = arith.constant 32 : index
    %get3A_512 = tpu.vector_load %arg17[%get3A_510, %get3A_511] {strides = array<i32>} : memref<16x128xf32, #tpu.memory_space<vmem>>, vector<16xf32>,
    %mul3A_513 = vector.broadcast %select_n3A_494 : f32 to vector<16xf32>
    %mul3A_514 = arith.mulf %mul3A_513, %get3A_512 : vector<16xf32>
    %add3A_515 = arith.addf %add3A_454, %mul3A_514 : vector<16xf32>
    %get3A_516 = arith.constant 5 : i32
    %get3A_517 = arith.index_cast %get3A_516 : i32 to index
    %get3A_518 = arith.constant 48 : index
    %get3A_519 = tpu.vector_load %arg17[%get3A_517, %get3A_518] {strides = array<i32>} : memref<16x128xf32, #tpu.memory_space<vmem>>, vector<16xf32>,
    %mul3A_520 = vector.broadcast %select_n3A_494 : f32 to vector<16xf32>
    %mul3A_521 = arith.mulf %mul3A_520, %get3A_519 : vector<16xf32>
    %add3A_522 = arith.addf %add3A_461, %mul3A_521 : vector<16xf32>
    %get3A_523 = arith.constant 5 : i32
    %get3A_524 = arith.index_cast %get3A_523 : i32 to index
    %get3A_525 = arith.constant 64 : index
    %get3A_526 = tpu.vector_load %arg17[%get3A_524, %get3A_525] {strides = array<i32>} : memref<16x128xf32, #tpu.memory_space<vmem>>, vector<16xf32>,
    %mul3A_527 = vector.broadcast %select_n3A_494 : f32 to vector<16xf32>
    %mul3A_528 = arith.mulf %mul3A_527, %get3A_526 : vector<16xf32>
    %add3A_529 = arith.addf %add3A_468, %mul3A_528 : vector<16xf32>
    %get3A_530 = arith.constant 5 : i32
    %get3A_531 = arith.index_cast %get3A_530 : i32 to index
    %get3A_532 = arith.constant 80 : index
    %get3A_533 = tpu.vector_load %arg17[%get3A_531, %get3A_532] {strides = array<i32>} : memref<16x128xf32, #tpu.memory_space<vmem>>, vector<16xf32>,
    %mul3A_534 = vector.broadcast %select_n3A_494 : f32 to vector<16xf32>
    %mul3A_535 = arith.mulf %mul3A_534, %get3A_533 : vector<16xf32>
    %add3A_536 = arith.addf %add3A_475, %mul3A_535 : vector<16xf32>
    %get3A_537 = arith.constant 5 : i32
    %get3A_538 = arith.index_cast %get3A_537 : i32 to index
    %get3A_539 = arith.constant 96 : index
    %get3A_540 = tpu.vector_load %arg17[%get3A_538, %get3A_539] {strides = array<i32>} : memref<16x128xf32, #tpu.memory_space<vmem>>, vector<16xf32>,
    %mul3A_541 = vector.broadcast %select_n3A_494 : f32 to vector<16xf32>
    %mul3A_542 = arith.mulf %mul3A_541, %get3A_540 : vector<16xf32>
    %add3A_543 = arith.addf %add3A_482, %mul3A_542 : vector<16xf32>
    %get3A_544 = arith.constant 5 : i32
    %get3A_545 = arith.index_cast %get3A_544 : i32 to index
    %get3A_546 = arith.constant 112 : index
    %get3A_547 = tpu.vector_load %arg17[%get3A_545, %get3A_546] {strides = array<i32>} : memref<16x128xf32, #tpu.memory_space<vmem>>, vector<16xf32>,
    %mul3A_548 = vector.broadcast %select_n3A_494 : f32 to vector<16xf32>
    %mul3A_549 = arith.mulf %mul3A_548, %get3A_547 : vector<16xf32>
    %add3A_550 = arith.addf %add3A_489, %mul3A_549 : vector<16xf32>
    %lt3A_551 = arith.constant 6 : i32
    %lt3A_552 = arith.cmpi slt, %arg1, %lt3A_551 : i32
    %jit3A_553 = arith.constant 1.000000e+00 : f32
    %jit3A_554 = arith.constant 0.000000e+00 : f32
    %select_n3A_555 = arith.select %lt3A_552, %jit3A_553, %jit3A_554 : f32
    %get3A_556 = arith.constant 6 : i32
    %get3A_557 = arith.index_cast %get3A_556 : i32 to index
    %get3A_558 = arith.constant 0 : index
    %get3A_559 = tpu.vector_load %arg17[%get3A_557, %get3A_558] {strides = array<i32>} : memref<16x128xf32, #tpu.memory_space<vmem>>, vector<16xf32>,
    %mul3A_560 = vector.broadcast %select_n3A_555 : f32 to vector<16xf32>
    %mul3A_561 = arith.mulf %mul3A_560, %get3A_559 : vector<16xf32>
    %add3A_562 = arith.addf %add3A_501, %mul3A_561 : vector<16xf32>
    %get3A_563 = arith.constant 6 : i32
    %get3A_564 = arith.index_cast %get3A_563 : i32 to index
    %get3A_565 = arith.constant 16 : index
    %get3A_566 = tpu.vector_load %arg17[%get3A_564, %get3A_565] {strides = array<i32>} : memref<16x128xf32, #tpu.memory_space<vmem>>, vector<16xf32>,
    %mul3A_567 = vector.broadcast %select_n3A_555 : f32 to vector<16xf32>
    %mul3A_568 = arith.mulf %mul3A_567, %get3A_566 : vector<16xf32>
    %add3A_569 = arith.addf %add3A_508, %mul3A_568 : vector<16xf32>
    %get3A_570 = arith.constant 6 : i32
    %get3A_571 = arith.index_cast %get3A_570 : i32 to index
    %get3A_572 = arith.constant 32 : index
    %get3A_573 = tpu.vector_load %arg17[%get3A_571, %get3A_572] {strides = array<i32>} : memref<16x128xf32, #tpu.memory_space<vmem>>, vector<16xf32>,
    %mul3A_574 = vector.broadcast %select_n3A_555 : f32 to vector<16xf32>
    %mul3A_575 = arith.mulf %mul3A_574, %get3A_573 : vector<16xf32>
    %add3A_576 = arith.addf %add3A_515, %mul3A_575 : vector<16xf32>
    %get3A_577 = arith.constant 6 : i32
    %get3A_578 = arith.index_cast %get3A_577 : i32 to index
    %get3A_579 = arith.constant 48 : index
    %get3A_580 = tpu.vector_load %arg17[%get3A_578, %get3A_579] {strides = array<i32>} : memref<16x128xf32, #tpu.memory_space<vmem>>, vector<16xf32>,
    %mul3A_581 = vector.broadcast %select_n3A_555 : f32 to vector<16xf32>
    %mul3A_582 = arith.mulf %mul3A_581, %get3A_580 : vector<16xf32>
    %add3A_583 = arith.addf %add3A_522, %mul3A_582 : vector<16xf32>
    %get3A_584 = arith.constant 6 : i32
    %get3A_585 = arith.index_cast %get3A_584 : i32 to index
    %get3A_586 = arith.constant 64 : index
    %get3A_587 = tpu.vector_load %arg17[%get3A_585, %get3A_586] {strides = array<i32>} : memref<16x128xf32, #tpu.memory_space<vmem>>, vector<16xf32>,
    %mul3A_588 = vector.broadcast %select_n3A_555 : f32 to vector<16xf32>
    %mul3A_589 = arith.mulf %mul3A_588, %get3A_587 : vector<16xf32>
    %add3A_590 = arith.addf %add3A_529, %mul3A_589 : vector<16xf32>
    %get3A_591 = arith.constant 6 : i32
    %get3A_592 = arith.index_cast %get3A_591 : i32 to index
    %get3A_593 = arith.constant 80 : index
    %get3A_594 = tpu.vector_load %arg17[%get3A_592, %get3A_593] {strides = array<i32>} : memref<16x128xf32, #tpu.memory_space<vmem>>, vector<16xf32>,
    %mul3A_595 = vector.broadcast %select_n3A_555 : f32 to vector<16xf32>
    %mul3A_596 = arith.mulf %mul3A_595, %get3A_594 : vector<16xf32>
    %add3A_597 = arith.addf %add3A_536, %mul3A_596 : vector<16xf32>
    %get3A_598 = arith.constant 6 : i32
    %get3A_599 = arith.index_cast %get3A_598 : i32 to index
    %get3A_600 = arith.constant 96 : index
    %get3A_601 = tpu.vector_load %arg17[%get3A_599, %get3A_600] {strides = array<i32>} : memref<16x128xf32, #tpu.memory_space<vmem>>, vector<16xf32>,
    %mul3A_602 = vector.broadcast %select_n3A_555 : f32 to vector<16xf32>
    %mul3A_603 = arith.mulf %mul3A_602, %get3A_601 : vector<16xf32>
    %add3A_604 = arith.addf %add3A_543, %mul3A_603 : vector<16xf32>
    %get3A_605 = arith.constant 6 : i32
    %get3A_606 = arith.index_cast %get3A_605 : i32 to index
    %get3A_607 = arith.constant 112 : index
    %get3A_608 = tpu.vector_load %arg17[%get3A_606, %get3A_607] {strides = array<i32>} : memref<16x128xf32, #tpu.memory_space<vmem>>, vector<16xf32>,
    %mul3A_609 = vector.broadcast %select_n3A_555 : f32 to vector<16xf32>
    %mul3A_610 = arith.mulf %mul3A_609, %get3A_608 : vector<16xf32>
    %add3A_611 = arith.addf %add3A_550, %mul3A_610 : vector<16xf32>
    %lt3A_612 = arith.constant 7 : i32
    %lt3A_613 = arith.cmpi slt, %arg1, %lt3A_612 : i32
    %jit3A_614 = arith.constant 1.000000e+00 : f32
    %jit3A_615 = arith.constant 0.000000e+00 : f32
    %select_n3A_616 = arith.select %lt3A_613, %jit3A_614, %jit3A_615 : f32
    %get3A_617 = arith.constant 7 : i32
    %get3A_618 = arith.index_cast %get3A_617 : i32 to index
    %get3A_619 = arith.constant 0 : index
    %get3A_620 = tpu.vector_load %arg17[%get3A_618, %get3A_619] {strides = array<i32>} : memref<16x128xf32, #tpu.memory_space<vmem>>, vector<16xf32>,
    %mul3A_621 = vector.broadcast %select_n3A_616 : f32 to vector<16xf32>
    %mul3A_622 = arith.mulf %mul3A_621, %get3A_620 : vector<16xf32>
    %add3A_623 = arith.addf %add3A_562, %mul3A_622 : vector<16xf32>
    %get3A_624 = arith.constant 7 : i32
    %get3A_625 = arith.index_cast %get3A_624 : i32 to index
    %get3A_626 = arith.constant 16 : index
    %get3A_627 = tpu.vector_load %arg17[%get3A_625, %get3A_626] {strides = array<i32>} : memref<16x128xf32, #tpu.memory_space<vmem>>, vector<16xf32>,
    %mul3A_628 = vector.broadcast %select_n3A_616 : f32 to vector<16xf32>
    %mul3A_629 = arith.mulf %mul3A_628, %get3A_627 : vector<16xf32>
    %add3A_630 = arith.addf %add3A_569, %mul3A_629 : vector<16xf32>
    %get3A_631 = arith.constant 7 : i32
    %get3A_632 = arith.index_cast %get3A_631 : i32 to index
    %get3A_633 = arith.constant 32 : index
    %get3A_634 = tpu.vector_load %arg17[%get3A_632, %get3A_633] {strides = array<i32>} : memref<16x128xf32, #tpu.memory_space<vmem>>, vector<16xf32>,
    %mul3A_635 = vector.broadcast %select_n3A_616 : f32 to vector<16xf32>
    %mul3A_636 = arith.mulf %mul3A_635, %get3A_634 : vector<16xf32>
    %add3A_637 = arith.addf %add3A_576, %mul3A_636 : vector<16xf32>
    %get3A_638 = arith.constant 7 : i32
    %get3A_639 = arith.index_cast %get3A_638 : i32 to index
    %get3A_640 = arith.constant 48 : index
    %get3A_641 = tpu.vector_load %arg17[%get3A_639, %get3A_640] {strides = array<i32>} : memref<16x128xf32, #tpu.memory_space<vmem>>, vector<16xf32>,
    %mul3A_642 = vector.broadcast %select_n3A_616 : f32 to vector<16xf32>
    %mul3A_643 = arith.mulf %mul3A_642, %get3A_641 : vector<16xf32>
    %add3A_644 = arith.addf %add3A_583, %mul3A_643 : vector<16xf32>
    %get3A_645 = arith.constant 7 : i32
    %get3A_646 = arith.index_cast %get3A_645 : i32 to index
    %get3A_647 = arith.constant 64 : index
    %get3A_648 = tpu.vector_load %arg17[%get3A_646, %get3A_647] {strides = array<i32>} : memref<16x128xf32, #tpu.memory_space<vmem>>, vector<16xf32>,
    %mul3A_649 = vector.broadcast %select_n3A_616 : f32 to vector<16xf32>
    %mul3A_650 = arith.mulf %mul3A_649, %get3A_648 : vector<16xf32>
    %add3A_651 = arith.addf %add3A_590, %mul3A_650 : vector<16xf32>
    %get3A_652 = arith.constant 7 : i32
    %get3A_653 = arith.index_cast %get3A_652 : i32 to index
    %get3A_654 = arith.constant 80 : index
    %get3A_655 = tpu.vector_load %arg17[%get3A_653, %get3A_654] {strides = array<i32>} : memref<16x128xf32, #tpu.memory_space<vmem>>, vector<16xf32>,
    %mul3A_656 = vector.broadcast %select_n3A_616 : f32 to vector<16xf32>
    %mul3A_657 = arith.mulf %mul3A_656, %get3A_655 : vector<16xf32>
    %add3A_658 = arith.addf %add3A_597, %mul3A_657 : vector<16xf32>
    %get3A_659 = arith.constant 7 : i32
    %get3A_660 = arith.index_cast %get3A_659 : i32 to index
    %get3A_661 = arith.constant 96 : index
    %get3A_662 = tpu.vector_load %arg17[%get3A_660, %get3A_661] {strides = array<i32>} : memref<16x128xf32, #tpu.memory_space<vmem>>, vector<16xf32>,
    %mul3A_663 = vector.broadcast %select_n3A_616 : f32 to vector<16xf32>
    %mul3A_664 = arith.mulf %mul3A_663, %get3A_662 : vector<16xf32>
    %add3A_665 = arith.addf %add3A_604, %mul3A_664 : vector<16xf32>
    %get3A_666 = arith.constant 7 : i32
    %get3A_667 = arith.index_cast %get3A_666 : i32 to index
    %get3A_668 = arith.constant 112 : index
    %get3A_669 = tpu.vector_load %arg17[%get3A_667, %get3A_668] {strides = array<i32>} : memref<16x128xf32, #tpu.memory_space<vmem>>, vector<16xf32>,
    %mul3A_670 = vector.broadcast %select_n3A_616 : f32 to vector<16xf32>
    %mul3A_671 = arith.mulf %mul3A_670, %get3A_669 : vector<16xf32>
    %add3A_672 = arith.addf %add3A_611, %mul3A_671 : vector<16xf32>
    %lt3A_673 = arith.constant 8 : i32
    %lt3A_674 = arith.cmpi slt, %arg1, %lt3A_673 : i32
    %jit3A_675 = arith.constant 1.000000e+00 : f32
    %jit3A_676 = arith.constant 0.000000e+00 : f32
    %select_n3A_677 = arith.select %lt3A_674, %jit3A_675, %jit3A_676 : f32
    %get3A_678 = arith.constant 8 : i32
    %get3A_679 = arith.index_cast %get3A_678 : i32 to index
    %get3A_680 = arith.constant 0 : index
    %get3A_681 = tpu.vector_load %arg17[%get3A_679, %get3A_680] {strides = array<i32>} : memref<16x128xf32, #tpu.memory_space<vmem>>, vector<16xf32>,
    %mul3A_682 = vector.broadcast %select_n3A_677 : f32 to vector<16xf32>
    %mul3A_683 = arith.mulf %mul3A_682, %get3A_681 : vector<16xf32>
    %add3A_684 = arith.addf %add3A_623, %mul3A_683 : vector<16xf32>
    %get3A_685 = arith.constant 8 : i32
    %get3A_686 = arith.index_cast %get3A_685 : i32 to index
    %get3A_687 = arith.constant 16 : index
    %get3A_688 = tpu.vector_load %arg17[%get3A_686, %get3A_687] {strides = array<i32>} : memref<16x128xf32, #tpu.memory_space<vmem>>, vector<16xf32>,
    %mul3A_689 = vector.broadcast %select_n3A_677 : f32 to vector<16xf32>
    %mul3A_690 = arith.mulf %mul3A_689, %get3A_688 : vector<16xf32>
    %add3A_691 = arith.addf %add3A_630, %mul3A_690 : vector<16xf32>
    %get3A_692 = arith.constant 8 : i32
    %get3A_693 = arith.index_cast %get3A_692 : i32 to index
    %get3A_694 = arith.constant 32 : index
    %get3A_695 = tpu.vector_load %arg17[%get3A_693, %get3A_694] {strides = array<i32>} : memref<16x128xf32, #tpu.memory_space<vmem>>, vector<16xf32>,
    %mul3A_696 = vector.broadcast %select_n3A_677 : f32 to vector<16xf32>
    %mul3A_697 = arith.mulf %mul3A_696, %get3A_695 : vector<16xf32>
    %add3A_698 = arith.addf %add3A_637, %mul3A_697 : vector<16xf32>
    %get3A_699 = arith.constant 8 : i32
    %get3A_700 = arith.index_cast %get3A_699 : i32 to index
    %get3A_701 = arith.constant 48 : index
    %get3A_702 = tpu.vector_load %arg17[%get3A_700, %get3A_701] {strides = array<i32>} : memref<16x128xf32, #tpu.memory_space<vmem>>, vector<16xf32>,
    %mul3A_703 = vector.broadcast %select_n3A_677 : f32 to vector<16xf32>
    %mul3A_704 = arith.mulf %mul3A_703, %get3A_702 : vector<16xf32>
    %add3A_705 = arith.addf %add3A_644, %mul3A_704 : vector<16xf32>
    %get3A_706 = arith.constant 8 : i32
    %get3A_707 = arith.index_cast %get3A_706 : i32 to index
    %get3A_708 = arith.constant 64 : index
    %get3A_709 = tpu.vector_load %arg17[%get3A_707, %get3A_708] {strides = array<i32>} : memref<16x128xf32, #tpu.memory_space<vmem>>, vector<16xf32>,
    %mul3A_710 = vector.broadcast %select_n3A_677 : f32 to vector<16xf32>
    %mul3A_711 = arith.mulf %mul3A_710, %get3A_709 : vector<16xf32>
    %add3A_712 = arith.addf %add3A_651, %mul3A_711 : vector<16xf32>
    %get3A_713 = arith.constant 8 : i32
    %get3A_714 = arith.index_cast %get3A_713 : i32 to index
    %get3A_715 = arith.constant 80 : index
    %get3A_716 = tpu.vector_load %arg17[%get3A_714, %get3A_715] {strides = array<i32>} : memref<16x128xf32, #tpu.memory_space<vmem>>, vector<16xf32>,
    %mul3A_717 = vector.broadcast %select_n3A_677 : f32 to vector<16xf32>
    %mul3A_718 = arith.mulf %mul3A_717, %get3A_716 : vector<16xf32>
    %add3A_719 = arith.addf %add3A_658, %mul3A_718 : vector<16xf32>
    %get3A_720 = arith.constant 8 : i32
    %get3A_721 = arith.index_cast %get3A_720 : i32 to index
    %get3A_722 = arith.constant 96 : index
    %get3A_723 = tpu.vector_load %arg17[%get3A_721, %get3A_722] {strides = array<i32>} : memref<16x128xf32, #tpu.memory_space<vmem>>, vector<16xf32>,
    %mul3A_724 = vector.broadcast %select_n3A_677 : f32 to vector<16xf32>
    %mul3A_725 = arith.mulf %mul3A_724, %get3A_723 : vector<16xf32>
    %add3A_726 = arith.addf %add3A_665, %mul3A_725 : vector<16xf32>
    %get3A_727 = arith.constant 8 : i32
    %get3A_728 = arith.index_cast %get3A_727 : i32 to index
    %get3A_729 = arith.constant 112 : index
    %get3A_730 = tpu.vector_load %arg17[%get3A_728, %get3A_729] {strides = array<i32>} : memref<16x128xf32, #tpu.memory_space<vmem>>, vector<16xf32>,
    %mul3A_731 = vector.broadcast %select_n3A_677 : f32 to vector<16xf32>
    %mul3A_732 = arith.mulf %mul3A_731, %get3A_730 : vector<16xf32>
    %add3A_733 = arith.addf %add3A_672, %mul3A_732 : vector<16xf32>
    %lt3A_734 = arith.constant 9 : i32
    %lt3A_735 = arith.cmpi slt, %arg1, %lt3A_734 : i32
    %jit3A_736 = arith.constant 1.000000e+00 : f32
    %jit3A_737 = arith.constant 0.000000e+00 : f32
    %select_n3A_738 = arith.select %lt3A_735, %jit3A_736, %jit3A_737 : f32
    %get3A_739 = arith.constant 9 : i32
    %get3A_740 = arith.index_cast %get3A_739 : i32 to index
    %get3A_741 = arith.constant 0 : index
    %get3A_742 = tpu.vector_load %arg17[%get3A_740, %get3A_741] {strides = array<i32>} : memref<16x128xf32, #tpu.memory_space<vmem>>, vector<16xf32>,
    %mul3A_743 = vector.broadcast %select_n3A_738 : f32 to vector<16xf32>
    %mul3A_744 = arith.mulf %mul3A_743, %get3A_742 : vector<16xf32>
    %add3A_745 = arith.addf %add3A_684, %mul3A_744 : vector<16xf32>
    %get3A_746 = arith.constant 9 : i32
    %get3A_747 = arith.index_cast %get3A_746 : i32 to index
    %get3A_748 = arith.constant 16 : index
    %get3A_749 = tpu.vector_load %arg17[%get3A_747, %get3A_748] {strides = array<i32>} : memref<16x128xf32, #tpu.memory_space<vmem>>, vector<16xf32>,
    %mul3A_750 = vector.broadcast %select_n3A_738 : f32 to vector<16xf32>
    %mul3A_751 = arith.mulf %mul3A_750, %get3A_749 : vector<16xf32>
    %add3A_752 = arith.addf %add3A_691, %mul3A_751 : vector<16xf32>
    %get3A_753 = arith.constant 9 : i32
    %get3A_754 = arith.index_cast %get3A_753 : i32 to index
    %get3A_755 = arith.constant 32 : index
    %get3A_756 = tpu.vector_load %arg17[%get3A_754, %get3A_755] {strides = array<i32>} : memref<16x128xf32, #tpu.memory_space<vmem>>, vector<16xf32>,
    %mul3A_757 = vector.broadcast %select_n3A_738 : f32 to vector<16xf32>
    %mul3A_758 = arith.mulf %mul3A_757, %get3A_756 : vector<16xf32>
    %add3A_759 = arith.addf %add3A_698, %mul3A_758 : vector<16xf32>
    %get3A_760 = arith.constant 9 : i32
    %get3A_761 = arith.index_cast %get3A_760 : i32 to index
    %get3A_762 = arith.constant 48 : index
    %get3A_763 = tpu.vector_load %arg17[%get3A_761, %get3A_762] {strides = array<i32>} : memref<16x128xf32, #tpu.memory_space<vmem>>, vector<16xf32>,
    %mul3A_764 = vector.broadcast %select_n3A_738 : f32 to vector<16xf32>
    %mul3A_765 = arith.mulf %mul3A_764, %get3A_763 : vector<16xf32>
    %add3A_766 = arith.addf %add3A_705, %mul3A_765 : vector<16xf32>
    %get3A_767 = arith.constant 9 : i32
    %get3A_768 = arith.index_cast %get3A_767 : i32 to index
    %get3A_769 = arith.constant 64 : index
    %get3A_770 = tpu.vector_load %arg17[%get3A_768, %get3A_769] {strides = array<i32>} : memref<16x128xf32, #tpu.memory_space<vmem>>, vector<16xf32>,
    %mul3A_771 = vector.broadcast %select_n3A_738 : f32 to vector<16xf32>
    %mul3A_772 = arith.mulf %mul3A_771, %get3A_770 : vector<16xf32>
    %add3A_773 = arith.addf %add3A_712, %mul3A_772 : vector<16xf32>
    %get3A_774 = arith.constant 9 : i32
    %get3A_775 = arith.index_cast %get3A_774 : i32 to index
    %get3A_776 = arith.constant 80 : index
    %get3A_777 = tpu.vector_load %arg17[%get3A_775, %get3A_776] {strides = array<i32>} : memref<16x128xf32, #tpu.memory_space<vmem>>, vector<16xf32>,
    %mul3A_778 = vector.broadcast %select_n3A_738 : f32 to vector<16xf32>
    %mul3A_779 = arith.mulf %mul3A_778, %get3A_777 : vector<16xf32>
    %add3A_780 = arith.addf %add3A_719, %mul3A_779 : vector<16xf32>
    %get3A_781 = arith.constant 9 : i32
    %get3A_782 = arith.index_cast %get3A_781 : i32 to index
    %get3A_783 = arith.constant 96 : index
    %get3A_784 = tpu.vector_load %arg17[%get3A_782, %get3A_783] {strides = array<i32>} : memref<16x128xf32, #tpu.memory_space<vmem>>, vector<16xf32>,
    %mul3A_785 = vector.broadcast %select_n3A_738 : f32 to vector<16xf32>
    %mul3A_786 = arith.mulf %mul3A_785, %get3A_784 : vector<16xf32>
    %add3A_787 = arith.addf %add3A_726, %mul3A_786 : vector<16xf32>
    %get3A_788 = arith.constant 9 : i32
    %get3A_789 = arith.index_cast %get3A_788 : i32 to index
    %get3A_790 = arith.constant 112 : index
    %get3A_791 = tpu.vector_load %arg17[%get3A_789, %get3A_790] {strides = array<i32>} : memref<16x128xf32, #tpu.memory_space<vmem>>, vector<16xf32>,
    %mul3A_792 = vector.broadcast %select_n3A_738 : f32 to vector<16xf32>
    %mul3A_793 = arith.mulf %mul3A_792, %get3A_791 : vector<16xf32>
    %add3A_794 = arith.addf %add3A_733, %mul3A_793 : vector<16xf32>
    %lt3A_795 = arith.constant 10 : i32
    %lt3A_796 = arith.cmpi slt, %arg1, %lt3A_795 : i32
    %jit3A_797 = arith.constant 1.000000e+00 : f32
    %jit3A_798 = arith.constant 0.000000e+00 : f32
    %select_n3A_799 = arith.select %lt3A_796, %jit3A_797, %jit3A_798 : f32
    %get3A_800 = arith.constant 10 : i32
    %get3A_801 = arith.index_cast %get3A_800 : i32 to index
    %get3A_802 = arith.constant 0 : index
    %get3A_803 = tpu.vector_load %arg17[%get3A_801, %get3A_802] {strides = array<i32>} : memref<16x128xf32, #tpu.memory_space<vmem>>, vector<16xf32>,
    %mul3A_804 = vector.broadcast %select_n3A_799 : f32 to vector<16xf32>
    %mul3A_805 = arith.mulf %mul3A_804, %get3A_803 : vector<16xf32>
    %add3A_806 = arith.addf %add3A_745, %mul3A_805 : vector<16xf32>
    %get3A_807 = arith.constant 10 : i32
    %get3A_808 = arith.index_cast %get3A_807 : i32 to index
    %get3A_809 = arith.constant 16 : index
    %get3A_810 = tpu.vector_load %arg17[%get3A_808, %get3A_809] {strides = array<i32>} : memref<16x128xf32, #tpu.memory_space<vmem>>, vector<16xf32>,
    %mul3A_811 = vector.broadcast %select_n3A_799 : f32 to vector<16xf32>
    %mul3A_812 = arith.mulf %mul3A_811, %get3A_810 : vector<16xf32>
    %add3A_813 = arith.addf %add3A_752, %mul3A_812 : vector<16xf32>
    %get3A_814 = arith.constant 10 : i32
    %get3A_815 = arith.index_cast %get3A_814 : i32 to index
    %get3A_816 = arith.constant 32 : index
    %get3A_817 = tpu.vector_load %arg17[%get3A_815, %get3A_816] {strides = array<i32>} : memref<16x128xf32, #tpu.memory_space<vmem>>, vector<16xf32>,
    %mul3A_818 = vector.broadcast %select_n3A_799 : f32 to vector<16xf32>
    %mul3A_819 = arith.mulf %mul3A_818, %get3A_817 : vector<16xf32>
    %add3A_820 = arith.addf %add3A_759, %mul3A_819 : vector<16xf32>
    %get3A_821 = arith.constant 10 : i32
    %get3A_822 = arith.index_cast %get3A_821 : i32 to index
    %get3A_823 = arith.constant 48 : index
    %get3A_824 = tpu.vector_load %arg17[%get3A_822, %get3A_823] {strides = array<i32>} : memref<16x128xf32, #tpu.memory_space<vmem>>, vector<16xf32>,
    %mul3A_825 = vector.broadcast %select_n3A_799 : f32 to vector<16xf32>
    %mul3A_826 = arith.mulf %mul3A_825, %get3A_824 : vector<16xf32>
    %add3A_827 = arith.addf %add3A_766, %mul3A_826 : vector<16xf32>
    %get3A_828 = arith.constant 10 : i32
    %get3A_829 = arith.index_cast %get3A_828 : i32 to index
    %get3A_830 = arith.constant 64 : index
    %get3A_831 = tpu.vector_load %arg17[%get3A_829, %get3A_830] {strides = array<i32>} : memref<16x128xf32, #tpu.memory_space<vmem>>, vector<16xf32>,
    %mul3A_832 = vector.broadcast %select_n3A_799 : f32 to vector<16xf32>
    %mul3A_833 = arith.mulf %mul3A_832, %get3A_831 : vector<16xf32>
    %add3A_834 = arith.addf %add3A_773, %mul3A_833 : vector<16xf32>
    %get3A_835 = arith.constant 10 : i32
    %get3A_836 = arith.index_cast %get3A_835 : i32 to index
    %get3A_837 = arith.constant 80 : index
    %get3A_838 = tpu.vector_load %arg17[%get3A_836, %get3A_837] {strides = array<i32>} : memref<16x128xf32, #tpu.memory_space<vmem>>, vector<16xf32>,
    %mul3A_839 = vector.broadcast %select_n3A_799 : f32 to vector<16xf32>
    %mul3A_840 = arith.mulf %mul3A_839, %get3A_838 : vector<16xf32>
    %add3A_841 = arith.addf %add3A_780, %mul3A_840 : vector<16xf32>
    %get3A_842 = arith.constant 10 : i32
    %get3A_843 = arith.index_cast %get3A_842 : i32 to index
    %get3A_844 = arith.constant 96 : index
    %get3A_845 = tpu.vector_load %arg17[%get3A_843, %get3A_844] {strides = array<i32>} : memref<16x128xf32, #tpu.memory_space<vmem>>, vector<16xf32>,
    %mul3A_846 = vector.broadcast %select_n3A_799 : f32 to vector<16xf32>
    %mul3A_847 = arith.mulf %mul3A_846, %get3A_845 : vector<16xf32>
    %add3A_848 = arith.addf %add3A_787, %mul3A_847 : vector<16xf32>
    %get3A_849 = arith.constant 10 : i32
    %get3A_850 = arith.index_cast %get3A_849 : i32 to index
    %get3A_851 = arith.constant 112 : index
    %get3A_852 = tpu.vector_load %arg17[%get3A_850, %get3A_851] {strides = array<i32>} : memref<16x128xf32, #tpu.memory_space<vmem>>, vector<16xf32>,
    %mul3A_853 = vector.broadcast %select_n3A_799 : f32 to vector<16xf32>
    %mul3A_854 = arith.mulf %mul3A_853, %get3A_852 : vector<16xf32>
    %add3A_855 = arith.addf %add3A_794, %mul3A_854 : vector<16xf32>
    %lt3A_856 = arith.constant 11 : i32
    %lt3A_857 = arith.cmpi slt, %arg1, %lt3A_856 : i32
    %jit3A_858 = arith.constant 1.000000e+00 : f32
    %jit3A_859 = arith.constant 0.000000e+00 : f32
    %select_n3A_860 = arith.select %lt3A_857, %jit3A_858, %jit3A_859 : f32
    %get3A_861 = arith.constant 11 : i32
    %get3A_862 = arith.index_cast %get3A_861 : i32 to index
    %get3A_863 = arith.constant 0 : index
    %get3A_864 = tpu.vector_load %arg17[%get3A_862, %get3A_863] {strides = array<i32>} : memref<16x128xf32, #tpu.memory_space<vmem>>, vector<16xf32>,
    %mul3A_865 = vector.broadcast %select_n3A_860 : f32 to vector<16xf32>
    %mul3A_866 = arith.mulf %mul3A_865, %get3A_864 : vector<16xf32>
    %add3A_867 = arith.addf %add3A_806, %mul3A_866 : vector<16xf32>
    %get3A_868 = arith.constant 11 : i32
    %get3A_869 = arith.index_cast %get3A_868 : i32 to index
    %get3A_870 = arith.constant 16 : index
    %get3A_871 = tpu.vector_load %arg17[%get3A_869, %get3A_870] {strides = array<i32>} : memref<16x128xf32, #tpu.memory_space<vmem>>, vector<16xf32>,
    %mul3A_872 = vector.broadcast %select_n3A_860 : f32 to vector<16xf32>
    %mul3A_873 = arith.mulf %mul3A_872, %get3A_871 : vector<16xf32>
    %add3A_874 = arith.addf %add3A_813, %mul3A_873 : vector<16xf32>
    %get3A_875 = arith.constant 11 : i32
    %get3A_876 = arith.index_cast %get3A_875 : i32 to index
    %get3A_877 = arith.constant 32 : index
    %get3A_878 = tpu.vector_load %arg17[%get3A_876, %get3A_877] {strides = array<i32>} : memref<16x128xf32, #tpu.memory_space<vmem>>, vector<16xf32>,
    %mul3A_879 = vector.broadcast %select_n3A_860 : f32 to vector<16xf32>
    %mul3A_880 = arith.mulf %mul3A_879, %get3A_878 : vector<16xf32>
    %add3A_881 = arith.addf %add3A_820, %mul3A_880 : vector<16xf32>
    %get3A_882 = arith.constant 11 : i32
    %get3A_883 = arith.index_cast %get3A_882 : i32 to index
    %get3A_884 = arith.constant 48 : index
    %get3A_885 = tpu.vector_load %arg17[%get3A_883, %get3A_884] {strides = array<i32>} : memref<16x128xf32, #tpu.memory_space<vmem>>, vector<16xf32>,
    %mul3A_886 = vector.broadcast %select_n3A_860 : f32 to vector<16xf32>
    %mul3A_887 = arith.mulf %mul3A_886, %get3A_885 : vector<16xf32>
    %add3A_888 = arith.addf %add3A_827, %mul3A_887 : vector<16xf32>
    %get3A_889 = arith.constant 11 : i32
    %get3A_890 = arith.index_cast %get3A_889 : i32 to index
    %get3A_891 = arith.constant 64 : index
    %get3A_892 = tpu.vector_load %arg17[%get3A_890, %get3A_891] {strides = array<i32>} : memref<16x128xf32, #tpu.memory_space<vmem>>, vector<16xf32>,
    %mul3A_893 = vector.broadcast %select_n3A_860 : f32 to vector<16xf32>
    %mul3A_894 = arith.mulf %mul3A_893, %get3A_892 : vector<16xf32>
    %add3A_895 = arith.addf %add3A_834, %mul3A_894 : vector<16xf32>
    %get3A_896 = arith.constant 11 : i32
    %get3A_897 = arith.index_cast %get3A_896 : i32 to index
    %get3A_898 = arith.constant 80 : index
    %get3A_899 = tpu.vector_load %arg17[%get3A_897, %get3A_898] {strides = array<i32>} : memref<16x128xf32, #tpu.memory_space<vmem>>, vector<16xf32>,
    %mul3A_900 = vector.broadcast %select_n3A_860 : f32 to vector<16xf32>
    %mul3A_901 = arith.mulf %mul3A_900, %get3A_899 : vector<16xf32>
    %add3A_902 = arith.addf %add3A_841, %mul3A_901 : vector<16xf32>
    %get3A_903 = arith.constant 11 : i32
    %get3A_904 = arith.index_cast %get3A_903 : i32 to index
    %get3A_905 = arith.constant 96 : index
    %get3A_906 = tpu.vector_load %arg17[%get3A_904, %get3A_905] {strides = array<i32>} : memref<16x128xf32, #tpu.memory_space<vmem>>, vector<16xf32>,
    %mul3A_907 = vector.broadcast %select_n3A_860 : f32 to vector<16xf32>
    %mul3A_908 = arith.mulf %mul3A_907, %get3A_906 : vector<16xf32>
    %add3A_909 = arith.addf %add3A_848, %mul3A_908 : vector<16xf32>
    %get3A_910 = arith.constant 11 : i32
    %get3A_911 = arith.index_cast %get3A_910 : i32 to index
    %get3A_912 = arith.constant 112 : index
    %get3A_913 = tpu.vector_load %arg17[%get3A_911, %get3A_912] {strides = array<i32>} : memref<16x128xf32, #tpu.memory_space<vmem>>, vector<16xf32>,
    %mul3A_914 = vector.broadcast %select_n3A_860 : f32 to vector<16xf32>
    %mul3A_915 = arith.mulf %mul3A_914, %get3A_913 : vector<16xf32>
    %add3A_916 = arith.addf %add3A_855, %mul3A_915 : vector<16xf32>
    %lt3A_917 = arith.constant 12 : i32
    %lt3A_918 = arith.cmpi slt, %arg1, %lt3A_917 : i32
    %jit3A_919 = arith.constant 1.000000e+00 : f32
    %jit3A_920 = arith.constant 0.000000e+00 : f32
    %select_n3A_921 = arith.select %lt3A_918, %jit3A_919, %jit3A_920 : f32
    %get3A_922 = arith.constant 12 : i32
    %get3A_923 = arith.index_cast %get3A_922 : i32 to index
    %get3A_924 = arith.constant 0 : index
    %get3A_925 = tpu.vector_load %arg17[%get3A_923, %get3A_924] {strides = array<i32>} : memref<16x128xf32, #tpu.memory_space<vmem>>, vector<16xf32>,
    %mul3A_926 = vector.broadcast %select_n3A_921 : f32 to vector<16xf32>
    %mul3A_927 = arith.mulf %mul3A_926, %get3A_925 : vector<16xf32>
    %add3A_928 = arith.addf %add3A_867, %mul3A_927 : vector<16xf32>
    %get3A_929 = arith.constant 12 : i32
    %get3A_930 = arith.index_cast %get3A_929 : i32 to index
    %get3A_931 = arith.constant 16 : index
    %get3A_932 = tpu.vector_load %arg17[%get3A_930, %get3A_931] {strides = array<i32>} : memref<16x128xf32, #tpu.memory_space<vmem>>, vector<16xf32>,
    %mul3A_933 = vector.broadcast %select_n3A_921 : f32 to vector<16xf32>
    %mul3A_934 = arith.mulf %mul3A_933, %get3A_932 : vector<16xf32>
    %add3A_935 = arith.addf %add3A_874, %mul3A_934 : vector<16xf32>
    %get3A_936 = arith.constant 12 : i32
    %get3A_937 = arith.index_cast %get3A_936 : i32 to index
    %get3A_938 = arith.constant 32 : index
    %get3A_939 = tpu.vector_load %arg17[%get3A_937, %get3A_938] {strides = array<i32>} : memref<16x128xf32, #tpu.memory_space<vmem>>, vector<16xf32>,
    %mul3A_940 = vector.broadcast %select_n3A_921 : f32 to vector<16xf32>
    %mul3A_941 = arith.mulf %mul3A_940, %get3A_939 : vector<16xf32>
    %add3A_942 = arith.addf %add3A_881, %mul3A_941 : vector<16xf32>
    %get3A_943 = arith.constant 12 : i32
    %get3A_944 = arith.index_cast %get3A_943 : i32 to index
    %get3A_945 = arith.constant 48 : index
    %get3A_946 = tpu.vector_load %arg17[%get3A_944, %get3A_945] {strides = array<i32>} : memref<16x128xf32, #tpu.memory_space<vmem>>, vector<16xf32>,
    %mul3A_947 = vector.broadcast %select_n3A_921 : f32 to vector<16xf32>
    %mul3A_948 = arith.mulf %mul3A_947, %get3A_946 : vector<16xf32>
    %add3A_949 = arith.addf %add3A_888, %mul3A_948 : vector<16xf32>
    %get3A_950 = arith.constant 12 : i32
    %get3A_951 = arith.index_cast %get3A_950 : i32 to index
    %get3A_952 = arith.constant 64 : index
    %get3A_953 = tpu.vector_load %arg17[%get3A_951, %get3A_952] {strides = array<i32>} : memref<16x128xf32, #tpu.memory_space<vmem>>, vector<16xf32>,
    %mul3A_954 = vector.broadcast %select_n3A_921 : f32 to vector<16xf32>
    %mul3A_955 = arith.mulf %mul3A_954, %get3A_953 : vector<16xf32>
    %add3A_956 = arith.addf %add3A_895, %mul3A_955 : vector<16xf32>
    %get3A_957 = arith.constant 12 : i32
    %get3A_958 = arith.index_cast %get3A_957 : i32 to index
    %get3A_959 = arith.constant 80 : index
    %get3A_960 = tpu.vector_load %arg17[%get3A_958, %get3A_959] {strides = array<i32>} : memref<16x128xf32, #tpu.memory_space<vmem>>, vector<16xf32>,
    %mul3A_961 = vector.broadcast %select_n3A_921 : f32 to vector<16xf32>
    %mul3A_962 = arith.mulf %mul3A_961, %get3A_960 : vector<16xf32>
    %add3A_963 = arith.addf %add3A_902, %mul3A_962 : vector<16xf32>
    %get3A_964 = arith.constant 12 : i32
    %get3A_965 = arith.index_cast %get3A_964 : i32 to index
    %get3A_966 = arith.constant 96 : index
    %get3A_967 = tpu.vector_load %arg17[%get3A_965, %get3A_966] {strides = array<i32>} : memref<16x128xf32, #tpu.memory_space<vmem>>, vector<16xf32>,
    %mul3A_968 = vector.broadcast %select_n3A_921 : f32 to vector<16xf32>
    %mul3A_969 = arith.mulf %mul3A_968, %get3A_967 : vector<16xf32>
    %add3A_970 = arith.addf %add3A_909, %mul3A_969 : vector<16xf32>
    %get3A_971 = arith.constant 12 : i32
    %get3A_972 = arith.index_cast %get3A_971 : i32 to index
    %get3A_973 = arith.constant 112 : index
    %get3A_974 = tpu.vector_load %arg17[%get3A_972, %get3A_973] {strides = array<i32>} : memref<16x128xf32, #tpu.memory_space<vmem>>, vector<16xf32>,
    %mul3A_975 = vector.broadcast %select_n3A_921 : f32 to vector<16xf32>
    %mul3A_976 = arith.mulf %mul3A_975, %get3A_974 : vector<16xf32>
    %add3A_977 = arith.addf %add3A_916, %mul3A_976 : vector<16xf32>
    %lt3A_978 = arith.constant 13 : i32
    %lt3A_979 = arith.cmpi slt, %arg1, %lt3A_978 : i32
    %jit3A_980 = arith.constant 1.000000e+00 : f32
    %jit3A_981 = arith.constant 0.000000e+00 : f32
    %select_n3A_982 = arith.select %lt3A_979, %jit3A_980, %jit3A_981 : f32
    %get3A_983 = arith.constant 13 : i32
    %get3A_984 = arith.index_cast %get3A_983 : i32 to index
    %get3A_985 = arith.constant 0 : index
    %get3A_986 = tpu.vector_load %arg17[%get3A_984, %get3A_985] {strides = array<i32>} : memref<16x128xf32, #tpu.memory_space<vmem>>, vector<16xf32>,
    %mul3A_987 = vector.broadcast %select_n3A_982 : f32 to vector<16xf32>
    %mul3A_988 = arith.mulf %mul3A_987, %get3A_986 : vector<16xf32>
    %add3A_989 = arith.addf %add3A_928, %mul3A_988 : vector<16xf32>
    %get3A_990 = arith.constant 13 : i32
    %get3A_991 = arith.index_cast %get3A_990 : i32 to index
    %get3A_992 = arith.constant 16 : index
    %get3A_993 = tpu.vector_load %arg17[%get3A_991, %get3A_992] {strides = array<i32>} : memref<16x128xf32, #tpu.memory_space<vmem>>, vector<16xf32>,
    %mul3A_994 = vector.broadcast %select_n3A_982 : f32 to vector<16xf32>
    %mul3A_995 = arith.mulf %mul3A_994, %get3A_993 : vector<16xf32>
    %add3A_996 = arith.addf %add3A_935, %mul3A_995 : vector<16xf32>
    %get3A_997 = arith.constant 13 : i32
    %get3A_998 = arith.index_cast %get3A_997 : i32 to index
    %get3A_999 = arith.constant 32 : index
    %get3A_1000 = tpu.vector_load %arg17[%get3A_998, %get3A_999] {strides = array<i32>} : memref<16x128xf32, #tpu.memory_space<vmem>>, vector<16xf32>,
    %mul3A_1001 = vector.broadcast %select_n3A_982 : f32 to vector<16xf32>
    %mul3A_1002 = arith.mulf %mul3A_1001, %get3A_1000 : vector<16xf32>
    %add3A_1003 = arith.addf %add3A_942, %mul3A_1002 : vector<16xf32>
    %get3A_1004 = arith.constant 13 : i32
    %get3A_1005 = arith.index_cast %get3A_1004 : i32 to index
    %get3A_1006 = arith.constant 48 : index
    %get3A_1007 = tpu.vector_load %arg17[%get3A_1005, %get3A_1006] {strides = array<i32>} : memref<16x128xf32, #tpu.memory_space<vmem>>, vector<16xf32>,
    %mul3A_1008 = vector.broadcast %select_n3A_982 : f32 to vector<16xf32>
    %mul3A_1009 = arith.mulf %mul3A_1008, %get3A_1007 : vector<16xf32>
    %add3A_1010 = arith.addf %add3A_949, %mul3A_1009 : vector<16xf32>
    %get3A_1011 = arith.constant 13 : i32
    %get3A_1012 = arith.index_cast %get3A_1011 : i32 to index
    %get3A_1013 = arith.constant 64 : index
    %get3A_1014 = tpu.vector_load %arg17[%get3A_1012, %get3A_1013] {strides = array<i32>} : memref<16x128xf32, #tpu.memory_space<vmem>>, vector<16xf32>,
    %mul3A_1015 = vector.broadcast %select_n3A_982 : f32 to vector<16xf32>
    %mul3A_1016 = arith.mulf %mul3A_1015, %get3A_1014 : vector<16xf32>
    %add3A_1017 = arith.addf %add3A_956, %mul3A_1016 : vector<16xf32>
    %get3A_1018 = arith.constant 13 : i32
    %get3A_1019 = arith.index_cast %get3A_1018 : i32 to index
    %get3A_1020 = arith.constant 80 : index
    %get3A_1021 = tpu.vector_load %arg17[%get3A_1019, %get3A_1020] {strides = array<i32>} : memref<16x128xf32, #tpu.memory_space<vmem>>, vector<16xf32>,
    %mul3A_1022 = vector.broadcast %select_n3A_982 : f32 to vector<16xf32>
    %mul3A_1023 = arith.mulf %mul3A_1022, %get3A_1021 : vector<16xf32>
    %add3A_1024 = arith.addf %add3A_963, %mul3A_1023 : vector<16xf32>
    %get3A_1025 = arith.constant 13 : i32
    %get3A_1026 = arith.index_cast %get3A_1025 : i32 to index
    %get3A_1027 = arith.constant 96 : index
    %get3A_1028 = tpu.vector_load %arg17[%get3A_1026, %get3A_1027] {strides = array<i32>} : memref<16x128xf32, #tpu.memory_space<vmem>>, vector<16xf32>,
    %mul3A_1029 = vector.broadcast %select_n3A_982 : f32 to vector<16xf32>
    %mul3A_1030 = arith.mulf %mul3A_1029, %get3A_1028 : vector<16xf32>
    %add3A_1031 = arith.addf %add3A_970, %mul3A_1030 : vector<16xf32>
    %get3A_1032 = arith.constant 13 : i32
    %get3A_1033 = arith.index_cast %get3A_1032 : i32 to index
    %get3A_1034 = arith.constant 112 : index
    %get3A_1035 = tpu.vector_load %arg17[%get3A_1033, %get3A_1034] {strides = array<i32>} : memref<16x128xf32, #tpu.memory_space<vmem>>, vector<16xf32>,
    %mul3A_1036 = vector.broadcast %select_n3A_982 : f32 to vector<16xf32>
    %mul3A_1037 = arith.mulf %mul3A_1036, %get3A_1035 : vector<16xf32>
    %add3A_1038 = arith.addf %add3A_977, %mul3A_1037 : vector<16xf32>
    %lt3A_1039 = arith.constant 14 : i32
    %lt3A_1040 = arith.cmpi slt, %arg1, %lt3A_1039 : i32
    %jit3A_1041 = arith.constant 1.000000e+00 : f32
    %jit3A_1042 = arith.constant 0.000000e+00 : f32
    %select_n3A_1043 = arith.select %lt3A_1040, %jit3A_1041, %jit3A_1042 : f32
    %get3A_1044 = arith.constant 14 : i32
    %get3A_1045 = arith.index_cast %get3A_1044 : i32 to index
    %get3A_1046 = arith.constant 0 : index
    %get3A_1047 = tpu.vector_load %arg17[%get3A_1045, %get3A_1046] {strides = array<i32>} : memref<16x128xf32, #tpu.memory_space<vmem>>, vector<16xf32>,
    %mul3A_1048 = vector.broadcast %select_n3A_1043 : f32 to vector<16xf32>
    %mul3A_1049 = arith.mulf %mul3A_1048, %get3A_1047 : vector<16xf32>
    %add3A_1050 = arith.addf %add3A_989, %mul3A_1049 : vector<16xf32>
    %get3A_1051 = arith.constant 14 : i32
    %get3A_1052 = arith.index_cast %get3A_1051 : i32 to index
    %get3A_1053 = arith.constant 16 : index
    %get3A_1054 = tpu.vector_load %arg17[%get3A_1052, %get3A_1053] {strides = array<i32>} : memref<16x128xf32, #tpu.memory_space<vmem>>, vector<16xf32>,
    %mul3A_1055 = vector.broadcast %select_n3A_1043 : f32 to vector<16xf32>
    %mul3A_1056 = arith.mulf %mul3A_1055, %get3A_1054 : vector<16xf32>
    %add3A_1057 = arith.addf %add3A_996, %mul3A_1056 : vector<16xf32>
    %get3A_1058 = arith.constant 14 : i32
    %get3A_1059 = arith.index_cast %get3A_1058 : i32 to index
    %get3A_1060 = arith.constant 32 : index
    %get3A_1061 = tpu.vector_load %arg17[%get3A_1059, %get3A_1060] {strides = array<i32>} : memref<16x128xf32, #tpu.memory_space<vmem>>, vector<16xf32>,
    %mul3A_1062 = vector.broadcast %select_n3A_1043 : f32 to vector<16xf32>
    %mul3A_1063 = arith.mulf %mul3A_1062, %get3A_1061 : vector<16xf32>
    %add3A_1064 = arith.addf %add3A_1003, %mul3A_1063 : vector<16xf32>
    %get3A_1065 = arith.constant 14 : i32
    %get3A_1066 = arith.index_cast %get3A_1065 : i32 to index
    %get3A_1067 = arith.constant 48 : index
    %get3A_1068 = tpu.vector_load %arg17[%get3A_1066, %get3A_1067] {strides = array<i32>} : memref<16x128xf32, #tpu.memory_space<vmem>>, vector<16xf32>,
    %mul3A_1069 = vector.broadcast %select_n3A_1043 : f32 to vector<16xf32>
    %mul3A_1070 = arith.mulf %mul3A_1069, %get3A_1068 : vector<16xf32>
    %add3A_1071 = arith.addf %add3A_1010, %mul3A_1070 : vector<16xf32>
    %get3A_1072 = arith.constant 14 : i32
    %get3A_1073 = arith.index_cast %get3A_1072 : i32 to index
    %get3A_1074 = arith.constant 64 : index
    %get3A_1075 = tpu.vector_load %arg17[%get3A_1073, %get3A_1074] {strides = array<i32>} : memref<16x128xf32, #tpu.memory_space<vmem>>, vector<16xf32>,
    %mul3A_1076 = vector.broadcast %select_n3A_1043 : f32 to vector<16xf32>
    %mul3A_1077 = arith.mulf %mul3A_1076, %get3A_1075 : vector<16xf32>
    %add3A_1078 = arith.addf %add3A_1017, %mul3A_1077 : vector<16xf32>
    %get3A_1079 = arith.constant 14 : i32
    %get3A_1080 = arith.index_cast %get3A_1079 : i32 to index
    %get3A_1081 = arith.constant 80 : index
    %get3A_1082 = tpu.vector_load %arg17[%get3A_1080, %get3A_1081] {strides = array<i32>} : memref<16x128xf32, #tpu.memory_space<vmem>>, vector<16xf32>,
    %mul3A_1083 = vector.broadcast %select_n3A_1043 : f32 to vector<16xf32>
    %mul3A_1084 = arith.mulf %mul3A_1083, %get3A_1082 : vector<16xf32>
    %add3A_1085 = arith.addf %add3A_1024, %mul3A_1084 : vector<16xf32>
    %get3A_1086 = arith.constant 14 : i32
    %get3A_1087 = arith.index_cast %get3A_1086 : i32 to index
    %get3A_1088 = arith.constant 96 : index
    %get3A_1089 = tpu.vector_load %arg17[%get3A_1087, %get3A_1088] {strides = array<i32>} : memref<16x128xf32, #tpu.memory_space<vmem>>, vector<16xf32>,
    %mul3A_1090 = vector.broadcast %select_n3A_1043 : f32 to vector<16xf32>
    %mul3A_1091 = arith.mulf %mul3A_1090, %get3A_1089 : vector<16xf32>
    %add3A_1092 = arith.addf %add3A_1031, %mul3A_1091 : vector<16xf32>
    %get3A_1093 = arith.constant 14 : i32
    %get3A_1094 = arith.index_cast %get3A_1093 : i32 to index
    %get3A_1095 = arith.constant 112 : index
    %get3A_1096 = tpu.vector_load %arg17[%get3A_1094, %get3A_1095] {strides = array<i32>} : memref<16x128xf32, #tpu.memory_space<vmem>>, vector<16xf32>,
    %mul3A_1097 = vector.broadcast %select_n3A_1043 : f32 to vector<16xf32>
    %mul3A_1098 = arith.mulf %mul3A_1097, %get3A_1096 : vector<16xf32>
    %add3A_1099 = arith.addf %add3A_1038, %mul3A_1098 : vector<16xf32>
    %lt3A_1100 = arith.constant 15 : i32
    %lt3A_1101 = arith.cmpi slt, %arg1, %lt3A_1100 : i32
    %jit3A_1102 = arith.constant 1.000000e+00 : f32
    %jit3A_1103 = arith.constant 0.000000e+00 : f32
    %select_n3A_1104 = arith.select %lt3A_1101, %jit3A_1102, %jit3A_1103 : f32
    %get3A_1105 = arith.constant 15 : i32
    %get3A_1106 = arith.index_cast %get3A_1105 : i32 to index
    %get3A_1107 = arith.constant 0 : index
    %get3A_1108 = tpu.vector_load %arg17[%get3A_1106, %get3A_1107] {strides = array<i32>} : memref<16x128xf32, #tpu.memory_space<vmem>>, vector<16xf32>,
    %mul3A_1109 = vector.broadcast %select_n3A_1104 : f32 to vector<16xf32>
    %mul3A_1110 = arith.mulf %mul3A_1109, %get3A_1108 : vector<16xf32>
    %add3A_1111 = arith.addf %add3A_1050, %mul3A_1110 : vector<16xf32>
    %get3A_1112 = arith.constant 15 : i32
    %get3A_1113 = arith.index_cast %get3A_1112 : i32 to index
    %get3A_1114 = arith.constant 16 : index
    %get3A_1115 = tpu.vector_load %arg17[%get3A_1113, %get3A_1114] {strides = array<i32>} : memref<16x128xf32, #tpu.memory_space<vmem>>, vector<16xf32>,
    %mul3A_1116 = vector.broadcast %select_n3A_1104 : f32 to vector<16xf32>
    %mul3A_1117 = arith.mulf %mul3A_1116, %get3A_1115 : vector<16xf32>
    %add3A_1118 = arith.addf %add3A_1057, %mul3A_1117 : vector<16xf32>
    %get3A_1119 = arith.constant 15 : i32
    %get3A_1120 = arith.index_cast %get3A_1119 : i32 to index
    %get3A_1121 = arith.constant 32 : index
    %get3A_1122 = tpu.vector_load %arg17[%get3A_1120, %get3A_1121] {strides = array<i32>} : memref<16x128xf32, #tpu.memory_space<vmem>>, vector<16xf32>,
    %mul3A_1123 = vector.broadcast %select_n3A_1104 : f32 to vector<16xf32>
    %mul3A_1124 = arith.mulf %mul3A_1123, %get3A_1122 : vector<16xf32>
    %add3A_1125 = arith.addf %add3A_1064, %mul3A_1124 : vector<16xf32>
    %get3A_1126 = arith.constant 15 : i32
    %get3A_1127 = arith.index_cast %get3A_1126 : i32 to index
    %get3A_1128 = arith.constant 48 : index
    %get3A_1129 = tpu.vector_load %arg17[%get3A_1127, %get3A_1128] {strides = array<i32>} : memref<16x128xf32, #tpu.memory_space<vmem>>, vector<16xf32>,
    %mul3A_1130 = vector.broadcast %select_n3A_1104 : f32 to vector<16xf32>
    %mul3A_1131 = arith.mulf %mul3A_1130, %get3A_1129 : vector<16xf32>
    %add3A_1132 = arith.addf %add3A_1071, %mul3A_1131 : vector<16xf32>
    %get3A_1133 = arith.constant 15 : i32
    %get3A_1134 = arith.index_cast %get3A_1133 : i32 to index
    %get3A_1135 = arith.constant 64 : index
    %get3A_1136 = tpu.vector_load %arg17[%get3A_1134, %get3A_1135] {strides = array<i32>} : memref<16x128xf32, #tpu.memory_space<vmem>>, vector<16xf32>,
    %mul3A_1137 = vector.broadcast %select_n3A_1104 : f32 to vector<16xf32>
    %mul3A_1138 = arith.mulf %mul3A_1137, %get3A_1136 : vector<16xf32>
    %add3A_1139 = arith.addf %add3A_1078, %mul3A_1138 : vector<16xf32>
    %get3A_1140 = arith.constant 15 : i32
    %get3A_1141 = arith.index_cast %get3A_1140 : i32 to index
    %get3A_1142 = arith.constant 80 : index
    %get3A_1143 = tpu.vector_load %arg17[%get3A_1141, %get3A_1142] {strides = array<i32>} : memref<16x128xf32, #tpu.memory_space<vmem>>, vector<16xf32>,
    %mul3A_1144 = vector.broadcast %select_n3A_1104 : f32 to vector<16xf32>
    %mul3A_1145 = arith.mulf %mul3A_1144, %get3A_1143 : vector<16xf32>
    %add3A_1146 = arith.addf %add3A_1085, %mul3A_1145 : vector<16xf32>
    %get3A_1147 = arith.constant 15 : i32
    %get3A_1148 = arith.index_cast %get3A_1147 : i32 to index
    %get3A_1149 = arith.constant 96 : index
    %get3A_1150 = tpu.vector_load %arg17[%get3A_1148, %get3A_1149] {strides = array<i32>} : memref<16x128xf32, #tpu.memory_space<vmem>>, vector<16xf32>,
    %mul3A_1151 = vector.broadcast %select_n3A_1104 : f32 to vector<16xf32>
    %mul3A_1152 = arith.mulf %mul3A_1151, %get3A_1150 : vector<16xf32>
    %add3A_1153 = arith.addf %add3A_1092, %mul3A_1152 : vector<16xf32>
    %get3A_1154 = arith.constant 15 : i32
    %get3A_1155 = arith.index_cast %get3A_1154 : i32 to index
    %get3A_1156 = arith.constant 112 : index
    %get3A_1157 = tpu.vector_load %arg17[%get3A_1155, %get3A_1156] {strides = array<i32>} : memref<16x128xf32, #tpu.memory_space<vmem>>, vector<16xf32>,
    %mul3A_1158 = vector.broadcast %select_n3A_1104 : f32 to vector<16xf32>
    %mul3A_1159 = arith.mulf %mul3A_1158, %get3A_1157 : vector<16xf32>
    %add3A_1160 = arith.addf %add3A_1099, %mul3A_1159 : vector<16xf32>
    %scan3A_1161 = arith.constant 0 : i32
    %scan3A_1162 = arith.constant 104 : i32
    %scan3A_1163 = arith.addi %scan3A_1161, %scan3A_1162 : i32
    %scan3A_1164 = arith.constant 1 : i32
    %scan3A_1165:8 = scf.for %scan3A_1322 = %scan3A_1161 to %scan3A_1163 step %scan3A_1164 iter_args(%scan3A_1323 = %add3A_1111, %scan3A_1324 = %add3A_1118, %scan3A_1325 = %add3A_1125, %scan3A_1326 = %add3A_1132, %scan3A_1327 = %add3A_1139, %scan3A_1328 = %add3A_1146, %scan3A_1329 = %add3A_1153, %scan3A_1330 = %add3A_1160) -> (vector<16xf32>, vector<16xf32>, vector<16xf32>, vector<16xf32>, vector<16xf32>, vector<16xf32>, vector<16xf32>, vector<16xf32>)  : i32 {
      %sub3A = arith.constant 103 : i32
      %sub3A_1331 = arith.subi %sub3A, %scan3A_1322 : i32
      %get3A_1332 = arith.index_cast %sub3A_1331 : i32 to index
      %get3A_1333 = arith.constant 0 : index
      %get3A_1334 = tpu.vector_load %arg15[%get3A_1332, %get3A_1333] {strides = array<i32>} : memref<104x128xf32, #tpu.memory_space<vmem>>, vector<16xf32>,
      %add3A_1335 = arith.addf %scan3A_1323, %get3A_1334 : vector<16xf32>
      %get3A_1336 = arith.index_cast %sub3A_1331 : i32 to index
      %get3A_1337 = arith.constant 16 : index
      %get3A_1338 = tpu.vector_load %arg15[%get3A_1336, %get3A_1337] {strides = array<i32>} : memref<104x128xf32, #tpu.memory_space<vmem>>, vector<16xf32>,
      %add3A_1339 = arith.addf %scan3A_1324, %get3A_1338 : vector<16xf32>
      %get3A_1340 = arith.index_cast %sub3A_1331 : i32 to index
      %get3A_1341 = arith.constant 32 : index
      %get3A_1342 = tpu.vector_load %arg15[%get3A_1340, %get3A_1341] {strides = array<i32>} : memref<104x128xf32, #tpu.memory_space<vmem>>, vector<16xf32>,
      %add3A_1343 = arith.addf %scan3A_1325, %get3A_1342 : vector<16xf32>
      %get3A_1344 = arith.index_cast %sub3A_1331 : i32 to index
      %get3A_1345 = arith.constant 48 : index
      %get3A_1346 = tpu.vector_load %arg15[%get3A_1344, %get3A_1345] {strides = array<i32>} : memref<104x128xf32, #tpu.memory_space<vmem>>, vector<16xf32>,
      %add3A_1347 = arith.addf %scan3A_1326, %get3A_1346 : vector<16xf32>
      %get3A_1348 = arith.index_cast %sub3A_1331 : i32 to index
      %get3A_1349 = arith.constant 64 : index
      %get3A_1350 = tpu.vector_load %arg15[%get3A_1348, %get3A_1349] {strides = array<i32>} : memref<104x128xf32, #tpu.memory_space<vmem>>, vector<16xf32>,
      %add3A_1351 = arith.addf %scan3A_1327, %get3A_1350 : vector<16xf32>
      %get3A_1352 = arith.index_cast %sub3A_1331 : i32 to index
      %get3A_1353 = arith.constant 80 : index
      %get3A_1354 = tpu.vector_load %arg15[%get3A_1352, %get3A_1353] {strides = array<i32>} : memref<104x128xf32, #tpu.memory_space<vmem>>, vector<16xf32>,
      %add3A_1355 = arith.addf %scan3A_1328, %get3A_1354 : vector<16xf32>
      %get3A_1356 = arith.index_cast %sub3A_1331 : i32 to index
      %get3A_1357 = arith.constant 96 : index
      %get3A_1358 = tpu.vector_load %arg15[%get3A_1356, %get3A_1357] {strides = array<i32>} : memref<104x128xf32, #tpu.memory_space<vmem>>, vector<16xf32>,
      %add3A_1359 = arith.addf %scan3A_1329, %get3A_1358 : vector<16xf32>
      %get3A_1360 = arith.index_cast %sub3A_1331 : i32 to index
      %get3A_1361 = arith.constant 112 : index
      %get3A_1362 = tpu.vector_load %arg15[%get3A_1360, %get3A_1361] {strides = array<i32>} : memref<104x128xf32, #tpu.memory_space<vmem>>, vector<16xf32>,
      %add3A_1363 = arith.addf %scan3A_1330, %get3A_1362 : vector<16xf32>
      %add3A_1364 = arith.addi %mul3A_0, %sub3A_1331 : i32
      %shift_right_arithmetic3A = arith.constant 7 : i32
      %shift_right_arithmetic3A_1365 = arith.shrsi %add3A_1364, %shift_right_arithmetic3A : i32
      %broadcast_in_dim3A_1366 = vector.broadcast %shift_right_arithmetic3A_1365 : i32 to vector<16xi32>
      %and3A = arith.constant 127 : i32
      %and3A_1367 = arith.andi %add3A_1364, %and3A : i32
      %broadcast_in_dim3A_1368 = vector.broadcast %and3A_1367 : i32 to vector<16xi32>
      %gather3A_1369 = tpu.vector_load_idx %arg14[%broadcast_in_dim3A_1366, %broadcast_in_dim3A_1368] : memref<13x128xf32, #tpu.memory_space<vmem>>[vector<16xi32>, vector<16xi32>], vector<16xf32>,
      %div3A = arith.divf %add3A_1335, %gather3A_1369 : vector<16xf32>
      %swap3A_1370 = arith.index_cast %sub3A_1331 : i32 to index
      %swap3A_1371 = arith.constant 0 : index
      %swap3A_1372 = tpu.vector_load %arg15[%swap3A_1370, %swap3A_1371] {strides = array<i32>} : memref<104x128xf32, #tpu.memory_space<vmem>>, vector<16xf32>,
      tpu.vector_store %arg15[%swap3A_1370, %swap3A_1371], %div3A {strides = array<i32>} : memref<104x128xf32, #tpu.memory_space<vmem>>, vector<16xf32>,
      %div3A_1373 = arith.divf %add3A_1339, %gather3A_1369 : vector<16xf32>
      %swap3A_1374 = arith.index_cast %sub3A_1331 : i32 to index
      %swap3A_1375 = arith.constant 16 : index
      %swap3A_1376 = tpu.vector_load %arg15[%swap3A_1374, %swap3A_1375] {strides = array<i32>} : memref<104x128xf32, #tpu.memory_space<vmem>>, vector<16xf32>,
      tpu.vector_store %arg15[%swap3A_1374, %swap3A_1375], %div3A_1373 {strides = array<i32>} : memref<104x128xf32, #tpu.memory_space<vmem>>, vector<16xf32>,
      %div3A_1377 = arith.divf %add3A_1343, %gather3A_1369 : vector<16xf32>
      %swap3A_1378 = arith.index_cast %sub3A_1331 : i32 to index
      %swap3A_1379 = arith.constant 32 : index
      %swap3A_1380 = tpu.vector_load %arg15[%swap3A_1378, %swap3A_1379] {strides = array<i32>} : memref<104x128xf32, #tpu.memory_space<vmem>>, vector<16xf32>,
      tpu.vector_store %arg15[%swap3A_1378, %swap3A_1379], %div3A_1377 {strides = array<i32>} : memref<104x128xf32, #tpu.memory_space<vmem>>, vector<16xf32>,
      %div3A_1381 = arith.divf %add3A_1347, %gather3A_1369 : vector<16xf32>
      %swap3A_1382 = arith.index_cast %sub3A_1331 : i32 to index
      %swap3A_1383 = arith.constant 48 : index
      %swap3A_1384 = tpu.vector_load %arg15[%swap3A_1382, %swap3A_1383] {strides = array<i32>} : memref<104x128xf32, #tpu.memory_space<vmem>>, vector<16xf32>,
      tpu.vector_store %arg15[%swap3A_1382, %swap3A_1383], %div3A_1381 {strides = array<i32>} : memref<104x128xf32, #tpu.memory_space<vmem>>, vector<16xf32>,
      %div3A_1385 = arith.divf %add3A_1351, %gather3A_1369 : vector<16xf32>
      %swap3A_1386 = arith.index_cast %sub3A_1331 : i32 to index
      %swap3A_1387 = arith.constant 64 : index
      %swap3A_1388 = tpu.vector_load %arg15[%swap3A_1386, %swap3A_1387] {strides = array<i32>} : memref<104x128xf32, #tpu.memory_space<vmem>>, vector<16xf32>,
      tpu.vector_store %arg15[%swap3A_1386, %swap3A_1387], %div3A_1385 {strides = array<i32>} : memref<104x128xf32, #tpu.memory_space<vmem>>, vector<16xf32>,
      %div3A_1389 = arith.divf %add3A_1355, %gather3A_1369 : vector<16xf32>
      %swap3A_1390 = arith.index_cast %sub3A_1331 : i32 to index
      %swap3A_1391 = arith.constant 80 : index
      %swap3A_1392 = tpu.vector_load %arg15[%swap3A_1390, %swap3A_1391] {strides = array<i32>} : memref<104x128xf32, #tpu.memory_space<vmem>>, vector<16xf32>,
      tpu.vector_store %arg15[%swap3A_1390, %swap3A_1391], %div3A_1389 {strides = array<i32>} : memref<104x128xf32, #tpu.memory_space<vmem>>, vector<16xf32>,
      %div3A_1393 = arith.divf %add3A_1359, %gather3A_1369 : vector<16xf32>
      %swap3A_1394 = arith.index_cast %sub3A_1331 : i32 to index
      %swap3A_1395 = arith.constant 96 : index
      %swap3A_1396 = tpu.vector_load %arg15[%swap3A_1394, %swap3A_1395] {strides = array<i32>} : memref<104x128xf32, #tpu.memory_space<vmem>>, vector<16xf32>,
      tpu.vector_store %arg15[%swap3A_1394, %swap3A_1395], %div3A_1393 {strides = array<i32>} : memref<104x128xf32, #tpu.memory_space<vmem>>, vector<16xf32>,
      %div3A_1397 = arith.divf %add3A_1363, %gather3A_1369 : vector<16xf32>
      %swap3A_1398 = arith.index_cast %sub3A_1331 : i32 to index
      %swap3A_1399 = arith.constant 112 : index
      %swap3A_1400 = tpu.vector_load %arg15[%swap3A_1398, %swap3A_1399] {strides = array<i32>} : memref<104x128xf32, #tpu.memory_space<vmem>>, vector<16xf32>,
      tpu.vector_store %arg15[%swap3A_1398, %swap3A_1399], %div3A_1397 {strides = array<i32>} : memref<104x128xf32, #tpu.memory_space<vmem>>, vector<16xf32>,
      scf.yield %add3A_1335, %add3A_1339, %add3A_1343, %add3A_1347, %add3A_1351, %add3A_1355, %add3A_1359, %add3A_1363 : vector<16xf32>, vector<16xf32>, vector<16xf32>, vector<16xf32>, vector<16xf32>, vector<16xf32>, vector<16xf32>, vector<16xf32>
    }
    %scan3A_1166 = arith.constant 104 : i32
    "tpu.region"() ({
      %run_scoped3A_1322 = tpu.sem_alloc : memref<!tpu.dma_semaphore, #tpu.memory_space<semaphore_mem>>
      %dma_start3A = arith.constant 0 : i32
      %dma_start3A_1323 = tpu.memref_slice %arg20[%mul3A_0, %dma_start3A] : memref<1664x128xf32, #tpu.memory_space<vmem_shared>> -> memref<104x128xf32, #tpu.memory_space<vmem_shared>>
      %dma_start3A_1324 = arith.constant 0 : i32
      %dma_start3A_1325 = tpu.memref_slice %arg20[%mul3A_0, %dma_start3A_1324] : memref<1664x128xf32, #tpu.memory_space<vmem_shared>> -> memref<104x128xf32, #tpu.memory_space<vmem_shared>>
      tpu.enqueue_dma source(%arg15 : memref<104x128xf32, #tpu.memory_space<vmem>>) target(%dma_start3A_1325 : memref<104x128xf32, #tpu.memory_space<vmem_shared>>) target_semaphore(%run_scoped3A_1322 : memref<!tpu.dma_semaphore, #tpu.memory_space<semaphore_mem>>)
      %dma_wait3A = arith.constant 0 : i32
      %dma_wait3A_1326 = tpu.memref_slice %arg20[%mul3A_0, %dma_wait3A] : memref<1664x128xf32, #tpu.memory_space<vmem_shared>> -> memref<104x128xf32, #tpu.memory_space<vmem_shared>>
      %dma_wait3A_1327 = arith.constant 0 : i32
      %dma_wait3A_1328 = tpu.memref_slice %arg20[%mul3A_0, %dma_wait3A_1327] : memref<1664x128xf32, #tpu.memory_space<vmem_shared>> -> memref<104x128xf32, #tpu.memory_space<vmem_shared>>
      tpu.wait_dma2 semaphore(%run_scoped3A_1322 : memref<!tpu.dma_semaphore, #tpu.memory_space<semaphore_mem>>) src(%arg15 : memref<104x128xf32, #tpu.memory_space<vmem>>) dst(%dma_wait3A_1328 : memref<104x128xf32, #tpu.memory_space<vmem_shared>>)
      tpu.yield
    }) : () -> ()
    %barrier3A_1167 = arith.constant 0 : index
    tpu.barrier barrier_id(%barrier3A_1167)
    %mul3A_1168 = arith.constant 2 : i32
    %mul3A_1169 = arith.muli %arg1, %mul3A_1168 : i32
    "tpu.region"() ({
      %run_scoped3A_1322 = tpu.sem_alloc : memref<!tpu.dma_semaphore, #tpu.memory_space<semaphore_mem>>
      %dma_start3A = arith.constant 0 : i32
      %dma_start3A_1323 = tpu.memref_slice %arg4[%mul3A_1169, %dma_start3A] : memref<32x128xi32, #tpu.memory_space<hbm>> -> memref<2x128xi32, #tpu.memory_space<hbm>>
      %dma_start3A_1324 = arith.constant 0 : i32
      %dma_start3A_1325 = tpu.memref_slice %arg4[%mul3A_1169, %dma_start3A_1324] : memref<32x128xi32, #tpu.memory_space<hbm>> -> memref<2x128xi32, #tpu.memory_space<hbm>>
      tpu.enqueue_dma source(%dma_start3A_1325 : memref<2x128xi32, #tpu.memory_space<hbm>>) target(%arg18 : memref<2x128xi32, #tpu.memory_space<vmem>>) target_semaphore(%run_scoped3A_1322 : memref<!tpu.dma_semaphore, #tpu.memory_space<semaphore_mem>>)
      %dma_wait3A = arith.constant 0 : i32
      %dma_wait3A_1326 = tpu.memref_slice %arg4[%mul3A_1169, %dma_wait3A] : memref<32x128xi32, #tpu.memory_space<hbm>> -> memref<2x128xi32, #tpu.memory_space<hbm>>
      %dma_wait3A_1327 = arith.constant 0 : i32
      %dma_wait3A_1328 = tpu.memref_slice %arg4[%mul3A_1169, %dma_wait3A_1327] : memref<32x128xi32, #tpu.memory_space<hbm>> -> memref<2x128xi32, #tpu.memory_space<hbm>>
      tpu.wait_dma2 semaphore(%run_scoped3A_1322 : memref<!tpu.dma_semaphore, #tpu.memory_space<semaphore_mem>>) src(%dma_wait3A_1328 : memref<2x128xi32, #tpu.memory_space<hbm>>) dst(%arg18 : memref<2x128xi32, #tpu.memory_space<vmem>>)
      tpu.yield
    }) : () -> ()
    %get3A_1170 = arith.constant 0 : i32
    %get3A_1171 = arith.index_cast %get3A_1170 : i32 to index
    %get3A_1172 = arith.constant 0 : index
    %get3A_1173 = tpu.vector_load %arg18[%get3A_1171, %get3A_1172] {strides = array<i32>} : memref<2x128xi32, #tpu.memory_space<vmem>>, vector<16xi32>,
    %gather3A_1174 = tpu.vector_load_idx %arg9[%get3A_1173] : memref<8064xi32, #tpu.memory_space<vmem>>[vector<16xi32>], vector<16xi32>,
    %swap3A_1175 = arith.constant 0 : i32
    %swap3A_1176 = arith.index_cast %swap3A_1175 : i32 to index
    %swap3A_1177 = arith.constant 0 : index
    %swap3A_1178 = tpu.vector_load %arg19[%swap3A_1176, %swap3A_1177] {strides = array<i32>} : memref<2x128xi32, #tpu.memory_space<vmem>>, vector<16xi32>,
    tpu.vector_store %arg19[%swap3A_1176, %swap3A_1177], %gather3A_1174 {strides = array<i32>} : memref<2x128xi32, #tpu.memory_space<vmem>>, vector<16xi32>,
    %get3A_1179 = arith.constant 0 : i32
    %get3A_1180 = arith.index_cast %get3A_1179 : i32 to index
    %get3A_1181 = arith.constant 16 : index
    %get3A_1182 = tpu.vector_load %arg18[%get3A_1180, %get3A_1181] {strides = array<i32>} : memref<2x128xi32, #tpu.memory_space<vmem>>, vector<16xi32>,
    %gather3A_1183 = tpu.vector_load_idx %arg9[%get3A_1182] : memref<8064xi32, #tpu.memory_space<vmem>>[vector<16xi32>], vector<16xi32>,
    %swap3A_1184 = arith.constant 0 : i32
    %swap3A_1185 = arith.index_cast %swap3A_1184 : i32 to index
    %swap3A_1186 = arith.constant 16 : index
    %swap3A_1187 = tpu.vector_load %arg19[%swap3A_1185, %swap3A_1186] {strides = array<i32>} : memref<2x128xi32, #tpu.memory_space<vmem>>, vector<16xi32>,
    tpu.vector_store %arg19[%swap3A_1185, %swap3A_1186], %gather3A_1183 {strides = array<i32>} : memref<2x128xi32, #tpu.memory_space<vmem>>, vector<16xi32>,
    %get3A_1188 = arith.constant 0 : i32
    %get3A_1189 = arith.index_cast %get3A_1188 : i32 to index
    %get3A_1190 = arith.constant 32 : index
    %get3A_1191 = tpu.vector_load %arg18[%get3A_1189, %get3A_1190] {strides = array<i32>} : memref<2x128xi32, #tpu.memory_space<vmem>>, vector<16xi32>,
    %gather3A_1192 = tpu.vector_load_idx %arg9[%get3A_1191] : memref<8064xi32, #tpu.memory_space<vmem>>[vector<16xi32>], vector<16xi32>,
    %swap3A_1193 = arith.constant 0 : i32
    %swap3A_1194 = arith.index_cast %swap3A_1193 : i32 to index
    %swap3A_1195 = arith.constant 32 : index
    %swap3A_1196 = tpu.vector_load %arg19[%swap3A_1194, %swap3A_1195] {strides = array<i32>} : memref<2x128xi32, #tpu.memory_space<vmem>>, vector<16xi32>,
    tpu.vector_store %arg19[%swap3A_1194, %swap3A_1195], %gather3A_1192 {strides = array<i32>} : memref<2x128xi32, #tpu.memory_space<vmem>>, vector<16xi32>,
    %get3A_1197 = arith.constant 0 : i32
    %get3A_1198 = arith.index_cast %get3A_1197 : i32 to index
    %get3A_1199 = arith.constant 48 : index
    %get3A_1200 = tpu.vector_load %arg18[%get3A_1198, %get3A_1199] {strides = array<i32>} : memref<2x128xi32, #tpu.memory_space<vmem>>, vector<16xi32>,
    %gather3A_1201 = tpu.vector_load_idx %arg9[%get3A_1200] : memref<8064xi32, #tpu.memory_space<vmem>>[vector<16xi32>], vector<16xi32>,
    %swap3A_1202 = arith.constant 0 : i32
    %swap3A_1203 = arith.index_cast %swap3A_1202 : i32 to index
    %swap3A_1204 = arith.constant 48 : index
    %swap3A_1205 = tpu.vector_load %arg19[%swap3A_1203, %swap3A_1204] {strides = array<i32>} : memref<2x128xi32, #tpu.memory_space<vmem>>, vector<16xi32>,
    tpu.vector_store %arg19[%swap3A_1203, %swap3A_1204], %gather3A_1201 {strides = array<i32>} : memref<2x128xi32, #tpu.memory_space<vmem>>, vector<16xi32>,
    %get3A_1206 = arith.constant 0 : i32
    %get3A_1207 = arith.index_cast %get3A_1206 : i32 to index
    %get3A_1208 = arith.constant 64 : index
    %get3A_1209 = tpu.vector_load %arg18[%get3A_1207, %get3A_1208] {strides = array<i32>} : memref<2x128xi32, #tpu.memory_space<vmem>>, vector<16xi32>,
    %gather3A_1210 = tpu.vector_load_idx %arg9[%get3A_1209] : memref<8064xi32, #tpu.memory_space<vmem>>[vector<16xi32>], vector<16xi32>,
    %swap3A_1211 = arith.constant 0 : i32
    %swap3A_1212 = arith.index_cast %swap3A_1211 : i32 to index
    %swap3A_1213 = arith.constant 64 : index
    %swap3A_1214 = tpu.vector_load %arg19[%swap3A_1212, %swap3A_1213] {strides = array<i32>} : memref<2x128xi32, #tpu.memory_space<vmem>>, vector<16xi32>,
    tpu.vector_store %arg19[%swap3A_1212, %swap3A_1213], %gather3A_1210 {strides = array<i32>} : memref<2x128xi32, #tpu.memory_space<vmem>>, vector<16xi32>,
    %get3A_1215 = arith.constant 0 : i32
    %get3A_1216 = arith.index_cast %get3A_1215 : i32 to index
    %get3A_1217 = arith.constant 80 : index
    %get3A_1218 = tpu.vector_load %arg18[%get3A_1216, %get3A_1217] {strides = array<i32>} : memref<2x128xi32, #tpu.memory_space<vmem>>, vector<16xi32>,
    %gather3A_1219 = tpu.vector_load_idx %arg9[%get3A_1218] : memref<8064xi32, #tpu.memory_space<vmem>>[vector<16xi32>], vector<16xi32>,
    %swap3A_1220 = arith.constant 0 : i32
    %swap3A_1221 = arith.index_cast %swap3A_1220 : i32 to index
    %swap3A_1222 = arith.constant 80 : index
    %swap3A_1223 = tpu.vector_load %arg19[%swap3A_1221, %swap3A_1222] {strides = array<i32>} : memref<2x128xi32, #tpu.memory_space<vmem>>, vector<16xi32>,
    tpu.vector_store %arg19[%swap3A_1221, %swap3A_1222], %gather3A_1219 {strides = array<i32>} : memref<2x128xi32, #tpu.memory_space<vmem>>, vector<16xi32>,
    %get3A_1224 = arith.constant 0 : i32
    %get3A_1225 = arith.index_cast %get3A_1224 : i32 to index
    %get3A_1226 = arith.constant 96 : index
    %get3A_1227 = tpu.vector_load %arg18[%get3A_1225, %get3A_1226] {strides = array<i32>} : memref<2x128xi32, #tpu.memory_space<vmem>>, vector<16xi32>,
    %gather3A_1228 = tpu.vector_load_idx %arg9[%get3A_1227] : memref<8064xi32, #tpu.memory_space<vmem>>[vector<16xi32>], vector<16xi32>,
    %swap3A_1229 = arith.constant 0 : i32
    %swap3A_1230 = arith.index_cast %swap3A_1229 : i32 to index
    %swap3A_1231 = arith.constant 96 : index
    %swap3A_1232 = tpu.vector_load %arg19[%swap3A_1230, %swap3A_1231] {strides = array<i32>} : memref<2x128xi32, #tpu.memory_space<vmem>>, vector<16xi32>,
    tpu.vector_store %arg19[%swap3A_1230, %swap3A_1231], %gather3A_1228 {strides = array<i32>} : memref<2x128xi32, #tpu.memory_space<vmem>>, vector<16xi32>,
    %get3A_1233 = arith.constant 0 : i32
    %get3A_1234 = arith.index_cast %get3A_1233 : i32 to index
    %get3A_1235 = arith.constant 112 : index
    %get3A_1236 = tpu.vector_load %arg18[%get3A_1234, %get3A_1235] {strides = array<i32>} : memref<2x128xi32, #tpu.memory_space<vmem>>, vector<16xi32>,
    %gather3A_1237 = tpu.vector_load_idx %arg9[%get3A_1236] : memref<8064xi32, #tpu.memory_space<vmem>>[vector<16xi32>], vector<16xi32>,
    %swap3A_1238 = arith.constant 0 : i32
    %swap3A_1239 = arith.index_cast %swap3A_1238 : i32 to index
    %swap3A_1240 = arith.constant 112 : index
    %swap3A_1241 = tpu.vector_load %arg19[%swap3A_1239, %swap3A_1240] {strides = array<i32>} : memref<2x128xi32, #tpu.memory_space<vmem>>, vector<16xi32>,
    tpu.vector_store %arg19[%swap3A_1239, %swap3A_1240], %gather3A_1237 {strides = array<i32>} : memref<2x128xi32, #tpu.memory_space<vmem>>, vector<16xi32>,
    %get3A_1242 = arith.constant 1 : i32
    %get3A_1243 = arith.index_cast %get3A_1242 : i32 to index
    %get3A_1244 = arith.constant 0 : index
    %get3A_1245 = tpu.vector_load %arg18[%get3A_1243, %get3A_1244] {strides = array<i32>} : memref<2x128xi32, #tpu.memory_space<vmem>>, vector<16xi32>,
    %gather3A_1246 = tpu.vector_load_idx %arg9[%get3A_1245] : memref<8064xi32, #tpu.memory_space<vmem>>[vector<16xi32>], vector<16xi32>,
    %swap3A_1247 = arith.constant 1 : i32
    %swap3A_1248 = arith.index_cast %swap3A_1247 : i32 to index
    %swap3A_1249 = arith.constant 0 : index
    %swap3A_1250 = tpu.vector_load %arg19[%swap3A_1248, %swap3A_1249] {strides = array<i32>} : memref<2x128xi32, #tpu.memory_space<vmem>>, vector<16xi32>,
    tpu.vector_store %arg19[%swap3A_1248, %swap3A_1249], %gather3A_1246 {strides = array<i32>} : memref<2x128xi32, #tpu.memory_space<vmem>>, vector<16xi32>,
    %get3A_1251 = arith.constant 1 : i32
    %get3A_1252 = arith.index_cast %get3A_1251 : i32 to index
    %get3A_1253 = arith.constant 16 : index
    %get3A_1254 = tpu.vector_load %arg18[%get3A_1252, %get3A_1253] {strides = array<i32>} : memref<2x128xi32, #tpu.memory_space<vmem>>, vector<16xi32>,
    %gather3A_1255 = tpu.vector_load_idx %arg9[%get3A_1254] : memref<8064xi32, #tpu.memory_space<vmem>>[vector<16xi32>], vector<16xi32>,
    %swap3A_1256 = arith.constant 1 : i32
    %swap3A_1257 = arith.index_cast %swap3A_1256 : i32 to index
    %swap3A_1258 = arith.constant 16 : index
    %swap3A_1259 = tpu.vector_load %arg19[%swap3A_1257, %swap3A_1258] {strides = array<i32>} : memref<2x128xi32, #tpu.memory_space<vmem>>, vector<16xi32>,
    tpu.vector_store %arg19[%swap3A_1257, %swap3A_1258], %gather3A_1255 {strides = array<i32>} : memref<2x128xi32, #tpu.memory_space<vmem>>, vector<16xi32>,
    %get3A_1260 = arith.constant 1 : i32
    %get3A_1261 = arith.index_cast %get3A_1260 : i32 to index
    %get3A_1262 = arith.constant 32 : index
    %get3A_1263 = tpu.vector_load %arg18[%get3A_1261, %get3A_1262] {strides = array<i32>} : memref<2x128xi32, #tpu.memory_space<vmem>>, vector<16xi32>,
    %gather3A_1264 = tpu.vector_load_idx %arg9[%get3A_1263] : memref<8064xi32, #tpu.memory_space<vmem>>[vector<16xi32>], vector<16xi32>,
    %swap3A_1265 = arith.constant 1 : i32
    %swap3A_1266 = arith.index_cast %swap3A_1265 : i32 to index
    %swap3A_1267 = arith.constant 32 : index
    %swap3A_1268 = tpu.vector_load %arg19[%swap3A_1266, %swap3A_1267] {strides = array<i32>} : memref<2x128xi32, #tpu.memory_space<vmem>>, vector<16xi32>,
    tpu.vector_store %arg19[%swap3A_1266, %swap3A_1267], %gather3A_1264 {strides = array<i32>} : memref<2x128xi32, #tpu.memory_space<vmem>>, vector<16xi32>,
    %get3A_1269 = arith.constant 1 : i32
    %get3A_1270 = arith.index_cast %get3A_1269 : i32 to index
    %get3A_1271 = arith.constant 48 : index
    %get3A_1272 = tpu.vector_load %arg18[%get3A_1270, %get3A_1271] {strides = array<i32>} : memref<2x128xi32, #tpu.memory_space<vmem>>, vector<16xi32>,
    %gather3A_1273 = tpu.vector_load_idx %arg9[%get3A_1272] : memref<8064xi32, #tpu.memory_space<vmem>>[vector<16xi32>], vector<16xi32>,
    %swap3A_1274 = arith.constant 1 : i32
    %swap3A_1275 = arith.index_cast %swap3A_1274 : i32 to index
    %swap3A_1276 = arith.constant 48 : index
    %swap3A_1277 = tpu.vector_load %arg19[%swap3A_1275, %swap3A_1276] {strides = array<i32>} : memref<2x128xi32, #tpu.memory_space<vmem>>, vector<16xi32>,
    tpu.vector_store %arg19[%swap3A_1275, %swap3A_1276], %gather3A_1273 {strides = array<i32>} : memref<2x128xi32, #tpu.memory_space<vmem>>, vector<16xi32>,
    %get3A_1278 = arith.constant 1 : i32
    %get3A_1279 = arith.index_cast %get3A_1278 : i32 to index
    %get3A_1280 = arith.constant 64 : index
    %get3A_1281 = tpu.vector_load %arg18[%get3A_1279, %get3A_1280] {strides = array<i32>} : memref<2x128xi32, #tpu.memory_space<vmem>>, vector<16xi32>,
    %gather3A_1282 = tpu.vector_load_idx %arg9[%get3A_1281] : memref<8064xi32, #tpu.memory_space<vmem>>[vector<16xi32>], vector<16xi32>,
    %swap3A_1283 = arith.constant 1 : i32
    %swap3A_1284 = arith.index_cast %swap3A_1283 : i32 to index
    %swap3A_1285 = arith.constant 64 : index
    %swap3A_1286 = tpu.vector_load %arg19[%swap3A_1284, %swap3A_1285] {strides = array<i32>} : memref<2x128xi32, #tpu.memory_space<vmem>>, vector<16xi32>,
    tpu.vector_store %arg19[%swap3A_1284, %swap3A_1285], %gather3A_1282 {strides = array<i32>} : memref<2x128xi32, #tpu.memory_space<vmem>>, vector<16xi32>,
    %get3A_1287 = arith.constant 1 : i32
    %get3A_1288 = arith.index_cast %get3A_1287 : i32 to index
    %get3A_1289 = arith.constant 80 : index
    %get3A_1290 = tpu.vector_load %arg18[%get3A_1288, %get3A_1289] {strides = array<i32>} : memref<2x128xi32, #tpu.memory_space<vmem>>, vector<16xi32>,
    %gather3A_1291 = tpu.vector_load_idx %arg9[%get3A_1290] : memref<8064xi32, #tpu.memory_space<vmem>>[vector<16xi32>], vector<16xi32>,
    %swap3A_1292 = arith.constant 1 : i32
    %swap3A_1293 = arith.index_cast %swap3A_1292 : i32 to index
    %swap3A_1294 = arith.constant 80 : index
    %swap3A_1295 = tpu.vector_load %arg19[%swap3A_1293, %swap3A_1294] {strides = array<i32>} : memref<2x128xi32, #tpu.memory_space<vmem>>, vector<16xi32>,
    tpu.vector_store %arg19[%swap3A_1293, %swap3A_1294], %gather3A_1291 {strides = array<i32>} : memref<2x128xi32, #tpu.memory_space<vmem>>, vector<16xi32>,
    %get3A_1296 = arith.constant 1 : i32
    %get3A_1297 = arith.index_cast %get3A_1296 : i32 to index
    %get3A_1298 = arith.constant 96 : index
    %get3A_1299 = tpu.vector_load %arg18[%get3A_1297, %get3A_1298] {strides = array<i32>} : memref<2x128xi32, #tpu.memory_space<vmem>>, vector<16xi32>,
    %gather3A_1300 = tpu.vector_load_idx %arg9[%get3A_1299] : memref<8064xi32, #tpu.memory_space<vmem>>[vector<16xi32>], vector<16xi32>,
    %swap3A_1301 = arith.constant 1 : i32
    %swap3A_1302 = arith.index_cast %swap3A_1301 : i32 to index
    %swap3A_1303 = arith.constant 96 : index
    %swap3A_1304 = tpu.vector_load %arg19[%swap3A_1302, %swap3A_1303] {strides = array<i32>} : memref<2x128xi32, #tpu.memory_space<vmem>>, vector<16xi32>,
    tpu.vector_store %arg19[%swap3A_1302, %swap3A_1303], %gather3A_1300 {strides = array<i32>} : memref<2x128xi32, #tpu.memory_space<vmem>>, vector<16xi32>,
    %get3A_1305 = arith.constant 1 : i32
    %get3A_1306 = arith.index_cast %get3A_1305 : i32 to index
    %get3A_1307 = arith.constant 112 : index
    %get3A_1308 = tpu.vector_load %arg18[%get3A_1306, %get3A_1307] {strides = array<i32>} : memref<2x128xi32, #tpu.memory_space<vmem>>, vector<16xi32>,
    %gather3A_1309 = tpu.vector_load_idx %arg9[%get3A_1308] : memref<8064xi32, #tpu.memory_space<vmem>>[vector<16xi32>], vector<16xi32>,
    %swap3A_1310 = arith.constant 1 : i32
    %swap3A_1311 = arith.index_cast %swap3A_1310 : i32 to index
    %swap3A_1312 = arith.constant 112 : index
    %swap3A_1313 = tpu.vector_load %arg19[%swap3A_1311, %swap3A_1312] {strides = array<i32>} : memref<2x128xi32, #tpu.memory_space<vmem>>, vector<16xi32>,
    tpu.vector_store %arg19[%swap3A_1311, %swap3A_1312], %gather3A_1309 {strides = array<i32>} : memref<2x128xi32, #tpu.memory_space<vmem>>, vector<16xi32>,
    %run_scoped3A_1314 = arith.constant 0 : i32
    "tpu.region"() ({
      %run_scoped3A_1322 = tpu.sem_alloc : memref<!tpu.dma_semaphore, #tpu.memory_space<semaphore_mem>>
      %dma_start3A = arith.constant 0 : i32
      %dma_start3A_1323 = tpu.memref_slice %arg19[%run_scoped3A_1314, %dma_start3A] : memref<2x128xi32, #tpu.memory_space<vmem>> -> memref<1x128xi32, #tpu.memory_space<vmem>>
      %dma_start3A_1324 = tpu.memref_squeeze %dma_start3A_1323 : memref<1x128xi32, #tpu.memory_space<vmem>> -> memref<128xi32, #tpu.memory_space<vmem>>
      %dma_start3A_1325 = arith.constant 0 : i32
      %dma_start3A_1326 = arith.constant 0 : i32
      %dma_start3A_1327 = tpu.memref_slice %arg20[%dma_start3A_1325, %dma_start3A_1326] : memref<1664x128xf32, #tpu.memory_space<vmem_shared>> -> memref<1664x128xf32, #tpu.memory_space<vmem_shared>>
      tpu.enqueue_indirect_dma source(%dma_start3A_1327 : memref<1664x128xf32, #tpu.memory_space<vmem_shared>>) target(%arg12 : memref<128x128xf32, #tpu.memory_space<vmem>>) offsets(%dma_start3A_1324 : memref<128xi32, #tpu.memory_space<vmem>>) semaphore(%run_scoped3A_1322 : memref<!tpu.dma_semaphore, #tpu.memory_space<semaphore_mem>>)
      %dma_wait3A = arith.constant 0 : i32
      %dma_wait3A_1328 = tpu.memref_slice %arg19[%run_scoped3A_1314, %dma_wait3A] : memref<2x128xi32, #tpu.memory_space<vmem>> -> memref<1x128xi32, #tpu.memory_space<vmem>>
      %dma_wait3A_1329 = tpu.memref_squeeze %dma_wait3A_1328 : memref<1x128xi32, #tpu.memory_space<vmem>> -> memref<128xi32, #tpu.memory_space<vmem>>
      %dma_wait3A_1330 = arith.constant 0 : i32
      %dma_wait3A_1331 = arith.constant 0 : i32
      %dma_wait3A_1332 = tpu.memref_slice %arg20[%dma_wait3A_1330, %dma_wait3A_1331] : memref<1664x128xf32, #tpu.memory_space<vmem_shared>> -> memref<1664x128xf32, #tpu.memory_space<vmem_shared>>
      tpu.wait_indirect_dma semaphore(%run_scoped3A_1322 : memref<!tpu.dma_semaphore, #tpu.memory_space<semaphore_mem>>) src(%dma_wait3A_1332 : memref<1664x128xf32, #tpu.memory_space<vmem_shared>>) dst(%arg12 : memref<128x128xf32, #tpu.memory_space<vmem>>)
      tpu.yield
    }) : () -> ()
    %mul3A_1315 = arith.constant 256 : i32
    %mul3A_1316 = arith.muli %arg1, %mul3A_1315 : i32
    "tpu.region"() ({
      %run_scoped3A_1322 = tpu.sem_alloc : memref<!tpu.dma_semaphore, #tpu.memory_space<semaphore_mem>>
      %dma_start3A = arith.constant 0 : i32
      %dma_start3A_1323 = tpu.memref_slice %arg8[%mul3A_1316, %dma_start3A] : memref<4096x128xf32, #tpu.memory_space<hbm>> -> memref<128x128xf32, #tpu.memory_space<hbm>>
      %dma_start3A_1324 = arith.constant 0 : i32
      %dma_start3A_1325 = tpu.memref_slice %arg8[%mul3A_1316, %dma_start3A_1324] : memref<4096x128xf32, #tpu.memory_space<hbm>> -> memref<128x128xf32, #tpu.memory_space<hbm>>
      tpu.enqueue_dma source(%arg12 : memref<128x128xf32, #tpu.memory_space<vmem>>) target(%dma_start3A_1325 : memref<128x128xf32, #tpu.memory_space<hbm>>) target_semaphore(%run_scoped3A_1322 : memref<!tpu.dma_semaphore, #tpu.memory_space<semaphore_mem>>)
      %dma_wait3A = arith.constant 0 : i32
      %dma_wait3A_1326 = tpu.memref_slice %arg8[%mul3A_1316, %dma_wait3A] : memref<4096x128xf32, #tpu.memory_space<hbm>> -> memref<128x128xf32, #tpu.memory_space<hbm>>
      %dma_wait3A_1327 = arith.constant 0 : i32
      %dma_wait3A_1328 = tpu.memref_slice %arg8[%mul3A_1316, %dma_wait3A_1327] : memref<4096x128xf32, #tpu.memory_space<hbm>> -> memref<128x128xf32, #tpu.memory_space<hbm>>
      tpu.wait_dma2 semaphore(%run_scoped3A_1322 : memref<!tpu.dma_semaphore, #tpu.memory_space<semaphore_mem>>) src(%arg12 : memref<128x128xf32, #tpu.memory_space<vmem>>) dst(%dma_wait3A_1328 : memref<128x128xf32, #tpu.memory_space<hbm>>)
      tpu.yield
    }) : () -> ()
    %run_scoped3A_1317 = arith.constant 1 : i32
    "tpu.region"() ({
      %run_scoped3A_1322 = tpu.sem_alloc : memref<!tpu.dma_semaphore, #tpu.memory_space<semaphore_mem>>
      %dma_start3A = arith.constant 0 : i32
      %dma_start3A_1323 = tpu.memref_slice %arg19[%run_scoped3A_1317, %dma_start3A] : memref<2x128xi32, #tpu.memory_space<vmem>> -> memref<1x128xi32, #tpu.memory_space<vmem>>
      %dma_start3A_1324 = tpu.memref_squeeze %dma_start3A_1323 : memref<1x128xi32, #tpu.memory_space<vmem>> -> memref<128xi32, #tpu.memory_space<vmem>>
      %dma_start3A_1325 = arith.constant 0 : i32
      %dma_start3A_1326 = arith.constant 0 : i32
      %dma_start3A_1327 = tpu.memref_slice %arg20[%dma_start3A_1325, %dma_start3A_1326] : memref<1664x128xf32, #tpu.memory_space<vmem_shared>> -> memref<1664x128xf32, #tpu.memory_space<vmem_shared>>
      tpu.enqueue_indirect_dma source(%dma_start3A_1327 : memref<1664x128xf32, #tpu.memory_space<vmem_shared>>) target(%arg13 : memref<128x128xf32, #tpu.memory_space<vmem>>) offsets(%dma_start3A_1324 : memref<128xi32, #tpu.memory_space<vmem>>) semaphore(%run_scoped3A_1322 : memref<!tpu.dma_semaphore, #tpu.memory_space<semaphore_mem>>)
      %dma_wait3A = arith.constant 0 : i32
      %dma_wait3A_1328 = tpu.memref_slice %arg19[%run_scoped3A_1317, %dma_wait3A] : memref<2x128xi32, #tpu.memory_space<vmem>> -> memref<1x128xi32, #tpu.memory_space<vmem>>
      %dma_wait3A_1329 = tpu.memref_squeeze %dma_wait3A_1328 : memref<1x128xi32, #tpu.memory_space<vmem>> -> memref<128xi32, #tpu.memory_space<vmem>>
      %dma_wait3A_1330 = arith.constant 0 : i32
      %dma_wait3A_1331 = arith.constant 0 : i32
      %dma_wait3A_1332 = tpu.memref_slice %arg20[%dma_wait3A_1330, %dma_wait3A_1331] : memref<1664x128xf32, #tpu.memory_space<vmem_shared>> -> memref<1664x128xf32, #tpu.memory_space<vmem_shared>>
      tpu.wait_indirect_dma semaphore(%run_scoped3A_1322 : memref<!tpu.dma_semaphore, #tpu.memory_space<semaphore_mem>>) src(%dma_wait3A_1332 : memref<1664x128xf32, #tpu.memory_space<vmem_shared>>) dst(%arg13 : memref<128x128xf32, #tpu.memory_space<vmem>>)
      tpu.yield
    }) : () -> ()
    %mul3A_1318 = arith.constant 256 : i32
    %mul3A_1319 = arith.muli %arg1, %mul3A_1318 : i32
    %add3A_1320 = arith.constant 128 : i32
    %add3A_1321 = arith.addi %mul3A_1319, %add3A_1320 : i32
    "tpu.region"() ({
      %run_scoped3A_1322 = tpu.sem_alloc : memref<!tpu.dma_semaphore, #tpu.memory_space<semaphore_mem>>
      %dma_start3A = arith.constant 0 : i32
      %dma_start3A_1323 = tpu.memref_slice %arg8[%add3A_1321, %dma_start3A] : memref<4096x128xf32, #tpu.memory_space<hbm>> -> memref<128x128xf32, #tpu.memory_space<hbm>>
      %dma_start3A_1324 = arith.constant 0 : i32
      %dma_start3A_1325 = tpu.memref_slice %arg8[%add3A_1321, %dma_start3A_1324] : memref<4096x128xf32, #tpu.memory_space<hbm>> -> memref<128x128xf32, #tpu.memory_space<hbm>>
      tpu.enqueue_dma source(%arg13 : memref<128x128xf32, #tpu.memory_space<vmem>>) target(%dma_start3A_1325 : memref<128x128xf32, #tpu.memory_space<hbm>>) target_semaphore(%run_scoped3A_1322 : memref<!tpu.dma_semaphore, #tpu.memory_space<semaphore_mem>>)
      %dma_wait3A = arith.constant 0 : i32
      %dma_wait3A_1326 = tpu.memref_slice %arg8[%add3A_1321, %dma_wait3A] : memref<4096x128xf32, #tpu.memory_space<hbm>> -> memref<128x128xf32, #tpu.memory_space<hbm>>
      %dma_wait3A_1327 = arith.constant 0 : i32
      %dma_wait3A_1328 = tpu.memref_slice %arg8[%add3A_1321, %dma_wait3A_1327] : memref<4096x128xf32, #tpu.memory_space<hbm>> -> memref<128x128xf32, #tpu.memory_space<hbm>>
      tpu.wait_dma2 semaphore(%run_scoped3A_1322 : memref<!tpu.dma_semaphore, #tpu.memory_space<semaphore_mem>>) src(%arg13 : memref<128x128xf32, #tpu.memory_space<vmem>>) dst(%dma_wait3A_1328 : memref<128x128xf32, #tpu.memory_space<hbm>>)
      tpu.yield
    }) : () -> ()
    return
  }
}

module attributes {stable_mosaic.version = 14 : i64} {
  func.func @_update(%arg0: i32, %arg1: memref<512x128xf32, #tpu.memory_space<vmem>>, %arg2: memref<512x128xf32, #tpu.memory_space<vmem>>, %arg3: memref<512x128xf32, #tpu.memory_space<vmem>>, %arg4: memref<512x128xf32, #tpu.memory_space<vmem>>, %arg5: memref<512x128xf32, #tpu.memory_space<vmem>>, %arg6: memref<512x1xf32, #tpu.memory_space<vmem>>, %arg7: memref<512x1xf32, #tpu.memory_space<vmem>>, %arg8: memref<2x128xf32, #tpu.memory_space<vmem>>, %arg9: memref<512x128xf32, #tpu.memory_space<vmem>>, %arg10: memref<512x128xf32, #tpu.memory_space<vmem>>) attributes {dimension_semantics = [#tpu.dimension_semantics<arbitrary>], iteration_bounds = array<i64: 8>, scalar_prefetch = 0 : i64, scratch_operands = 0 : i64, tpu.core_type = #tpu.core_type<tc>, window_params = [{transform_indices = @transform_0, window_bounds = array<i64: 512, 128>}, {transform_indices = @transform_1, window_bounds = array<i64: 512, 128>}, {transform_indices = @transform_2, window_bounds = array<i64: 512, 128>}, {transform_indices = @transform_3, window_bounds = array<i64: 512, 128>}, {transform_indices = @transform_4, window_bounds = array<i64: 512, 128>}, {transform_indices = @transform_5, window_bounds = array<i64: 512, 1>}, {transform_indices = @transform_6, window_bounds = array<i64: 512, 1>}, {pipeline_mode = #tpu.pipeline_mode<synchronous>, transform_indices = @transform_7, window_bounds = array<i64: 2, 128>}, {transform_indices = @transform_8, window_bounds = array<i64: 512, 128>}, {transform_indices = @transform_9, window_bounds = array<i64: 512, 128>}]} {
    %get3A = arith.constant 0 : index
    %get3A_0 = arith.constant 0 : index
    %get3A_1 = vector.load %arg8[%get3A, %get3A_0] : memref<2x128xf32, #tpu.memory_space<vmem>>, vector<1x128xf32>
    %get3A_2 = arith.constant 1 : index
    %get3A_3 = arith.constant 0 : index
    %get3A_4 = vector.load %arg8[%get3A_2, %get3A_3] : memref<2x128xf32, #tpu.memory_space<vmem>>, vector<1x1xf32>
    %get3A_5 = arith.constant 1 : index
    %get3A_6 = arith.constant 1 : index
    %get3A_7 = vector.load %arg8[%get3A_5, %get3A_6] : memref<2x128xf32, #tpu.memory_space<vmem>>, vector<1x1xf32>
    %get3A_8 = arith.constant 1 : index
    %get3A_9 = arith.constant 2 : index
    %get3A_10 = vector.load %arg8[%get3A_8, %get3A_9] : memref<2x128xf32, #tpu.memory_space<vmem>>, vector<1x1xf32>
    %get3A_11 = arith.constant 1 : index
    %get3A_12 = arith.constant 3 : index
    %get3A_13 = vector.load %arg8[%get3A_11, %get3A_12] : memref<2x128xf32, #tpu.memory_space<vmem>>, vector<1x1xf32>
    %get3A_14 = arith.constant 0 : index
    %get3A_15 = arith.constant 0 : index
    %get3A_16 = vector.load %arg6[%get3A_14, %get3A_15] : memref<512x1xf32, #tpu.memory_space<vmem>>, vector<512x1xf32>
    %sub3A = vector.broadcast %get3A_4 : vector<1x1xf32> to vector<512x1xf32>
    %sub3A_17 = arith.subf %get3A_16, %sub3A : vector<512x1xf32>
    %integer_pow3A = arith.mulf %sub3A_17, %sub3A_17 : vector<512x1xf32>
    %get3A_18 = arith.constant 0 : index
    %get3A_19 = arith.constant 0 : index
    %get3A_20 = vector.load %arg7[%get3A_18, %get3A_19] : memref<512x1xf32, #tpu.memory_space<vmem>>, vector<512x1xf32>
    %sub3A_21 = vector.broadcast %get3A_7 : vector<1x1xf32> to vector<512x1xf32>
    %sub3A_22 = arith.subf %get3A_20, %sub3A_21 : vector<512x1xf32>
    %integer_pow3A_23 = arith.mulf %sub3A_22, %sub3A_22 : vector<512x1xf32>
    %add3A = arith.addf %integer_pow3A, %integer_pow3A_23 : vector<512x1xf32>
    %div3A = vector.broadcast %get3A_13 : vector<1x1xf32> to vector<512x1xf32>
    %div3A_24 = arith.divf %add3A, %div3A : vector<512x1xf32>
    %neg3A = arith.constant 0.000000e+00 : f32
    %neg3A_25 = vector.broadcast %neg3A : f32 to vector<512x1xf32>
    %neg3A_26 = arith.subf %neg3A_25, %div3A_24 : vector<512x1xf32>
    %exp3A = math.exp %neg3A_26 : vector<512x1xf32>
    %sub3A_27 = arith.constant 1.000000e+00 : f32
    %sub3A_28 = vector.broadcast %sub3A_27 : f32 to vector<512x1xf32>
    %sub3A_29 = arith.subf %sub3A_28, %exp3A : vector<512x1xf32>
    %le3A = vector.broadcast %get3A_10 : vector<1x1xf32> to vector<512x1xf32>
    %le3A_30 = arith.cmpf ole, %sub3A_29, %le3A : vector<512x1xf32>
    %get3A_31 = arith.constant 0 : index
    %get3A_32 = arith.constant 0 : index
    %get3A_33 = vector.load %arg1[%get3A_31, %get3A_32] : memref<512x128xf32, #tpu.memory_space<vmem>>, vector<512x128xf32>
    %get3A_34 = arith.constant 0 : index
    %get3A_35 = arith.constant 0 : index
    %get3A_36 = vector.load %arg2[%get3A_34, %get3A_35] : memref<512x128xf32, #tpu.memory_space<vmem>>, vector<512x128xf32>
    %mul3A = arith.constant 1.000000e-03 : f32
    %mul3A_37 = vector.broadcast %mul3A : f32 to vector<512x128xf32>
    %mul3A_38 = arith.mulf %mul3A_37, %get3A_36 : vector<512x128xf32>
    %get3A_39 = arith.constant 0 : index
    %get3A_40 = arith.constant 0 : index
    %get3A_41 = vector.load %arg3[%get3A_39, %get3A_40] : memref<512x128xf32, #tpu.memory_space<vmem>>, vector<512x128xf32>
    %mul3A_42 = arith.constant 0.00999999977 : f32
    %mul3A_43 = vector.broadcast %mul3A_42 : f32 to vector<512x128xf32>
    %mul3A_44 = arith.mulf %mul3A_43, %get3A_41 : vector<512x128xf32>
    %get3A_45 = arith.constant 0 : index
    %get3A_46 = arith.constant 0 : index
    %get3A_47 = vector.load %arg5[%get3A_45, %get3A_46] : memref<512x128xf32, #tpu.memory_space<vmem>>, vector<512x128xf32>
    %sub3A_48 = arith.subf %get3A_47, %get3A_33 : vector<512x128xf32>
    %mul3A_49 = arith.mulf %mul3A_44, %sub3A_48 : vector<512x128xf32>
    %add3A_50 = arith.addf %mul3A_38, %mul3A_49 : vector<512x128xf32>
    %get3A_51 = arith.constant 0 : index
    %get3A_52 = arith.constant 0 : index
    %get3A_53 = vector.load %arg4[%get3A_51, %get3A_52] : memref<512x128xf32, #tpu.memory_space<vmem>>, vector<512x128xf32>
    %mul3A_54 = arith.constant 1.000000e-01 : f32
    %mul3A_55 = vector.broadcast %mul3A_54 : f32 to vector<512x128xf32>
    %mul3A_56 = arith.mulf %mul3A_55, %get3A_53 : vector<512x128xf32>
    %sub3A_57 = vector.broadcast %get3A_1 : vector<1x128xf32> to vector<512x128xf32>
    %sub3A_58 = arith.subf %sub3A_57, %get3A_33 : vector<512x128xf32>
    %mul3A_59 = arith.mulf %mul3A_56, %sub3A_58 : vector<512x128xf32>
    %add3A_60 = arith.addf %add3A_50, %mul3A_59 : vector<512x128xf32>
    %broadcast_in_dim3A = vector.shape_cast %le3A_30 : vector<512x1xi1> to vector<512x1xi1>
    %broadcast_in_dim3A_61 = vector.broadcast %broadcast_in_dim3A : vector<512x1xi1> to vector<512x128xi1>
    %select_n3A = arith.select %broadcast_in_dim3A_61, %add3A_60, %get3A_36 : vector<512x128xi1>, vector<512x128xf32>
    %swap3A = arith.constant 0 : index
    %swap3A_62 = arith.constant 0 : index
    %swap3A_63 = vector.load %arg10[%swap3A, %swap3A_62] : memref<512x128xf32, #tpu.memory_space<vmem>>, vector<512x128xf32>
    tpu.vector_store %arg10[%swap3A, %swap3A_62], %select_n3A {strides = array<i32>} : memref<512x128xf32, #tpu.memory_space<vmem>>, vector<512x128xf32>,
    %add3A_64 = arith.addf %get3A_33, %add3A_60 : vector<512x128xf32>
    %broadcast_in_dim3A_65 = vector.shape_cast %le3A_30 : vector<512x1xi1> to vector<512x1xi1>
    %broadcast_in_dim3A_66 = vector.broadcast %broadcast_in_dim3A_65 : vector<512x1xi1> to vector<512x128xi1>
    %select_n3A_67 = arith.select %broadcast_in_dim3A_66, %add3A_64, %get3A_33 : vector<512x128xi1>, vector<512x128xf32>
    %swap3A_68 = arith.constant 0 : index
    %swap3A_69 = arith.constant 0 : index
    %swap3A_70 = vector.load %arg9[%swap3A_68, %swap3A_69] : memref<512x128xf32, #tpu.memory_space<vmem>>, vector<512x128xf32>
    tpu.vector_store %arg9[%swap3A_68, %swap3A_69], %select_n3A_67 {strides = array<i32>} : memref<512x128xf32, #tpu.memory_space<vmem>>, vector<512x128xf32>,
    return
  }
  func.func @transform_0(%arg0: i32) -> (i32, i32) {
    %c0_i32 = arith.constant 0 : i32
    %c0_i32_0 = arith.constant 0 : i32
    return %arg0, %c0_i32 : i32, i32
  }
  func.func @transform_1(%arg0: i32) -> (i32, i32) {
    %c0_i32 = arith.constant 0 : i32
    %c0_i32_0 = arith.constant 0 : i32
    return %arg0, %c0_i32 : i32, i32
  }
  func.func @transform_2(%arg0: i32) -> (i32, i32) {
    %c0_i32 = arith.constant 0 : i32
    %c0_i32_0 = arith.constant 0 : i32
    return %arg0, %c0_i32 : i32, i32
  }
  func.func @transform_3(%arg0: i32) -> (i32, i32) {
    %c0_i32 = arith.constant 0 : i32
    %c0_i32_0 = arith.constant 0 : i32
    return %arg0, %c0_i32 : i32, i32
  }
  func.func @transform_4(%arg0: i32) -> (i32, i32) {
    %c0_i32 = arith.constant 0 : i32
    %c0_i32_0 = arith.constant 0 : i32
    return %arg0, %c0_i32 : i32, i32
  }
  func.func @transform_5(%arg0: i32) -> (i32, i32) {
    %c0_i32 = arith.constant 0 : i32
    %c0_i32_0 = arith.constant 0 : i32
    return %arg0, %c0_i32 : i32, i32
  }
  func.func @transform_6(%arg0: i32) -> (i32, i32) {
    %c0_i32 = arith.constant 0 : i32
    %c0_i32_0 = arith.constant 0 : i32
    return %arg0, %c0_i32 : i32, i32
  }
  func.func @transform_7(%arg0: i32) -> (i32, i32) {
    %c0_i32 = arith.constant 0 : i32
    %c0_i32_0 = arith.constant 0 : i32
    %c0_i32_1 = arith.constant 0 : i32
    return %c0_i32, %c0_i32_0 : i32, i32
  }
  func.func @transform_8(%arg0: i32) -> (i32, i32) {
    %c0_i32 = arith.constant 0 : i32
    %c0_i32_0 = arith.constant 0 : i32
    return %arg0, %c0_i32 : i32, i32
  }
  func.func @transform_9(%arg0: i32) -> (i32, i32) {
    %c0_i32 = arith.constant 0 : i32
    %c0_i32_0 = arith.constant 0 : i32
    return %arg0, %c0_i32 : i32, i32
  }
}

module attributes {stable_mosaic.version = 14 : i64} {
  func.func @_prep(%arg0: memref<1x1xf32, #tpu.memory_space<vmem>>, %arg1: memref<1x128xf32, #tpu.memory_space<vmem>>, %arg2: memref<4096x128xf32, #tpu.memory_space<vmem>>, %arg3: memref<4096x2xf32, #tpu.memory_space<vmem>>, %arg4: memref<32x128xf32, #tpu.memory_space<vmem>>, %arg5: memref<32x128xf32, #tpu.memory_space<vmem>>, %arg6: memref<13x128xi32, #tpu.memory_space<vmem>>, %arg7: memref<32x128xi32, #tpu.memory_space<vmem>>, %arg8: memref<32x128xi32, #tpu.memory_space<vmem>>, %arg9: memref<2x128xf32, #tpu.memory_space<vmem>>, %arg10: memref<13x128xf32, #tpu.memory_space<vmem>>) attributes {dimension_semantics = [], scalar_prefetch = 0 : i64, scratch_operands = 0 : i64, tpu.core_type = #tpu.core_type<tc>} {
    %get3A = arith.constant 0 : index
    %get3A_0 = arith.constant 0 : index
    %get3A_1 = vector.load %arg0[%get3A, %get3A_0] : memref<1x1xf32, #tpu.memory_space<vmem>>, vector<1x1xf32>
    %div3A = arith.constant 1.000000e+02 : f32
    %div3A_2 = vector.broadcast %div3A : f32 to vector<1x1xf32>
    %div3A_3 = arith.divf %get3A_1, %div3A_2 : vector<1x1xf32>
    %sub3A = arith.constant 1.000000e+00 : f32
    %sub3A_4 = vector.broadcast %sub3A : f32 to vector<1x1xf32>
    %sub3A_5 = arith.subf %sub3A_4, %div3A_3 : vector<1x1xf32>
    %mul3A = arith.constant 5.000000e-01 : f32
    %mul3A_6 = vector.broadcast %mul3A : f32 to vector<1x1xf32>
    %mul3A_7 = arith.mulf %mul3A_6, %sub3A_5 : vector<1x1xf32>
    %mul3A_8 = arith.constant 3.200000e+01 : f32
    %mul3A_9 = vector.broadcast %mul3A_8 : f32 to vector<1x1xf32>
    %mul3A_10 = arith.mulf %mul3A_9, %sub3A_5 : vector<1x1xf32>
    %integer_pow3A = arith.mulf %mul3A_10, %mul3A_10 : vector<1x1xf32>
    %get3A_11 = arith.constant 0 : index
    %get3A_12 = arith.constant 0 : index
    %get3A_13 = vector.load %arg1[%get3A_11, %get3A_12] : memref<1x128xf32, #tpu.memory_space<vmem>>, vector<1x128xf32>
    %get3A_14 = arith.constant 0 : index
    %get3A_15 = arith.constant 0 : index
    %get3A_16 = vector.load %arg2[%get3A_14, %get3A_15] : memref<4096x128xf32, #tpu.memory_space<vmem>>, vector<4096x128xf32>
    %sub3A_17 = vector.broadcast %get3A_13 : vector<1x128xf32> to vector<4096x128xf32>
    %sub3A_18 = arith.subf %sub3A_17, %get3A_16 : vector<4096x128xf32>
    %add3A = arith.constant 9.99999997E-7 : f32
    %add3A_19 = vector.broadcast %add3A : f32 to vector<4096x128xf32>
    %add3A_20 = arith.addf %sub3A_18, %add3A_19 : vector<4096x128xf32>
    %mul3A_21 = arith.mulf %add3A_20, %add3A_20 : vector<4096x128xf32>
    %reduce_sum3A = arith.constant dense<0.000000e+00> : vector<4096xf32>
    %reduce_sum3A_22 = vector.multi_reduction <add>, %mul3A_21, %reduce_sum3A [1] : vector<4096x128xf32> to vector<4096xf32>
    %broadcast_in_dim3A = vector.shape_cast %reduce_sum3A_22 : vector<4096xf32> to vector<4096x1xf32>
    %sqrt3A = math.sqrt %broadcast_in_dim3A : vector<4096x1xf32>
    %reduce_min3A = vector.shape_cast %sqrt3A : vector<4096x1xf32> to vector<1x4096x1xf32>
    %reduce_min3A_23 = arith.constant dense<0x7F800000> : vector<1xf32>
    %reduce_min3A_24 = vector.multi_reduction <minimumf>, %reduce_min3A, %reduce_min3A_23 [1, 2] : vector<1x4096x1xf32> to vector<1xf32>
    %reduce_min3A_25 = vector.shape_cast %reduce_min3A_24 : vector<1xf32> to vector<1x1x1xf32>
    %reduce_min3A_26 = vector.extract %reduce_min3A_25[0, 0, 0] : f32 from vector<1x1x1xf32>
    %iota3A = tpu.iota {dimensions = array<i32: 0>} : vector<4096x1xi32>
    %le3A = vector.broadcast %reduce_min3A_26 : f32 to vector<4096x1xf32>
    %le3A_27 = arith.cmpf ole, %sqrt3A, %le3A : vector<4096x1xf32>
    %jit3A = arith.constant 4096 : i32
    %broadcast_in_dim3A_28 = vector.broadcast %jit3A : i32 to vector<4096x1xi32>
    %select_n3A = arith.select %le3A_27, %iota3A, %broadcast_in_dim3A_28 : vector<4096x1xi1>, vector<4096x1xi32>
    %reduce_min3A_29 = vector.shape_cast %select_n3A : vector<4096x1xi32> to vector<1x4096x1xi32>
    %reduce_min3A_30 = arith.constant dense<2147483647> : vector<1xi32>
    %reduce_min3A_31 = vector.multi_reduction <minsi>, %reduce_min3A_29, %reduce_min3A_30 [1, 2] : vector<1x4096x1xi32> to vector<1xi32>
    %reduce_min3A_32 = vector.shape_cast %reduce_min3A_31 : vector<1xi32> to vector<1x1x1xi32>
    %reduce_min3A_33 = vector.extract %reduce_min3A_32[0, 0, 0] : i32 from vector<1x1x1xi32>
    %get3A_34 = arith.index_cast %reduce_min3A_33 : i32 to index
    %get3A_35 = arith.constant 0 : index
    %get3A_36 = vector.load %arg3[%get3A_34, %get3A_35] : memref<4096x2xf32, #tpu.memory_space<vmem>>, vector<1x2xf32>
    %slice3A = vector.extract_strided_slice %get3A_36 {offsets = [0, 0], sizes = [1, 1], strides = [1, 1]} : vector<1x2xf32> to vector<1x1xf32>
    %slice3A_37 = vector.extract_strided_slice %get3A_36 {offsets = [0, 1], sizes = [1, 1], strides = [1, 1]} : vector<1x2xf32> to vector<1x1xf32>
    %get3A_38 = arith.constant 0 : index
    %get3A_39 = arith.constant 0 : index
    %get3A_40 = vector.load %arg4[%get3A_38, %get3A_39] : memref<32x128xf32, #tpu.memory_space<vmem>>, vector<32x128xf32>
    %sub3A_41 = vector.broadcast %slice3A : vector<1x1xf32> to vector<32x128xf32>
    %sub3A_42 = arith.subf %get3A_40, %sub3A_41 : vector<32x128xf32>
    %get3A_43 = arith.constant 0 : index
    %get3A_44 = arith.constant 0 : index
    %get3A_45 = vector.load %arg5[%get3A_43, %get3A_44] : memref<32x128xf32, #tpu.memory_space<vmem>>, vector<32x128xf32>
    %sub3A_46 = vector.broadcast %slice3A_37 : vector<1x1xf32> to vector<32x128xf32>
    %sub3A_47 = arith.subf %get3A_45, %sub3A_46 : vector<32x128xf32>
    %mul3A_48 = arith.mulf %sub3A_42, %sub3A_42 : vector<32x128xf32>
    %mul3A_49 = arith.mulf %sub3A_47, %sub3A_47 : vector<32x128xf32>
    %add3A_50 = arith.addf %mul3A_48, %mul3A_49 : vector<32x128xf32>
    %div3A_51 = vector.broadcast %integer_pow3A : vector<1x1xf32> to vector<32x128xf32>
    %div3A_52 = arith.divf %add3A_50, %div3A_51 : vector<32x128xf32>
    %neg3A = arith.constant 0.000000e+00 : f32
    %neg3A_53 = vector.broadcast %neg3A : f32 to vector<32x128xf32>
    %neg3A_54 = arith.subf %neg3A_53, %div3A_52 : vector<32x128xf32>
    %exp3A = math.exp %neg3A_54 : vector<32x128xf32>
    %add3A_55 = vector.broadcast %mul3A_7 : vector<1x1xf32> to vector<32x128xf32>
    %add3A_56 = arith.addf %exp3A, %add3A_55 : vector<32x128xf32>
    %broadcast_in_dim3A_57 = arith.constant 0 : i32
    %broadcast_in_dim3A_58 = vector.broadcast %broadcast_in_dim3A_57 : i32 to vector<32x128xi32>
    %broadcast_in_dim3A_59 = arith.constant 7939 : i32
    %broadcast_in_dim3A_60 = vector.broadcast %broadcast_in_dim3A_59 : i32 to vector<32x128xi32>
    %add3A_61 = arith.addi %broadcast_in_dim3A_58, %broadcast_in_dim3A_60 : vector<32x128xi32>
    %jit3A_62 = arith.constant 2 : i32
    %div3A_63 = vector.broadcast %jit3A_62 : i32 to vector<32x128xi32>
    %div3A_64 = arith.divsi %add3A_61, %div3A_63 : vector<32x128xi32>
    %sign3A = arith.constant 0 : i32
    %sign3A_65 = vector.broadcast %sign3A : i32 to vector<32x128xi32>
    %sign3A_66 = arith.cmpi sgt, %add3A_61, %sign3A_65 : vector<32x128xi32>
    %sign3A_67 = arith.extui %sign3A_66 : vector<32x128xi1> to vector<32x128xi32>
    %sign3A_68 = arith.constant 0 : i32
    %sign3A_69 = vector.broadcast %sign3A_68 : i32 to vector<32x128xi32>
    %sign3A_70 = arith.cmpi slt, %add3A_61, %sign3A_69 : vector<32x128xi32>
    %sign3A_71 = arith.extui %sign3A_70 : vector<32x128xi1> to vector<32x128xi32>
    %sign3A_72 = arith.subi %sign3A_67, %sign3A_71 : vector<32x128xi32>
    %sign3A_73 = arith.constant 0 : i32
    %sign3A_74 = arith.cmpi sgt, %jit3A_62, %sign3A_73 : i32
    %sign3A_75 = arith.extui %sign3A_74 : i1 to i32
    %sign3A_76 = arith.constant 0 : i32
    %sign3A_77 = arith.cmpi slt, %jit3A_62, %sign3A_76 : i32
    %sign3A_78 = arith.extui %sign3A_77 : i1 to i32
    %sign3A_79 = arith.subi %sign3A_75, %sign3A_78 : i32
    %ne3A = vector.broadcast %sign3A_79 : i32 to vector<32x128xi32>
    %ne3A_80 = arith.cmpi ne, %sign3A_72, %ne3A : vector<32x128xi32>
    %rem3A = vector.broadcast %jit3A_62 : i32 to vector<32x128xi32>
    %rem3A_81 = arith.remsi %add3A_61, %rem3A : vector<32x128xi32>
    %ne3A_82 = arith.constant 0 : i32
    %ne3A_83 = vector.broadcast %ne3A_82 : i32 to vector<32x128xi32>
    %ne3A_84 = arith.cmpi ne, %rem3A_81, %ne3A_83 : vector<32x128xi32>
    %and3A = arith.andi %ne3A_80, %ne3A_84 : vector<32x128xi1>
    %sub3A_85 = arith.constant 1 : i32
    %sub3A_86 = vector.broadcast %sub3A_85 : i32 to vector<32x128xi32>
    %sub3A_87 = arith.subi %div3A_64, %sub3A_86 : vector<32x128xi32>
    %select_n3A_88 = arith.select %and3A, %sub3A_87, %div3A_64 : vector<32x128xi1>, vector<32x128xi32>
    %convert_element_type3A = arith.sitofp %select_n3A_88 : vector<32x128xi32> to vector<32x128xf32>
    %div3A_89 = vector.broadcast %integer_pow3A : vector<1x1xf32> to vector<32x128xf32>
    %div3A_90 = arith.divf %convert_element_type3A, %div3A_89 : vector<32x128xf32>
    %neg3A_91 = arith.constant 0.000000e+00 : f32
    %neg3A_92 = vector.broadcast %neg3A_91 : f32 to vector<32x128xf32>
    %neg3A_93 = arith.subf %neg3A_92, %div3A_90 : vector<32x128xf32>
    %exp3A_94 = math.exp %neg3A_93 : vector<32x128xf32>
    %le3A_95 = arith.cmpf ole, %exp3A_94, %add3A_56 : vector<32x128xf32>
    %select_n3A_96 = arith.select %le3A_95, %select_n3A_88, %broadcast_in_dim3A_60 : vector<32x128xi1>, vector<32x128xi32>
    %add3A_97 = arith.constant 1 : i32
    %add3A_98 = vector.broadcast %add3A_97 : i32 to vector<32x128xi32>
    %add3A_99 = arith.addi %select_n3A_88, %add3A_98 : vector<32x128xi32>
    %select_n3A_100 = arith.select %le3A_95, %broadcast_in_dim3A_58, %add3A_99 : vector<32x128xi1>, vector<32x128xi32>
    %add3A_101 = arith.addi %select_n3A_100, %select_n3A_96 : vector<32x128xi32>
    %jit3A_102 = arith.constant 2 : i32
    %div3A_103 = vector.broadcast %jit3A_102 : i32 to vector<32x128xi32>
    %div3A_104 = arith.divsi %add3A_101, %div3A_103 : vector<32x128xi32>
    %sign3A_105 = arith.constant 0 : i32
    %sign3A_106 = vector.broadcast %sign3A_105 : i32 to vector<32x128xi32>
    %sign3A_107 = arith.cmpi sgt, %add3A_101, %sign3A_106 : vector<32x128xi32>
    %sign3A_108 = arith.extui %sign3A_107 : vector<32x128xi1> to vector<32x128xi32>
    %sign3A_109 = arith.constant 0 : i32
    %sign3A_110 = vector.broadcast %sign3A_109 : i32 to vector<32x128xi32>
    %sign3A_111 = arith.cmpi slt, %add3A_101, %sign3A_110 : vector<32x128xi32>
    %sign3A_112 = arith.extui %sign3A_111 : vector<32x128xi1> to vector<32x128xi32>
    %sign3A_113 = arith.subi %sign3A_108, %sign3A_112 : vector<32x128xi32>
    %sign3A_114 = arith.constant 0 : i32
    %sign3A_115 = arith.cmpi sgt, %jit3A_102, %sign3A_114 : i32
    %sign3A_116 = arith.extui %sign3A_115 : i1 to i32
    %sign3A_117 = arith.constant 0 : i32
    %sign3A_118 = arith.cmpi slt, %jit3A_102, %sign3A_117 : i32
    %sign3A_119 = arith.extui %sign3A_118 : i1 to i32
    %sign3A_120 = arith.subi %sign3A_116, %sign3A_119 : i32
    %ne3A_121 = vector.broadcast %sign3A_120 : i32 to vector<32x128xi32>
    %ne3A_122 = arith.cmpi ne, %sign3A_113, %ne3A_121 : vector<32x128xi32>
    %rem3A_123 = vector.broadcast %jit3A_102 : i32 to vector<32x128xi32>
    %rem3A_124 = arith.remsi %add3A_101, %rem3A_123 : vector<32x128xi32>
    %ne3A_125 = arith.constant 0 : i32
    %ne3A_126 = vector.broadcast %ne3A_125 : i32 to vector<32x128xi32>
    %ne3A_127 = arith.cmpi ne, %rem3A_124, %ne3A_126 : vector<32x128xi32>
    %and3A_128 = arith.andi %ne3A_122, %ne3A_127 : vector<32x128xi1>
    %sub3A_129 = arith.constant 1 : i32
    %sub3A_130 = vector.broadcast %sub3A_129 : i32 to vector<32x128xi32>
    %sub3A_131 = arith.subi %div3A_104, %sub3A_130 : vector<32x128xi32>
    %select_n3A_132 = arith.select %and3A_128, %sub3A_131, %div3A_104 : vector<32x128xi1>, vector<32x128xi32>
    %convert_element_type3A_133 = arith.sitofp %select_n3A_132 : vector<32x128xi32> to vector<32x128xf32>
    %div3A_134 = vector.broadcast %integer_pow3A : vector<1x1xf32> to vector<32x128xf32>
    %div3A_135 = arith.divf %convert_element_type3A_133, %div3A_134 : vector<32x128xf32>
    %neg3A_136 = arith.constant 0.000000e+00 : f32
    %neg3A_137 = vector.broadcast %neg3A_136 : f32 to vector<32x128xf32>
    %neg3A_138 = arith.subf %neg3A_137, %div3A_135 : vector<32x128xf32>
    %exp3A_139 = math.exp %neg3A_138 : vector<32x128xf32>
    %le3A_140 = arith.cmpf ole, %exp3A_139, %add3A_56 : vector<32x128xf32>
    %select_n3A_141 = arith.select %le3A_140, %select_n3A_132, %select_n3A_96 : vector<32x128xi1>, vector<32x128xi32>
    %add3A_142 = arith.constant 1 : i32
    %add3A_143 = vector.broadcast %add3A_142 : i32 to vector<32x128xi32>
    %add3A_144 = arith.addi %select_n3A_132, %add3A_143 : vector<32x128xi32>
    %select_n3A_145 = arith.select %le3A_140, %select_n3A_100, %add3A_144 : vector<32x128xi1>, vector<32x128xi32>
    %add3A_146 = arith.addi %select_n3A_145, %select_n3A_141 : vector<32x128xi32>
    %jit3A_147 = arith.constant 2 : i32
    %div3A_148 = vector.broadcast %jit3A_147 : i32 to vector<32x128xi32>
    %div3A_149 = arith.divsi %add3A_146, %div3A_148 : vector<32x128xi32>
    %sign3A_150 = arith.constant 0 : i32
    %sign3A_151 = vector.broadcast %sign3A_150 : i32 to vector<32x128xi32>
    %sign3A_152 = arith.cmpi sgt, %add3A_146, %sign3A_151 : vector<32x128xi32>
    %sign3A_153 = arith.extui %sign3A_152 : vector<32x128xi1> to vector<32x128xi32>
    %sign3A_154 = arith.constant 0 : i32
    %sign3A_155 = vector.broadcast %sign3A_154 : i32 to vector<32x128xi32>
    %sign3A_156 = arith.cmpi slt, %add3A_146, %sign3A_155 : vector<32x128xi32>
    %sign3A_157 = arith.extui %sign3A_156 : vector<32x128xi1> to vector<32x128xi32>
    %sign3A_158 = arith.subi %sign3A_153, %sign3A_157 : vector<32x128xi32>
    %sign3A_159 = arith.constant 0 : i32
    %sign3A_160 = arith.cmpi sgt, %jit3A_147, %sign3A_159 : i32
    %sign3A_161 = arith.extui %sign3A_160 : i1 to i32
    %sign3A_162 = arith.constant 0 : i32
    %sign3A_163 = arith.cmpi slt, %jit3A_147, %sign3A_162 : i32
    %sign3A_164 = arith.extui %sign3A_163 : i1 to i32
    %sign3A_165 = arith.subi %sign3A_161, %sign3A_164 : i32
    %ne3A_166 = vector.broadcast %sign3A_165 : i32 to vector<32x128xi32>
    %ne3A_167 = arith.cmpi ne, %sign3A_158, %ne3A_166 : vector<32x128xi32>
    %rem3A_168 = vector.broadcast %jit3A_147 : i32 to vector<32x128xi32>
    %rem3A_169 = arith.remsi %add3A_146, %rem3A_168 : vector<32x128xi32>
    %ne3A_170 = arith.constant 0 : i32
    %ne3A_171 = vector.broadcast %ne3A_170 : i32 to vector<32x128xi32>
    %ne3A_172 = arith.cmpi ne, %rem3A_169, %ne3A_171 : vector<32x128xi32>
    %and3A_173 = arith.andi %ne3A_167, %ne3A_172 : vector<32x128xi1>
    %sub3A_174 = arith.constant 1 : i32
    %sub3A_175 = vector.broadcast %sub3A_174 : i32 to vector<32x128xi32>
    %sub3A_176 = arith.subi %div3A_149, %sub3A_175 : vector<32x128xi32>
    %select_n3A_177 = arith.select %and3A_173, %sub3A_176, %div3A_149 : vector<32x128xi1>, vector<32x128xi32>
    %convert_element_type3A_178 = arith.sitofp %select_n3A_177 : vector<32x128xi32> to vector<32x128xf32>
    %div3A_179 = vector.broadcast %integer_pow3A : vector<1x1xf32> to vector<32x128xf32>
    %div3A_180 = arith.divf %convert_element_type3A_178, %div3A_179 : vector<32x128xf32>
    %neg3A_181 = arith.constant 0.000000e+00 : f32
    %neg3A_182 = vector.broadcast %neg3A_181 : f32 to vector<32x128xf32>
    %neg3A_183 = arith.subf %neg3A_182, %div3A_180 : vector<32x128xf32>
    %exp3A_184 = math.exp %neg3A_183 : vector<32x128xf32>
    %le3A_185 = arith.cmpf ole, %exp3A_184, %add3A_56 : vector<32x128xf32>
    %select_n3A_186 = arith.select %le3A_185, %select_n3A_177, %select_n3A_141 : vector<32x128xi1>, vector<32x128xi32>
    %add3A_187 = arith.constant 1 : i32
    %add3A_188 = vector.broadcast %add3A_187 : i32 to vector<32x128xi32>
    %add3A_189 = arith.addi %select_n3A_177, %add3A_188 : vector<32x128xi32>
    %select_n3A_190 = arith.select %le3A_185, %select_n3A_145, %add3A_189 : vector<32x128xi1>, vector<32x128xi32>
    %add3A_191 = arith.addi %select_n3A_190, %select_n3A_186 : vector<32x128xi32>
    %jit3A_192 = arith.constant 2 : i32
    %div3A_193 = vector.broadcast %jit3A_192 : i32 to vector<32x128xi32>
    %div3A_194 = arith.divsi %add3A_191, %div3A_193 : vector<32x128xi32>
    %sign3A_195 = arith.constant 0 : i32
    %sign3A_196 = vector.broadcast %sign3A_195 : i32 to vector<32x128xi32>
    %sign3A_197 = arith.cmpi sgt, %add3A_191, %sign3A_196 : vector<32x128xi32>
    %sign3A_198 = arith.extui %sign3A_197 : vector<32x128xi1> to vector<32x128xi32>
    %sign3A_199 = arith.constant 0 : i32
    %sign3A_200 = vector.broadcast %sign3A_199 : i32 to vector<32x128xi32>
    %sign3A_201 = arith.cmpi slt, %add3A_191, %sign3A_200 : vector<32x128xi32>
    %sign3A_202 = arith.extui %sign3A_201 : vector<32x128xi1> to vector<32x128xi32>
    %sign3A_203 = arith.subi %sign3A_198, %sign3A_202 : vector<32x128xi32>
    %sign3A_204 = arith.constant 0 : i32
    %sign3A_205 = arith.cmpi sgt, %jit3A_192, %sign3A_204 : i32
    %sign3A_206 = arith.extui %sign3A_205 : i1 to i32
    %sign3A_207 = arith.constant 0 : i32
    %sign3A_208 = arith.cmpi slt, %jit3A_192, %sign3A_207 : i32
    %sign3A_209 = arith.extui %sign3A_208 : i1 to i32
    %sign3A_210 = arith.subi %sign3A_206, %sign3A_209 : i32
    %ne3A_211 = vector.broadcast %sign3A_210 : i32 to vector<32x128xi32>
    %ne3A_212 = arith.cmpi ne, %sign3A_203, %ne3A_211 : vector<32x128xi32>
    %rem3A_213 = vector.broadcast %jit3A_192 : i32 to vector<32x128xi32>
    %rem3A_214 = arith.remsi %add3A_191, %rem3A_213 : vector<32x128xi32>
    %ne3A_215 = arith.constant 0 : i32
    %ne3A_216 = vector.broadcast %ne3A_215 : i32 to vector<32x128xi32>
    %ne3A_217 = arith.cmpi ne, %rem3A_214, %ne3A_216 : vector<32x128xi32>
    %and3A_218 = arith.andi %ne3A_212, %ne3A_217 : vector<32x128xi1>
    %sub3A_219 = arith.constant 1 : i32
    %sub3A_220 = vector.broadcast %sub3A_219 : i32 to vector<32x128xi32>
    %sub3A_221 = arith.subi %div3A_194, %sub3A_220 : vector<32x128xi32>
    %select_n3A_222 = arith.select %and3A_218, %sub3A_221, %div3A_194 : vector<32x128xi1>, vector<32x128xi32>
    %convert_element_type3A_223 = arith.sitofp %select_n3A_222 : vector<32x128xi32> to vector<32x128xf32>
    %div3A_224 = vector.broadcast %integer_pow3A : vector<1x1xf32> to vector<32x128xf32>
    %div3A_225 = arith.divf %convert_element_type3A_223, %div3A_224 : vector<32x128xf32>
    %neg3A_226 = arith.constant 0.000000e+00 : f32
    %neg3A_227 = vector.broadcast %neg3A_226 : f32 to vector<32x128xf32>
    %neg3A_228 = arith.subf %neg3A_227, %div3A_225 : vector<32x128xf32>
    %exp3A_229 = math.exp %neg3A_228 : vector<32x128xf32>
    %le3A_230 = arith.cmpf ole, %exp3A_229, %add3A_56 : vector<32x128xf32>
    %select_n3A_231 = arith.select %le3A_230, %select_n3A_222, %select_n3A_186 : vector<32x128xi1>, vector<32x128xi32>
    %add3A_232 = arith.constant 1 : i32
    %add3A_233 = vector.broadcast %add3A_232 : i32 to vector<32x128xi32>
    %add3A_234 = arith.addi %select_n3A_222, %add3A_233 : vector<32x128xi32>
    %select_n3A_235 = arith.select %le3A_230, %select_n3A_190, %add3A_234 : vector<32x128xi1>, vector<32x128xi32>
    %add3A_236 = arith.addi %select_n3A_235, %select_n3A_231 : vector<32x128xi32>
    %jit3A_237 = arith.constant 2 : i32
    %div3A_238 = vector.broadcast %jit3A_237 : i32 to vector<32x128xi32>
    %div3A_239 = arith.divsi %add3A_236, %div3A_238 : vector<32x128xi32>
    %sign3A_240 = arith.constant 0 : i32
    %sign3A_241 = vector.broadcast %sign3A_240 : i32 to vector<32x128xi32>
    %sign3A_242 = arith.cmpi sgt, %add3A_236, %sign3A_241 : vector<32x128xi32>
    %sign3A_243 = arith.extui %sign3A_242 : vector<32x128xi1> to vector<32x128xi32>
    %sign3A_244 = arith.constant 0 : i32
    %sign3A_245 = vector.broadcast %sign3A_244 : i32 to vector<32x128xi32>
    %sign3A_246 = arith.cmpi slt, %add3A_236, %sign3A_245 : vector<32x128xi32>
    %sign3A_247 = arith.extui %sign3A_246 : vector<32x128xi1> to vector<32x128xi32>
    %sign3A_248 = arith.subi %sign3A_243, %sign3A_247 : vector<32x128xi32>
    %sign3A_249 = arith.constant 0 : i32
    %sign3A_250 = arith.cmpi sgt, %jit3A_237, %sign3A_249 : i32
    %sign3A_251 = arith.extui %sign3A_250 : i1 to i32
    %sign3A_252 = arith.constant 0 : i32
    %sign3A_253 = arith.cmpi slt, %jit3A_237, %sign3A_252 : i32
    %sign3A_254 = arith.extui %sign3A_253 : i1 to i32
    %sign3A_255 = arith.subi %sign3A_251, %sign3A_254 : i32
    %ne3A_256 = vector.broadcast %sign3A_255 : i32 to vector<32x128xi32>
    %ne3A_257 = arith.cmpi ne, %sign3A_248, %ne3A_256 : vector<32x128xi32>
    %rem3A_258 = vector.broadcast %jit3A_237 : i32 to vector<32x128xi32>
    %rem3A_259 = arith.remsi %add3A_236, %rem3A_258 : vector<32x128xi32>
    %ne3A_260 = arith.constant 0 : i32
    %ne3A_261 = vector.broadcast %ne3A_260 : i32 to vector<32x128xi32>
    %ne3A_262 = arith.cmpi ne, %rem3A_259, %ne3A_261 : vector<32x128xi32>
    %and3A_263 = arith.andi %ne3A_257, %ne3A_262 : vector<32x128xi1>
    %sub3A_264 = arith.constant 1 : i32
    %sub3A_265 = vector.broadcast %sub3A_264 : i32 to vector<32x128xi32>
    %sub3A_266 = arith.subi %div3A_239, %sub3A_265 : vector<32x128xi32>
    %select_n3A_267 = arith.select %and3A_263, %sub3A_266, %div3A_239 : vector<32x128xi1>, vector<32x128xi32>
    %convert_element_type3A_268 = arith.sitofp %select_n3A_267 : vector<32x128xi32> to vector<32x128xf32>
    %div3A_269 = vector.broadcast %integer_pow3A : vector<1x1xf32> to vector<32x128xf32>
    %div3A_270 = arith.divf %convert_element_type3A_268, %div3A_269 : vector<32x128xf32>
    %neg3A_271 = arith.constant 0.000000e+00 : f32
    %neg3A_272 = vector.broadcast %neg3A_271 : f32 to vector<32x128xf32>
    %neg3A_273 = arith.subf %neg3A_272, %div3A_270 : vector<32x128xf32>
    %exp3A_274 = math.exp %neg3A_273 : vector<32x128xf32>
    %le3A_275 = arith.cmpf ole, %exp3A_274, %add3A_56 : vector<32x128xf32>
    %select_n3A_276 = arith.select %le3A_275, %select_n3A_267, %select_n3A_231 : vector<32x128xi1>, vector<32x128xi32>
    %add3A_277 = arith.constant 1 : i32
    %add3A_278 = vector.broadcast %add3A_277 : i32 to vector<32x128xi32>
    %add3A_279 = arith.addi %select_n3A_267, %add3A_278 : vector<32x128xi32>
    %select_n3A_280 = arith.select %le3A_275, %select_n3A_235, %add3A_279 : vector<32x128xi1>, vector<32x128xi32>
    %add3A_281 = arith.addi %select_n3A_280, %select_n3A_276 : vector<32x128xi32>
    %jit3A_282 = arith.constant 2 : i32
    %div3A_283 = vector.broadcast %jit3A_282 : i32 to vector<32x128xi32>
    %div3A_284 = arith.divsi %add3A_281, %div3A_283 : vector<32x128xi32>
    %sign3A_285 = arith.constant 0 : i32
    %sign3A_286 = vector.broadcast %sign3A_285 : i32 to vector<32x128xi32>
    %sign3A_287 = arith.cmpi sgt, %add3A_281, %sign3A_286 : vector<32x128xi32>
    %sign3A_288 = arith.extui %sign3A_287 : vector<32x128xi1> to vector<32x128xi32>
    %sign3A_289 = arith.constant 0 : i32
    %sign3A_290 = vector.broadcast %sign3A_289 : i32 to vector<32x128xi32>
    %sign3A_291 = arith.cmpi slt, %add3A_281, %sign3A_290 : vector<32x128xi32>
    %sign3A_292 = arith.extui %sign3A_291 : vector<32x128xi1> to vector<32x128xi32>
    %sign3A_293 = arith.subi %sign3A_288, %sign3A_292 : vector<32x128xi32>
    %sign3A_294 = arith.constant 0 : i32
    %sign3A_295 = arith.cmpi sgt, %jit3A_282, %sign3A_294 : i32
    %sign3A_296 = arith.extui %sign3A_295 : i1 to i32
    %sign3A_297 = arith.constant 0 : i32
    %sign3A_298 = arith.cmpi slt, %jit3A_282, %sign3A_297 : i32
    %sign3A_299 = arith.extui %sign3A_298 : i1 to i32
    %sign3A_300 = arith.subi %sign3A_296, %sign3A_299 : i32
    %ne3A_301 = vector.broadcast %sign3A_300 : i32 to vector<32x128xi32>
    %ne3A_302 = arith.cmpi ne, %sign3A_293, %ne3A_301 : vector<32x128xi32>
    %rem3A_303 = vector.broadcast %jit3A_282 : i32 to vector<32x128xi32>
    %rem3A_304 = arith.remsi %add3A_281, %rem3A_303 : vector<32x128xi32>
    %ne3A_305 = arith.constant 0 : i32
    %ne3A_306 = vector.broadcast %ne3A_305 : i32 to vector<32x128xi32>
    %ne3A_307 = arith.cmpi ne, %rem3A_304, %ne3A_306 : vector<32x128xi32>
    %and3A_308 = arith.andi %ne3A_302, %ne3A_307 : vector<32x128xi1>
    %sub3A_309 = arith.constant 1 : i32
    %sub3A_310 = vector.broadcast %sub3A_309 : i32 to vector<32x128xi32>
    %sub3A_311 = arith.subi %div3A_284, %sub3A_310 : vector<32x128xi32>
    %select_n3A_312 = arith.select %and3A_308, %sub3A_311, %div3A_284 : vector<32x128xi1>, vector<32x128xi32>
    %convert_element_type3A_313 = arith.sitofp %select_n3A_312 : vector<32x128xi32> to vector<32x128xf32>
    %div3A_314 = vector.broadcast %integer_pow3A : vector<1x1xf32> to vector<32x128xf32>
    %div3A_315 = arith.divf %convert_element_type3A_313, %div3A_314 : vector<32x128xf32>
    %neg3A_316 = arith.constant 0.000000e+00 : f32
    %neg3A_317 = vector.broadcast %neg3A_316 : f32 to vector<32x128xf32>
    %neg3A_318 = arith.subf %neg3A_317, %div3A_315 : vector<32x128xf32>
    %exp3A_319 = math.exp %neg3A_318 : vector<32x128xf32>
    %le3A_320 = arith.cmpf ole, %exp3A_319, %add3A_56 : vector<32x128xf32>
    %select_n3A_321 = arith.select %le3A_320, %select_n3A_312, %select_n3A_276 : vector<32x128xi1>, vector<32x128xi32>
    %add3A_322 = arith.constant 1 : i32
    %add3A_323 = vector.broadcast %add3A_322 : i32 to vector<32x128xi32>
    %add3A_324 = arith.addi %select_n3A_312, %add3A_323 : vector<32x128xi32>
    %select_n3A_325 = arith.select %le3A_320, %select_n3A_280, %add3A_324 : vector<32x128xi1>, vector<32x128xi32>
    %add3A_326 = arith.addi %select_n3A_325, %select_n3A_321 : vector<32x128xi32>
    %jit3A_327 = arith.constant 2 : i32
    %div3A_328 = vector.broadcast %jit3A_327 : i32 to vector<32x128xi32>
    %div3A_329 = arith.divsi %add3A_326, %div3A_328 : vector<32x128xi32>
    %sign3A_330 = arith.constant 0 : i32
    %sign3A_331 = vector.broadcast %sign3A_330 : i32 to vector<32x128xi32>
    %sign3A_332 = arith.cmpi sgt, %add3A_326, %sign3A_331 : vector<32x128xi32>
    %sign3A_333 = arith.extui %sign3A_332 : vector<32x128xi1> to vector<32x128xi32>
    %sign3A_334 = arith.constant 0 : i32
    %sign3A_335 = vector.broadcast %sign3A_334 : i32 to vector<32x128xi32>
    %sign3A_336 = arith.cmpi slt, %add3A_326, %sign3A_335 : vector<32x128xi32>
    %sign3A_337 = arith.extui %sign3A_336 : vector<32x128xi1> to vector<32x128xi32>
    %sign3A_338 = arith.subi %sign3A_333, %sign3A_337 : vector<32x128xi32>
    %sign3A_339 = arith.constant 0 : i32
    %sign3A_340 = arith.cmpi sgt, %jit3A_327, %sign3A_339 : i32
    %sign3A_341 = arith.extui %sign3A_340 : i1 to i32
    %sign3A_342 = arith.constant 0 : i32
    %sign3A_343 = arith.cmpi slt, %jit3A_327, %sign3A_342 : i32
    %sign3A_344 = arith.extui %sign3A_343 : i1 to i32
    %sign3A_345 = arith.subi %sign3A_341, %sign3A_344 : i32
    %ne3A_346 = vector.broadcast %sign3A_345 : i32 to vector<32x128xi32>
    %ne3A_347 = arith.cmpi ne, %sign3A_338, %ne3A_346 : vector<32x128xi32>
    %rem3A_348 = vector.broadcast %jit3A_327 : i32 to vector<32x128xi32>
    %rem3A_349 = arith.remsi %add3A_326, %rem3A_348 : vector<32x128xi32>
    %ne3A_350 = arith.constant 0 : i32
    %ne3A_351 = vector.broadcast %ne3A_350 : i32 to vector<32x128xi32>
    %ne3A_352 = arith.cmpi ne, %rem3A_349, %ne3A_351 : vector<32x128xi32>
    %and3A_353 = arith.andi %ne3A_347, %ne3A_352 : vector<32x128xi1>
    %sub3A_354 = arith.constant 1 : i32
    %sub3A_355 = vector.broadcast %sub3A_354 : i32 to vector<32x128xi32>
    %sub3A_356 = arith.subi %div3A_329, %sub3A_355 : vector<32x128xi32>
    %select_n3A_357 = arith.select %and3A_353, %sub3A_356, %div3A_329 : vector<32x128xi1>, vector<32x128xi32>
    %convert_element_type3A_358 = arith.sitofp %select_n3A_357 : vector<32x128xi32> to vector<32x128xf32>
    %div3A_359 = vector.broadcast %integer_pow3A : vector<1x1xf32> to vector<32x128xf32>
    %div3A_360 = arith.divf %convert_element_type3A_358, %div3A_359 : vector<32x128xf32>
    %neg3A_361 = arith.constant 0.000000e+00 : f32
    %neg3A_362 = vector.broadcast %neg3A_361 : f32 to vector<32x128xf32>
    %neg3A_363 = arith.subf %neg3A_362, %div3A_360 : vector<32x128xf32>
    %exp3A_364 = math.exp %neg3A_363 : vector<32x128xf32>
    %le3A_365 = arith.cmpf ole, %exp3A_364, %add3A_56 : vector<32x128xf32>
    %select_n3A_366 = arith.select %le3A_365, %select_n3A_357, %select_n3A_321 : vector<32x128xi1>, vector<32x128xi32>
    %add3A_367 = arith.constant 1 : i32
    %add3A_368 = vector.broadcast %add3A_367 : i32 to vector<32x128xi32>
    %add3A_369 = arith.addi %select_n3A_357, %add3A_368 : vector<32x128xi32>
    %select_n3A_370 = arith.select %le3A_365, %select_n3A_325, %add3A_369 : vector<32x128xi1>, vector<32x128xi32>
    %add3A_371 = arith.addi %select_n3A_370, %select_n3A_366 : vector<32x128xi32>
    %jit3A_372 = arith.constant 2 : i32
    %div3A_373 = vector.broadcast %jit3A_372 : i32 to vector<32x128xi32>
    %div3A_374 = arith.divsi %add3A_371, %div3A_373 : vector<32x128xi32>
    %sign3A_375 = arith.constant 0 : i32
    %sign3A_376 = vector.broadcast %sign3A_375 : i32 to vector<32x128xi32>
    %sign3A_377 = arith.cmpi sgt, %add3A_371, %sign3A_376 : vector<32x128xi32>
    %sign3A_378 = arith.extui %sign3A_377 : vector<32x128xi1> to vector<32x128xi32>
    %sign3A_379 = arith.constant 0 : i32
    %sign3A_380 = vector.broadcast %sign3A_379 : i32 to vector<32x128xi32>
    %sign3A_381 = arith.cmpi slt, %add3A_371, %sign3A_380 : vector<32x128xi32>
    %sign3A_382 = arith.extui %sign3A_381 : vector<32x128xi1> to vector<32x128xi32>
    %sign3A_383 = arith.subi %sign3A_378, %sign3A_382 : vector<32x128xi32>
    %sign3A_384 = arith.constant 0 : i32
    %sign3A_385 = arith.cmpi sgt, %jit3A_372, %sign3A_384 : i32
    %sign3A_386 = arith.extui %sign3A_385 : i1 to i32
    %sign3A_387 = arith.constant 0 : i32
    %sign3A_388 = arith.cmpi slt, %jit3A_372, %sign3A_387 : i32
    %sign3A_389 = arith.extui %sign3A_388 : i1 to i32
    %sign3A_390 = arith.subi %sign3A_386, %sign3A_389 : i32
    %ne3A_391 = vector.broadcast %sign3A_390 : i32 to vector<32x128xi32>
    %ne3A_392 = arith.cmpi ne, %sign3A_383, %ne3A_391 : vector<32x128xi32>
    %rem3A_393 = vector.broadcast %jit3A_372 : i32 to vector<32x128xi32>
    %rem3A_394 = arith.remsi %add3A_371, %rem3A_393 : vector<32x128xi32>
    %ne3A_395 = arith.constant 0 : i32
    %ne3A_396 = vector.broadcast %ne3A_395 : i32 to vector<32x128xi32>
    %ne3A_397 = arith.cmpi ne, %rem3A_394, %ne3A_396 : vector<32x128xi32>
    %and3A_398 = arith.andi %ne3A_392, %ne3A_397 : vector<32x128xi1>
    %sub3A_399 = arith.constant 1 : i32
    %sub3A_400 = vector.broadcast %sub3A_399 : i32 to vector<32x128xi32>
    %sub3A_401 = arith.subi %div3A_374, %sub3A_400 : vector<32x128xi32>
    %select_n3A_402 = arith.select %and3A_398, %sub3A_401, %div3A_374 : vector<32x128xi1>, vector<32x128xi32>
    %convert_element_type3A_403 = arith.sitofp %select_n3A_402 : vector<32x128xi32> to vector<32x128xf32>
    %div3A_404 = vector.broadcast %integer_pow3A : vector<1x1xf32> to vector<32x128xf32>
    %div3A_405 = arith.divf %convert_element_type3A_403, %div3A_404 : vector<32x128xf32>
    %neg3A_406 = arith.constant 0.000000e+00 : f32
    %neg3A_407 = vector.broadcast %neg3A_406 : f32 to vector<32x128xf32>
    %neg3A_408 = arith.subf %neg3A_407, %div3A_405 : vector<32x128xf32>
    %exp3A_409 = math.exp %neg3A_408 : vector<32x128xf32>
    %le3A_410 = arith.cmpf ole, %exp3A_409, %add3A_56 : vector<32x128xf32>
    %select_n3A_411 = arith.select %le3A_410, %select_n3A_402, %select_n3A_366 : vector<32x128xi1>, vector<32x128xi32>
    %add3A_412 = arith.constant 1 : i32
    %add3A_413 = vector.broadcast %add3A_412 : i32 to vector<32x128xi32>
    %add3A_414 = arith.addi %select_n3A_402, %add3A_413 : vector<32x128xi32>
    %select_n3A_415 = arith.select %le3A_410, %select_n3A_370, %add3A_414 : vector<32x128xi1>, vector<32x128xi32>
    %add3A_416 = arith.addi %select_n3A_415, %select_n3A_411 : vector<32x128xi32>
    %jit3A_417 = arith.constant 2 : i32
    %div3A_418 = vector.broadcast %jit3A_417 : i32 to vector<32x128xi32>
    %div3A_419 = arith.divsi %add3A_416, %div3A_418 : vector<32x128xi32>
    %sign3A_420 = arith.constant 0 : i32
    %sign3A_421 = vector.broadcast %sign3A_420 : i32 to vector<32x128xi32>
    %sign3A_422 = arith.cmpi sgt, %add3A_416, %sign3A_421 : vector<32x128xi32>
    %sign3A_423 = arith.extui %sign3A_422 : vector<32x128xi1> to vector<32x128xi32>
    %sign3A_424 = arith.constant 0 : i32
    %sign3A_425 = vector.broadcast %sign3A_424 : i32 to vector<32x128xi32>
    %sign3A_426 = arith.cmpi slt, %add3A_416, %sign3A_425 : vector<32x128xi32>
    %sign3A_427 = arith.extui %sign3A_426 : vector<32x128xi1> to vector<32x128xi32>
    %sign3A_428 = arith.subi %sign3A_423, %sign3A_427 : vector<32x128xi32>
    %sign3A_429 = arith.constant 0 : i32
    %sign3A_430 = arith.cmpi sgt, %jit3A_417, %sign3A_429 : i32
    %sign3A_431 = arith.extui %sign3A_430 : i1 to i32
    %sign3A_432 = arith.constant 0 : i32
    %sign3A_433 = arith.cmpi slt, %jit3A_417, %sign3A_432 : i32
    %sign3A_434 = arith.extui %sign3A_433 : i1 to i32
    %sign3A_435 = arith.subi %sign3A_431, %sign3A_434 : i32
    %ne3A_436 = vector.broadcast %sign3A_435 : i32 to vector<32x128xi32>
    %ne3A_437 = arith.cmpi ne, %sign3A_428, %ne3A_436 : vector<32x128xi32>
    %rem3A_438 = vector.broadcast %jit3A_417 : i32 to vector<32x128xi32>
    %rem3A_439 = arith.remsi %add3A_416, %rem3A_438 : vector<32x128xi32>
    %ne3A_440 = arith.constant 0 : i32
    %ne3A_441 = vector.broadcast %ne3A_440 : i32 to vector<32x128xi32>
    %ne3A_442 = arith.cmpi ne, %rem3A_439, %ne3A_441 : vector<32x128xi32>
    %and3A_443 = arith.andi %ne3A_437, %ne3A_442 : vector<32x128xi1>
    %sub3A_444 = arith.constant 1 : i32
    %sub3A_445 = vector.broadcast %sub3A_444 : i32 to vector<32x128xi32>
    %sub3A_446 = arith.subi %div3A_419, %sub3A_445 : vector<32x128xi32>
    %select_n3A_447 = arith.select %and3A_443, %sub3A_446, %div3A_419 : vector<32x128xi1>, vector<32x128xi32>
    %convert_element_type3A_448 = arith.sitofp %select_n3A_447 : vector<32x128xi32> to vector<32x128xf32>
    %div3A_449 = vector.broadcast %integer_pow3A : vector<1x1xf32> to vector<32x128xf32>
    %div3A_450 = arith.divf %convert_element_type3A_448, %div3A_449 : vector<32x128xf32>
    %neg3A_451 = arith.constant 0.000000e+00 : f32
    %neg3A_452 = vector.broadcast %neg3A_451 : f32 to vector<32x128xf32>
    %neg3A_453 = arith.subf %neg3A_452, %div3A_450 : vector<32x128xf32>
    %exp3A_454 = math.exp %neg3A_453 : vector<32x128xf32>
    %le3A_455 = arith.cmpf ole, %exp3A_454, %add3A_56 : vector<32x128xf32>
    %select_n3A_456 = arith.select %le3A_455, %select_n3A_447, %select_n3A_411 : vector<32x128xi1>, vector<32x128xi32>
    %add3A_457 = arith.constant 1 : i32
    %add3A_458 = vector.broadcast %add3A_457 : i32 to vector<32x128xi32>
    %add3A_459 = arith.addi %select_n3A_447, %add3A_458 : vector<32x128xi32>
    %select_n3A_460 = arith.select %le3A_455, %select_n3A_415, %add3A_459 : vector<32x128xi1>, vector<32x128xi32>
    %add3A_461 = arith.addi %select_n3A_460, %select_n3A_456 : vector<32x128xi32>
    %jit3A_462 = arith.constant 2 : i32
    %div3A_463 = vector.broadcast %jit3A_462 : i32 to vector<32x128xi32>
    %div3A_464 = arith.divsi %add3A_461, %div3A_463 : vector<32x128xi32>
    %sign3A_465 = arith.constant 0 : i32
    %sign3A_466 = vector.broadcast %sign3A_465 : i32 to vector<32x128xi32>
    %sign3A_467 = arith.cmpi sgt, %add3A_461, %sign3A_466 : vector<32x128xi32>
    %sign3A_468 = arith.extui %sign3A_467 : vector<32x128xi1> to vector<32x128xi32>
    %sign3A_469 = arith.constant 0 : i32
    %sign3A_470 = vector.broadcast %sign3A_469 : i32 to vector<32x128xi32>
    %sign3A_471 = arith.cmpi slt, %add3A_461, %sign3A_470 : vector<32x128xi32>
    %sign3A_472 = arith.extui %sign3A_471 : vector<32x128xi1> to vector<32x128xi32>
    %sign3A_473 = arith.subi %sign3A_468, %sign3A_472 : vector<32x128xi32>
    %sign3A_474 = arith.constant 0 : i32
    %sign3A_475 = arith.cmpi sgt, %jit3A_462, %sign3A_474 : i32
    %sign3A_476 = arith.extui %sign3A_475 : i1 to i32
    %sign3A_477 = arith.constant 0 : i32
    %sign3A_478 = arith.cmpi slt, %jit3A_462, %sign3A_477 : i32
    %sign3A_479 = arith.extui %sign3A_478 : i1 to i32
    %sign3A_480 = arith.subi %sign3A_476, %sign3A_479 : i32
    %ne3A_481 = vector.broadcast %sign3A_480 : i32 to vector<32x128xi32>
    %ne3A_482 = arith.cmpi ne, %sign3A_473, %ne3A_481 : vector<32x128xi32>
    %rem3A_483 = vector.broadcast %jit3A_462 : i32 to vector<32x128xi32>
    %rem3A_484 = arith.remsi %add3A_461, %rem3A_483 : vector<32x128xi32>
    %ne3A_485 = arith.constant 0 : i32
    %ne3A_486 = vector.broadcast %ne3A_485 : i32 to vector<32x128xi32>
    %ne3A_487 = arith.cmpi ne, %rem3A_484, %ne3A_486 : vector<32x128xi32>
    %and3A_488 = arith.andi %ne3A_482, %ne3A_487 : vector<32x128xi1>
    %sub3A_489 = arith.constant 1 : i32
    %sub3A_490 = vector.broadcast %sub3A_489 : i32 to vector<32x128xi32>
    %sub3A_491 = arith.subi %div3A_464, %sub3A_490 : vector<32x128xi32>
    %select_n3A_492 = arith.select %and3A_488, %sub3A_491, %div3A_464 : vector<32x128xi1>, vector<32x128xi32>
    %convert_element_type3A_493 = arith.sitofp %select_n3A_492 : vector<32x128xi32> to vector<32x128xf32>
    %div3A_494 = vector.broadcast %integer_pow3A : vector<1x1xf32> to vector<32x128xf32>
    %div3A_495 = arith.divf %convert_element_type3A_493, %div3A_494 : vector<32x128xf32>
    %neg3A_496 = arith.constant 0.000000e+00 : f32
    %neg3A_497 = vector.broadcast %neg3A_496 : f32 to vector<32x128xf32>
    %neg3A_498 = arith.subf %neg3A_497, %div3A_495 : vector<32x128xf32>
    %exp3A_499 = math.exp %neg3A_498 : vector<32x128xf32>
    %le3A_500 = arith.cmpf ole, %exp3A_499, %add3A_56 : vector<32x128xf32>
    %select_n3A_501 = arith.select %le3A_500, %select_n3A_492, %select_n3A_456 : vector<32x128xi1>, vector<32x128xi32>
    %add3A_502 = arith.constant 1 : i32
    %add3A_503 = vector.broadcast %add3A_502 : i32 to vector<32x128xi32>
    %add3A_504 = arith.addi %select_n3A_492, %add3A_503 : vector<32x128xi32>
    %select_n3A_505 = arith.select %le3A_500, %select_n3A_460, %add3A_504 : vector<32x128xi1>, vector<32x128xi32>
    %add3A_506 = arith.addi %select_n3A_505, %select_n3A_501 : vector<32x128xi32>
    %jit3A_507 = arith.constant 2 : i32
    %div3A_508 = vector.broadcast %jit3A_507 : i32 to vector<32x128xi32>
    %div3A_509 = arith.divsi %add3A_506, %div3A_508 : vector<32x128xi32>
    %sign3A_510 = arith.constant 0 : i32
    %sign3A_511 = vector.broadcast %sign3A_510 : i32 to vector<32x128xi32>
    %sign3A_512 = arith.cmpi sgt, %add3A_506, %sign3A_511 : vector<32x128xi32>
    %sign3A_513 = arith.extui %sign3A_512 : vector<32x128xi1> to vector<32x128xi32>
    %sign3A_514 = arith.constant 0 : i32
    %sign3A_515 = vector.broadcast %sign3A_514 : i32 to vector<32x128xi32>
    %sign3A_516 = arith.cmpi slt, %add3A_506, %sign3A_515 : vector<32x128xi32>
    %sign3A_517 = arith.extui %sign3A_516 : vector<32x128xi1> to vector<32x128xi32>
    %sign3A_518 = arith.subi %sign3A_513, %sign3A_517 : vector<32x128xi32>
    %sign3A_519 = arith.constant 0 : i32
    %sign3A_520 = arith.cmpi sgt, %jit3A_507, %sign3A_519 : i32
    %sign3A_521 = arith.extui %sign3A_520 : i1 to i32
    %sign3A_522 = arith.constant 0 : i32
    %sign3A_523 = arith.cmpi slt, %jit3A_507, %sign3A_522 : i32
    %sign3A_524 = arith.extui %sign3A_523 : i1 to i32
    %sign3A_525 = arith.subi %sign3A_521, %sign3A_524 : i32
    %ne3A_526 = vector.broadcast %sign3A_525 : i32 to vector<32x128xi32>
    %ne3A_527 = arith.cmpi ne, %sign3A_518, %ne3A_526 : vector<32x128xi32>
    %rem3A_528 = vector.broadcast %jit3A_507 : i32 to vector<32x128xi32>
    %rem3A_529 = arith.remsi %add3A_506, %rem3A_528 : vector<32x128xi32>
    %ne3A_530 = arith.constant 0 : i32
    %ne3A_531 = vector.broadcast %ne3A_530 : i32 to vector<32x128xi32>
    %ne3A_532 = arith.cmpi ne, %rem3A_529, %ne3A_531 : vector<32x128xi32>
    %and3A_533 = arith.andi %ne3A_527, %ne3A_532 : vector<32x128xi1>
    %sub3A_534 = arith.constant 1 : i32
    %sub3A_535 = vector.broadcast %sub3A_534 : i32 to vector<32x128xi32>
    %sub3A_536 = arith.subi %div3A_509, %sub3A_535 : vector<32x128xi32>
    %select_n3A_537 = arith.select %and3A_533, %sub3A_536, %div3A_509 : vector<32x128xi1>, vector<32x128xi32>
    %convert_element_type3A_538 = arith.sitofp %select_n3A_537 : vector<32x128xi32> to vector<32x128xf32>
    %div3A_539 = vector.broadcast %integer_pow3A : vector<1x1xf32> to vector<32x128xf32>
    %div3A_540 = arith.divf %convert_element_type3A_538, %div3A_539 : vector<32x128xf32>
    %neg3A_541 = arith.constant 0.000000e+00 : f32
    %neg3A_542 = vector.broadcast %neg3A_541 : f32 to vector<32x128xf32>
    %neg3A_543 = arith.subf %neg3A_542, %div3A_540 : vector<32x128xf32>
    %exp3A_544 = math.exp %neg3A_543 : vector<32x128xf32>
    %le3A_545 = arith.cmpf ole, %exp3A_544, %add3A_56 : vector<32x128xf32>
    %select_n3A_546 = arith.select %le3A_545, %select_n3A_537, %select_n3A_501 : vector<32x128xi1>, vector<32x128xi32>
    %add3A_547 = arith.constant 1 : i32
    %add3A_548 = vector.broadcast %add3A_547 : i32 to vector<32x128xi32>
    %add3A_549 = arith.addi %select_n3A_537, %add3A_548 : vector<32x128xi32>
    %select_n3A_550 = arith.select %le3A_545, %select_n3A_505, %add3A_549 : vector<32x128xi1>, vector<32x128xi32>
    %add3A_551 = arith.addi %select_n3A_550, %select_n3A_546 : vector<32x128xi32>
    %jit3A_552 = arith.constant 2 : i32
    %div3A_553 = vector.broadcast %jit3A_552 : i32 to vector<32x128xi32>
    %div3A_554 = arith.divsi %add3A_551, %div3A_553 : vector<32x128xi32>
    %sign3A_555 = arith.constant 0 : i32
    %sign3A_556 = vector.broadcast %sign3A_555 : i32 to vector<32x128xi32>
    %sign3A_557 = arith.cmpi sgt, %add3A_551, %sign3A_556 : vector<32x128xi32>
    %sign3A_558 = arith.extui %sign3A_557 : vector<32x128xi1> to vector<32x128xi32>
    %sign3A_559 = arith.constant 0 : i32
    %sign3A_560 = vector.broadcast %sign3A_559 : i32 to vector<32x128xi32>
    %sign3A_561 = arith.cmpi slt, %add3A_551, %sign3A_560 : vector<32x128xi32>
    %sign3A_562 = arith.extui %sign3A_561 : vector<32x128xi1> to vector<32x128xi32>
    %sign3A_563 = arith.subi %sign3A_558, %sign3A_562 : vector<32x128xi32>
    %sign3A_564 = arith.constant 0 : i32
    %sign3A_565 = arith.cmpi sgt, %jit3A_552, %sign3A_564 : i32
    %sign3A_566 = arith.extui %sign3A_565 : i1 to i32
    %sign3A_567 = arith.constant 0 : i32
    %sign3A_568 = arith.cmpi slt, %jit3A_552, %sign3A_567 : i32
    %sign3A_569 = arith.extui %sign3A_568 : i1 to i32
    %sign3A_570 = arith.subi %sign3A_566, %sign3A_569 : i32
    %ne3A_571 = vector.broadcast %sign3A_570 : i32 to vector<32x128xi32>
    %ne3A_572 = arith.cmpi ne, %sign3A_563, %ne3A_571 : vector<32x128xi32>
    %rem3A_573 = vector.broadcast %jit3A_552 : i32 to vector<32x128xi32>
    %rem3A_574 = arith.remsi %add3A_551, %rem3A_573 : vector<32x128xi32>
    %ne3A_575 = arith.constant 0 : i32
    %ne3A_576 = vector.broadcast %ne3A_575 : i32 to vector<32x128xi32>
    %ne3A_577 = arith.cmpi ne, %rem3A_574, %ne3A_576 : vector<32x128xi32>
    %and3A_578 = arith.andi %ne3A_572, %ne3A_577 : vector<32x128xi1>
    %sub3A_579 = arith.constant 1 : i32
    %sub3A_580 = vector.broadcast %sub3A_579 : i32 to vector<32x128xi32>
    %sub3A_581 = arith.subi %div3A_554, %sub3A_580 : vector<32x128xi32>
    %select_n3A_582 = arith.select %and3A_578, %sub3A_581, %div3A_554 : vector<32x128xi1>, vector<32x128xi32>
    %convert_element_type3A_583 = arith.sitofp %select_n3A_582 : vector<32x128xi32> to vector<32x128xf32>
    %div3A_584 = vector.broadcast %integer_pow3A : vector<1x1xf32> to vector<32x128xf32>
    %div3A_585 = arith.divf %convert_element_type3A_583, %div3A_584 : vector<32x128xf32>
    %neg3A_586 = arith.constant 0.000000e+00 : f32
    %neg3A_587 = vector.broadcast %neg3A_586 : f32 to vector<32x128xf32>
    %neg3A_588 = arith.subf %neg3A_587, %div3A_585 : vector<32x128xf32>
    %exp3A_589 = math.exp %neg3A_588 : vector<32x128xf32>
    %le3A_590 = arith.cmpf ole, %exp3A_589, %add3A_56 : vector<32x128xf32>
    %select_n3A_591 = arith.select %le3A_590, %select_n3A_582, %select_n3A_546 : vector<32x128xi1>, vector<32x128xi32>
    %add3A_592 = arith.constant 1 : i32
    %add3A_593 = vector.broadcast %add3A_592 : i32 to vector<32x128xi32>
    %add3A_594 = arith.addi %select_n3A_582, %add3A_593 : vector<32x128xi32>
    %select_n3A_595 = arith.select %le3A_590, %select_n3A_550, %add3A_594 : vector<32x128xi1>, vector<32x128xi32>
    %add3A_596 = arith.addi %select_n3A_595, %select_n3A_591 : vector<32x128xi32>
    %jit3A_597 = arith.constant 2 : i32
    %div3A_598 = vector.broadcast %jit3A_597 : i32 to vector<32x128xi32>
    %div3A_599 = arith.divsi %add3A_596, %div3A_598 : vector<32x128xi32>
    %sign3A_600 = arith.constant 0 : i32
    %sign3A_601 = vector.broadcast %sign3A_600 : i32 to vector<32x128xi32>
    %sign3A_602 = arith.cmpi sgt, %add3A_596, %sign3A_601 : vector<32x128xi32>
    %sign3A_603 = arith.extui %sign3A_602 : vector<32x128xi1> to vector<32x128xi32>
    %sign3A_604 = arith.constant 0 : i32
    %sign3A_605 = vector.broadcast %sign3A_604 : i32 to vector<32x128xi32>
    %sign3A_606 = arith.cmpi slt, %add3A_596, %sign3A_605 : vector<32x128xi32>
    %sign3A_607 = arith.extui %sign3A_606 : vector<32x128xi1> to vector<32x128xi32>
    %sign3A_608 = arith.subi %sign3A_603, %sign3A_607 : vector<32x128xi32>
    %sign3A_609 = arith.constant 0 : i32
    %sign3A_610 = arith.cmpi sgt, %jit3A_597, %sign3A_609 : i32
    %sign3A_611 = arith.extui %sign3A_610 : i1 to i32
    %sign3A_612 = arith.constant 0 : i32
    %sign3A_613 = arith.cmpi slt, %jit3A_597, %sign3A_612 : i32
    %sign3A_614 = arith.extui %sign3A_613 : i1 to i32
    %sign3A_615 = arith.subi %sign3A_611, %sign3A_614 : i32
    %ne3A_616 = vector.broadcast %sign3A_615 : i32 to vector<32x128xi32>
    %ne3A_617 = arith.cmpi ne, %sign3A_608, %ne3A_616 : vector<32x128xi32>
    %rem3A_618 = vector.broadcast %jit3A_597 : i32 to vector<32x128xi32>
    %rem3A_619 = arith.remsi %add3A_596, %rem3A_618 : vector<32x128xi32>
    %ne3A_620 = arith.constant 0 : i32
    %ne3A_621 = vector.broadcast %ne3A_620 : i32 to vector<32x128xi32>
    %ne3A_622 = arith.cmpi ne, %rem3A_619, %ne3A_621 : vector<32x128xi32>
    %and3A_623 = arith.andi %ne3A_617, %ne3A_622 : vector<32x128xi1>
    %sub3A_624 = arith.constant 1 : i32
    %sub3A_625 = vector.broadcast %sub3A_624 : i32 to vector<32x128xi32>
    %sub3A_626 = arith.subi %div3A_599, %sub3A_625 : vector<32x128xi32>
    %select_n3A_627 = arith.select %and3A_623, %sub3A_626, %div3A_599 : vector<32x128xi1>, vector<32x128xi32>
    %convert_element_type3A_628 = arith.sitofp %select_n3A_627 : vector<32x128xi32> to vector<32x128xf32>
    %div3A_629 = vector.broadcast %integer_pow3A : vector<1x1xf32> to vector<32x128xf32>
    %div3A_630 = arith.divf %convert_element_type3A_628, %div3A_629 : vector<32x128xf32>
    %neg3A_631 = arith.constant 0.000000e+00 : f32
    %neg3A_632 = vector.broadcast %neg3A_631 : f32 to vector<32x128xf32>
    %neg3A_633 = arith.subf %neg3A_632, %div3A_630 : vector<32x128xf32>
    %exp3A_634 = math.exp %neg3A_633 : vector<32x128xf32>
    %le3A_635 = arith.cmpf ole, %exp3A_634, %add3A_56 : vector<32x128xf32>
    %add3A_636 = arith.constant 1 : i32
    %add3A_637 = vector.broadcast %add3A_636 : i32 to vector<32x128xi32>
    %add3A_638 = arith.addi %select_n3A_627, %add3A_637 : vector<32x128xi32>
    %select_n3A_639 = arith.select %le3A_635, %select_n3A_595, %add3A_638 : vector<32x128xi1>, vector<32x128xi32>
    %convert_element_type3A_640 = arith.fptosi %add3A_50 : vector<32x128xf32> to vector<32x128xi32>
    %swap3A = arith.constant 0 : index
    %swap3A_641 = arith.constant 0 : index
    %swap3A_642 = vector.load %arg7[%swap3A, %swap3A_641] : memref<32x128xi32, #tpu.memory_space<vmem>>, vector<32x128xi32>
    tpu.vector_store %arg7[%swap3A, %swap3A_641], %convert_element_type3A_640 {strides = array<i32>} : memref<32x128xi32, #tpu.memory_space<vmem>>, vector<32x128xi32>,
    %swap3A_643 = arith.constant 0 : index
    %swap3A_644 = arith.constant 0 : index
    %swap3A_645 = vector.load %arg8[%swap3A_643, %swap3A_644] : memref<32x128xi32, #tpu.memory_space<vmem>>, vector<32x128xi32>
    tpu.vector_store %arg8[%swap3A_643, %swap3A_644], %select_n3A_639 {strides = array<i32>} : memref<32x128xi32, #tpu.memory_space<vmem>>, vector<32x128xi32>,
    %get3A_646 = arith.index_cast %reduce_min3A_33 : i32 to index
    %get3A_647 = arith.constant 0 : index
    %get3A_648 = vector.load %arg2[%get3A_646, %get3A_647] : memref<4096x128xf32, #tpu.memory_space<vmem>>, vector<1x128xf32>
    %swap3A_649 = arith.constant 0 : index
    %swap3A_650 = arith.constant 0 : index
    %swap3A_651 = vector.load %arg9[%swap3A_649, %swap3A_650] : memref<2x128xf32, #tpu.memory_space<vmem>>, vector<1x128xf32>
    tpu.vector_store %arg9[%swap3A_649, %swap3A_650], %get3A_648 {strides = array<i32>} : memref<2x128xf32, #tpu.memory_space<vmem>>, vector<1x128xf32>,
    %broadcast_in_dim3A_652 = arith.constant 0.000000e+00 : f32
    %broadcast_in_dim3A_653 = vector.broadcast %broadcast_in_dim3A_652 : f32 to vector<1x128xf32>
    %swap3A_654 = arith.constant 1 : index
    %swap3A_655 = arith.constant 0 : index
    %swap3A_656 = vector.load %arg9[%swap3A_654, %swap3A_655] : memref<2x128xf32, #tpu.memory_space<vmem>>, vector<1x128xf32>
    tpu.vector_store %arg9[%swap3A_654, %swap3A_655], %broadcast_in_dim3A_653 {strides = array<i32>} : memref<2x128xf32, #tpu.memory_space<vmem>>, vector<1x128xf32>,
    %swap3A_657 = arith.constant 1 : index
    %swap3A_658 = arith.constant 0 : index
    %swap3A_659 = vector.load %arg9[%swap3A_657, %swap3A_658] : memref<2x128xf32, #tpu.memory_space<vmem>>, vector<1x1xf32>
    tpu.vector_store %arg9[%swap3A_657, %swap3A_658], %slice3A {strides = array<i32>} : memref<2x128xf32, #tpu.memory_space<vmem>>, vector<1x1xf32>,
    %swap3A_660 = arith.constant 1 : index
    %swap3A_661 = arith.constant 1 : index
    %swap3A_662 = vector.load %arg9[%swap3A_660, %swap3A_661] : memref<2x128xf32, #tpu.memory_space<vmem>>, vector<1x1xf32>
    tpu.vector_store %arg9[%swap3A_660, %swap3A_661], %slice3A_37 {strides = array<i32>} : memref<2x128xf32, #tpu.memory_space<vmem>>, vector<1x1xf32>,
    %swap3A_663 = arith.constant 1 : index
    %swap3A_664 = arith.constant 2 : index
    %swap3A_665 = vector.load %arg9[%swap3A_663, %swap3A_664] : memref<2x128xf32, #tpu.memory_space<vmem>>, vector<1x1xf32>
    tpu.vector_store %arg9[%swap3A_663, %swap3A_664], %mul3A_7 {strides = array<i32>} : memref<2x128xf32, #tpu.memory_space<vmem>>, vector<1x1xf32>,
    %swap3A_666 = arith.constant 1 : index
    %swap3A_667 = arith.constant 3 : index
    %swap3A_668 = vector.load %arg9[%swap3A_666, %swap3A_667] : memref<2x128xf32, #tpu.memory_space<vmem>>, vector<1x1xf32>
    tpu.vector_store %arg9[%swap3A_666, %swap3A_667], %integer_pow3A {strides = array<i32>} : memref<2x128xf32, #tpu.memory_space<vmem>>, vector<1x1xf32>,
    %convert_element_type3A_669 = arith.fptosi %slice3A : vector<1x1xf32> to vector<1x1xi32>
    %convert_element_type3A_670 = arith.fptosi %slice3A_37 : vector<1x1xf32> to vector<1x1xi32>
    %get3A_671 = arith.constant 0 : index
    %get3A_672 = arith.constant 0 : index
    %get3A_673 = vector.load %arg6[%get3A_671, %get3A_672] : memref<13x128xi32, #tpu.memory_space<vmem>>, vector<13x128xi32>
    %broadcast_in_dim3A_674 = arith.constant 0 : i32
    %broadcast_in_dim3A_675 = vector.broadcast %broadcast_in_dim3A_674 : i32 to vector<13x128xi32>
    %sub3A_676 = arith.constant 1 : i32
    %sub3A_677 = vector.broadcast %sub3A_676 : i32 to vector<13x128xi32>
    %sub3A_678 = arith.subi %get3A_673, %sub3A_677 : vector<13x128xi32>
    %sub3A_679 = arith.constant 0 : i32
    %sub3A_680 = vector.broadcast %sub3A_679 : i32 to vector<1x1xi32>
    %sub3A_681 = arith.subi %sub3A_680, %convert_element_type3A_669 : vector<1x1xi32>
    %sub3A_682 = arith.constant 0 : i32
    %sub3A_683 = vector.broadcast %sub3A_682 : i32 to vector<1x1xi32>
    %sub3A_684 = arith.subi %sub3A_683, %convert_element_type3A_669 : vector<1x1xi32>
    %mul3A_685 = arith.muli %sub3A_681, %sub3A_684 : vector<1x1xi32>
    %sub3A_686 = vector.broadcast %mul3A_685 : vector<1x1xi32> to vector<13x128xi32>
    %sub3A_687 = arith.subi %sub3A_678, %sub3A_686 : vector<13x128xi32>
    %max3A = arith.constant 0 : i32
    %max3A_688 = vector.broadcast %max3A : i32 to vector<13x128xi32>
    %max3A_689 = arith.maxsi %sub3A_687, %max3A_688 : vector<13x128xi32>
    %convert_element_type3A_690 = arith.sitofp %max3A_689 : vector<13x128xi32> to vector<13x128xf32>
    %sqrt3A_691 = math.sqrt %convert_element_type3A_690 : vector<13x128xf32>
    %convert_element_type3A_692 = arith.fptosi %sqrt3A_691 : vector<13x128xf32> to vector<13x128xi32>
    %mul3A_693 = arith.muli %convert_element_type3A_692, %convert_element_type3A_692 : vector<13x128xi32>
    %gt3A = arith.cmpi sgt, %mul3A_693, %max3A_689 : vector<13x128xi32>
    %sub3A_694 = arith.constant 1 : i32
    %sub3A_695 = vector.broadcast %sub3A_694 : i32 to vector<13x128xi32>
    %sub3A_696 = arith.subi %convert_element_type3A_692, %sub3A_695 : vector<13x128xi32>
    %select_n3A_697 = arith.select %gt3A, %sub3A_696, %convert_element_type3A_692 : vector<13x128xi1>, vector<13x128xi32>
    %add3A_698 = arith.constant 1 : i32
    %add3A_699 = vector.broadcast %add3A_698 : i32 to vector<13x128xi32>
    %add3A_700 = arith.addi %select_n3A_697, %add3A_699 : vector<13x128xi32>
    %add3A_701 = arith.constant 1 : i32
    %add3A_702 = vector.broadcast %add3A_701 : i32 to vector<13x128xi32>
    %add3A_703 = arith.addi %select_n3A_697, %add3A_702 : vector<13x128xi32>
    %mul3A_704 = arith.muli %add3A_700, %add3A_703 : vector<13x128xi32>
    %le3A_705 = arith.cmpi sle, %mul3A_704, %max3A_689 : vector<13x128xi32>
    %add3A_706 = arith.constant 1 : i32
    %add3A_707 = vector.broadcast %add3A_706 : i32 to vector<13x128xi32>
    %add3A_708 = arith.addi %select_n3A_697, %add3A_707 : vector<13x128xi32>
    %select_n3A_709 = arith.select %le3A_705, %add3A_708, %select_n3A_697 : vector<13x128xi1>, vector<13x128xi32>
    %add3A_710 = vector.broadcast %convert_element_type3A_670 : vector<1x1xi32> to vector<13x128xi32>
    %add3A_711 = arith.addi %add3A_710, %select_n3A_709 : vector<13x128xi32>
    %min3A = arith.constant 63 : i32
    %min3A_712 = vector.broadcast %min3A : i32 to vector<13x128xi32>
    %min3A_713 = arith.minsi %min3A_712, %add3A_711 : vector<13x128xi32>
    %sub3A_714 = vector.broadcast %convert_element_type3A_670 : vector<1x1xi32> to vector<13x128xi32>
    %sub3A_715 = arith.subi %sub3A_714, %select_n3A_709 : vector<13x128xi32>
    %max3A_716 = arith.constant 0 : i32
    %max3A_717 = vector.broadcast %max3A_716 : i32 to vector<13x128xi32>
    %max3A_718 = arith.maxsi %max3A_717, %sub3A_715 : vector<13x128xi32>
    %sub3A_719 = arith.subi %min3A_713, %max3A_718 : vector<13x128xi32>
    %add3A_720 = arith.constant 1 : i32
    %add3A_721 = vector.broadcast %add3A_720 : i32 to vector<13x128xi32>
    %add3A_722 = arith.addi %sub3A_719, %add3A_721 : vector<13x128xi32>
    %lt3A = arith.constant 0 : i32
    %lt3A_723 = vector.broadcast %lt3A : i32 to vector<13x128xi32>
    %lt3A_724 = arith.cmpi slt, %sub3A_687, %lt3A_723 : vector<13x128xi32>
    %jit3A_725 = arith.constant 0 : i32
    %broadcast_in_dim3A_726 = vector.broadcast %jit3A_725 : i32 to vector<13x128xi32>
    %select_n3A_727 = arith.select %lt3A_724, %broadcast_in_dim3A_726, %add3A_722 : vector<13x128xi1>, vector<13x128xi32>
    %add3A_728 = arith.addi %broadcast_in_dim3A_675, %select_n3A_727 : vector<13x128xi32>
    %sub3A_729 = arith.constant 1 : i32
    %sub3A_730 = vector.broadcast %sub3A_729 : i32 to vector<13x128xi32>
    %sub3A_731 = arith.subi %get3A_673, %sub3A_730 : vector<13x128xi32>
    %sub3A_732 = arith.constant 1 : i32
    %sub3A_733 = vector.broadcast %sub3A_732 : i32 to vector<1x1xi32>
    %sub3A_734 = arith.subi %sub3A_733, %convert_element_type3A_669 : vector<1x1xi32>
    %sub3A_735 = arith.constant 1 : i32
    %sub3A_736 = vector.broadcast %sub3A_735 : i32 to vector<1x1xi32>
    %sub3A_737 = arith.subi %sub3A_736, %convert_element_type3A_669 : vector<1x1xi32>
    %mul3A_738 = arith.muli %sub3A_734, %sub3A_737 : vector<1x1xi32>
    %sub3A_739 = vector.broadcast %mul3A_738 : vector<1x1xi32> to vector<13x128xi32>
    %sub3A_740 = arith.subi %sub3A_731, %sub3A_739 : vector<13x128xi32>
    %max3A_741 = arith.constant 0 : i32
    %max3A_742 = vector.broadcast %max3A_741 : i32 to vector<13x128xi32>
    %max3A_743 = arith.maxsi %sub3A_740, %max3A_742 : vector<13x128xi32>
    %convert_element_type3A_744 = arith.sitofp %max3A_743 : vector<13x128xi32> to vector<13x128xf32>
    %sqrt3A_745 = math.sqrt %convert_element_type3A_744 : vector<13x128xf32>
    %convert_element_type3A_746 = arith.fptosi %sqrt3A_745 : vector<13x128xf32> to vector<13x128xi32>
    %mul3A_747 = arith.muli %convert_element_type3A_746, %convert_element_type3A_746 : vector<13x128xi32>
    %gt3A_748 = arith.cmpi sgt, %mul3A_747, %max3A_743 : vector<13x128xi32>
    %sub3A_749 = arith.constant 1 : i32
    %sub3A_750 = vector.broadcast %sub3A_749 : i32 to vector<13x128xi32>
    %sub3A_751 = arith.subi %convert_element_type3A_746, %sub3A_750 : vector<13x128xi32>
    %select_n3A_752 = arith.select %gt3A_748, %sub3A_751, %convert_element_type3A_746 : vector<13x128xi1>, vector<13x128xi32>
    %add3A_753 = arith.constant 1 : i32
    %add3A_754 = vector.broadcast %add3A_753 : i32 to vector<13x128xi32>
    %add3A_755 = arith.addi %select_n3A_752, %add3A_754 : vector<13x128xi32>
    %add3A_756 = arith.constant 1 : i32
    %add3A_757 = vector.broadcast %add3A_756 : i32 to vector<13x128xi32>
    %add3A_758 = arith.addi %select_n3A_752, %add3A_757 : vector<13x128xi32>
    %mul3A_759 = arith.muli %add3A_755, %add3A_758 : vector<13x128xi32>
    %le3A_760 = arith.cmpi sle, %mul3A_759, %max3A_743 : vector<13x128xi32>
    %add3A_761 = arith.constant 1 : i32
    %add3A_762 = vector.broadcast %add3A_761 : i32 to vector<13x128xi32>
    %add3A_763 = arith.addi %select_n3A_752, %add3A_762 : vector<13x128xi32>
    %select_n3A_764 = arith.select %le3A_760, %add3A_763, %select_n3A_752 : vector<13x128xi1>, vector<13x128xi32>
    %add3A_765 = vector.broadcast %convert_element_type3A_670 : vector<1x1xi32> to vector<13x128xi32>
    %add3A_766 = arith.addi %add3A_765, %select_n3A_764 : vector<13x128xi32>
    %min3A_767 = arith.constant 63 : i32
    %min3A_768 = vector.broadcast %min3A_767 : i32 to vector<13x128xi32>
    %min3A_769 = arith.minsi %min3A_768, %add3A_766 : vector<13x128xi32>
    %sub3A_770 = vector.broadcast %convert_element_type3A_670 : vector<1x1xi32> to vector<13x128xi32>
    %sub3A_771 = arith.subi %sub3A_770, %select_n3A_764 : vector<13x128xi32>
    %max3A_772 = arith.constant 0 : i32
    %max3A_773 = vector.broadcast %max3A_772 : i32 to vector<13x128xi32>
    %max3A_774 = arith.maxsi %max3A_773, %sub3A_771 : vector<13x128xi32>
    %sub3A_775 = arith.subi %min3A_769, %max3A_774 : vector<13x128xi32>
    %add3A_776 = arith.constant 1 : i32
    %add3A_777 = vector.broadcast %add3A_776 : i32 to vector<13x128xi32>
    %add3A_778 = arith.addi %sub3A_775, %add3A_777 : vector<13x128xi32>
    %lt3A_779 = arith.constant 0 : i32
    %lt3A_780 = vector.broadcast %lt3A_779 : i32 to vector<13x128xi32>
    %lt3A_781 = arith.cmpi slt, %sub3A_740, %lt3A_780 : vector<13x128xi32>
    %jit3A_782 = arith.constant 0 : i32
    %broadcast_in_dim3A_783 = vector.broadcast %jit3A_782 : i32 to vector<13x128xi32>
    %select_n3A_784 = arith.select %lt3A_781, %broadcast_in_dim3A_783, %add3A_778 : vector<13x128xi1>, vector<13x128xi32>
    %add3A_785 = arith.addi %add3A_728, %select_n3A_784 : vector<13x128xi32>
    %sub3A_786 = arith.constant 1 : i32
    %sub3A_787 = vector.broadcast %sub3A_786 : i32 to vector<13x128xi32>
    %sub3A_788 = arith.subi %get3A_673, %sub3A_787 : vector<13x128xi32>
    %sub3A_789 = arith.constant 2 : i32
    %sub3A_790 = vector.broadcast %sub3A_789 : i32 to vector<1x1xi32>
    %sub3A_791 = arith.subi %sub3A_790, %convert_element_type3A_669 : vector<1x1xi32>
    %sub3A_792 = arith.constant 2 : i32
    %sub3A_793 = vector.broadcast %sub3A_792 : i32 to vector<1x1xi32>
    %sub3A_794 = arith.subi %sub3A_793, %convert_element_type3A_669 : vector<1x1xi32>
    %mul3A_795 = arith.muli %sub3A_791, %sub3A_794 : vector<1x1xi32>
    %sub3A_796 = vector.broadcast %mul3A_795 : vector<1x1xi32> to vector<13x128xi32>
    %sub3A_797 = arith.subi %sub3A_788, %sub3A_796 : vector<13x128xi32>
    %max3A_798 = arith.constant 0 : i32
    %max3A_799 = vector.broadcast %max3A_798 : i32 to vector<13x128xi32>
    %max3A_800 = arith.maxsi %sub3A_797, %max3A_799 : vector<13x128xi32>
    %convert_element_type3A_801 = arith.sitofp %max3A_800 : vector<13x128xi32> to vector<13x128xf32>
    %sqrt3A_802 = math.sqrt %convert_element_type3A_801 : vector<13x128xf32>
    %convert_element_type3A_803 = arith.fptosi %sqrt3A_802 : vector<13x128xf32> to vector<13x128xi32>
    %mul3A_804 = arith.muli %convert_element_type3A_803, %convert_element_type3A_803 : vector<13x128xi32>
    %gt3A_805 = arith.cmpi sgt, %mul3A_804, %max3A_800 : vector<13x128xi32>
    %sub3A_806 = arith.constant 1 : i32
    %sub3A_807 = vector.broadcast %sub3A_806 : i32 to vector<13x128xi32>
    %sub3A_808 = arith.subi %convert_element_type3A_803, %sub3A_807 : vector<13x128xi32>
    %select_n3A_809 = arith.select %gt3A_805, %sub3A_808, %convert_element_type3A_803 : vector<13x128xi1>, vector<13x128xi32>
    %add3A_810 = arith.constant 1 : i32
    %add3A_811 = vector.broadcast %add3A_810 : i32 to vector<13x128xi32>
    %add3A_812 = arith.addi %select_n3A_809, %add3A_811 : vector<13x128xi32>
    %add3A_813 = arith.constant 1 : i32
    %add3A_814 = vector.broadcast %add3A_813 : i32 to vector<13x128xi32>
    %add3A_815 = arith.addi %select_n3A_809, %add3A_814 : vector<13x128xi32>
    %mul3A_816 = arith.muli %add3A_812, %add3A_815 : vector<13x128xi32>
    %le3A_817 = arith.cmpi sle, %mul3A_816, %max3A_800 : vector<13x128xi32>
    %add3A_818 = arith.constant 1 : i32
    %add3A_819 = vector.broadcast %add3A_818 : i32 to vector<13x128xi32>
    %add3A_820 = arith.addi %select_n3A_809, %add3A_819 : vector<13x128xi32>
    %select_n3A_821 = arith.select %le3A_817, %add3A_820, %select_n3A_809 : vector<13x128xi1>, vector<13x128xi32>
    %add3A_822 = vector.broadcast %convert_element_type3A_670 : vector<1x1xi32> to vector<13x128xi32>
    %add3A_823 = arith.addi %add3A_822, %select_n3A_821 : vector<13x128xi32>
    %min3A_824 = arith.constant 63 : i32
    %min3A_825 = vector.broadcast %min3A_824 : i32 to vector<13x128xi32>
    %min3A_826 = arith.minsi %min3A_825, %add3A_823 : vector<13x128xi32>
    %sub3A_827 = vector.broadcast %convert_element_type3A_670 : vector<1x1xi32> to vector<13x128xi32>
    %sub3A_828 = arith.subi %sub3A_827, %select_n3A_821 : vector<13x128xi32>
    %max3A_829 = arith.constant 0 : i32
    %max3A_830 = vector.broadcast %max3A_829 : i32 to vector<13x128xi32>
    %max3A_831 = arith.maxsi %max3A_830, %sub3A_828 : vector<13x128xi32>
    %sub3A_832 = arith.subi %min3A_826, %max3A_831 : vector<13x128xi32>
    %add3A_833 = arith.constant 1 : i32
    %add3A_834 = vector.broadcast %add3A_833 : i32 to vector<13x128xi32>
    %add3A_835 = arith.addi %sub3A_832, %add3A_834 : vector<13x128xi32>
    %lt3A_836 = arith.constant 0 : i32
    %lt3A_837 = vector.broadcast %lt3A_836 : i32 to vector<13x128xi32>
    %lt3A_838 = arith.cmpi slt, %sub3A_797, %lt3A_837 : vector<13x128xi32>
    %jit3A_839 = arith.constant 0 : i32
    %broadcast_in_dim3A_840 = vector.broadcast %jit3A_839 : i32 to vector<13x128xi32>
    %select_n3A_841 = arith.select %lt3A_838, %broadcast_in_dim3A_840, %add3A_835 : vector<13x128xi1>, vector<13x128xi32>
    %add3A_842 = arith.addi %add3A_785, %select_n3A_841 : vector<13x128xi32>
    %sub3A_843 = arith.constant 1 : i32
    %sub3A_844 = vector.broadcast %sub3A_843 : i32 to vector<13x128xi32>
    %sub3A_845 = arith.subi %get3A_673, %sub3A_844 : vector<13x128xi32>
    %sub3A_846 = arith.constant 3 : i32
    %sub3A_847 = vector.broadcast %sub3A_846 : i32 to vector<1x1xi32>
    %sub3A_848 = arith.subi %sub3A_847, %convert_element_type3A_669 : vector<1x1xi32>
    %sub3A_849 = arith.constant 3 : i32
    %sub3A_850 = vector.broadcast %sub3A_849 : i32 to vector<1x1xi32>
    %sub3A_851 = arith.subi %sub3A_850, %convert_element_type3A_669 : vector<1x1xi32>
    %mul3A_852 = arith.muli %sub3A_848, %sub3A_851 : vector<1x1xi32>
    %sub3A_853 = vector.broadcast %mul3A_852 : vector<1x1xi32> to vector<13x128xi32>
    %sub3A_854 = arith.subi %sub3A_845, %sub3A_853 : vector<13x128xi32>
    %max3A_855 = arith.constant 0 : i32
    %max3A_856 = vector.broadcast %max3A_855 : i32 to vector<13x128xi32>
    %max3A_857 = arith.maxsi %sub3A_854, %max3A_856 : vector<13x128xi32>
    %convert_element_type3A_858 = arith.sitofp %max3A_857 : vector<13x128xi32> to vector<13x128xf32>
    %sqrt3A_859 = math.sqrt %convert_element_type3A_858 : vector<13x128xf32>
    %convert_element_type3A_860 = arith.fptosi %sqrt3A_859 : vector<13x128xf32> to vector<13x128xi32>
    %mul3A_861 = arith.muli %convert_element_type3A_860, %convert_element_type3A_860 : vector<13x128xi32>
    %gt3A_862 = arith.cmpi sgt, %mul3A_861, %max3A_857 : vector<13x128xi32>
    %sub3A_863 = arith.constant 1 : i32
    %sub3A_864 = vector.broadcast %sub3A_863 : i32 to vector<13x128xi32>
    %sub3A_865 = arith.subi %convert_element_type3A_860, %sub3A_864 : vector<13x128xi32>
    %select_n3A_866 = arith.select %gt3A_862, %sub3A_865, %convert_element_type3A_860 : vector<13x128xi1>, vector<13x128xi32>
    %add3A_867 = arith.constant 1 : i32
    %add3A_868 = vector.broadcast %add3A_867 : i32 to vector<13x128xi32>
    %add3A_869 = arith.addi %select_n3A_866, %add3A_868 : vector<13x128xi32>
    %add3A_870 = arith.constant 1 : i32
    %add3A_871 = vector.broadcast %add3A_870 : i32 to vector<13x128xi32>
    %add3A_872 = arith.addi %select_n3A_866, %add3A_871 : vector<13x128xi32>
    %mul3A_873 = arith.muli %add3A_869, %add3A_872 : vector<13x128xi32>
    %le3A_874 = arith.cmpi sle, %mul3A_873, %max3A_857 : vector<13x128xi32>
    %add3A_875 = arith.constant 1 : i32
    %add3A_876 = vector.broadcast %add3A_875 : i32 to vector<13x128xi32>
    %add3A_877 = arith.addi %select_n3A_866, %add3A_876 : vector<13x128xi32>
    %select_n3A_878 = arith.select %le3A_874, %add3A_877, %select_n3A_866 : vector<13x128xi1>, vector<13x128xi32>
    %add3A_879 = vector.broadcast %convert_element_type3A_670 : vector<1x1xi32> to vector<13x128xi32>
    %add3A_880 = arith.addi %add3A_879, %select_n3A_878 : vector<13x128xi32>
    %min3A_881 = arith.constant 63 : i32
    %min3A_882 = vector.broadcast %min3A_881 : i32 to vector<13x128xi32>
    %min3A_883 = arith.minsi %min3A_882, %add3A_880 : vector<13x128xi32>
    %sub3A_884 = vector.broadcast %convert_element_type3A_670 : vector<1x1xi32> to vector<13x128xi32>
    %sub3A_885 = arith.subi %sub3A_884, %select_n3A_878 : vector<13x128xi32>
    %max3A_886 = arith.constant 0 : i32
    %max3A_887 = vector.broadcast %max3A_886 : i32 to vector<13x128xi32>
    %max3A_888 = arith.maxsi %max3A_887, %sub3A_885 : vector<13x128xi32>
    %sub3A_889 = arith.subi %min3A_883, %max3A_888 : vector<13x128xi32>
    %add3A_890 = arith.constant 1 : i32
    %add3A_891 = vector.broadcast %add3A_890 : i32 to vector<13x128xi32>
    %add3A_892 = arith.addi %sub3A_889, %add3A_891 : vector<13x128xi32>
    %lt3A_893 = arith.constant 0 : i32
    %lt3A_894 = vector.broadcast %lt3A_893 : i32 to vector<13x128xi32>
    %lt3A_895 = arith.cmpi slt, %sub3A_854, %lt3A_894 : vector<13x128xi32>
    %jit3A_896 = arith.constant 0 : i32
    %broadcast_in_dim3A_897 = vector.broadcast %jit3A_896 : i32 to vector<13x128xi32>
    %select_n3A_898 = arith.select %lt3A_895, %broadcast_in_dim3A_897, %add3A_892 : vector<13x128xi1>, vector<13x128xi32>
    %add3A_899 = arith.addi %add3A_842, %select_n3A_898 : vector<13x128xi32>
    %sub3A_900 = arith.constant 1 : i32
    %sub3A_901 = vector.broadcast %sub3A_900 : i32 to vector<13x128xi32>
    %sub3A_902 = arith.subi %get3A_673, %sub3A_901 : vector<13x128xi32>
    %sub3A_903 = arith.constant 4 : i32
    %sub3A_904 = vector.broadcast %sub3A_903 : i32 to vector<1x1xi32>
    %sub3A_905 = arith.subi %sub3A_904, %convert_element_type3A_669 : vector<1x1xi32>
    %sub3A_906 = arith.constant 4 : i32
    %sub3A_907 = vector.broadcast %sub3A_906 : i32 to vector<1x1xi32>
    %sub3A_908 = arith.subi %sub3A_907, %convert_element_type3A_669 : vector<1x1xi32>
    %mul3A_909 = arith.muli %sub3A_905, %sub3A_908 : vector<1x1xi32>
    %sub3A_910 = vector.broadcast %mul3A_909 : vector<1x1xi32> to vector<13x128xi32>
    %sub3A_911 = arith.subi %sub3A_902, %sub3A_910 : vector<13x128xi32>
    %max3A_912 = arith.constant 0 : i32
    %max3A_913 = vector.broadcast %max3A_912 : i32 to vector<13x128xi32>
    %max3A_914 = arith.maxsi %sub3A_911, %max3A_913 : vector<13x128xi32>
    %convert_element_type3A_915 = arith.sitofp %max3A_914 : vector<13x128xi32> to vector<13x128xf32>
    %sqrt3A_916 = math.sqrt %convert_element_type3A_915 : vector<13x128xf32>
    %convert_element_type3A_917 = arith.fptosi %sqrt3A_916 : vector<13x128xf32> to vector<13x128xi32>
    %mul3A_918 = arith.muli %convert_element_type3A_917, %convert_element_type3A_917 : vector<13x128xi32>
    %gt3A_919 = arith.cmpi sgt, %mul3A_918, %max3A_914 : vector<13x128xi32>
    %sub3A_920 = arith.constant 1 : i32
    %sub3A_921 = vector.broadcast %sub3A_920 : i32 to vector<13x128xi32>
    %sub3A_922 = arith.subi %convert_element_type3A_917, %sub3A_921 : vector<13x128xi32>
    %select_n3A_923 = arith.select %gt3A_919, %sub3A_922, %convert_element_type3A_917 : vector<13x128xi1>, vector<13x128xi32>
    %add3A_924 = arith.constant 1 : i32
    %add3A_925 = vector.broadcast %add3A_924 : i32 to vector<13x128xi32>
    %add3A_926 = arith.addi %select_n3A_923, %add3A_925 : vector<13x128xi32>
    %add3A_927 = arith.constant 1 : i32
    %add3A_928 = vector.broadcast %add3A_927 : i32 to vector<13x128xi32>
    %add3A_929 = arith.addi %select_n3A_923, %add3A_928 : vector<13x128xi32>
    %mul3A_930 = arith.muli %add3A_926, %add3A_929 : vector<13x128xi32>
    %le3A_931 = arith.cmpi sle, %mul3A_930, %max3A_914 : vector<13x128xi32>
    %add3A_932 = arith.constant 1 : i32
    %add3A_933 = vector.broadcast %add3A_932 : i32 to vector<13x128xi32>
    %add3A_934 = arith.addi %select_n3A_923, %add3A_933 : vector<13x128xi32>
    %select_n3A_935 = arith.select %le3A_931, %add3A_934, %select_n3A_923 : vector<13x128xi1>, vector<13x128xi32>
    %add3A_936 = vector.broadcast %convert_element_type3A_670 : vector<1x1xi32> to vector<13x128xi32>
    %add3A_937 = arith.addi %add3A_936, %select_n3A_935 : vector<13x128xi32>
    %min3A_938 = arith.constant 63 : i32
    %min3A_939 = vector.broadcast %min3A_938 : i32 to vector<13x128xi32>
    %min3A_940 = arith.minsi %min3A_939, %add3A_937 : vector<13x128xi32>
    %sub3A_941 = vector.broadcast %convert_element_type3A_670 : vector<1x1xi32> to vector<13x128xi32>
    %sub3A_942 = arith.subi %sub3A_941, %select_n3A_935 : vector<13x128xi32>
    %max3A_943 = arith.constant 0 : i32
    %max3A_944 = vector.broadcast %max3A_943 : i32 to vector<13x128xi32>
    %max3A_945 = arith.maxsi %max3A_944, %sub3A_942 : vector<13x128xi32>
    %sub3A_946 = arith.subi %min3A_940, %max3A_945 : vector<13x128xi32>
    %add3A_947 = arith.constant 1 : i32
    %add3A_948 = vector.broadcast %add3A_947 : i32 to vector<13x128xi32>
    %add3A_949 = arith.addi %sub3A_946, %add3A_948 : vector<13x128xi32>
    %lt3A_950 = arith.constant 0 : i32
    %lt3A_951 = vector.broadcast %lt3A_950 : i32 to vector<13x128xi32>
    %lt3A_952 = arith.cmpi slt, %sub3A_911, %lt3A_951 : vector<13x128xi32>
    %jit3A_953 = arith.constant 0 : i32
    %broadcast_in_dim3A_954 = vector.broadcast %jit3A_953 : i32 to vector<13x128xi32>
    %select_n3A_955 = arith.select %lt3A_952, %broadcast_in_dim3A_954, %add3A_949 : vector<13x128xi1>, vector<13x128xi32>
    %add3A_956 = arith.addi %add3A_899, %select_n3A_955 : vector<13x128xi32>
    %sub3A_957 = arith.constant 1 : i32
    %sub3A_958 = vector.broadcast %sub3A_957 : i32 to vector<13x128xi32>
    %sub3A_959 = arith.subi %get3A_673, %sub3A_958 : vector<13x128xi32>
    %sub3A_960 = arith.constant 5 : i32
    %sub3A_961 = vector.broadcast %sub3A_960 : i32 to vector<1x1xi32>
    %sub3A_962 = arith.subi %sub3A_961, %convert_element_type3A_669 : vector<1x1xi32>
    %sub3A_963 = arith.constant 5 : i32
    %sub3A_964 = vector.broadcast %sub3A_963 : i32 to vector<1x1xi32>
    %sub3A_965 = arith.subi %sub3A_964, %convert_element_type3A_669 : vector<1x1xi32>
    %mul3A_966 = arith.muli %sub3A_962, %sub3A_965 : vector<1x1xi32>
    %sub3A_967 = vector.broadcast %mul3A_966 : vector<1x1xi32> to vector<13x128xi32>
    %sub3A_968 = arith.subi %sub3A_959, %sub3A_967 : vector<13x128xi32>
    %max3A_969 = arith.constant 0 : i32
    %max3A_970 = vector.broadcast %max3A_969 : i32 to vector<13x128xi32>
    %max3A_971 = arith.maxsi %sub3A_968, %max3A_970 : vector<13x128xi32>
    %convert_element_type3A_972 = arith.sitofp %max3A_971 : vector<13x128xi32> to vector<13x128xf32>
    %sqrt3A_973 = math.sqrt %convert_element_type3A_972 : vector<13x128xf32>
    %convert_element_type3A_974 = arith.fptosi %sqrt3A_973 : vector<13x128xf32> to vector<13x128xi32>
    %mul3A_975 = arith.muli %convert_element_type3A_974, %convert_element_type3A_974 : vector<13x128xi32>
    %gt3A_976 = arith.cmpi sgt, %mul3A_975, %max3A_971 : vector<13x128xi32>
    %sub3A_977 = arith.constant 1 : i32
    %sub3A_978 = vector.broadcast %sub3A_977 : i32 to vector<13x128xi32>
    %sub3A_979 = arith.subi %convert_element_type3A_974, %sub3A_978 : vector<13x128xi32>
    %select_n3A_980 = arith.select %gt3A_976, %sub3A_979, %convert_element_type3A_974 : vector<13x128xi1>, vector<13x128xi32>
    %add3A_981 = arith.constant 1 : i32
    %add3A_982 = vector.broadcast %add3A_981 : i32 to vector<13x128xi32>
    %add3A_983 = arith.addi %select_n3A_980, %add3A_982 : vector<13x128xi32>
    %add3A_984 = arith.constant 1 : i32
    %add3A_985 = vector.broadcast %add3A_984 : i32 to vector<13x128xi32>
    %add3A_986 = arith.addi %select_n3A_980, %add3A_985 : vector<13x128xi32>
    %mul3A_987 = arith.muli %add3A_983, %add3A_986 : vector<13x128xi32>
    %le3A_988 = arith.cmpi sle, %mul3A_987, %max3A_971 : vector<13x128xi32>
    %add3A_989 = arith.constant 1 : i32
    %add3A_990 = vector.broadcast %add3A_989 : i32 to vector<13x128xi32>
    %add3A_991 = arith.addi %select_n3A_980, %add3A_990 : vector<13x128xi32>
    %select_n3A_992 = arith.select %le3A_988, %add3A_991, %select_n3A_980 : vector<13x128xi1>, vector<13x128xi32>
    %add3A_993 = vector.broadcast %convert_element_type3A_670 : vector<1x1xi32> to vector<13x128xi32>
    %add3A_994 = arith.addi %add3A_993, %select_n3A_992 : vector<13x128xi32>
    %min3A_995 = arith.constant 63 : i32
    %min3A_996 = vector.broadcast %min3A_995 : i32 to vector<13x128xi32>
    %min3A_997 = arith.minsi %min3A_996, %add3A_994 : vector<13x128xi32>
    %sub3A_998 = vector.broadcast %convert_element_type3A_670 : vector<1x1xi32> to vector<13x128xi32>
    %sub3A_999 = arith.subi %sub3A_998, %select_n3A_992 : vector<13x128xi32>
    %max3A_1000 = arith.constant 0 : i32
    %max3A_1001 = vector.broadcast %max3A_1000 : i32 to vector<13x128xi32>
    %max3A_1002 = arith.maxsi %max3A_1001, %sub3A_999 : vector<13x128xi32>
    %sub3A_1003 = arith.subi %min3A_997, %max3A_1002 : vector<13x128xi32>
    %add3A_1004 = arith.constant 1 : i32
    %add3A_1005 = vector.broadcast %add3A_1004 : i32 to vector<13x128xi32>
    %add3A_1006 = arith.addi %sub3A_1003, %add3A_1005 : vector<13x128xi32>
    %lt3A_1007 = arith.constant 0 : i32
    %lt3A_1008 = vector.broadcast %lt3A_1007 : i32 to vector<13x128xi32>
    %lt3A_1009 = arith.cmpi slt, %sub3A_968, %lt3A_1008 : vector<13x128xi32>
    %jit3A_1010 = arith.constant 0 : i32
    %broadcast_in_dim3A_1011 = vector.broadcast %jit3A_1010 : i32 to vector<13x128xi32>
    %select_n3A_1012 = arith.select %lt3A_1009, %broadcast_in_dim3A_1011, %add3A_1006 : vector<13x128xi1>, vector<13x128xi32>
    %add3A_1013 = arith.addi %add3A_956, %select_n3A_1012 : vector<13x128xi32>
    %sub3A_1014 = arith.constant 1 : i32
    %sub3A_1015 = vector.broadcast %sub3A_1014 : i32 to vector<13x128xi32>
    %sub3A_1016 = arith.subi %get3A_673, %sub3A_1015 : vector<13x128xi32>
    %sub3A_1017 = arith.constant 6 : i32
    %sub3A_1018 = vector.broadcast %sub3A_1017 : i32 to vector<1x1xi32>
    %sub3A_1019 = arith.subi %sub3A_1018, %convert_element_type3A_669 : vector<1x1xi32>
    %sub3A_1020 = arith.constant 6 : i32
    %sub3A_1021 = vector.broadcast %sub3A_1020 : i32 to vector<1x1xi32>
    %sub3A_1022 = arith.subi %sub3A_1021, %convert_element_type3A_669 : vector<1x1xi32>
    %mul3A_1023 = arith.muli %sub3A_1019, %sub3A_1022 : vector<1x1xi32>
    %sub3A_1024 = vector.broadcast %mul3A_1023 : vector<1x1xi32> to vector<13x128xi32>
    %sub3A_1025 = arith.subi %sub3A_1016, %sub3A_1024 : vector<13x128xi32>
    %max3A_1026 = arith.constant 0 : i32
    %max3A_1027 = vector.broadcast %max3A_1026 : i32 to vector<13x128xi32>
    %max3A_1028 = arith.maxsi %sub3A_1025, %max3A_1027 : vector<13x128xi32>
    %convert_element_type3A_1029 = arith.sitofp %max3A_1028 : vector<13x128xi32> to vector<13x128xf32>
    %sqrt3A_1030 = math.sqrt %convert_element_type3A_1029 : vector<13x128xf32>
    %convert_element_type3A_1031 = arith.fptosi %sqrt3A_1030 : vector<13x128xf32> to vector<13x128xi32>
    %mul3A_1032 = arith.muli %convert_element_type3A_1031, %convert_element_type3A_1031 : vector<13x128xi32>
    %gt3A_1033 = arith.cmpi sgt, %mul3A_1032, %max3A_1028 : vector<13x128xi32>
    %sub3A_1034 = arith.constant 1 : i32
    %sub3A_1035 = vector.broadcast %sub3A_1034 : i32 to vector<13x128xi32>
    %sub3A_1036 = arith.subi %convert_element_type3A_1031, %sub3A_1035 : vector<13x128xi32>
    %select_n3A_1037 = arith.select %gt3A_1033, %sub3A_1036, %convert_element_type3A_1031 : vector<13x128xi1>, vector<13x128xi32>
    %add3A_1038 = arith.constant 1 : i32
    %add3A_1039 = vector.broadcast %add3A_1038 : i32 to vector<13x128xi32>
    %add3A_1040 = arith.addi %select_n3A_1037, %add3A_1039 : vector<13x128xi32>
    %add3A_1041 = arith.constant 1 : i32
    %add3A_1042 = vector.broadcast %add3A_1041 : i32 to vector<13x128xi32>
    %add3A_1043 = arith.addi %select_n3A_1037, %add3A_1042 : vector<13x128xi32>
    %mul3A_1044 = arith.muli %add3A_1040, %add3A_1043 : vector<13x128xi32>
    %le3A_1045 = arith.cmpi sle, %mul3A_1044, %max3A_1028 : vector<13x128xi32>
    %add3A_1046 = arith.constant 1 : i32
    %add3A_1047 = vector.broadcast %add3A_1046 : i32 to vector<13x128xi32>
    %add3A_1048 = arith.addi %select_n3A_1037, %add3A_1047 : vector<13x128xi32>
    %select_n3A_1049 = arith.select %le3A_1045, %add3A_1048, %select_n3A_1037 : vector<13x128xi1>, vector<13x128xi32>
    %add3A_1050 = vector.broadcast %convert_element_type3A_670 : vector<1x1xi32> to vector<13x128xi32>
    %add3A_1051 = arith.addi %add3A_1050, %select_n3A_1049 : vector<13x128xi32>
    %min3A_1052 = arith.constant 63 : i32
    %min3A_1053 = vector.broadcast %min3A_1052 : i32 to vector<13x128xi32>
    %min3A_1054 = arith.minsi %min3A_1053, %add3A_1051 : vector<13x128xi32>
    %sub3A_1055 = vector.broadcast %convert_element_type3A_670 : vector<1x1xi32> to vector<13x128xi32>
    %sub3A_1056 = arith.subi %sub3A_1055, %select_n3A_1049 : vector<13x128xi32>
    %max3A_1057 = arith.constant 0 : i32
    %max3A_1058 = vector.broadcast %max3A_1057 : i32 to vector<13x128xi32>
    %max3A_1059 = arith.maxsi %max3A_1058, %sub3A_1056 : vector<13x128xi32>
    %sub3A_1060 = arith.subi %min3A_1054, %max3A_1059 : vector<13x128xi32>
    %add3A_1061 = arith.constant 1 : i32
    %add3A_1062 = vector.broadcast %add3A_1061 : i32 to vector<13x128xi32>
    %add3A_1063 = arith.addi %sub3A_1060, %add3A_1062 : vector<13x128xi32>
    %lt3A_1064 = arith.constant 0 : i32
    %lt3A_1065 = vector.broadcast %lt3A_1064 : i32 to vector<13x128xi32>
    %lt3A_1066 = arith.cmpi slt, %sub3A_1025, %lt3A_1065 : vector<13x128xi32>
    %jit3A_1067 = arith.constant 0 : i32
    %broadcast_in_dim3A_1068 = vector.broadcast %jit3A_1067 : i32 to vector<13x128xi32>
    %select_n3A_1069 = arith.select %lt3A_1066, %broadcast_in_dim3A_1068, %add3A_1063 : vector<13x128xi1>, vector<13x128xi32>
    %add3A_1070 = arith.addi %add3A_1013, %select_n3A_1069 : vector<13x128xi32>
    %sub3A_1071 = arith.constant 1 : i32
    %sub3A_1072 = vector.broadcast %sub3A_1071 : i32 to vector<13x128xi32>
    %sub3A_1073 = arith.subi %get3A_673, %sub3A_1072 : vector<13x128xi32>
    %sub3A_1074 = arith.constant 7 : i32
    %sub3A_1075 = vector.broadcast %sub3A_1074 : i32 to vector<1x1xi32>
    %sub3A_1076 = arith.subi %sub3A_1075, %convert_element_type3A_669 : vector<1x1xi32>
    %sub3A_1077 = arith.constant 7 : i32
    %sub3A_1078 = vector.broadcast %sub3A_1077 : i32 to vector<1x1xi32>
    %sub3A_1079 = arith.subi %sub3A_1078, %convert_element_type3A_669 : vector<1x1xi32>
    %mul3A_1080 = arith.muli %sub3A_1076, %sub3A_1079 : vector<1x1xi32>
    %sub3A_1081 = vector.broadcast %mul3A_1080 : vector<1x1xi32> to vector<13x128xi32>
    %sub3A_1082 = arith.subi %sub3A_1073, %sub3A_1081 : vector<13x128xi32>
    %max3A_1083 = arith.constant 0 : i32
    %max3A_1084 = vector.broadcast %max3A_1083 : i32 to vector<13x128xi32>
    %max3A_1085 = arith.maxsi %sub3A_1082, %max3A_1084 : vector<13x128xi32>
    %convert_element_type3A_1086 = arith.sitofp %max3A_1085 : vector<13x128xi32> to vector<13x128xf32>
    %sqrt3A_1087 = math.sqrt %convert_element_type3A_1086 : vector<13x128xf32>
    %convert_element_type3A_1088 = arith.fptosi %sqrt3A_1087 : vector<13x128xf32> to vector<13x128xi32>
    %mul3A_1089 = arith.muli %convert_element_type3A_1088, %convert_element_type3A_1088 : vector<13x128xi32>
    %gt3A_1090 = arith.cmpi sgt, %mul3A_1089, %max3A_1085 : vector<13x128xi32>
    %sub3A_1091 = arith.constant 1 : i32
    %sub3A_1092 = vector.broadcast %sub3A_1091 : i32 to vector<13x128xi32>
    %sub3A_1093 = arith.subi %convert_element_type3A_1088, %sub3A_1092 : vector<13x128xi32>
    %select_n3A_1094 = arith.select %gt3A_1090, %sub3A_1093, %convert_element_type3A_1088 : vector<13x128xi1>, vector<13x128xi32>
    %add3A_1095 = arith.constant 1 : i32
    %add3A_1096 = vector.broadcast %add3A_1095 : i32 to vector<13x128xi32>
    %add3A_1097 = arith.addi %select_n3A_1094, %add3A_1096 : vector<13x128xi32>
    %add3A_1098 = arith.constant 1 : i32
    %add3A_1099 = vector.broadcast %add3A_1098 : i32 to vector<13x128xi32>
    %add3A_1100 = arith.addi %select_n3A_1094, %add3A_1099 : vector<13x128xi32>
    %mul3A_1101 = arith.muli %add3A_1097, %add3A_1100 : vector<13x128xi32>
    %le3A_1102 = arith.cmpi sle, %mul3A_1101, %max3A_1085 : vector<13x128xi32>
    %add3A_1103 = arith.constant 1 : i32
    %add3A_1104 = vector.broadcast %add3A_1103 : i32 to vector<13x128xi32>
    %add3A_1105 = arith.addi %select_n3A_1094, %add3A_1104 : vector<13x128xi32>
    %select_n3A_1106 = arith.select %le3A_1102, %add3A_1105, %select_n3A_1094 : vector<13x128xi1>, vector<13x128xi32>
    %add3A_1107 = vector.broadcast %convert_element_type3A_670 : vector<1x1xi32> to vector<13x128xi32>
    %add3A_1108 = arith.addi %add3A_1107, %select_n3A_1106 : vector<13x128xi32>
    %min3A_1109 = arith.constant 63 : i32
    %min3A_1110 = vector.broadcast %min3A_1109 : i32 to vector<13x128xi32>
    %min3A_1111 = arith.minsi %min3A_1110, %add3A_1108 : vector<13x128xi32>
    %sub3A_1112 = vector.broadcast %convert_element_type3A_670 : vector<1x1xi32> to vector<13x128xi32>
    %sub3A_1113 = arith.subi %sub3A_1112, %select_n3A_1106 : vector<13x128xi32>
    %max3A_1114 = arith.constant 0 : i32
    %max3A_1115 = vector.broadcast %max3A_1114 : i32 to vector<13x128xi32>
    %max3A_1116 = arith.maxsi %max3A_1115, %sub3A_1113 : vector<13x128xi32>
    %sub3A_1117 = arith.subi %min3A_1111, %max3A_1116 : vector<13x128xi32>
    %add3A_1118 = arith.constant 1 : i32
    %add3A_1119 = vector.broadcast %add3A_1118 : i32 to vector<13x128xi32>
    %add3A_1120 = arith.addi %sub3A_1117, %add3A_1119 : vector<13x128xi32>
    %lt3A_1121 = arith.constant 0 : i32
    %lt3A_1122 = vector.broadcast %lt3A_1121 : i32 to vector<13x128xi32>
    %lt3A_1123 = arith.cmpi slt, %sub3A_1082, %lt3A_1122 : vector<13x128xi32>
    %jit3A_1124 = arith.constant 0 : i32
    %broadcast_in_dim3A_1125 = vector.broadcast %jit3A_1124 : i32 to vector<13x128xi32>
    %select_n3A_1126 = arith.select %lt3A_1123, %broadcast_in_dim3A_1125, %add3A_1120 : vector<13x128xi1>, vector<13x128xi32>
    %add3A_1127 = arith.addi %add3A_1070, %select_n3A_1126 : vector<13x128xi32>
    %sub3A_1128 = arith.constant 1 : i32
    %sub3A_1129 = vector.broadcast %sub3A_1128 : i32 to vector<13x128xi32>
    %sub3A_1130 = arith.subi %get3A_673, %sub3A_1129 : vector<13x128xi32>
    %sub3A_1131 = arith.constant 8 : i32
    %sub3A_1132 = vector.broadcast %sub3A_1131 : i32 to vector<1x1xi32>
    %sub3A_1133 = arith.subi %sub3A_1132, %convert_element_type3A_669 : vector<1x1xi32>
    %sub3A_1134 = arith.constant 8 : i32
    %sub3A_1135 = vector.broadcast %sub3A_1134 : i32 to vector<1x1xi32>
    %sub3A_1136 = arith.subi %sub3A_1135, %convert_element_type3A_669 : vector<1x1xi32>
    %mul3A_1137 = arith.muli %sub3A_1133, %sub3A_1136 : vector<1x1xi32>
    %sub3A_1138 = vector.broadcast %mul3A_1137 : vector<1x1xi32> to vector<13x128xi32>
    %sub3A_1139 = arith.subi %sub3A_1130, %sub3A_1138 : vector<13x128xi32>
    %max3A_1140 = arith.constant 0 : i32
    %max3A_1141 = vector.broadcast %max3A_1140 : i32 to vector<13x128xi32>
    %max3A_1142 = arith.maxsi %sub3A_1139, %max3A_1141 : vector<13x128xi32>
    %convert_element_type3A_1143 = arith.sitofp %max3A_1142 : vector<13x128xi32> to vector<13x128xf32>
    %sqrt3A_1144 = math.sqrt %convert_element_type3A_1143 : vector<13x128xf32>
    %convert_element_type3A_1145 = arith.fptosi %sqrt3A_1144 : vector<13x128xf32> to vector<13x128xi32>
    %mul3A_1146 = arith.muli %convert_element_type3A_1145, %convert_element_type3A_1145 : vector<13x128xi32>
    %gt3A_1147 = arith.cmpi sgt, %mul3A_1146, %max3A_1142 : vector<13x128xi32>
    %sub3A_1148 = arith.constant 1 : i32
    %sub3A_1149 = vector.broadcast %sub3A_1148 : i32 to vector<13x128xi32>
    %sub3A_1150 = arith.subi %convert_element_type3A_1145, %sub3A_1149 : vector<13x128xi32>
    %select_n3A_1151 = arith.select %gt3A_1147, %sub3A_1150, %convert_element_type3A_1145 : vector<13x128xi1>, vector<13x128xi32>
    %add3A_1152 = arith.constant 1 : i32
    %add3A_1153 = vector.broadcast %add3A_1152 : i32 to vector<13x128xi32>
    %add3A_1154 = arith.addi %select_n3A_1151, %add3A_1153 : vector<13x128xi32>
    %add3A_1155 = arith.constant 1 : i32
    %add3A_1156 = vector.broadcast %add3A_1155 : i32 to vector<13x128xi32>
    %add3A_1157 = arith.addi %select_n3A_1151, %add3A_1156 : vector<13x128xi32>
    %mul3A_1158 = arith.muli %add3A_1154, %add3A_1157 : vector<13x128xi32>
    %le3A_1159 = arith.cmpi sle, %mul3A_1158, %max3A_1142 : vector<13x128xi32>
    %add3A_1160 = arith.constant 1 : i32
    %add3A_1161 = vector.broadcast %add3A_1160 : i32 to vector<13x128xi32>
    %add3A_1162 = arith.addi %select_n3A_1151, %add3A_1161 : vector<13x128xi32>
    %select_n3A_1163 = arith.select %le3A_1159, %add3A_1162, %select_n3A_1151 : vector<13x128xi1>, vector<13x128xi32>
    %add3A_1164 = vector.broadcast %convert_element_type3A_670 : vector<1x1xi32> to vector<13x128xi32>
    %add3A_1165 = arith.addi %add3A_1164, %select_n3A_1163 : vector<13x128xi32>
    %min3A_1166 = arith.constant 63 : i32
    %min3A_1167 = vector.broadcast %min3A_1166 : i32 to vector<13x128xi32>
    %min3A_1168 = arith.minsi %min3A_1167, %add3A_1165 : vector<13x128xi32>
    %sub3A_1169 = vector.broadcast %convert_element_type3A_670 : vector<1x1xi32> to vector<13x128xi32>
    %sub3A_1170 = arith.subi %sub3A_1169, %select_n3A_1163 : vector<13x128xi32>
    %max3A_1171 = arith.constant 0 : i32
    %max3A_1172 = vector.broadcast %max3A_1171 : i32 to vector<13x128xi32>
    %max3A_1173 = arith.maxsi %max3A_1172, %sub3A_1170 : vector<13x128xi32>
    %sub3A_1174 = arith.subi %min3A_1168, %max3A_1173 : vector<13x128xi32>
    %add3A_1175 = arith.constant 1 : i32
    %add3A_1176 = vector.broadcast %add3A_1175 : i32 to vector<13x128xi32>
    %add3A_1177 = arith.addi %sub3A_1174, %add3A_1176 : vector<13x128xi32>
    %lt3A_1178 = arith.constant 0 : i32
    %lt3A_1179 = vector.broadcast %lt3A_1178 : i32 to vector<13x128xi32>
    %lt3A_1180 = arith.cmpi slt, %sub3A_1139, %lt3A_1179 : vector<13x128xi32>
    %jit3A_1181 = arith.constant 0 : i32
    %broadcast_in_dim3A_1182 = vector.broadcast %jit3A_1181 : i32 to vector<13x128xi32>
    %select_n3A_1183 = arith.select %lt3A_1180, %broadcast_in_dim3A_1182, %add3A_1177 : vector<13x128xi1>, vector<13x128xi32>
    %add3A_1184 = arith.addi %add3A_1127, %select_n3A_1183 : vector<13x128xi32>
    %sub3A_1185 = arith.constant 1 : i32
    %sub3A_1186 = vector.broadcast %sub3A_1185 : i32 to vector<13x128xi32>
    %sub3A_1187 = arith.subi %get3A_673, %sub3A_1186 : vector<13x128xi32>
    %sub3A_1188 = arith.constant 9 : i32
    %sub3A_1189 = vector.broadcast %sub3A_1188 : i32 to vector<1x1xi32>
    %sub3A_1190 = arith.subi %sub3A_1189, %convert_element_type3A_669 : vector<1x1xi32>
    %sub3A_1191 = arith.constant 9 : i32
    %sub3A_1192 = vector.broadcast %sub3A_1191 : i32 to vector<1x1xi32>
    %sub3A_1193 = arith.subi %sub3A_1192, %convert_element_type3A_669 : vector<1x1xi32>
    %mul3A_1194 = arith.muli %sub3A_1190, %sub3A_1193 : vector<1x1xi32>
    %sub3A_1195 = vector.broadcast %mul3A_1194 : vector<1x1xi32> to vector<13x128xi32>
    %sub3A_1196 = arith.subi %sub3A_1187, %sub3A_1195 : vector<13x128xi32>
    %max3A_1197 = arith.constant 0 : i32
    %max3A_1198 = vector.broadcast %max3A_1197 : i32 to vector<13x128xi32>
    %max3A_1199 = arith.maxsi %sub3A_1196, %max3A_1198 : vector<13x128xi32>
    %convert_element_type3A_1200 = arith.sitofp %max3A_1199 : vector<13x128xi32> to vector<13x128xf32>
    %sqrt3A_1201 = math.sqrt %convert_element_type3A_1200 : vector<13x128xf32>
    %convert_element_type3A_1202 = arith.fptosi %sqrt3A_1201 : vector<13x128xf32> to vector<13x128xi32>
    %mul3A_1203 = arith.muli %convert_element_type3A_1202, %convert_element_type3A_1202 : vector<13x128xi32>
    %gt3A_1204 = arith.cmpi sgt, %mul3A_1203, %max3A_1199 : vector<13x128xi32>
    %sub3A_1205 = arith.constant 1 : i32
    %sub3A_1206 = vector.broadcast %sub3A_1205 : i32 to vector<13x128xi32>
    %sub3A_1207 = arith.subi %convert_element_type3A_1202, %sub3A_1206 : vector<13x128xi32>
    %select_n3A_1208 = arith.select %gt3A_1204, %sub3A_1207, %convert_element_type3A_1202 : vector<13x128xi1>, vector<13x128xi32>
    %add3A_1209 = arith.constant 1 : i32
    %add3A_1210 = vector.broadcast %add3A_1209 : i32 to vector<13x128xi32>
    %add3A_1211 = arith.addi %select_n3A_1208, %add3A_1210 : vector<13x128xi32>
    %add3A_1212 = arith.constant 1 : i32
    %add3A_1213 = vector.broadcast %add3A_1212 : i32 to vector<13x128xi32>
    %add3A_1214 = arith.addi %select_n3A_1208, %add3A_1213 : vector<13x128xi32>
    %mul3A_1215 = arith.muli %add3A_1211, %add3A_1214 : vector<13x128xi32>
    %le3A_1216 = arith.cmpi sle, %mul3A_1215, %max3A_1199 : vector<13x128xi32>
    %add3A_1217 = arith.constant 1 : i32
    %add3A_1218 = vector.broadcast %add3A_1217 : i32 to vector<13x128xi32>
    %add3A_1219 = arith.addi %select_n3A_1208, %add3A_1218 : vector<13x128xi32>
    %select_n3A_1220 = arith.select %le3A_1216, %add3A_1219, %select_n3A_1208 : vector<13x128xi1>, vector<13x128xi32>
    %add3A_1221 = vector.broadcast %convert_element_type3A_670 : vector<1x1xi32> to vector<13x128xi32>
    %add3A_1222 = arith.addi %add3A_1221, %select_n3A_1220 : vector<13x128xi32>
    %min3A_1223 = arith.constant 63 : i32
    %min3A_1224 = vector.broadcast %min3A_1223 : i32 to vector<13x128xi32>
    %min3A_1225 = arith.minsi %min3A_1224, %add3A_1222 : vector<13x128xi32>
    %sub3A_1226 = vector.broadcast %convert_element_type3A_670 : vector<1x1xi32> to vector<13x128xi32>
    %sub3A_1227 = arith.subi %sub3A_1226, %select_n3A_1220 : vector<13x128xi32>
    %max3A_1228 = arith.constant 0 : i32
    %max3A_1229 = vector.broadcast %max3A_1228 : i32 to vector<13x128xi32>
    %max3A_1230 = arith.maxsi %max3A_1229, %sub3A_1227 : vector<13x128xi32>
    %sub3A_1231 = arith.subi %min3A_1225, %max3A_1230 : vector<13x128xi32>
    %add3A_1232 = arith.constant 1 : i32
    %add3A_1233 = vector.broadcast %add3A_1232 : i32 to vector<13x128xi32>
    %add3A_1234 = arith.addi %sub3A_1231, %add3A_1233 : vector<13x128xi32>
    %lt3A_1235 = arith.constant 0 : i32
    %lt3A_1236 = vector.broadcast %lt3A_1235 : i32 to vector<13x128xi32>
    %lt3A_1237 = arith.cmpi slt, %sub3A_1196, %lt3A_1236 : vector<13x128xi32>
    %jit3A_1238 = arith.constant 0 : i32
    %broadcast_in_dim3A_1239 = vector.broadcast %jit3A_1238 : i32 to vector<13x128xi32>
    %select_n3A_1240 = arith.select %lt3A_1237, %broadcast_in_dim3A_1239, %add3A_1234 : vector<13x128xi1>, vector<13x128xi32>
    %add3A_1241 = arith.addi %add3A_1184, %select_n3A_1240 : vector<13x128xi32>
    %sub3A_1242 = arith.constant 1 : i32
    %sub3A_1243 = vector.broadcast %sub3A_1242 : i32 to vector<13x128xi32>
    %sub3A_1244 = arith.subi %get3A_673, %sub3A_1243 : vector<13x128xi32>
    %sub3A_1245 = arith.constant 10 : i32
    %sub3A_1246 = vector.broadcast %sub3A_1245 : i32 to vector<1x1xi32>
    %sub3A_1247 = arith.subi %sub3A_1246, %convert_element_type3A_669 : vector<1x1xi32>
    %sub3A_1248 = arith.constant 10 : i32
    %sub3A_1249 = vector.broadcast %sub3A_1248 : i32 to vector<1x1xi32>
    %sub3A_1250 = arith.subi %sub3A_1249, %convert_element_type3A_669 : vector<1x1xi32>
    %mul3A_1251 = arith.muli %sub3A_1247, %sub3A_1250 : vector<1x1xi32>
    %sub3A_1252 = vector.broadcast %mul3A_1251 : vector<1x1xi32> to vector<13x128xi32>
    %sub3A_1253 = arith.subi %sub3A_1244, %sub3A_1252 : vector<13x128xi32>
    %max3A_1254 = arith.constant 0 : i32
    %max3A_1255 = vector.broadcast %max3A_1254 : i32 to vector<13x128xi32>
    %max3A_1256 = arith.maxsi %sub3A_1253, %max3A_1255 : vector<13x128xi32>
    %convert_element_type3A_1257 = arith.sitofp %max3A_1256 : vector<13x128xi32> to vector<13x128xf32>
    %sqrt3A_1258 = math.sqrt %convert_element_type3A_1257 : vector<13x128xf32>
    %convert_element_type3A_1259 = arith.fptosi %sqrt3A_1258 : vector<13x128xf32> to vector<13x128xi32>
    %mul3A_1260 = arith.muli %convert_element_type3A_1259, %convert_element_type3A_1259 : vector<13x128xi32>
    %gt3A_1261 = arith.cmpi sgt, %mul3A_1260, %max3A_1256 : vector<13x128xi32>
    %sub3A_1262 = arith.constant 1 : i32
    %sub3A_1263 = vector.broadcast %sub3A_1262 : i32 to vector<13x128xi32>
    %sub3A_1264 = arith.subi %convert_element_type3A_1259, %sub3A_1263 : vector<13x128xi32>
    %select_n3A_1265 = arith.select %gt3A_1261, %sub3A_1264, %convert_element_type3A_1259 : vector<13x128xi1>, vector<13x128xi32>
    %add3A_1266 = arith.constant 1 : i32
    %add3A_1267 = vector.broadcast %add3A_1266 : i32 to vector<13x128xi32>
    %add3A_1268 = arith.addi %select_n3A_1265, %add3A_1267 : vector<13x128xi32>
    %add3A_1269 = arith.constant 1 : i32
    %add3A_1270 = vector.broadcast %add3A_1269 : i32 to vector<13x128xi32>
    %add3A_1271 = arith.addi %select_n3A_1265, %add3A_1270 : vector<13x128xi32>
    %mul3A_1272 = arith.muli %add3A_1268, %add3A_1271 : vector<13x128xi32>
    %le3A_1273 = arith.cmpi sle, %mul3A_1272, %max3A_1256 : vector<13x128xi32>
    %add3A_1274 = arith.constant 1 : i32
    %add3A_1275 = vector.broadcast %add3A_1274 : i32 to vector<13x128xi32>
    %add3A_1276 = arith.addi %select_n3A_1265, %add3A_1275 : vector<13x128xi32>
    %select_n3A_1277 = arith.select %le3A_1273, %add3A_1276, %select_n3A_1265 : vector<13x128xi1>, vector<13x128xi32>
    %add3A_1278 = vector.broadcast %convert_element_type3A_670 : vector<1x1xi32> to vector<13x128xi32>
    %add3A_1279 = arith.addi %add3A_1278, %select_n3A_1277 : vector<13x128xi32>
    %min3A_1280 = arith.constant 63 : i32
    %min3A_1281 = vector.broadcast %min3A_1280 : i32 to vector<13x128xi32>
    %min3A_1282 = arith.minsi %min3A_1281, %add3A_1279 : vector<13x128xi32>
    %sub3A_1283 = vector.broadcast %convert_element_type3A_670 : vector<1x1xi32> to vector<13x128xi32>
    %sub3A_1284 = arith.subi %sub3A_1283, %select_n3A_1277 : vector<13x128xi32>
    %max3A_1285 = arith.constant 0 : i32
    %max3A_1286 = vector.broadcast %max3A_1285 : i32 to vector<13x128xi32>
    %max3A_1287 = arith.maxsi %max3A_1286, %sub3A_1284 : vector<13x128xi32>
    %sub3A_1288 = arith.subi %min3A_1282, %max3A_1287 : vector<13x128xi32>
    %add3A_1289 = arith.constant 1 : i32
    %add3A_1290 = vector.broadcast %add3A_1289 : i32 to vector<13x128xi32>
    %add3A_1291 = arith.addi %sub3A_1288, %add3A_1290 : vector<13x128xi32>
    %lt3A_1292 = arith.constant 0 : i32
    %lt3A_1293 = vector.broadcast %lt3A_1292 : i32 to vector<13x128xi32>
    %lt3A_1294 = arith.cmpi slt, %sub3A_1253, %lt3A_1293 : vector<13x128xi32>
    %jit3A_1295 = arith.constant 0 : i32
    %broadcast_in_dim3A_1296 = vector.broadcast %jit3A_1295 : i32 to vector<13x128xi32>
    %select_n3A_1297 = arith.select %lt3A_1294, %broadcast_in_dim3A_1296, %add3A_1291 : vector<13x128xi1>, vector<13x128xi32>
    %add3A_1298 = arith.addi %add3A_1241, %select_n3A_1297 : vector<13x128xi32>
    %sub3A_1299 = arith.constant 1 : i32
    %sub3A_1300 = vector.broadcast %sub3A_1299 : i32 to vector<13x128xi32>
    %sub3A_1301 = arith.subi %get3A_673, %sub3A_1300 : vector<13x128xi32>
    %sub3A_1302 = arith.constant 11 : i32
    %sub3A_1303 = vector.broadcast %sub3A_1302 : i32 to vector<1x1xi32>
    %sub3A_1304 = arith.subi %sub3A_1303, %convert_element_type3A_669 : vector<1x1xi32>
    %sub3A_1305 = arith.constant 11 : i32
    %sub3A_1306 = vector.broadcast %sub3A_1305 : i32 to vector<1x1xi32>
    %sub3A_1307 = arith.subi %sub3A_1306, %convert_element_type3A_669 : vector<1x1xi32>
    %mul3A_1308 = arith.muli %sub3A_1304, %sub3A_1307 : vector<1x1xi32>
    %sub3A_1309 = vector.broadcast %mul3A_1308 : vector<1x1xi32> to vector<13x128xi32>
    %sub3A_1310 = arith.subi %sub3A_1301, %sub3A_1309 : vector<13x128xi32>
    %max3A_1311 = arith.constant 0 : i32
    %max3A_1312 = vector.broadcast %max3A_1311 : i32 to vector<13x128xi32>
    %max3A_1313 = arith.maxsi %sub3A_1310, %max3A_1312 : vector<13x128xi32>
    %convert_element_type3A_1314 = arith.sitofp %max3A_1313 : vector<13x128xi32> to vector<13x128xf32>
    %sqrt3A_1315 = math.sqrt %convert_element_type3A_1314 : vector<13x128xf32>
    %convert_element_type3A_1316 = arith.fptosi %sqrt3A_1315 : vector<13x128xf32> to vector<13x128xi32>
    %mul3A_1317 = arith.muli %convert_element_type3A_1316, %convert_element_type3A_1316 : vector<13x128xi32>
    %gt3A_1318 = arith.cmpi sgt, %mul3A_1317, %max3A_1313 : vector<13x128xi32>
    %sub3A_1319 = arith.constant 1 : i32
    %sub3A_1320 = vector.broadcast %sub3A_1319 : i32 to vector<13x128xi32>
    %sub3A_1321 = arith.subi %convert_element_type3A_1316, %sub3A_1320 : vector<13x128xi32>
    %select_n3A_1322 = arith.select %gt3A_1318, %sub3A_1321, %convert_element_type3A_1316 : vector<13x128xi1>, vector<13x128xi32>
    %add3A_1323 = arith.constant 1 : i32
    %add3A_1324 = vector.broadcast %add3A_1323 : i32 to vector<13x128xi32>
    %add3A_1325 = arith.addi %select_n3A_1322, %add3A_1324 : vector<13x128xi32>
    %add3A_1326 = arith.constant 1 : i32
    %add3A_1327 = vector.broadcast %add3A_1326 : i32 to vector<13x128xi32>
    %add3A_1328 = arith.addi %select_n3A_1322, %add3A_1327 : vector<13x128xi32>
    %mul3A_1329 = arith.muli %add3A_1325, %add3A_1328 : vector<13x128xi32>
    %le3A_1330 = arith.cmpi sle, %mul3A_1329, %max3A_1313 : vector<13x128xi32>
    %add3A_1331 = arith.constant 1 : i32
    %add3A_1332 = vector.broadcast %add3A_1331 : i32 to vector<13x128xi32>
    %add3A_1333 = arith.addi %select_n3A_1322, %add3A_1332 : vector<13x128xi32>
    %select_n3A_1334 = arith.select %le3A_1330, %add3A_1333, %select_n3A_1322 : vector<13x128xi1>, vector<13x128xi32>
    %add3A_1335 = vector.broadcast %convert_element_type3A_670 : vector<1x1xi32> to vector<13x128xi32>
    %add3A_1336 = arith.addi %add3A_1335, %select_n3A_1334 : vector<13x128xi32>
    %min3A_1337 = arith.constant 63 : i32
    %min3A_1338 = vector.broadcast %min3A_1337 : i32 to vector<13x128xi32>
    %min3A_1339 = arith.minsi %min3A_1338, %add3A_1336 : vector<13x128xi32>
    %sub3A_1340 = vector.broadcast %convert_element_type3A_670 : vector<1x1xi32> to vector<13x128xi32>
    %sub3A_1341 = arith.subi %sub3A_1340, %select_n3A_1334 : vector<13x128xi32>
    %max3A_1342 = arith.constant 0 : i32
    %max3A_1343 = vector.broadcast %max3A_1342 : i32 to vector<13x128xi32>
    %max3A_1344 = arith.maxsi %max3A_1343, %sub3A_1341 : vector<13x128xi32>
    %sub3A_1345 = arith.subi %min3A_1339, %max3A_1344 : vector<13x128xi32>
    %add3A_1346 = arith.constant 1 : i32
    %add3A_1347 = vector.broadcast %add3A_1346 : i32 to vector<13x128xi32>
    %add3A_1348 = arith.addi %sub3A_1345, %add3A_1347 : vector<13x128xi32>
    %lt3A_1349 = arith.constant 0 : i32
    %lt3A_1350 = vector.broadcast %lt3A_1349 : i32 to vector<13x128xi32>
    %lt3A_1351 = arith.cmpi slt, %sub3A_1310, %lt3A_1350 : vector<13x128xi32>
    %jit3A_1352 = arith.constant 0 : i32
    %broadcast_in_dim3A_1353 = vector.broadcast %jit3A_1352 : i32 to vector<13x128xi32>
    %select_n3A_1354 = arith.select %lt3A_1351, %broadcast_in_dim3A_1353, %add3A_1348 : vector<13x128xi1>, vector<13x128xi32>
    %add3A_1355 = arith.addi %add3A_1298, %select_n3A_1354 : vector<13x128xi32>
    %sub3A_1356 = arith.constant 1 : i32
    %sub3A_1357 = vector.broadcast %sub3A_1356 : i32 to vector<13x128xi32>
    %sub3A_1358 = arith.subi %get3A_673, %sub3A_1357 : vector<13x128xi32>
    %sub3A_1359 = arith.constant 12 : i32
    %sub3A_1360 = vector.broadcast %sub3A_1359 : i32 to vector<1x1xi32>
    %sub3A_1361 = arith.subi %sub3A_1360, %convert_element_type3A_669 : vector<1x1xi32>
    %sub3A_1362 = arith.constant 12 : i32
    %sub3A_1363 = vector.broadcast %sub3A_1362 : i32 to vector<1x1xi32>
    %sub3A_1364 = arith.subi %sub3A_1363, %convert_element_type3A_669 : vector<1x1xi32>
    %mul3A_1365 = arith.muli %sub3A_1361, %sub3A_1364 : vector<1x1xi32>
    %sub3A_1366 = vector.broadcast %mul3A_1365 : vector<1x1xi32> to vector<13x128xi32>
    %sub3A_1367 = arith.subi %sub3A_1358, %sub3A_1366 : vector<13x128xi32>
    %max3A_1368 = arith.constant 0 : i32
    %max3A_1369 = vector.broadcast %max3A_1368 : i32 to vector<13x128xi32>
    %max3A_1370 = arith.maxsi %sub3A_1367, %max3A_1369 : vector<13x128xi32>
    %convert_element_type3A_1371 = arith.sitofp %max3A_1370 : vector<13x128xi32> to vector<13x128xf32>
    %sqrt3A_1372 = math.sqrt %convert_element_type3A_1371 : vector<13x128xf32>
    %convert_element_type3A_1373 = arith.fptosi %sqrt3A_1372 : vector<13x128xf32> to vector<13x128xi32>
    %mul3A_1374 = arith.muli %convert_element_type3A_1373, %convert_element_type3A_1373 : vector<13x128xi32>
    %gt3A_1375 = arith.cmpi sgt, %mul3A_1374, %max3A_1370 : vector<13x128xi32>
    %sub3A_1376 = arith.constant 1 : i32
    %sub3A_1377 = vector.broadcast %sub3A_1376 : i32 to vector<13x128xi32>
    %sub3A_1378 = arith.subi %convert_element_type3A_1373, %sub3A_1377 : vector<13x128xi32>
    %select_n3A_1379 = arith.select %gt3A_1375, %sub3A_1378, %convert_element_type3A_1373 : vector<13x128xi1>, vector<13x128xi32>
    %add3A_1380 = arith.constant 1 : i32
    %add3A_1381 = vector.broadcast %add3A_1380 : i32 to vector<13x128xi32>
    %add3A_1382 = arith.addi %select_n3A_1379, %add3A_1381 : vector<13x128xi32>
    %add3A_1383 = arith.constant 1 : i32
    %add3A_1384 = vector.broadcast %add3A_1383 : i32 to vector<13x128xi32>
    %add3A_1385 = arith.addi %select_n3A_1379, %add3A_1384 : vector<13x128xi32>
    %mul3A_1386 = arith.muli %add3A_1382, %add3A_1385 : vector<13x128xi32>
    %le3A_1387 = arith.cmpi sle, %mul3A_1386, %max3A_1370 : vector<13x128xi32>
    %add3A_1388 = arith.constant 1 : i32
    %add3A_1389 = vector.broadcast %add3A_1388 : i32 to vector<13x128xi32>
    %add3A_1390 = arith.addi %select_n3A_1379, %add3A_1389 : vector<13x128xi32>
    %select_n3A_1391 = arith.select %le3A_1387, %add3A_1390, %select_n3A_1379 : vector<13x128xi1>, vector<13x128xi32>
    %add3A_1392 = vector.broadcast %convert_element_type3A_670 : vector<1x1xi32> to vector<13x128xi32>
    %add3A_1393 = arith.addi %add3A_1392, %select_n3A_1391 : vector<13x128xi32>
    %min3A_1394 = arith.constant 63 : i32
    %min3A_1395 = vector.broadcast %min3A_1394 : i32 to vector<13x128xi32>
    %min3A_1396 = arith.minsi %min3A_1395, %add3A_1393 : vector<13x128xi32>
    %sub3A_1397 = vector.broadcast %convert_element_type3A_670 : vector<1x1xi32> to vector<13x128xi32>
    %sub3A_1398 = arith.subi %sub3A_1397, %select_n3A_1391 : vector<13x128xi32>
    %max3A_1399 = arith.constant 0 : i32
    %max3A_1400 = vector.broadcast %max3A_1399 : i32 to vector<13x128xi32>
    %max3A_1401 = arith.maxsi %max3A_1400, %sub3A_1398 : vector<13x128xi32>
    %sub3A_1402 = arith.subi %min3A_1396, %max3A_1401 : vector<13x128xi32>
    %add3A_1403 = arith.constant 1 : i32
    %add3A_1404 = vector.broadcast %add3A_1403 : i32 to vector<13x128xi32>
    %add3A_1405 = arith.addi %sub3A_1402, %add3A_1404 : vector<13x128xi32>
    %lt3A_1406 = arith.constant 0 : i32
    %lt3A_1407 = vector.broadcast %lt3A_1406 : i32 to vector<13x128xi32>
    %lt3A_1408 = arith.cmpi slt, %sub3A_1367, %lt3A_1407 : vector<13x128xi32>
    %jit3A_1409 = arith.constant 0 : i32
    %broadcast_in_dim3A_1410 = vector.broadcast %jit3A_1409 : i32 to vector<13x128xi32>
    %select_n3A_1411 = arith.select %lt3A_1408, %broadcast_in_dim3A_1410, %add3A_1405 : vector<13x128xi1>, vector<13x128xi32>
    %add3A_1412 = arith.addi %add3A_1355, %select_n3A_1411 : vector<13x128xi32>
    %sub3A_1413 = arith.constant 1 : i32
    %sub3A_1414 = vector.broadcast %sub3A_1413 : i32 to vector<13x128xi32>
    %sub3A_1415 = arith.subi %get3A_673, %sub3A_1414 : vector<13x128xi32>
    %sub3A_1416 = arith.constant 13 : i32
    %sub3A_1417 = vector.broadcast %sub3A_1416 : i32 to vector<1x1xi32>
    %sub3A_1418 = arith.subi %sub3A_1417, %convert_element_type3A_669 : vector<1x1xi32>
    %sub3A_1419 = arith.constant 13 : i32
    %sub3A_1420 = vector.broadcast %sub3A_1419 : i32 to vector<1x1xi32>
    %sub3A_1421 = arith.subi %sub3A_1420, %convert_element_type3A_669 : vector<1x1xi32>
    %mul3A_1422 = arith.muli %sub3A_1418, %sub3A_1421 : vector<1x1xi32>
    %sub3A_1423 = vector.broadcast %mul3A_1422 : vector<1x1xi32> to vector<13x128xi32>
    %sub3A_1424 = arith.subi %sub3A_1415, %sub3A_1423 : vector<13x128xi32>
    %max3A_1425 = arith.constant 0 : i32
    %max3A_1426 = vector.broadcast %max3A_1425 : i32 to vector<13x128xi32>
    %max3A_1427 = arith.maxsi %sub3A_1424, %max3A_1426 : vector<13x128xi32>
    %convert_element_type3A_1428 = arith.sitofp %max3A_1427 : vector<13x128xi32> to vector<13x128xf32>
    %sqrt3A_1429 = math.sqrt %convert_element_type3A_1428 : vector<13x128xf32>
    %convert_element_type3A_1430 = arith.fptosi %sqrt3A_1429 : vector<13x128xf32> to vector<13x128xi32>
    %mul3A_1431 = arith.muli %convert_element_type3A_1430, %convert_element_type3A_1430 : vector<13x128xi32>
    %gt3A_1432 = arith.cmpi sgt, %mul3A_1431, %max3A_1427 : vector<13x128xi32>
    %sub3A_1433 = arith.constant 1 : i32
    %sub3A_1434 = vector.broadcast %sub3A_1433 : i32 to vector<13x128xi32>
    %sub3A_1435 = arith.subi %convert_element_type3A_1430, %sub3A_1434 : vector<13x128xi32>
    %select_n3A_1436 = arith.select %gt3A_1432, %sub3A_1435, %convert_element_type3A_1430 : vector<13x128xi1>, vector<13x128xi32>
    %add3A_1437 = arith.constant 1 : i32
    %add3A_1438 = vector.broadcast %add3A_1437 : i32 to vector<13x128xi32>
    %add3A_1439 = arith.addi %select_n3A_1436, %add3A_1438 : vector<13x128xi32>
    %add3A_1440 = arith.constant 1 : i32
    %add3A_1441 = vector.broadcast %add3A_1440 : i32 to vector<13x128xi32>
    %add3A_1442 = arith.addi %select_n3A_1436, %add3A_1441 : vector<13x128xi32>
    %mul3A_1443 = arith.muli %add3A_1439, %add3A_1442 : vector<13x128xi32>
    %le3A_1444 = arith.cmpi sle, %mul3A_1443, %max3A_1427 : vector<13x128xi32>
    %add3A_1445 = arith.constant 1 : i32
    %add3A_1446 = vector.broadcast %add3A_1445 : i32 to vector<13x128xi32>
    %add3A_1447 = arith.addi %select_n3A_1436, %add3A_1446 : vector<13x128xi32>
    %select_n3A_1448 = arith.select %le3A_1444, %add3A_1447, %select_n3A_1436 : vector<13x128xi1>, vector<13x128xi32>
    %add3A_1449 = vector.broadcast %convert_element_type3A_670 : vector<1x1xi32> to vector<13x128xi32>
    %add3A_1450 = arith.addi %add3A_1449, %select_n3A_1448 : vector<13x128xi32>
    %min3A_1451 = arith.constant 63 : i32
    %min3A_1452 = vector.broadcast %min3A_1451 : i32 to vector<13x128xi32>
    %min3A_1453 = arith.minsi %min3A_1452, %add3A_1450 : vector<13x128xi32>
    %sub3A_1454 = vector.broadcast %convert_element_type3A_670 : vector<1x1xi32> to vector<13x128xi32>
    %sub3A_1455 = arith.subi %sub3A_1454, %select_n3A_1448 : vector<13x128xi32>
    %max3A_1456 = arith.constant 0 : i32
    %max3A_1457 = vector.broadcast %max3A_1456 : i32 to vector<13x128xi32>
    %max3A_1458 = arith.maxsi %max3A_1457, %sub3A_1455 : vector<13x128xi32>
    %sub3A_1459 = arith.subi %min3A_1453, %max3A_1458 : vector<13x128xi32>
    %add3A_1460 = arith.constant 1 : i32
    %add3A_1461 = vector.broadcast %add3A_1460 : i32 to vector<13x128xi32>
    %add3A_1462 = arith.addi %sub3A_1459, %add3A_1461 : vector<13x128xi32>
    %lt3A_1463 = arith.constant 0 : i32
    %lt3A_1464 = vector.broadcast %lt3A_1463 : i32 to vector<13x128xi32>
    %lt3A_1465 = arith.cmpi slt, %sub3A_1424, %lt3A_1464 : vector<13x128xi32>
    %jit3A_1466 = arith.constant 0 : i32
    %broadcast_in_dim3A_1467 = vector.broadcast %jit3A_1466 : i32 to vector<13x128xi32>
    %select_n3A_1468 = arith.select %lt3A_1465, %broadcast_in_dim3A_1467, %add3A_1462 : vector<13x128xi1>, vector<13x128xi32>
    %add3A_1469 = arith.addi %add3A_1412, %select_n3A_1468 : vector<13x128xi32>
    %sub3A_1470 = arith.constant 1 : i32
    %sub3A_1471 = vector.broadcast %sub3A_1470 : i32 to vector<13x128xi32>
    %sub3A_1472 = arith.subi %get3A_673, %sub3A_1471 : vector<13x128xi32>
    %sub3A_1473 = arith.constant 14 : i32
    %sub3A_1474 = vector.broadcast %sub3A_1473 : i32 to vector<1x1xi32>
    %sub3A_1475 = arith.subi %sub3A_1474, %convert_element_type3A_669 : vector<1x1xi32>
    %sub3A_1476 = arith.constant 14 : i32
    %sub3A_1477 = vector.broadcast %sub3A_1476 : i32 to vector<1x1xi32>
    %sub3A_1478 = arith.subi %sub3A_1477, %convert_element_type3A_669 : vector<1x1xi32>
    %mul3A_1479 = arith.muli %sub3A_1475, %sub3A_1478 : vector<1x1xi32>
    %sub3A_1480 = vector.broadcast %mul3A_1479 : vector<1x1xi32> to vector<13x128xi32>
    %sub3A_1481 = arith.subi %sub3A_1472, %sub3A_1480 : vector<13x128xi32>
    %max3A_1482 = arith.constant 0 : i32
    %max3A_1483 = vector.broadcast %max3A_1482 : i32 to vector<13x128xi32>
    %max3A_1484 = arith.maxsi %sub3A_1481, %max3A_1483 : vector<13x128xi32>
    %convert_element_type3A_1485 = arith.sitofp %max3A_1484 : vector<13x128xi32> to vector<13x128xf32>
    %sqrt3A_1486 = math.sqrt %convert_element_type3A_1485 : vector<13x128xf32>
    %convert_element_type3A_1487 = arith.fptosi %sqrt3A_1486 : vector<13x128xf32> to vector<13x128xi32>
    %mul3A_1488 = arith.muli %convert_element_type3A_1487, %convert_element_type3A_1487 : vector<13x128xi32>
    %gt3A_1489 = arith.cmpi sgt, %mul3A_1488, %max3A_1484 : vector<13x128xi32>
    %sub3A_1490 = arith.constant 1 : i32
    %sub3A_1491 = vector.broadcast %sub3A_1490 : i32 to vector<13x128xi32>
    %sub3A_1492 = arith.subi %convert_element_type3A_1487, %sub3A_1491 : vector<13x128xi32>
    %select_n3A_1493 = arith.select %gt3A_1489, %sub3A_1492, %convert_element_type3A_1487 : vector<13x128xi1>, vector<13x128xi32>
    %add3A_1494 = arith.constant 1 : i32
    %add3A_1495 = vector.broadcast %add3A_1494 : i32 to vector<13x128xi32>
    %add3A_1496 = arith.addi %select_n3A_1493, %add3A_1495 : vector<13x128xi32>
    %add3A_1497 = arith.constant 1 : i32
    %add3A_1498 = vector.broadcast %add3A_1497 : i32 to vector<13x128xi32>
    %add3A_1499 = arith.addi %select_n3A_1493, %add3A_1498 : vector<13x128xi32>
    %mul3A_1500 = arith.muli %add3A_1496, %add3A_1499 : vector<13x128xi32>
    %le3A_1501 = arith.cmpi sle, %mul3A_1500, %max3A_1484 : vector<13x128xi32>
    %add3A_1502 = arith.constant 1 : i32
    %add3A_1503 = vector.broadcast %add3A_1502 : i32 to vector<13x128xi32>
    %add3A_1504 = arith.addi %select_n3A_1493, %add3A_1503 : vector<13x128xi32>
    %select_n3A_1505 = arith.select %le3A_1501, %add3A_1504, %select_n3A_1493 : vector<13x128xi1>, vector<13x128xi32>
    %add3A_1506 = vector.broadcast %convert_element_type3A_670 : vector<1x1xi32> to vector<13x128xi32>
    %add3A_1507 = arith.addi %add3A_1506, %select_n3A_1505 : vector<13x128xi32>
    %min3A_1508 = arith.constant 63 : i32
    %min3A_1509 = vector.broadcast %min3A_1508 : i32 to vector<13x128xi32>
    %min3A_1510 = arith.minsi %min3A_1509, %add3A_1507 : vector<13x128xi32>
    %sub3A_1511 = vector.broadcast %convert_element_type3A_670 : vector<1x1xi32> to vector<13x128xi32>
    %sub3A_1512 = arith.subi %sub3A_1511, %select_n3A_1505 : vector<13x128xi32>
    %max3A_1513 = arith.constant 0 : i32
    %max3A_1514 = vector.broadcast %max3A_1513 : i32 to vector<13x128xi32>
    %max3A_1515 = arith.maxsi %max3A_1514, %sub3A_1512 : vector<13x128xi32>
    %sub3A_1516 = arith.subi %min3A_1510, %max3A_1515 : vector<13x128xi32>
    %add3A_1517 = arith.constant 1 : i32
    %add3A_1518 = vector.broadcast %add3A_1517 : i32 to vector<13x128xi32>
    %add3A_1519 = arith.addi %sub3A_1516, %add3A_1518 : vector<13x128xi32>
    %lt3A_1520 = arith.constant 0 : i32
    %lt3A_1521 = vector.broadcast %lt3A_1520 : i32 to vector<13x128xi32>
    %lt3A_1522 = arith.cmpi slt, %sub3A_1481, %lt3A_1521 : vector<13x128xi32>
    %jit3A_1523 = arith.constant 0 : i32
    %broadcast_in_dim3A_1524 = vector.broadcast %jit3A_1523 : i32 to vector<13x128xi32>
    %select_n3A_1525 = arith.select %lt3A_1522, %broadcast_in_dim3A_1524, %add3A_1519 : vector<13x128xi1>, vector<13x128xi32>
    %add3A_1526 = arith.addi %add3A_1469, %select_n3A_1525 : vector<13x128xi32>
    %sub3A_1527 = arith.constant 1 : i32
    %sub3A_1528 = vector.broadcast %sub3A_1527 : i32 to vector<13x128xi32>
    %sub3A_1529 = arith.subi %get3A_673, %sub3A_1528 : vector<13x128xi32>
    %sub3A_1530 = arith.constant 15 : i32
    %sub3A_1531 = vector.broadcast %sub3A_1530 : i32 to vector<1x1xi32>
    %sub3A_1532 = arith.subi %sub3A_1531, %convert_element_type3A_669 : vector<1x1xi32>
    %sub3A_1533 = arith.constant 15 : i32
    %sub3A_1534 = vector.broadcast %sub3A_1533 : i32 to vector<1x1xi32>
    %sub3A_1535 = arith.subi %sub3A_1534, %convert_element_type3A_669 : vector<1x1xi32>
    %mul3A_1536 = arith.muli %sub3A_1532, %sub3A_1535 : vector<1x1xi32>
    %sub3A_1537 = vector.broadcast %mul3A_1536 : vector<1x1xi32> to vector<13x128xi32>
    %sub3A_1538 = arith.subi %sub3A_1529, %sub3A_1537 : vector<13x128xi32>
    %max3A_1539 = arith.constant 0 : i32
    %max3A_1540 = vector.broadcast %max3A_1539 : i32 to vector<13x128xi32>
    %max3A_1541 = arith.maxsi %sub3A_1538, %max3A_1540 : vector<13x128xi32>
    %convert_element_type3A_1542 = arith.sitofp %max3A_1541 : vector<13x128xi32> to vector<13x128xf32>
    %sqrt3A_1543 = math.sqrt %convert_element_type3A_1542 : vector<13x128xf32>
    %convert_element_type3A_1544 = arith.fptosi %sqrt3A_1543 : vector<13x128xf32> to vector<13x128xi32>
    %mul3A_1545 = arith.muli %convert_element_type3A_1544, %convert_element_type3A_1544 : vector<13x128xi32>
    %gt3A_1546 = arith.cmpi sgt, %mul3A_1545, %max3A_1541 : vector<13x128xi32>
    %sub3A_1547 = arith.constant 1 : i32
    %sub3A_1548 = vector.broadcast %sub3A_1547 : i32 to vector<13x128xi32>
    %sub3A_1549 = arith.subi %convert_element_type3A_1544, %sub3A_1548 : vector<13x128xi32>
    %select_n3A_1550 = arith.select %gt3A_1546, %sub3A_1549, %convert_element_type3A_1544 : vector<13x128xi1>, vector<13x128xi32>
    %add3A_1551 = arith.constant 1 : i32
    %add3A_1552 = vector.broadcast %add3A_1551 : i32 to vector<13x128xi32>
    %add3A_1553 = arith.addi %select_n3A_1550, %add3A_1552 : vector<13x128xi32>
    %add3A_1554 = arith.constant 1 : i32
    %add3A_1555 = vector.broadcast %add3A_1554 : i32 to vector<13x128xi32>
    %add3A_1556 = arith.addi %select_n3A_1550, %add3A_1555 : vector<13x128xi32>
    %mul3A_1557 = arith.muli %add3A_1553, %add3A_1556 : vector<13x128xi32>
    %le3A_1558 = arith.cmpi sle, %mul3A_1557, %max3A_1541 : vector<13x128xi32>
    %add3A_1559 = arith.constant 1 : i32
    %add3A_1560 = vector.broadcast %add3A_1559 : i32 to vector<13x128xi32>
    %add3A_1561 = arith.addi %select_n3A_1550, %add3A_1560 : vector<13x128xi32>
    %select_n3A_1562 = arith.select %le3A_1558, %add3A_1561, %select_n3A_1550 : vector<13x128xi1>, vector<13x128xi32>
    %add3A_1563 = vector.broadcast %convert_element_type3A_670 : vector<1x1xi32> to vector<13x128xi32>
    %add3A_1564 = arith.addi %add3A_1563, %select_n3A_1562 : vector<13x128xi32>
    %min3A_1565 = arith.constant 63 : i32
    %min3A_1566 = vector.broadcast %min3A_1565 : i32 to vector<13x128xi32>
    %min3A_1567 = arith.minsi %min3A_1566, %add3A_1564 : vector<13x128xi32>
    %sub3A_1568 = vector.broadcast %convert_element_type3A_670 : vector<1x1xi32> to vector<13x128xi32>
    %sub3A_1569 = arith.subi %sub3A_1568, %select_n3A_1562 : vector<13x128xi32>
    %max3A_1570 = arith.constant 0 : i32
    %max3A_1571 = vector.broadcast %max3A_1570 : i32 to vector<13x128xi32>
    %max3A_1572 = arith.maxsi %max3A_1571, %sub3A_1569 : vector<13x128xi32>
    %sub3A_1573 = arith.subi %min3A_1567, %max3A_1572 : vector<13x128xi32>
    %add3A_1574 = arith.constant 1 : i32
    %add3A_1575 = vector.broadcast %add3A_1574 : i32 to vector<13x128xi32>
    %add3A_1576 = arith.addi %sub3A_1573, %add3A_1575 : vector<13x128xi32>
    %lt3A_1577 = arith.constant 0 : i32
    %lt3A_1578 = vector.broadcast %lt3A_1577 : i32 to vector<13x128xi32>
    %lt3A_1579 = arith.cmpi slt, %sub3A_1538, %lt3A_1578 : vector<13x128xi32>
    %jit3A_1580 = arith.constant 0 : i32
    %broadcast_in_dim3A_1581 = vector.broadcast %jit3A_1580 : i32 to vector<13x128xi32>
    %select_n3A_1582 = arith.select %lt3A_1579, %broadcast_in_dim3A_1581, %add3A_1576 : vector<13x128xi1>, vector<13x128xi32>
    %add3A_1583 = arith.addi %add3A_1526, %select_n3A_1582 : vector<13x128xi32>
    %sub3A_1584 = arith.constant 1 : i32
    %sub3A_1585 = vector.broadcast %sub3A_1584 : i32 to vector<13x128xi32>
    %sub3A_1586 = arith.subi %get3A_673, %sub3A_1585 : vector<13x128xi32>
    %sub3A_1587 = arith.constant 16 : i32
    %sub3A_1588 = vector.broadcast %sub3A_1587 : i32 to vector<1x1xi32>
    %sub3A_1589 = arith.subi %sub3A_1588, %convert_element_type3A_669 : vector<1x1xi32>
    %sub3A_1590 = arith.constant 16 : i32
    %sub3A_1591 = vector.broadcast %sub3A_1590 : i32 to vector<1x1xi32>
    %sub3A_1592 = arith.subi %sub3A_1591, %convert_element_type3A_669 : vector<1x1xi32>
    %mul3A_1593 = arith.muli %sub3A_1589, %sub3A_1592 : vector<1x1xi32>
    %sub3A_1594 = vector.broadcast %mul3A_1593 : vector<1x1xi32> to vector<13x128xi32>
    %sub3A_1595 = arith.subi %sub3A_1586, %sub3A_1594 : vector<13x128xi32>
    %max3A_1596 = arith.constant 0 : i32
    %max3A_1597 = vector.broadcast %max3A_1596 : i32 to vector<13x128xi32>
    %max3A_1598 = arith.maxsi %sub3A_1595, %max3A_1597 : vector<13x128xi32>
    %convert_element_type3A_1599 = arith.sitofp %max3A_1598 : vector<13x128xi32> to vector<13x128xf32>
    %sqrt3A_1600 = math.sqrt %convert_element_type3A_1599 : vector<13x128xf32>
    %convert_element_type3A_1601 = arith.fptosi %sqrt3A_1600 : vector<13x128xf32> to vector<13x128xi32>
    %mul3A_1602 = arith.muli %convert_element_type3A_1601, %convert_element_type3A_1601 : vector<13x128xi32>
    %gt3A_1603 = arith.cmpi sgt, %mul3A_1602, %max3A_1598 : vector<13x128xi32>
    %sub3A_1604 = arith.constant 1 : i32
    %sub3A_1605 = vector.broadcast %sub3A_1604 : i32 to vector<13x128xi32>
    %sub3A_1606 = arith.subi %convert_element_type3A_1601, %sub3A_1605 : vector<13x128xi32>
    %select_n3A_1607 = arith.select %gt3A_1603, %sub3A_1606, %convert_element_type3A_1601 : vector<13x128xi1>, vector<13x128xi32>
    %add3A_1608 = arith.constant 1 : i32
    %add3A_1609 = vector.broadcast %add3A_1608 : i32 to vector<13x128xi32>
    %add3A_1610 = arith.addi %select_n3A_1607, %add3A_1609 : vector<13x128xi32>
    %add3A_1611 = arith.constant 1 : i32
    %add3A_1612 = vector.broadcast %add3A_1611 : i32 to vector<13x128xi32>
    %add3A_1613 = arith.addi %select_n3A_1607, %add3A_1612 : vector<13x128xi32>
    %mul3A_1614 = arith.muli %add3A_1610, %add3A_1613 : vector<13x128xi32>
    %le3A_1615 = arith.cmpi sle, %mul3A_1614, %max3A_1598 : vector<13x128xi32>
    %add3A_1616 = arith.constant 1 : i32
    %add3A_1617 = vector.broadcast %add3A_1616 : i32 to vector<13x128xi32>
    %add3A_1618 = arith.addi %select_n3A_1607, %add3A_1617 : vector<13x128xi32>
    %select_n3A_1619 = arith.select %le3A_1615, %add3A_1618, %select_n3A_1607 : vector<13x128xi1>, vector<13x128xi32>
    %add3A_1620 = vector.broadcast %convert_element_type3A_670 : vector<1x1xi32> to vector<13x128xi32>
    %add3A_1621 = arith.addi %add3A_1620, %select_n3A_1619 : vector<13x128xi32>
    %min3A_1622 = arith.constant 63 : i32
    %min3A_1623 = vector.broadcast %min3A_1622 : i32 to vector<13x128xi32>
    %min3A_1624 = arith.minsi %min3A_1623, %add3A_1621 : vector<13x128xi32>
    %sub3A_1625 = vector.broadcast %convert_element_type3A_670 : vector<1x1xi32> to vector<13x128xi32>
    %sub3A_1626 = arith.subi %sub3A_1625, %select_n3A_1619 : vector<13x128xi32>
    %max3A_1627 = arith.constant 0 : i32
    %max3A_1628 = vector.broadcast %max3A_1627 : i32 to vector<13x128xi32>
    %max3A_1629 = arith.maxsi %max3A_1628, %sub3A_1626 : vector<13x128xi32>
    %sub3A_1630 = arith.subi %min3A_1624, %max3A_1629 : vector<13x128xi32>
    %add3A_1631 = arith.constant 1 : i32
    %add3A_1632 = vector.broadcast %add3A_1631 : i32 to vector<13x128xi32>
    %add3A_1633 = arith.addi %sub3A_1630, %add3A_1632 : vector<13x128xi32>
    %lt3A_1634 = arith.constant 0 : i32
    %lt3A_1635 = vector.broadcast %lt3A_1634 : i32 to vector<13x128xi32>
    %lt3A_1636 = arith.cmpi slt, %sub3A_1595, %lt3A_1635 : vector<13x128xi32>
    %jit3A_1637 = arith.constant 0 : i32
    %broadcast_in_dim3A_1638 = vector.broadcast %jit3A_1637 : i32 to vector<13x128xi32>
    %select_n3A_1639 = arith.select %lt3A_1636, %broadcast_in_dim3A_1638, %add3A_1633 : vector<13x128xi1>, vector<13x128xi32>
    %add3A_1640 = arith.addi %add3A_1583, %select_n3A_1639 : vector<13x128xi32>
    %sub3A_1641 = arith.constant 1 : i32
    %sub3A_1642 = vector.broadcast %sub3A_1641 : i32 to vector<13x128xi32>
    %sub3A_1643 = arith.subi %get3A_673, %sub3A_1642 : vector<13x128xi32>
    %sub3A_1644 = arith.constant 17 : i32
    %sub3A_1645 = vector.broadcast %sub3A_1644 : i32 to vector<1x1xi32>
    %sub3A_1646 = arith.subi %sub3A_1645, %convert_element_type3A_669 : vector<1x1xi32>
    %sub3A_1647 = arith.constant 17 : i32
    %sub3A_1648 = vector.broadcast %sub3A_1647 : i32 to vector<1x1xi32>
    %sub3A_1649 = arith.subi %sub3A_1648, %convert_element_type3A_669 : vector<1x1xi32>
    %mul3A_1650 = arith.muli %sub3A_1646, %sub3A_1649 : vector<1x1xi32>
    %sub3A_1651 = vector.broadcast %mul3A_1650 : vector<1x1xi32> to vector<13x128xi32>
    %sub3A_1652 = arith.subi %sub3A_1643, %sub3A_1651 : vector<13x128xi32>
    %max3A_1653 = arith.constant 0 : i32
    %max3A_1654 = vector.broadcast %max3A_1653 : i32 to vector<13x128xi32>
    %max3A_1655 = arith.maxsi %sub3A_1652, %max3A_1654 : vector<13x128xi32>
    %convert_element_type3A_1656 = arith.sitofp %max3A_1655 : vector<13x128xi32> to vector<13x128xf32>
    %sqrt3A_1657 = math.sqrt %convert_element_type3A_1656 : vector<13x128xf32>
    %convert_element_type3A_1658 = arith.fptosi %sqrt3A_1657 : vector<13x128xf32> to vector<13x128xi32>
    %mul3A_1659 = arith.muli %convert_element_type3A_1658, %convert_element_type3A_1658 : vector<13x128xi32>
    %gt3A_1660 = arith.cmpi sgt, %mul3A_1659, %max3A_1655 : vector<13x128xi32>
    %sub3A_1661 = arith.constant 1 : i32
    %sub3A_1662 = vector.broadcast %sub3A_1661 : i32 to vector<13x128xi32>
    %sub3A_1663 = arith.subi %convert_element_type3A_1658, %sub3A_1662 : vector<13x128xi32>
    %select_n3A_1664 = arith.select %gt3A_1660, %sub3A_1663, %convert_element_type3A_1658 : vector<13x128xi1>, vector<13x128xi32>
    %add3A_1665 = arith.constant 1 : i32
    %add3A_1666 = vector.broadcast %add3A_1665 : i32 to vector<13x128xi32>
    %add3A_1667 = arith.addi %select_n3A_1664, %add3A_1666 : vector<13x128xi32>
    %add3A_1668 = arith.constant 1 : i32
    %add3A_1669 = vector.broadcast %add3A_1668 : i32 to vector<13x128xi32>
    %add3A_1670 = arith.addi %select_n3A_1664, %add3A_1669 : vector<13x128xi32>
    %mul3A_1671 = arith.muli %add3A_1667, %add3A_1670 : vector<13x128xi32>
    %le3A_1672 = arith.cmpi sle, %mul3A_1671, %max3A_1655 : vector<13x128xi32>
    %add3A_1673 = arith.constant 1 : i32
    %add3A_1674 = vector.broadcast %add3A_1673 : i32 to vector<13x128xi32>
    %add3A_1675 = arith.addi %select_n3A_1664, %add3A_1674 : vector<13x128xi32>
    %select_n3A_1676 = arith.select %le3A_1672, %add3A_1675, %select_n3A_1664 : vector<13x128xi1>, vector<13x128xi32>
    %add3A_1677 = vector.broadcast %convert_element_type3A_670 : vector<1x1xi32> to vector<13x128xi32>
    %add3A_1678 = arith.addi %add3A_1677, %select_n3A_1676 : vector<13x128xi32>
    %min3A_1679 = arith.constant 63 : i32
    %min3A_1680 = vector.broadcast %min3A_1679 : i32 to vector<13x128xi32>
    %min3A_1681 = arith.minsi %min3A_1680, %add3A_1678 : vector<13x128xi32>
    %sub3A_1682 = vector.broadcast %convert_element_type3A_670 : vector<1x1xi32> to vector<13x128xi32>
    %sub3A_1683 = arith.subi %sub3A_1682, %select_n3A_1676 : vector<13x128xi32>
    %max3A_1684 = arith.constant 0 : i32
    %max3A_1685 = vector.broadcast %max3A_1684 : i32 to vector<13x128xi32>
    %max3A_1686 = arith.maxsi %max3A_1685, %sub3A_1683 : vector<13x128xi32>
    %sub3A_1687 = arith.subi %min3A_1681, %max3A_1686 : vector<13x128xi32>
    %add3A_1688 = arith.constant 1 : i32
    %add3A_1689 = vector.broadcast %add3A_1688 : i32 to vector<13x128xi32>
    %add3A_1690 = arith.addi %sub3A_1687, %add3A_1689 : vector<13x128xi32>
    %lt3A_1691 = arith.constant 0 : i32
    %lt3A_1692 = vector.broadcast %lt3A_1691 : i32 to vector<13x128xi32>
    %lt3A_1693 = arith.cmpi slt, %sub3A_1652, %lt3A_1692 : vector<13x128xi32>
    %jit3A_1694 = arith.constant 0 : i32
    %broadcast_in_dim3A_1695 = vector.broadcast %jit3A_1694 : i32 to vector<13x128xi32>
    %select_n3A_1696 = arith.select %lt3A_1693, %broadcast_in_dim3A_1695, %add3A_1690 : vector<13x128xi1>, vector<13x128xi32>
    %add3A_1697 = arith.addi %add3A_1640, %select_n3A_1696 : vector<13x128xi32>
    %sub3A_1698 = arith.constant 1 : i32
    %sub3A_1699 = vector.broadcast %sub3A_1698 : i32 to vector<13x128xi32>
    %sub3A_1700 = arith.subi %get3A_673, %sub3A_1699 : vector<13x128xi32>
    %sub3A_1701 = arith.constant 18 : i32
    %sub3A_1702 = vector.broadcast %sub3A_1701 : i32 to vector<1x1xi32>
    %sub3A_1703 = arith.subi %sub3A_1702, %convert_element_type3A_669 : vector<1x1xi32>
    %sub3A_1704 = arith.constant 18 : i32
    %sub3A_1705 = vector.broadcast %sub3A_1704 : i32 to vector<1x1xi32>
    %sub3A_1706 = arith.subi %sub3A_1705, %convert_element_type3A_669 : vector<1x1xi32>
    %mul3A_1707 = arith.muli %sub3A_1703, %sub3A_1706 : vector<1x1xi32>
    %sub3A_1708 = vector.broadcast %mul3A_1707 : vector<1x1xi32> to vector<13x128xi32>
    %sub3A_1709 = arith.subi %sub3A_1700, %sub3A_1708 : vector<13x128xi32>
    %max3A_1710 = arith.constant 0 : i32
    %max3A_1711 = vector.broadcast %max3A_1710 : i32 to vector<13x128xi32>
    %max3A_1712 = arith.maxsi %sub3A_1709, %max3A_1711 : vector<13x128xi32>
    %convert_element_type3A_1713 = arith.sitofp %max3A_1712 : vector<13x128xi32> to vector<13x128xf32>
    %sqrt3A_1714 = math.sqrt %convert_element_type3A_1713 : vector<13x128xf32>
    %convert_element_type3A_1715 = arith.fptosi %sqrt3A_1714 : vector<13x128xf32> to vector<13x128xi32>
    %mul3A_1716 = arith.muli %convert_element_type3A_1715, %convert_element_type3A_1715 : vector<13x128xi32>
    %gt3A_1717 = arith.cmpi sgt, %mul3A_1716, %max3A_1712 : vector<13x128xi32>
    %sub3A_1718 = arith.constant 1 : i32
    %sub3A_1719 = vector.broadcast %sub3A_1718 : i32 to vector<13x128xi32>
    %sub3A_1720 = arith.subi %convert_element_type3A_1715, %sub3A_1719 : vector<13x128xi32>
    %select_n3A_1721 = arith.select %gt3A_1717, %sub3A_1720, %convert_element_type3A_1715 : vector<13x128xi1>, vector<13x128xi32>
    %add3A_1722 = arith.constant 1 : i32
    %add3A_1723 = vector.broadcast %add3A_1722 : i32 to vector<13x128xi32>
    %add3A_1724 = arith.addi %select_n3A_1721, %add3A_1723 : vector<13x128xi32>
    %add3A_1725 = arith.constant 1 : i32
    %add3A_1726 = vector.broadcast %add3A_1725 : i32 to vector<13x128xi32>
    %add3A_1727 = arith.addi %select_n3A_1721, %add3A_1726 : vector<13x128xi32>
    %mul3A_1728 = arith.muli %add3A_1724, %add3A_1727 : vector<13x128xi32>
    %le3A_1729 = arith.cmpi sle, %mul3A_1728, %max3A_1712 : vector<13x128xi32>
    %add3A_1730 = arith.constant 1 : i32
    %add3A_1731 = vector.broadcast %add3A_1730 : i32 to vector<13x128xi32>
    %add3A_1732 = arith.addi %select_n3A_1721, %add3A_1731 : vector<13x128xi32>
    %select_n3A_1733 = arith.select %le3A_1729, %add3A_1732, %select_n3A_1721 : vector<13x128xi1>, vector<13x128xi32>
    %add3A_1734 = vector.broadcast %convert_element_type3A_670 : vector<1x1xi32> to vector<13x128xi32>
    %add3A_1735 = arith.addi %add3A_1734, %select_n3A_1733 : vector<13x128xi32>
    %min3A_1736 = arith.constant 63 : i32
    %min3A_1737 = vector.broadcast %min3A_1736 : i32 to vector<13x128xi32>
    %min3A_1738 = arith.minsi %min3A_1737, %add3A_1735 : vector<13x128xi32>
    %sub3A_1739 = vector.broadcast %convert_element_type3A_670 : vector<1x1xi32> to vector<13x128xi32>
    %sub3A_1740 = arith.subi %sub3A_1739, %select_n3A_1733 : vector<13x128xi32>
    %max3A_1741 = arith.constant 0 : i32
    %max3A_1742 = vector.broadcast %max3A_1741 : i32 to vector<13x128xi32>
    %max3A_1743 = arith.maxsi %max3A_1742, %sub3A_1740 : vector<13x128xi32>
    %sub3A_1744 = arith.subi %min3A_1738, %max3A_1743 : vector<13x128xi32>
    %add3A_1745 = arith.constant 1 : i32
    %add3A_1746 = vector.broadcast %add3A_1745 : i32 to vector<13x128xi32>
    %add3A_1747 = arith.addi %sub3A_1744, %add3A_1746 : vector<13x128xi32>
    %lt3A_1748 = arith.constant 0 : i32
    %lt3A_1749 = vector.broadcast %lt3A_1748 : i32 to vector<13x128xi32>
    %lt3A_1750 = arith.cmpi slt, %sub3A_1709, %lt3A_1749 : vector<13x128xi32>
    %jit3A_1751 = arith.constant 0 : i32
    %broadcast_in_dim3A_1752 = vector.broadcast %jit3A_1751 : i32 to vector<13x128xi32>
    %select_n3A_1753 = arith.select %lt3A_1750, %broadcast_in_dim3A_1752, %add3A_1747 : vector<13x128xi1>, vector<13x128xi32>
    %add3A_1754 = arith.addi %add3A_1697, %select_n3A_1753 : vector<13x128xi32>
    %sub3A_1755 = arith.constant 1 : i32
    %sub3A_1756 = vector.broadcast %sub3A_1755 : i32 to vector<13x128xi32>
    %sub3A_1757 = arith.subi %get3A_673, %sub3A_1756 : vector<13x128xi32>
    %sub3A_1758 = arith.constant 19 : i32
    %sub3A_1759 = vector.broadcast %sub3A_1758 : i32 to vector<1x1xi32>
    %sub3A_1760 = arith.subi %sub3A_1759, %convert_element_type3A_669 : vector<1x1xi32>
    %sub3A_1761 = arith.constant 19 : i32
    %sub3A_1762 = vector.broadcast %sub3A_1761 : i32 to vector<1x1xi32>
    %sub3A_1763 = arith.subi %sub3A_1762, %convert_element_type3A_669 : vector<1x1xi32>
    %mul3A_1764 = arith.muli %sub3A_1760, %sub3A_1763 : vector<1x1xi32>
    %sub3A_1765 = vector.broadcast %mul3A_1764 : vector<1x1xi32> to vector<13x128xi32>
    %sub3A_1766 = arith.subi %sub3A_1757, %sub3A_1765 : vector<13x128xi32>
    %max3A_1767 = arith.constant 0 : i32
    %max3A_1768 = vector.broadcast %max3A_1767 : i32 to vector<13x128xi32>
    %max3A_1769 = arith.maxsi %sub3A_1766, %max3A_1768 : vector<13x128xi32>
    %convert_element_type3A_1770 = arith.sitofp %max3A_1769 : vector<13x128xi32> to vector<13x128xf32>
    %sqrt3A_1771 = math.sqrt %convert_element_type3A_1770 : vector<13x128xf32>
    %convert_element_type3A_1772 = arith.fptosi %sqrt3A_1771 : vector<13x128xf32> to vector<13x128xi32>
    %mul3A_1773 = arith.muli %convert_element_type3A_1772, %convert_element_type3A_1772 : vector<13x128xi32>
    %gt3A_1774 = arith.cmpi sgt, %mul3A_1773, %max3A_1769 : vector<13x128xi32>
    %sub3A_1775 = arith.constant 1 : i32
    %sub3A_1776 = vector.broadcast %sub3A_1775 : i32 to vector<13x128xi32>
    %sub3A_1777 = arith.subi %convert_element_type3A_1772, %sub3A_1776 : vector<13x128xi32>
    %select_n3A_1778 = arith.select %gt3A_1774, %sub3A_1777, %convert_element_type3A_1772 : vector<13x128xi1>, vector<13x128xi32>
    %add3A_1779 = arith.constant 1 : i32
    %add3A_1780 = vector.broadcast %add3A_1779 : i32 to vector<13x128xi32>
    %add3A_1781 = arith.addi %select_n3A_1778, %add3A_1780 : vector<13x128xi32>
    %add3A_1782 = arith.constant 1 : i32
    %add3A_1783 = vector.broadcast %add3A_1782 : i32 to vector<13x128xi32>
    %add3A_1784 = arith.addi %select_n3A_1778, %add3A_1783 : vector<13x128xi32>
    %mul3A_1785 = arith.muli %add3A_1781, %add3A_1784 : vector<13x128xi32>
    %le3A_1786 = arith.cmpi sle, %mul3A_1785, %max3A_1769 : vector<13x128xi32>
    %add3A_1787 = arith.constant 1 : i32
    %add3A_1788 = vector.broadcast %add3A_1787 : i32 to vector<13x128xi32>
    %add3A_1789 = arith.addi %select_n3A_1778, %add3A_1788 : vector<13x128xi32>
    %select_n3A_1790 = arith.select %le3A_1786, %add3A_1789, %select_n3A_1778 : vector<13x128xi1>, vector<13x128xi32>
    %add3A_1791 = vector.broadcast %convert_element_type3A_670 : vector<1x1xi32> to vector<13x128xi32>
    %add3A_1792 = arith.addi %add3A_1791, %select_n3A_1790 : vector<13x128xi32>
    %min3A_1793 = arith.constant 63 : i32
    %min3A_1794 = vector.broadcast %min3A_1793 : i32 to vector<13x128xi32>
    %min3A_1795 = arith.minsi %min3A_1794, %add3A_1792 : vector<13x128xi32>
    %sub3A_1796 = vector.broadcast %convert_element_type3A_670 : vector<1x1xi32> to vector<13x128xi32>
    %sub3A_1797 = arith.subi %sub3A_1796, %select_n3A_1790 : vector<13x128xi32>
    %max3A_1798 = arith.constant 0 : i32
    %max3A_1799 = vector.broadcast %max3A_1798 : i32 to vector<13x128xi32>
    %max3A_1800 = arith.maxsi %max3A_1799, %sub3A_1797 : vector<13x128xi32>
    %sub3A_1801 = arith.subi %min3A_1795, %max3A_1800 : vector<13x128xi32>
    %add3A_1802 = arith.constant 1 : i32
    %add3A_1803 = vector.broadcast %add3A_1802 : i32 to vector<13x128xi32>
    %add3A_1804 = arith.addi %sub3A_1801, %add3A_1803 : vector<13x128xi32>
    %lt3A_1805 = arith.constant 0 : i32
    %lt3A_1806 = vector.broadcast %lt3A_1805 : i32 to vector<13x128xi32>
    %lt3A_1807 = arith.cmpi slt, %sub3A_1766, %lt3A_1806 : vector<13x128xi32>
    %jit3A_1808 = arith.constant 0 : i32
    %broadcast_in_dim3A_1809 = vector.broadcast %jit3A_1808 : i32 to vector<13x128xi32>
    %select_n3A_1810 = arith.select %lt3A_1807, %broadcast_in_dim3A_1809, %add3A_1804 : vector<13x128xi1>, vector<13x128xi32>
    %add3A_1811 = arith.addi %add3A_1754, %select_n3A_1810 : vector<13x128xi32>
    %sub3A_1812 = arith.constant 1 : i32
    %sub3A_1813 = vector.broadcast %sub3A_1812 : i32 to vector<13x128xi32>
    %sub3A_1814 = arith.subi %get3A_673, %sub3A_1813 : vector<13x128xi32>
    %sub3A_1815 = arith.constant 20 : i32
    %sub3A_1816 = vector.broadcast %sub3A_1815 : i32 to vector<1x1xi32>
    %sub3A_1817 = arith.subi %sub3A_1816, %convert_element_type3A_669 : vector<1x1xi32>
    %sub3A_1818 = arith.constant 20 : i32
    %sub3A_1819 = vector.broadcast %sub3A_1818 : i32 to vector<1x1xi32>
    %sub3A_1820 = arith.subi %sub3A_1819, %convert_element_type3A_669 : vector<1x1xi32>
    %mul3A_1821 = arith.muli %sub3A_1817, %sub3A_1820 : vector<1x1xi32>
    %sub3A_1822 = vector.broadcast %mul3A_1821 : vector<1x1xi32> to vector<13x128xi32>
    %sub3A_1823 = arith.subi %sub3A_1814, %sub3A_1822 : vector<13x128xi32>
    %max3A_1824 = arith.constant 0 : i32
    %max3A_1825 = vector.broadcast %max3A_1824 : i32 to vector<13x128xi32>
    %max3A_1826 = arith.maxsi %sub3A_1823, %max3A_1825 : vector<13x128xi32>
    %convert_element_type3A_1827 = arith.sitofp %max3A_1826 : vector<13x128xi32> to vector<13x128xf32>
    %sqrt3A_1828 = math.sqrt %convert_element_type3A_1827 : vector<13x128xf32>
    %convert_element_type3A_1829 = arith.fptosi %sqrt3A_1828 : vector<13x128xf32> to vector<13x128xi32>
    %mul3A_1830 = arith.muli %convert_element_type3A_1829, %convert_element_type3A_1829 : vector<13x128xi32>
    %gt3A_1831 = arith.cmpi sgt, %mul3A_1830, %max3A_1826 : vector<13x128xi32>
    %sub3A_1832 = arith.constant 1 : i32
    %sub3A_1833 = vector.broadcast %sub3A_1832 : i32 to vector<13x128xi32>
    %sub3A_1834 = arith.subi %convert_element_type3A_1829, %sub3A_1833 : vector<13x128xi32>
    %select_n3A_1835 = arith.select %gt3A_1831, %sub3A_1834, %convert_element_type3A_1829 : vector<13x128xi1>, vector<13x128xi32>
    %add3A_1836 = arith.constant 1 : i32
    %add3A_1837 = vector.broadcast %add3A_1836 : i32 to vector<13x128xi32>
    %add3A_1838 = arith.addi %select_n3A_1835, %add3A_1837 : vector<13x128xi32>
    %add3A_1839 = arith.constant 1 : i32
    %add3A_1840 = vector.broadcast %add3A_1839 : i32 to vector<13x128xi32>
    %add3A_1841 = arith.addi %select_n3A_1835, %add3A_1840 : vector<13x128xi32>
    %mul3A_1842 = arith.muli %add3A_1838, %add3A_1841 : vector<13x128xi32>
    %le3A_1843 = arith.cmpi sle, %mul3A_1842, %max3A_1826 : vector<13x128xi32>
    %add3A_1844 = arith.constant 1 : i32
    %add3A_1845 = vector.broadcast %add3A_1844 : i32 to vector<13x128xi32>
    %add3A_1846 = arith.addi %select_n3A_1835, %add3A_1845 : vector<13x128xi32>
    %select_n3A_1847 = arith.select %le3A_1843, %add3A_1846, %select_n3A_1835 : vector<13x128xi1>, vector<13x128xi32>
    %add3A_1848 = vector.broadcast %convert_element_type3A_670 : vector<1x1xi32> to vector<13x128xi32>
    %add3A_1849 = arith.addi %add3A_1848, %select_n3A_1847 : vector<13x128xi32>
    %min3A_1850 = arith.constant 63 : i32
    %min3A_1851 = vector.broadcast %min3A_1850 : i32 to vector<13x128xi32>
    %min3A_1852 = arith.minsi %min3A_1851, %add3A_1849 : vector<13x128xi32>
    %sub3A_1853 = vector.broadcast %convert_element_type3A_670 : vector<1x1xi32> to vector<13x128xi32>
    %sub3A_1854 = arith.subi %sub3A_1853, %select_n3A_1847 : vector<13x128xi32>
    %max3A_1855 = arith.constant 0 : i32
    %max3A_1856 = vector.broadcast %max3A_1855 : i32 to vector<13x128xi32>
    %max3A_1857 = arith.maxsi %max3A_1856, %sub3A_1854 : vector<13x128xi32>
    %sub3A_1858 = arith.subi %min3A_1852, %max3A_1857 : vector<13x128xi32>
    %add3A_1859 = arith.constant 1 : i32
    %add3A_1860 = vector.broadcast %add3A_1859 : i32 to vector<13x128xi32>
    %add3A_1861 = arith.addi %sub3A_1858, %add3A_1860 : vector<13x128xi32>
    %lt3A_1862 = arith.constant 0 : i32
    %lt3A_1863 = vector.broadcast %lt3A_1862 : i32 to vector<13x128xi32>
    %lt3A_1864 = arith.cmpi slt, %sub3A_1823, %lt3A_1863 : vector<13x128xi32>
    %jit3A_1865 = arith.constant 0 : i32
    %broadcast_in_dim3A_1866 = vector.broadcast %jit3A_1865 : i32 to vector<13x128xi32>
    %select_n3A_1867 = arith.select %lt3A_1864, %broadcast_in_dim3A_1866, %add3A_1861 : vector<13x128xi1>, vector<13x128xi32>
    %add3A_1868 = arith.addi %add3A_1811, %select_n3A_1867 : vector<13x128xi32>
    %sub3A_1869 = arith.constant 1 : i32
    %sub3A_1870 = vector.broadcast %sub3A_1869 : i32 to vector<13x128xi32>
    %sub3A_1871 = arith.subi %get3A_673, %sub3A_1870 : vector<13x128xi32>
    %sub3A_1872 = arith.constant 21 : i32
    %sub3A_1873 = vector.broadcast %sub3A_1872 : i32 to vector<1x1xi32>
    %sub3A_1874 = arith.subi %sub3A_1873, %convert_element_type3A_669 : vector<1x1xi32>
    %sub3A_1875 = arith.constant 21 : i32
    %sub3A_1876 = vector.broadcast %sub3A_1875 : i32 to vector<1x1xi32>
    %sub3A_1877 = arith.subi %sub3A_1876, %convert_element_type3A_669 : vector<1x1xi32>
    %mul3A_1878 = arith.muli %sub3A_1874, %sub3A_1877 : vector<1x1xi32>
    %sub3A_1879 = vector.broadcast %mul3A_1878 : vector<1x1xi32> to vector<13x128xi32>
    %sub3A_1880 = arith.subi %sub3A_1871, %sub3A_1879 : vector<13x128xi32>
    %max3A_1881 = arith.constant 0 : i32
    %max3A_1882 = vector.broadcast %max3A_1881 : i32 to vector<13x128xi32>
    %max3A_1883 = arith.maxsi %sub3A_1880, %max3A_1882 : vector<13x128xi32>
    %convert_element_type3A_1884 = arith.sitofp %max3A_1883 : vector<13x128xi32> to vector<13x128xf32>
    %sqrt3A_1885 = math.sqrt %convert_element_type3A_1884 : vector<13x128xf32>
    %convert_element_type3A_1886 = arith.fptosi %sqrt3A_1885 : vector<13x128xf32> to vector<13x128xi32>
    %mul3A_1887 = arith.muli %convert_element_type3A_1886, %convert_element_type3A_1886 : vector<13x128xi32>
    %gt3A_1888 = arith.cmpi sgt, %mul3A_1887, %max3A_1883 : vector<13x128xi32>
    %sub3A_1889 = arith.constant 1 : i32
    %sub3A_1890 = vector.broadcast %sub3A_1889 : i32 to vector<13x128xi32>
    %sub3A_1891 = arith.subi %convert_element_type3A_1886, %sub3A_1890 : vector<13x128xi32>
    %select_n3A_1892 = arith.select %gt3A_1888, %sub3A_1891, %convert_element_type3A_1886 : vector<13x128xi1>, vector<13x128xi32>
    %add3A_1893 = arith.constant 1 : i32
    %add3A_1894 = vector.broadcast %add3A_1893 : i32 to vector<13x128xi32>
    %add3A_1895 = arith.addi %select_n3A_1892, %add3A_1894 : vector<13x128xi32>
    %add3A_1896 = arith.constant 1 : i32
    %add3A_1897 = vector.broadcast %add3A_1896 : i32 to vector<13x128xi32>
    %add3A_1898 = arith.addi %select_n3A_1892, %add3A_1897 : vector<13x128xi32>
    %mul3A_1899 = arith.muli %add3A_1895, %add3A_1898 : vector<13x128xi32>
    %le3A_1900 = arith.cmpi sle, %mul3A_1899, %max3A_1883 : vector<13x128xi32>
    %add3A_1901 = arith.constant 1 : i32
    %add3A_1902 = vector.broadcast %add3A_1901 : i32 to vector<13x128xi32>
    %add3A_1903 = arith.addi %select_n3A_1892, %add3A_1902 : vector<13x128xi32>
    %select_n3A_1904 = arith.select %le3A_1900, %add3A_1903, %select_n3A_1892 : vector<13x128xi1>, vector<13x128xi32>
    %add3A_1905 = vector.broadcast %convert_element_type3A_670 : vector<1x1xi32> to vector<13x128xi32>
    %add3A_1906 = arith.addi %add3A_1905, %select_n3A_1904 : vector<13x128xi32>
    %min3A_1907 = arith.constant 63 : i32
    %min3A_1908 = vector.broadcast %min3A_1907 : i32 to vector<13x128xi32>
    %min3A_1909 = arith.minsi %min3A_1908, %add3A_1906 : vector<13x128xi32>
    %sub3A_1910 = vector.broadcast %convert_element_type3A_670 : vector<1x1xi32> to vector<13x128xi32>
    %sub3A_1911 = arith.subi %sub3A_1910, %select_n3A_1904 : vector<13x128xi32>
    %max3A_1912 = arith.constant 0 : i32
    %max3A_1913 = vector.broadcast %max3A_1912 : i32 to vector<13x128xi32>
    %max3A_1914 = arith.maxsi %max3A_1913, %sub3A_1911 : vector<13x128xi32>
    %sub3A_1915 = arith.subi %min3A_1909, %max3A_1914 : vector<13x128xi32>
    %add3A_1916 = arith.constant 1 : i32
    %add3A_1917 = vector.broadcast %add3A_1916 : i32 to vector<13x128xi32>
    %add3A_1918 = arith.addi %sub3A_1915, %add3A_1917 : vector<13x128xi32>
    %lt3A_1919 = arith.constant 0 : i32
    %lt3A_1920 = vector.broadcast %lt3A_1919 : i32 to vector<13x128xi32>
    %lt3A_1921 = arith.cmpi slt, %sub3A_1880, %lt3A_1920 : vector<13x128xi32>
    %jit3A_1922 = arith.constant 0 : i32
    %broadcast_in_dim3A_1923 = vector.broadcast %jit3A_1922 : i32 to vector<13x128xi32>
    %select_n3A_1924 = arith.select %lt3A_1921, %broadcast_in_dim3A_1923, %add3A_1918 : vector<13x128xi1>, vector<13x128xi32>
    %add3A_1925 = arith.addi %add3A_1868, %select_n3A_1924 : vector<13x128xi32>
    %sub3A_1926 = arith.constant 1 : i32
    %sub3A_1927 = vector.broadcast %sub3A_1926 : i32 to vector<13x128xi32>
    %sub3A_1928 = arith.subi %get3A_673, %sub3A_1927 : vector<13x128xi32>
    %sub3A_1929 = arith.constant 22 : i32
    %sub3A_1930 = vector.broadcast %sub3A_1929 : i32 to vector<1x1xi32>
    %sub3A_1931 = arith.subi %sub3A_1930, %convert_element_type3A_669 : vector<1x1xi32>
    %sub3A_1932 = arith.constant 22 : i32
    %sub3A_1933 = vector.broadcast %sub3A_1932 : i32 to vector<1x1xi32>
    %sub3A_1934 = arith.subi %sub3A_1933, %convert_element_type3A_669 : vector<1x1xi32>
    %mul3A_1935 = arith.muli %sub3A_1931, %sub3A_1934 : vector<1x1xi32>
    %sub3A_1936 = vector.broadcast %mul3A_1935 : vector<1x1xi32> to vector<13x128xi32>
    %sub3A_1937 = arith.subi %sub3A_1928, %sub3A_1936 : vector<13x128xi32>
    %max3A_1938 = arith.constant 0 : i32
    %max3A_1939 = vector.broadcast %max3A_1938 : i32 to vector<13x128xi32>
    %max3A_1940 = arith.maxsi %sub3A_1937, %max3A_1939 : vector<13x128xi32>
    %convert_element_type3A_1941 = arith.sitofp %max3A_1940 : vector<13x128xi32> to vector<13x128xf32>
    %sqrt3A_1942 = math.sqrt %convert_element_type3A_1941 : vector<13x128xf32>
    %convert_element_type3A_1943 = arith.fptosi %sqrt3A_1942 : vector<13x128xf32> to vector<13x128xi32>
    %mul3A_1944 = arith.muli %convert_element_type3A_1943, %convert_element_type3A_1943 : vector<13x128xi32>
    %gt3A_1945 = arith.cmpi sgt, %mul3A_1944, %max3A_1940 : vector<13x128xi32>
    %sub3A_1946 = arith.constant 1 : i32
    %sub3A_1947 = vector.broadcast %sub3A_1946 : i32 to vector<13x128xi32>
    %sub3A_1948 = arith.subi %convert_element_type3A_1943, %sub3A_1947 : vector<13x128xi32>
    %select_n3A_1949 = arith.select %gt3A_1945, %sub3A_1948, %convert_element_type3A_1943 : vector<13x128xi1>, vector<13x128xi32>
    %add3A_1950 = arith.constant 1 : i32
    %add3A_1951 = vector.broadcast %add3A_1950 : i32 to vector<13x128xi32>
    %add3A_1952 = arith.addi %select_n3A_1949, %add3A_1951 : vector<13x128xi32>
    %add3A_1953 = arith.constant 1 : i32
    %add3A_1954 = vector.broadcast %add3A_1953 : i32 to vector<13x128xi32>
    %add3A_1955 = arith.addi %select_n3A_1949, %add3A_1954 : vector<13x128xi32>
    %mul3A_1956 = arith.muli %add3A_1952, %add3A_1955 : vector<13x128xi32>
    %le3A_1957 = arith.cmpi sle, %mul3A_1956, %max3A_1940 : vector<13x128xi32>
    %add3A_1958 = arith.constant 1 : i32
    %add3A_1959 = vector.broadcast %add3A_1958 : i32 to vector<13x128xi32>
    %add3A_1960 = arith.addi %select_n3A_1949, %add3A_1959 : vector<13x128xi32>
    %select_n3A_1961 = arith.select %le3A_1957, %add3A_1960, %select_n3A_1949 : vector<13x128xi1>, vector<13x128xi32>
    %add3A_1962 = vector.broadcast %convert_element_type3A_670 : vector<1x1xi32> to vector<13x128xi32>
    %add3A_1963 = arith.addi %add3A_1962, %select_n3A_1961 : vector<13x128xi32>
    %min3A_1964 = arith.constant 63 : i32
    %min3A_1965 = vector.broadcast %min3A_1964 : i32 to vector<13x128xi32>
    %min3A_1966 = arith.minsi %min3A_1965, %add3A_1963 : vector<13x128xi32>
    %sub3A_1967 = vector.broadcast %convert_element_type3A_670 : vector<1x1xi32> to vector<13x128xi32>
    %sub3A_1968 = arith.subi %sub3A_1967, %select_n3A_1961 : vector<13x128xi32>
    %max3A_1969 = arith.constant 0 : i32
    %max3A_1970 = vector.broadcast %max3A_1969 : i32 to vector<13x128xi32>
    %max3A_1971 = arith.maxsi %max3A_1970, %sub3A_1968 : vector<13x128xi32>
    %sub3A_1972 = arith.subi %min3A_1966, %max3A_1971 : vector<13x128xi32>
    %add3A_1973 = arith.constant 1 : i32
    %add3A_1974 = vector.broadcast %add3A_1973 : i32 to vector<13x128xi32>
    %add3A_1975 = arith.addi %sub3A_1972, %add3A_1974 : vector<13x128xi32>
    %lt3A_1976 = arith.constant 0 : i32
    %lt3A_1977 = vector.broadcast %lt3A_1976 : i32 to vector<13x128xi32>
    %lt3A_1978 = arith.cmpi slt, %sub3A_1937, %lt3A_1977 : vector<13x128xi32>
    %jit3A_1979 = arith.constant 0 : i32
    %broadcast_in_dim3A_1980 = vector.broadcast %jit3A_1979 : i32 to vector<13x128xi32>
    %select_n3A_1981 = arith.select %lt3A_1978, %broadcast_in_dim3A_1980, %add3A_1975 : vector<13x128xi1>, vector<13x128xi32>
    %add3A_1982 = arith.addi %add3A_1925, %select_n3A_1981 : vector<13x128xi32>
    %sub3A_1983 = arith.constant 1 : i32
    %sub3A_1984 = vector.broadcast %sub3A_1983 : i32 to vector<13x128xi32>
    %sub3A_1985 = arith.subi %get3A_673, %sub3A_1984 : vector<13x128xi32>
    %sub3A_1986 = arith.constant 23 : i32
    %sub3A_1987 = vector.broadcast %sub3A_1986 : i32 to vector<1x1xi32>
    %sub3A_1988 = arith.subi %sub3A_1987, %convert_element_type3A_669 : vector<1x1xi32>
    %sub3A_1989 = arith.constant 23 : i32
    %sub3A_1990 = vector.broadcast %sub3A_1989 : i32 to vector<1x1xi32>
    %sub3A_1991 = arith.subi %sub3A_1990, %convert_element_type3A_669 : vector<1x1xi32>
    %mul3A_1992 = arith.muli %sub3A_1988, %sub3A_1991 : vector<1x1xi32>
    %sub3A_1993 = vector.broadcast %mul3A_1992 : vector<1x1xi32> to vector<13x128xi32>
    %sub3A_1994 = arith.subi %sub3A_1985, %sub3A_1993 : vector<13x128xi32>
    %max3A_1995 = arith.constant 0 : i32
    %max3A_1996 = vector.broadcast %max3A_1995 : i32 to vector<13x128xi32>
    %max3A_1997 = arith.maxsi %sub3A_1994, %max3A_1996 : vector<13x128xi32>
    %convert_element_type3A_1998 = arith.sitofp %max3A_1997 : vector<13x128xi32> to vector<13x128xf32>
    %sqrt3A_1999 = math.sqrt %convert_element_type3A_1998 : vector<13x128xf32>
    %convert_element_type3A_2000 = arith.fptosi %sqrt3A_1999 : vector<13x128xf32> to vector<13x128xi32>
    %mul3A_2001 = arith.muli %convert_element_type3A_2000, %convert_element_type3A_2000 : vector<13x128xi32>
    %gt3A_2002 = arith.cmpi sgt, %mul3A_2001, %max3A_1997 : vector<13x128xi32>
    %sub3A_2003 = arith.constant 1 : i32
    %sub3A_2004 = vector.broadcast %sub3A_2003 : i32 to vector<13x128xi32>
    %sub3A_2005 = arith.subi %convert_element_type3A_2000, %sub3A_2004 : vector<13x128xi32>
    %select_n3A_2006 = arith.select %gt3A_2002, %sub3A_2005, %convert_element_type3A_2000 : vector<13x128xi1>, vector<13x128xi32>
    %add3A_2007 = arith.constant 1 : i32
    %add3A_2008 = vector.broadcast %add3A_2007 : i32 to vector<13x128xi32>
    %add3A_2009 = arith.addi %select_n3A_2006, %add3A_2008 : vector<13x128xi32>
    %add3A_2010 = arith.constant 1 : i32
    %add3A_2011 = vector.broadcast %add3A_2010 : i32 to vector<13x128xi32>
    %add3A_2012 = arith.addi %select_n3A_2006, %add3A_2011 : vector<13x128xi32>
    %mul3A_2013 = arith.muli %add3A_2009, %add3A_2012 : vector<13x128xi32>
    %le3A_2014 = arith.cmpi sle, %mul3A_2013, %max3A_1997 : vector<13x128xi32>
    %add3A_2015 = arith.constant 1 : i32
    %add3A_2016 = vector.broadcast %add3A_2015 : i32 to vector<13x128xi32>
    %add3A_2017 = arith.addi %select_n3A_2006, %add3A_2016 : vector<13x128xi32>
    %select_n3A_2018 = arith.select %le3A_2014, %add3A_2017, %select_n3A_2006 : vector<13x128xi1>, vector<13x128xi32>
    %add3A_2019 = vector.broadcast %convert_element_type3A_670 : vector<1x1xi32> to vector<13x128xi32>
    %add3A_2020 = arith.addi %add3A_2019, %select_n3A_2018 : vector<13x128xi32>
    %min3A_2021 = arith.constant 63 : i32
    %min3A_2022 = vector.broadcast %min3A_2021 : i32 to vector<13x128xi32>
    %min3A_2023 = arith.minsi %min3A_2022, %add3A_2020 : vector<13x128xi32>
    %sub3A_2024 = vector.broadcast %convert_element_type3A_670 : vector<1x1xi32> to vector<13x128xi32>
    %sub3A_2025 = arith.subi %sub3A_2024, %select_n3A_2018 : vector<13x128xi32>
    %max3A_2026 = arith.constant 0 : i32
    %max3A_2027 = vector.broadcast %max3A_2026 : i32 to vector<13x128xi32>
    %max3A_2028 = arith.maxsi %max3A_2027, %sub3A_2025 : vector<13x128xi32>
    %sub3A_2029 = arith.subi %min3A_2023, %max3A_2028 : vector<13x128xi32>
    %add3A_2030 = arith.constant 1 : i32
    %add3A_2031 = vector.broadcast %add3A_2030 : i32 to vector<13x128xi32>
    %add3A_2032 = arith.addi %sub3A_2029, %add3A_2031 : vector<13x128xi32>
    %lt3A_2033 = arith.constant 0 : i32
    %lt3A_2034 = vector.broadcast %lt3A_2033 : i32 to vector<13x128xi32>
    %lt3A_2035 = arith.cmpi slt, %sub3A_1994, %lt3A_2034 : vector<13x128xi32>
    %jit3A_2036 = arith.constant 0 : i32
    %broadcast_in_dim3A_2037 = vector.broadcast %jit3A_2036 : i32 to vector<13x128xi32>
    %select_n3A_2038 = arith.select %lt3A_2035, %broadcast_in_dim3A_2037, %add3A_2032 : vector<13x128xi1>, vector<13x128xi32>
    %add3A_2039 = arith.addi %add3A_1982, %select_n3A_2038 : vector<13x128xi32>
    %sub3A_2040 = arith.constant 1 : i32
    %sub3A_2041 = vector.broadcast %sub3A_2040 : i32 to vector<13x128xi32>
    %sub3A_2042 = arith.subi %get3A_673, %sub3A_2041 : vector<13x128xi32>
    %sub3A_2043 = arith.constant 24 : i32
    %sub3A_2044 = vector.broadcast %sub3A_2043 : i32 to vector<1x1xi32>
    %sub3A_2045 = arith.subi %sub3A_2044, %convert_element_type3A_669 : vector<1x1xi32>
    %sub3A_2046 = arith.constant 24 : i32
    %sub3A_2047 = vector.broadcast %sub3A_2046 : i32 to vector<1x1xi32>
    %sub3A_2048 = arith.subi %sub3A_2047, %convert_element_type3A_669 : vector<1x1xi32>
    %mul3A_2049 = arith.muli %sub3A_2045, %sub3A_2048 : vector<1x1xi32>
    %sub3A_2050 = vector.broadcast %mul3A_2049 : vector<1x1xi32> to vector<13x128xi32>
    %sub3A_2051 = arith.subi %sub3A_2042, %sub3A_2050 : vector<13x128xi32>
    %max3A_2052 = arith.constant 0 : i32
    %max3A_2053 = vector.broadcast %max3A_2052 : i32 to vector<13x128xi32>
    %max3A_2054 = arith.maxsi %sub3A_2051, %max3A_2053 : vector<13x128xi32>
    %convert_element_type3A_2055 = arith.sitofp %max3A_2054 : vector<13x128xi32> to vector<13x128xf32>
    %sqrt3A_2056 = math.sqrt %convert_element_type3A_2055 : vector<13x128xf32>
    %convert_element_type3A_2057 = arith.fptosi %sqrt3A_2056 : vector<13x128xf32> to vector<13x128xi32>
    %mul3A_2058 = arith.muli %convert_element_type3A_2057, %convert_element_type3A_2057 : vector<13x128xi32>
    %gt3A_2059 = arith.cmpi sgt, %mul3A_2058, %max3A_2054 : vector<13x128xi32>
    %sub3A_2060 = arith.constant 1 : i32
    %sub3A_2061 = vector.broadcast %sub3A_2060 : i32 to vector<13x128xi32>
    %sub3A_2062 = arith.subi %convert_element_type3A_2057, %sub3A_2061 : vector<13x128xi32>
    %select_n3A_2063 = arith.select %gt3A_2059, %sub3A_2062, %convert_element_type3A_2057 : vector<13x128xi1>, vector<13x128xi32>
    %add3A_2064 = arith.constant 1 : i32
    %add3A_2065 = vector.broadcast %add3A_2064 : i32 to vector<13x128xi32>
    %add3A_2066 = arith.addi %select_n3A_2063, %add3A_2065 : vector<13x128xi32>
    %add3A_2067 = arith.constant 1 : i32
    %add3A_2068 = vector.broadcast %add3A_2067 : i32 to vector<13x128xi32>
    %add3A_2069 = arith.addi %select_n3A_2063, %add3A_2068 : vector<13x128xi32>
    %mul3A_2070 = arith.muli %add3A_2066, %add3A_2069 : vector<13x128xi32>
    %le3A_2071 = arith.cmpi sle, %mul3A_2070, %max3A_2054 : vector<13x128xi32>
    %add3A_2072 = arith.constant 1 : i32
    %add3A_2073 = vector.broadcast %add3A_2072 : i32 to vector<13x128xi32>
    %add3A_2074 = arith.addi %select_n3A_2063, %add3A_2073 : vector<13x128xi32>
    %select_n3A_2075 = arith.select %le3A_2071, %add3A_2074, %select_n3A_2063 : vector<13x128xi1>, vector<13x128xi32>
    %add3A_2076 = vector.broadcast %convert_element_type3A_670 : vector<1x1xi32> to vector<13x128xi32>
    %add3A_2077 = arith.addi %add3A_2076, %select_n3A_2075 : vector<13x128xi32>
    %min3A_2078 = arith.constant 63 : i32
    %min3A_2079 = vector.broadcast %min3A_2078 : i32 to vector<13x128xi32>
    %min3A_2080 = arith.minsi %min3A_2079, %add3A_2077 : vector<13x128xi32>
    %sub3A_2081 = vector.broadcast %convert_element_type3A_670 : vector<1x1xi32> to vector<13x128xi32>
    %sub3A_2082 = arith.subi %sub3A_2081, %select_n3A_2075 : vector<13x128xi32>
    %max3A_2083 = arith.constant 0 : i32
    %max3A_2084 = vector.broadcast %max3A_2083 : i32 to vector<13x128xi32>
    %max3A_2085 = arith.maxsi %max3A_2084, %sub3A_2082 : vector<13x128xi32>
    %sub3A_2086 = arith.subi %min3A_2080, %max3A_2085 : vector<13x128xi32>
    %add3A_2087 = arith.constant 1 : i32
    %add3A_2088 = vector.broadcast %add3A_2087 : i32 to vector<13x128xi32>
    %add3A_2089 = arith.addi %sub3A_2086, %add3A_2088 : vector<13x128xi32>
    %lt3A_2090 = arith.constant 0 : i32
    %lt3A_2091 = vector.broadcast %lt3A_2090 : i32 to vector<13x128xi32>
    %lt3A_2092 = arith.cmpi slt, %sub3A_2051, %lt3A_2091 : vector<13x128xi32>
    %jit3A_2093 = arith.constant 0 : i32
    %broadcast_in_dim3A_2094 = vector.broadcast %jit3A_2093 : i32 to vector<13x128xi32>
    %select_n3A_2095 = arith.select %lt3A_2092, %broadcast_in_dim3A_2094, %add3A_2089 : vector<13x128xi1>, vector<13x128xi32>
    %add3A_2096 = arith.addi %add3A_2039, %select_n3A_2095 : vector<13x128xi32>
    %sub3A_2097 = arith.constant 1 : i32
    %sub3A_2098 = vector.broadcast %sub3A_2097 : i32 to vector<13x128xi32>
    %sub3A_2099 = arith.subi %get3A_673, %sub3A_2098 : vector<13x128xi32>
    %sub3A_2100 = arith.constant 25 : i32
    %sub3A_2101 = vector.broadcast %sub3A_2100 : i32 to vector<1x1xi32>
    %sub3A_2102 = arith.subi %sub3A_2101, %convert_element_type3A_669 : vector<1x1xi32>
    %sub3A_2103 = arith.constant 25 : i32
    %sub3A_2104 = vector.broadcast %sub3A_2103 : i32 to vector<1x1xi32>
    %sub3A_2105 = arith.subi %sub3A_2104, %convert_element_type3A_669 : vector<1x1xi32>
    %mul3A_2106 = arith.muli %sub3A_2102, %sub3A_2105 : vector<1x1xi32>
    %sub3A_2107 = vector.broadcast %mul3A_2106 : vector<1x1xi32> to vector<13x128xi32>
    %sub3A_2108 = arith.subi %sub3A_2099, %sub3A_2107 : vector<13x128xi32>
    %max3A_2109 = arith.constant 0 : i32
    %max3A_2110 = vector.broadcast %max3A_2109 : i32 to vector<13x128xi32>
    %max3A_2111 = arith.maxsi %sub3A_2108, %max3A_2110 : vector<13x128xi32>
    %convert_element_type3A_2112 = arith.sitofp %max3A_2111 : vector<13x128xi32> to vector<13x128xf32>
    %sqrt3A_2113 = math.sqrt %convert_element_type3A_2112 : vector<13x128xf32>
    %convert_element_type3A_2114 = arith.fptosi %sqrt3A_2113 : vector<13x128xf32> to vector<13x128xi32>
    %mul3A_2115 = arith.muli %convert_element_type3A_2114, %convert_element_type3A_2114 : vector<13x128xi32>
    %gt3A_2116 = arith.cmpi sgt, %mul3A_2115, %max3A_2111 : vector<13x128xi32>
    %sub3A_2117 = arith.constant 1 : i32
    %sub3A_2118 = vector.broadcast %sub3A_2117 : i32 to vector<13x128xi32>
    %sub3A_2119 = arith.subi %convert_element_type3A_2114, %sub3A_2118 : vector<13x128xi32>
    %select_n3A_2120 = arith.select %gt3A_2116, %sub3A_2119, %convert_element_type3A_2114 : vector<13x128xi1>, vector<13x128xi32>
    %add3A_2121 = arith.constant 1 : i32
    %add3A_2122 = vector.broadcast %add3A_2121 : i32 to vector<13x128xi32>
    %add3A_2123 = arith.addi %select_n3A_2120, %add3A_2122 : vector<13x128xi32>
    %add3A_2124 = arith.constant 1 : i32
    %add3A_2125 = vector.broadcast %add3A_2124 : i32 to vector<13x128xi32>
    %add3A_2126 = arith.addi %select_n3A_2120, %add3A_2125 : vector<13x128xi32>
    %mul3A_2127 = arith.muli %add3A_2123, %add3A_2126 : vector<13x128xi32>
    %le3A_2128 = arith.cmpi sle, %mul3A_2127, %max3A_2111 : vector<13x128xi32>
    %add3A_2129 = arith.constant 1 : i32
    %add3A_2130 = vector.broadcast %add3A_2129 : i32 to vector<13x128xi32>
    %add3A_2131 = arith.addi %select_n3A_2120, %add3A_2130 : vector<13x128xi32>
    %select_n3A_2132 = arith.select %le3A_2128, %add3A_2131, %select_n3A_2120 : vector<13x128xi1>, vector<13x128xi32>
    %add3A_2133 = vector.broadcast %convert_element_type3A_670 : vector<1x1xi32> to vector<13x128xi32>
    %add3A_2134 = arith.addi %add3A_2133, %select_n3A_2132 : vector<13x128xi32>
    %min3A_2135 = arith.constant 63 : i32
    %min3A_2136 = vector.broadcast %min3A_2135 : i32 to vector<13x128xi32>
    %min3A_2137 = arith.minsi %min3A_2136, %add3A_2134 : vector<13x128xi32>
    %sub3A_2138 = vector.broadcast %convert_element_type3A_670 : vector<1x1xi32> to vector<13x128xi32>
    %sub3A_2139 = arith.subi %sub3A_2138, %select_n3A_2132 : vector<13x128xi32>
    %max3A_2140 = arith.constant 0 : i32
    %max3A_2141 = vector.broadcast %max3A_2140 : i32 to vector<13x128xi32>
    %max3A_2142 = arith.maxsi %max3A_2141, %sub3A_2139 : vector<13x128xi32>
    %sub3A_2143 = arith.subi %min3A_2137, %max3A_2142 : vector<13x128xi32>
    %add3A_2144 = arith.constant 1 : i32
    %add3A_2145 = vector.broadcast %add3A_2144 : i32 to vector<13x128xi32>
    %add3A_2146 = arith.addi %sub3A_2143, %add3A_2145 : vector<13x128xi32>
    %lt3A_2147 = arith.constant 0 : i32
    %lt3A_2148 = vector.broadcast %lt3A_2147 : i32 to vector<13x128xi32>
    %lt3A_2149 = arith.cmpi slt, %sub3A_2108, %lt3A_2148 : vector<13x128xi32>
    %jit3A_2150 = arith.constant 0 : i32
    %broadcast_in_dim3A_2151 = vector.broadcast %jit3A_2150 : i32 to vector<13x128xi32>
    %select_n3A_2152 = arith.select %lt3A_2149, %broadcast_in_dim3A_2151, %add3A_2146 : vector<13x128xi1>, vector<13x128xi32>
    %add3A_2153 = arith.addi %add3A_2096, %select_n3A_2152 : vector<13x128xi32>
    %sub3A_2154 = arith.constant 1 : i32
    %sub3A_2155 = vector.broadcast %sub3A_2154 : i32 to vector<13x128xi32>
    %sub3A_2156 = arith.subi %get3A_673, %sub3A_2155 : vector<13x128xi32>
    %sub3A_2157 = arith.constant 26 : i32
    %sub3A_2158 = vector.broadcast %sub3A_2157 : i32 to vector<1x1xi32>
    %sub3A_2159 = arith.subi %sub3A_2158, %convert_element_type3A_669 : vector<1x1xi32>
    %sub3A_2160 = arith.constant 26 : i32
    %sub3A_2161 = vector.broadcast %sub3A_2160 : i32 to vector<1x1xi32>
    %sub3A_2162 = arith.subi %sub3A_2161, %convert_element_type3A_669 : vector<1x1xi32>
    %mul3A_2163 = arith.muli %sub3A_2159, %sub3A_2162 : vector<1x1xi32>
    %sub3A_2164 = vector.broadcast %mul3A_2163 : vector<1x1xi32> to vector<13x128xi32>
    %sub3A_2165 = arith.subi %sub3A_2156, %sub3A_2164 : vector<13x128xi32>
    %max3A_2166 = arith.constant 0 : i32
    %max3A_2167 = vector.broadcast %max3A_2166 : i32 to vector<13x128xi32>
    %max3A_2168 = arith.maxsi %sub3A_2165, %max3A_2167 : vector<13x128xi32>
    %convert_element_type3A_2169 = arith.sitofp %max3A_2168 : vector<13x128xi32> to vector<13x128xf32>
    %sqrt3A_2170 = math.sqrt %convert_element_type3A_2169 : vector<13x128xf32>
    %convert_element_type3A_2171 = arith.fptosi %sqrt3A_2170 : vector<13x128xf32> to vector<13x128xi32>
    %mul3A_2172 = arith.muli %convert_element_type3A_2171, %convert_element_type3A_2171 : vector<13x128xi32>
    %gt3A_2173 = arith.cmpi sgt, %mul3A_2172, %max3A_2168 : vector<13x128xi32>
    %sub3A_2174 = arith.constant 1 : i32
    %sub3A_2175 = vector.broadcast %sub3A_2174 : i32 to vector<13x128xi32>
    %sub3A_2176 = arith.subi %convert_element_type3A_2171, %sub3A_2175 : vector<13x128xi32>
    %select_n3A_2177 = arith.select %gt3A_2173, %sub3A_2176, %convert_element_type3A_2171 : vector<13x128xi1>, vector<13x128xi32>
    %add3A_2178 = arith.constant 1 : i32
    %add3A_2179 = vector.broadcast %add3A_2178 : i32 to vector<13x128xi32>
    %add3A_2180 = arith.addi %select_n3A_2177, %add3A_2179 : vector<13x128xi32>
    %add3A_2181 = arith.constant 1 : i32
    %add3A_2182 = vector.broadcast %add3A_2181 : i32 to vector<13x128xi32>
    %add3A_2183 = arith.addi %select_n3A_2177, %add3A_2182 : vector<13x128xi32>
    %mul3A_2184 = arith.muli %add3A_2180, %add3A_2183 : vector<13x128xi32>
    %le3A_2185 = arith.cmpi sle, %mul3A_2184, %max3A_2168 : vector<13x128xi32>
    %add3A_2186 = arith.constant 1 : i32
    %add3A_2187 = vector.broadcast %add3A_2186 : i32 to vector<13x128xi32>
    %add3A_2188 = arith.addi %select_n3A_2177, %add3A_2187 : vector<13x128xi32>
    %select_n3A_2189 = arith.select %le3A_2185, %add3A_2188, %select_n3A_2177 : vector<13x128xi1>, vector<13x128xi32>
    %add3A_2190 = vector.broadcast %convert_element_type3A_670 : vector<1x1xi32> to vector<13x128xi32>
    %add3A_2191 = arith.addi %add3A_2190, %select_n3A_2189 : vector<13x128xi32>
    %min3A_2192 = arith.constant 63 : i32
    %min3A_2193 = vector.broadcast %min3A_2192 : i32 to vector<13x128xi32>
    %min3A_2194 = arith.minsi %min3A_2193, %add3A_2191 : vector<13x128xi32>
    %sub3A_2195 = vector.broadcast %convert_element_type3A_670 : vector<1x1xi32> to vector<13x128xi32>
    %sub3A_2196 = arith.subi %sub3A_2195, %select_n3A_2189 : vector<13x128xi32>
    %max3A_2197 = arith.constant 0 : i32
    %max3A_2198 = vector.broadcast %max3A_2197 : i32 to vector<13x128xi32>
    %max3A_2199 = arith.maxsi %max3A_2198, %sub3A_2196 : vector<13x128xi32>
    %sub3A_2200 = arith.subi %min3A_2194, %max3A_2199 : vector<13x128xi32>
    %add3A_2201 = arith.constant 1 : i32
    %add3A_2202 = vector.broadcast %add3A_2201 : i32 to vector<13x128xi32>
    %add3A_2203 = arith.addi %sub3A_2200, %add3A_2202 : vector<13x128xi32>
    %lt3A_2204 = arith.constant 0 : i32
    %lt3A_2205 = vector.broadcast %lt3A_2204 : i32 to vector<13x128xi32>
    %lt3A_2206 = arith.cmpi slt, %sub3A_2165, %lt3A_2205 : vector<13x128xi32>
    %jit3A_2207 = arith.constant 0 : i32
    %broadcast_in_dim3A_2208 = vector.broadcast %jit3A_2207 : i32 to vector<13x128xi32>
    %select_n3A_2209 = arith.select %lt3A_2206, %broadcast_in_dim3A_2208, %add3A_2203 : vector<13x128xi1>, vector<13x128xi32>
    %add3A_2210 = arith.addi %add3A_2153, %select_n3A_2209 : vector<13x128xi32>
    %sub3A_2211 = arith.constant 1 : i32
    %sub3A_2212 = vector.broadcast %sub3A_2211 : i32 to vector<13x128xi32>
    %sub3A_2213 = arith.subi %get3A_673, %sub3A_2212 : vector<13x128xi32>
    %sub3A_2214 = arith.constant 27 : i32
    %sub3A_2215 = vector.broadcast %sub3A_2214 : i32 to vector<1x1xi32>
    %sub3A_2216 = arith.subi %sub3A_2215, %convert_element_type3A_669 : vector<1x1xi32>
    %sub3A_2217 = arith.constant 27 : i32
    %sub3A_2218 = vector.broadcast %sub3A_2217 : i32 to vector<1x1xi32>
    %sub3A_2219 = arith.subi %sub3A_2218, %convert_element_type3A_669 : vector<1x1xi32>
    %mul3A_2220 = arith.muli %sub3A_2216, %sub3A_2219 : vector<1x1xi32>
    %sub3A_2221 = vector.broadcast %mul3A_2220 : vector<1x1xi32> to vector<13x128xi32>
    %sub3A_2222 = arith.subi %sub3A_2213, %sub3A_2221 : vector<13x128xi32>
    %max3A_2223 = arith.constant 0 : i32
    %max3A_2224 = vector.broadcast %max3A_2223 : i32 to vector<13x128xi32>
    %max3A_2225 = arith.maxsi %sub3A_2222, %max3A_2224 : vector<13x128xi32>
    %convert_element_type3A_2226 = arith.sitofp %max3A_2225 : vector<13x128xi32> to vector<13x128xf32>
    %sqrt3A_2227 = math.sqrt %convert_element_type3A_2226 : vector<13x128xf32>
    %convert_element_type3A_2228 = arith.fptosi %sqrt3A_2227 : vector<13x128xf32> to vector<13x128xi32>
    %mul3A_2229 = arith.muli %convert_element_type3A_2228, %convert_element_type3A_2228 : vector<13x128xi32>
    %gt3A_2230 = arith.cmpi sgt, %mul3A_2229, %max3A_2225 : vector<13x128xi32>
    %sub3A_2231 = arith.constant 1 : i32
    %sub3A_2232 = vector.broadcast %sub3A_2231 : i32 to vector<13x128xi32>
    %sub3A_2233 = arith.subi %convert_element_type3A_2228, %sub3A_2232 : vector<13x128xi32>
    %select_n3A_2234 = arith.select %gt3A_2230, %sub3A_2233, %convert_element_type3A_2228 : vector<13x128xi1>, vector<13x128xi32>
    %add3A_2235 = arith.constant 1 : i32
    %add3A_2236 = vector.broadcast %add3A_2235 : i32 to vector<13x128xi32>
    %add3A_2237 = arith.addi %select_n3A_2234, %add3A_2236 : vector<13x128xi32>
    %add3A_2238 = arith.constant 1 : i32
    %add3A_2239 = vector.broadcast %add3A_2238 : i32 to vector<13x128xi32>
    %add3A_2240 = arith.addi %select_n3A_2234, %add3A_2239 : vector<13x128xi32>
    %mul3A_2241 = arith.muli %add3A_2237, %add3A_2240 : vector<13x128xi32>
    %le3A_2242 = arith.cmpi sle, %mul3A_2241, %max3A_2225 : vector<13x128xi32>
    %add3A_2243 = arith.constant 1 : i32
    %add3A_2244 = vector.broadcast %add3A_2243 : i32 to vector<13x128xi32>
    %add3A_2245 = arith.addi %select_n3A_2234, %add3A_2244 : vector<13x128xi32>
    %select_n3A_2246 = arith.select %le3A_2242, %add3A_2245, %select_n3A_2234 : vector<13x128xi1>, vector<13x128xi32>
    %add3A_2247 = vector.broadcast %convert_element_type3A_670 : vector<1x1xi32> to vector<13x128xi32>
    %add3A_2248 = arith.addi %add3A_2247, %select_n3A_2246 : vector<13x128xi32>
    %min3A_2249 = arith.constant 63 : i32
    %min3A_2250 = vector.broadcast %min3A_2249 : i32 to vector<13x128xi32>
    %min3A_2251 = arith.minsi %min3A_2250, %add3A_2248 : vector<13x128xi32>
    %sub3A_2252 = vector.broadcast %convert_element_type3A_670 : vector<1x1xi32> to vector<13x128xi32>
    %sub3A_2253 = arith.subi %sub3A_2252, %select_n3A_2246 : vector<13x128xi32>
    %max3A_2254 = arith.constant 0 : i32
    %max3A_2255 = vector.broadcast %max3A_2254 : i32 to vector<13x128xi32>
    %max3A_2256 = arith.maxsi %max3A_2255, %sub3A_2253 : vector<13x128xi32>
    %sub3A_2257 = arith.subi %min3A_2251, %max3A_2256 : vector<13x128xi32>
    %add3A_2258 = arith.constant 1 : i32
    %add3A_2259 = vector.broadcast %add3A_2258 : i32 to vector<13x128xi32>
    %add3A_2260 = arith.addi %sub3A_2257, %add3A_2259 : vector<13x128xi32>
    %lt3A_2261 = arith.constant 0 : i32
    %lt3A_2262 = vector.broadcast %lt3A_2261 : i32 to vector<13x128xi32>
    %lt3A_2263 = arith.cmpi slt, %sub3A_2222, %lt3A_2262 : vector<13x128xi32>
    %jit3A_2264 = arith.constant 0 : i32
    %broadcast_in_dim3A_2265 = vector.broadcast %jit3A_2264 : i32 to vector<13x128xi32>
    %select_n3A_2266 = arith.select %lt3A_2263, %broadcast_in_dim3A_2265, %add3A_2260 : vector<13x128xi1>, vector<13x128xi32>
    %add3A_2267 = arith.addi %add3A_2210, %select_n3A_2266 : vector<13x128xi32>
    %sub3A_2268 = arith.constant 1 : i32
    %sub3A_2269 = vector.broadcast %sub3A_2268 : i32 to vector<13x128xi32>
    %sub3A_2270 = arith.subi %get3A_673, %sub3A_2269 : vector<13x128xi32>
    %sub3A_2271 = arith.constant 28 : i32
    %sub3A_2272 = vector.broadcast %sub3A_2271 : i32 to vector<1x1xi32>
    %sub3A_2273 = arith.subi %sub3A_2272, %convert_element_type3A_669 : vector<1x1xi32>
    %sub3A_2274 = arith.constant 28 : i32
    %sub3A_2275 = vector.broadcast %sub3A_2274 : i32 to vector<1x1xi32>
    %sub3A_2276 = arith.subi %sub3A_2275, %convert_element_type3A_669 : vector<1x1xi32>
    %mul3A_2277 = arith.muli %sub3A_2273, %sub3A_2276 : vector<1x1xi32>
    %sub3A_2278 = vector.broadcast %mul3A_2277 : vector<1x1xi32> to vector<13x128xi32>
    %sub3A_2279 = arith.subi %sub3A_2270, %sub3A_2278 : vector<13x128xi32>
    %max3A_2280 = arith.constant 0 : i32
    %max3A_2281 = vector.broadcast %max3A_2280 : i32 to vector<13x128xi32>
    %max3A_2282 = arith.maxsi %sub3A_2279, %max3A_2281 : vector<13x128xi32>
    %convert_element_type3A_2283 = arith.sitofp %max3A_2282 : vector<13x128xi32> to vector<13x128xf32>
    %sqrt3A_2284 = math.sqrt %convert_element_type3A_2283 : vector<13x128xf32>
    %convert_element_type3A_2285 = arith.fptosi %sqrt3A_2284 : vector<13x128xf32> to vector<13x128xi32>
    %mul3A_2286 = arith.muli %convert_element_type3A_2285, %convert_element_type3A_2285 : vector<13x128xi32>
    %gt3A_2287 = arith.cmpi sgt, %mul3A_2286, %max3A_2282 : vector<13x128xi32>
    %sub3A_2288 = arith.constant 1 : i32
    %sub3A_2289 = vector.broadcast %sub3A_2288 : i32 to vector<13x128xi32>
    %sub3A_2290 = arith.subi %convert_element_type3A_2285, %sub3A_2289 : vector<13x128xi32>
    %select_n3A_2291 = arith.select %gt3A_2287, %sub3A_2290, %convert_element_type3A_2285 : vector<13x128xi1>, vector<13x128xi32>
    %add3A_2292 = arith.constant 1 : i32
    %add3A_2293 = vector.broadcast %add3A_2292 : i32 to vector<13x128xi32>
    %add3A_2294 = arith.addi %select_n3A_2291, %add3A_2293 : vector<13x128xi32>
    %add3A_2295 = arith.constant 1 : i32
    %add3A_2296 = vector.broadcast %add3A_2295 : i32 to vector<13x128xi32>
    %add3A_2297 = arith.addi %select_n3A_2291, %add3A_2296 : vector<13x128xi32>
    %mul3A_2298 = arith.muli %add3A_2294, %add3A_2297 : vector<13x128xi32>
    %le3A_2299 = arith.cmpi sle, %mul3A_2298, %max3A_2282 : vector<13x128xi32>
    %add3A_2300 = arith.constant 1 : i32
    %add3A_2301 = vector.broadcast %add3A_2300 : i32 to vector<13x128xi32>
    %add3A_2302 = arith.addi %select_n3A_2291, %add3A_2301 : vector<13x128xi32>
    %select_n3A_2303 = arith.select %le3A_2299, %add3A_2302, %select_n3A_2291 : vector<13x128xi1>, vector<13x128xi32>
    %add3A_2304 = vector.broadcast %convert_element_type3A_670 : vector<1x1xi32> to vector<13x128xi32>
    %add3A_2305 = arith.addi %add3A_2304, %select_n3A_2303 : vector<13x128xi32>
    %min3A_2306 = arith.constant 63 : i32
    %min3A_2307 = vector.broadcast %min3A_2306 : i32 to vector<13x128xi32>
    %min3A_2308 = arith.minsi %min3A_2307, %add3A_2305 : vector<13x128xi32>
    %sub3A_2309 = vector.broadcast %convert_element_type3A_670 : vector<1x1xi32> to vector<13x128xi32>
    %sub3A_2310 = arith.subi %sub3A_2309, %select_n3A_2303 : vector<13x128xi32>
    %max3A_2311 = arith.constant 0 : i32
    %max3A_2312 = vector.broadcast %max3A_2311 : i32 to vector<13x128xi32>
    %max3A_2313 = arith.maxsi %max3A_2312, %sub3A_2310 : vector<13x128xi32>
    %sub3A_2314 = arith.subi %min3A_2308, %max3A_2313 : vector<13x128xi32>
    %add3A_2315 = arith.constant 1 : i32
    %add3A_2316 = vector.broadcast %add3A_2315 : i32 to vector<13x128xi32>
    %add3A_2317 = arith.addi %sub3A_2314, %add3A_2316 : vector<13x128xi32>
    %lt3A_2318 = arith.constant 0 : i32
    %lt3A_2319 = vector.broadcast %lt3A_2318 : i32 to vector<13x128xi32>
    %lt3A_2320 = arith.cmpi slt, %sub3A_2279, %lt3A_2319 : vector<13x128xi32>
    %jit3A_2321 = arith.constant 0 : i32
    %broadcast_in_dim3A_2322 = vector.broadcast %jit3A_2321 : i32 to vector<13x128xi32>
    %select_n3A_2323 = arith.select %lt3A_2320, %broadcast_in_dim3A_2322, %add3A_2317 : vector<13x128xi1>, vector<13x128xi32>
    %add3A_2324 = arith.addi %add3A_2267, %select_n3A_2323 : vector<13x128xi32>
    %sub3A_2325 = arith.constant 1 : i32
    %sub3A_2326 = vector.broadcast %sub3A_2325 : i32 to vector<13x128xi32>
    %sub3A_2327 = arith.subi %get3A_673, %sub3A_2326 : vector<13x128xi32>
    %sub3A_2328 = arith.constant 29 : i32
    %sub3A_2329 = vector.broadcast %sub3A_2328 : i32 to vector<1x1xi32>
    %sub3A_2330 = arith.subi %sub3A_2329, %convert_element_type3A_669 : vector<1x1xi32>
    %sub3A_2331 = arith.constant 29 : i32
    %sub3A_2332 = vector.broadcast %sub3A_2331 : i32 to vector<1x1xi32>
    %sub3A_2333 = arith.subi %sub3A_2332, %convert_element_type3A_669 : vector<1x1xi32>
    %mul3A_2334 = arith.muli %sub3A_2330, %sub3A_2333 : vector<1x1xi32>
    %sub3A_2335 = vector.broadcast %mul3A_2334 : vector<1x1xi32> to vector<13x128xi32>
    %sub3A_2336 = arith.subi %sub3A_2327, %sub3A_2335 : vector<13x128xi32>
    %max3A_2337 = arith.constant 0 : i32
    %max3A_2338 = vector.broadcast %max3A_2337 : i32 to vector<13x128xi32>
    %max3A_2339 = arith.maxsi %sub3A_2336, %max3A_2338 : vector<13x128xi32>
    %convert_element_type3A_2340 = arith.sitofp %max3A_2339 : vector<13x128xi32> to vector<13x128xf32>
    %sqrt3A_2341 = math.sqrt %convert_element_type3A_2340 : vector<13x128xf32>
    %convert_element_type3A_2342 = arith.fptosi %sqrt3A_2341 : vector<13x128xf32> to vector<13x128xi32>
    %mul3A_2343 = arith.muli %convert_element_type3A_2342, %convert_element_type3A_2342 : vector<13x128xi32>
    %gt3A_2344 = arith.cmpi sgt, %mul3A_2343, %max3A_2339 : vector<13x128xi32>
    %sub3A_2345 = arith.constant 1 : i32
    %sub3A_2346 = vector.broadcast %sub3A_2345 : i32 to vector<13x128xi32>
    %sub3A_2347 = arith.subi %convert_element_type3A_2342, %sub3A_2346 : vector<13x128xi32>
    %select_n3A_2348 = arith.select %gt3A_2344, %sub3A_2347, %convert_element_type3A_2342 : vector<13x128xi1>, vector<13x128xi32>
    %add3A_2349 = arith.constant 1 : i32
    %add3A_2350 = vector.broadcast %add3A_2349 : i32 to vector<13x128xi32>
    %add3A_2351 = arith.addi %select_n3A_2348, %add3A_2350 : vector<13x128xi32>
    %add3A_2352 = arith.constant 1 : i32
    %add3A_2353 = vector.broadcast %add3A_2352 : i32 to vector<13x128xi32>
    %add3A_2354 = arith.addi %select_n3A_2348, %add3A_2353 : vector<13x128xi32>
    %mul3A_2355 = arith.muli %add3A_2351, %add3A_2354 : vector<13x128xi32>
    %le3A_2356 = arith.cmpi sle, %mul3A_2355, %max3A_2339 : vector<13x128xi32>
    %add3A_2357 = arith.constant 1 : i32
    %add3A_2358 = vector.broadcast %add3A_2357 : i32 to vector<13x128xi32>
    %add3A_2359 = arith.addi %select_n3A_2348, %add3A_2358 : vector<13x128xi32>
    %select_n3A_2360 = arith.select %le3A_2356, %add3A_2359, %select_n3A_2348 : vector<13x128xi1>, vector<13x128xi32>
    %add3A_2361 = vector.broadcast %convert_element_type3A_670 : vector<1x1xi32> to vector<13x128xi32>
    %add3A_2362 = arith.addi %add3A_2361, %select_n3A_2360 : vector<13x128xi32>
    %min3A_2363 = arith.constant 63 : i32
    %min3A_2364 = vector.broadcast %min3A_2363 : i32 to vector<13x128xi32>
    %min3A_2365 = arith.minsi %min3A_2364, %add3A_2362 : vector<13x128xi32>
    %sub3A_2366 = vector.broadcast %convert_element_type3A_670 : vector<1x1xi32> to vector<13x128xi32>
    %sub3A_2367 = arith.subi %sub3A_2366, %select_n3A_2360 : vector<13x128xi32>
    %max3A_2368 = arith.constant 0 : i32
    %max3A_2369 = vector.broadcast %max3A_2368 : i32 to vector<13x128xi32>
    %max3A_2370 = arith.maxsi %max3A_2369, %sub3A_2367 : vector<13x128xi32>
    %sub3A_2371 = arith.subi %min3A_2365, %max3A_2370 : vector<13x128xi32>
    %add3A_2372 = arith.constant 1 : i32
    %add3A_2373 = vector.broadcast %add3A_2372 : i32 to vector<13x128xi32>
    %add3A_2374 = arith.addi %sub3A_2371, %add3A_2373 : vector<13x128xi32>
    %lt3A_2375 = arith.constant 0 : i32
    %lt3A_2376 = vector.broadcast %lt3A_2375 : i32 to vector<13x128xi32>
    %lt3A_2377 = arith.cmpi slt, %sub3A_2336, %lt3A_2376 : vector<13x128xi32>
    %jit3A_2378 = arith.constant 0 : i32
    %broadcast_in_dim3A_2379 = vector.broadcast %jit3A_2378 : i32 to vector<13x128xi32>
    %select_n3A_2380 = arith.select %lt3A_2377, %broadcast_in_dim3A_2379, %add3A_2374 : vector<13x128xi1>, vector<13x128xi32>
    %add3A_2381 = arith.addi %add3A_2324, %select_n3A_2380 : vector<13x128xi32>
    %sub3A_2382 = arith.constant 1 : i32
    %sub3A_2383 = vector.broadcast %sub3A_2382 : i32 to vector<13x128xi32>
    %sub3A_2384 = arith.subi %get3A_673, %sub3A_2383 : vector<13x128xi32>
    %sub3A_2385 = arith.constant 30 : i32
    %sub3A_2386 = vector.broadcast %sub3A_2385 : i32 to vector<1x1xi32>
    %sub3A_2387 = arith.subi %sub3A_2386, %convert_element_type3A_669 : vector<1x1xi32>
    %sub3A_2388 = arith.constant 30 : i32
    %sub3A_2389 = vector.broadcast %sub3A_2388 : i32 to vector<1x1xi32>
    %sub3A_2390 = arith.subi %sub3A_2389, %convert_element_type3A_669 : vector<1x1xi32>
    %mul3A_2391 = arith.muli %sub3A_2387, %sub3A_2390 : vector<1x1xi32>
    %sub3A_2392 = vector.broadcast %mul3A_2391 : vector<1x1xi32> to vector<13x128xi32>
    %sub3A_2393 = arith.subi %sub3A_2384, %sub3A_2392 : vector<13x128xi32>
    %max3A_2394 = arith.constant 0 : i32
    %max3A_2395 = vector.broadcast %max3A_2394 : i32 to vector<13x128xi32>
    %max3A_2396 = arith.maxsi %sub3A_2393, %max3A_2395 : vector<13x128xi32>
    %convert_element_type3A_2397 = arith.sitofp %max3A_2396 : vector<13x128xi32> to vector<13x128xf32>
    %sqrt3A_2398 = math.sqrt %convert_element_type3A_2397 : vector<13x128xf32>
    %convert_element_type3A_2399 = arith.fptosi %sqrt3A_2398 : vector<13x128xf32> to vector<13x128xi32>
    %mul3A_2400 = arith.muli %convert_element_type3A_2399, %convert_element_type3A_2399 : vector<13x128xi32>
    %gt3A_2401 = arith.cmpi sgt, %mul3A_2400, %max3A_2396 : vector<13x128xi32>
    %sub3A_2402 = arith.constant 1 : i32
    %sub3A_2403 = vector.broadcast %sub3A_2402 : i32 to vector<13x128xi32>
    %sub3A_2404 = arith.subi %convert_element_type3A_2399, %sub3A_2403 : vector<13x128xi32>
    %select_n3A_2405 = arith.select %gt3A_2401, %sub3A_2404, %convert_element_type3A_2399 : vector<13x128xi1>, vector<13x128xi32>
    %add3A_2406 = arith.constant 1 : i32
    %add3A_2407 = vector.broadcast %add3A_2406 : i32 to vector<13x128xi32>
    %add3A_2408 = arith.addi %select_n3A_2405, %add3A_2407 : vector<13x128xi32>
    %add3A_2409 = arith.constant 1 : i32
    %add3A_2410 = vector.broadcast %add3A_2409 : i32 to vector<13x128xi32>
    %add3A_2411 = arith.addi %select_n3A_2405, %add3A_2410 : vector<13x128xi32>
    %mul3A_2412 = arith.muli %add3A_2408, %add3A_2411 : vector<13x128xi32>
    %le3A_2413 = arith.cmpi sle, %mul3A_2412, %max3A_2396 : vector<13x128xi32>
    %add3A_2414 = arith.constant 1 : i32
    %add3A_2415 = vector.broadcast %add3A_2414 : i32 to vector<13x128xi32>
    %add3A_2416 = arith.addi %select_n3A_2405, %add3A_2415 : vector<13x128xi32>
    %select_n3A_2417 = arith.select %le3A_2413, %add3A_2416, %select_n3A_2405 : vector<13x128xi1>, vector<13x128xi32>
    %add3A_2418 = vector.broadcast %convert_element_type3A_670 : vector<1x1xi32> to vector<13x128xi32>
    %add3A_2419 = arith.addi %add3A_2418, %select_n3A_2417 : vector<13x128xi32>
    %min3A_2420 = arith.constant 63 : i32
    %min3A_2421 = vector.broadcast %min3A_2420 : i32 to vector<13x128xi32>
    %min3A_2422 = arith.minsi %min3A_2421, %add3A_2419 : vector<13x128xi32>
    %sub3A_2423 = vector.broadcast %convert_element_type3A_670 : vector<1x1xi32> to vector<13x128xi32>
    %sub3A_2424 = arith.subi %sub3A_2423, %select_n3A_2417 : vector<13x128xi32>
    %max3A_2425 = arith.constant 0 : i32
    %max3A_2426 = vector.broadcast %max3A_2425 : i32 to vector<13x128xi32>
    %max3A_2427 = arith.maxsi %max3A_2426, %sub3A_2424 : vector<13x128xi32>
    %sub3A_2428 = arith.subi %min3A_2422, %max3A_2427 : vector<13x128xi32>
    %add3A_2429 = arith.constant 1 : i32
    %add3A_2430 = vector.broadcast %add3A_2429 : i32 to vector<13x128xi32>
    %add3A_2431 = arith.addi %sub3A_2428, %add3A_2430 : vector<13x128xi32>
    %lt3A_2432 = arith.constant 0 : i32
    %lt3A_2433 = vector.broadcast %lt3A_2432 : i32 to vector<13x128xi32>
    %lt3A_2434 = arith.cmpi slt, %sub3A_2393, %lt3A_2433 : vector<13x128xi32>
    %jit3A_2435 = arith.constant 0 : i32
    %broadcast_in_dim3A_2436 = vector.broadcast %jit3A_2435 : i32 to vector<13x128xi32>
    %select_n3A_2437 = arith.select %lt3A_2434, %broadcast_in_dim3A_2436, %add3A_2431 : vector<13x128xi1>, vector<13x128xi32>
    %add3A_2438 = arith.addi %add3A_2381, %select_n3A_2437 : vector<13x128xi32>
    %sub3A_2439 = arith.constant 1 : i32
    %sub3A_2440 = vector.broadcast %sub3A_2439 : i32 to vector<13x128xi32>
    %sub3A_2441 = arith.subi %get3A_673, %sub3A_2440 : vector<13x128xi32>
    %sub3A_2442 = arith.constant 31 : i32
    %sub3A_2443 = vector.broadcast %sub3A_2442 : i32 to vector<1x1xi32>
    %sub3A_2444 = arith.subi %sub3A_2443, %convert_element_type3A_669 : vector<1x1xi32>
    %sub3A_2445 = arith.constant 31 : i32
    %sub3A_2446 = vector.broadcast %sub3A_2445 : i32 to vector<1x1xi32>
    %sub3A_2447 = arith.subi %sub3A_2446, %convert_element_type3A_669 : vector<1x1xi32>
    %mul3A_2448 = arith.muli %sub3A_2444, %sub3A_2447 : vector<1x1xi32>
    %sub3A_2449 = vector.broadcast %mul3A_2448 : vector<1x1xi32> to vector<13x128xi32>
    %sub3A_2450 = arith.subi %sub3A_2441, %sub3A_2449 : vector<13x128xi32>
    %max3A_2451 = arith.constant 0 : i32
    %max3A_2452 = vector.broadcast %max3A_2451 : i32 to vector<13x128xi32>
    %max3A_2453 = arith.maxsi %sub3A_2450, %max3A_2452 : vector<13x128xi32>
    %convert_element_type3A_2454 = arith.sitofp %max3A_2453 : vector<13x128xi32> to vector<13x128xf32>
    %sqrt3A_2455 = math.sqrt %convert_element_type3A_2454 : vector<13x128xf32>
    %convert_element_type3A_2456 = arith.fptosi %sqrt3A_2455 : vector<13x128xf32> to vector<13x128xi32>
    %mul3A_2457 = arith.muli %convert_element_type3A_2456, %convert_element_type3A_2456 : vector<13x128xi32>
    %gt3A_2458 = arith.cmpi sgt, %mul3A_2457, %max3A_2453 : vector<13x128xi32>
    %sub3A_2459 = arith.constant 1 : i32
    %sub3A_2460 = vector.broadcast %sub3A_2459 : i32 to vector<13x128xi32>
    %sub3A_2461 = arith.subi %convert_element_type3A_2456, %sub3A_2460 : vector<13x128xi32>
    %select_n3A_2462 = arith.select %gt3A_2458, %sub3A_2461, %convert_element_type3A_2456 : vector<13x128xi1>, vector<13x128xi32>
    %add3A_2463 = arith.constant 1 : i32
    %add3A_2464 = vector.broadcast %add3A_2463 : i32 to vector<13x128xi32>
    %add3A_2465 = arith.addi %select_n3A_2462, %add3A_2464 : vector<13x128xi32>
    %add3A_2466 = arith.constant 1 : i32
    %add3A_2467 = vector.broadcast %add3A_2466 : i32 to vector<13x128xi32>
    %add3A_2468 = arith.addi %select_n3A_2462, %add3A_2467 : vector<13x128xi32>
    %mul3A_2469 = arith.muli %add3A_2465, %add3A_2468 : vector<13x128xi32>
    %le3A_2470 = arith.cmpi sle, %mul3A_2469, %max3A_2453 : vector<13x128xi32>
    %add3A_2471 = arith.constant 1 : i32
    %add3A_2472 = vector.broadcast %add3A_2471 : i32 to vector<13x128xi32>
    %add3A_2473 = arith.addi %select_n3A_2462, %add3A_2472 : vector<13x128xi32>
    %select_n3A_2474 = arith.select %le3A_2470, %add3A_2473, %select_n3A_2462 : vector<13x128xi1>, vector<13x128xi32>
    %add3A_2475 = vector.broadcast %convert_element_type3A_670 : vector<1x1xi32> to vector<13x128xi32>
    %add3A_2476 = arith.addi %add3A_2475, %select_n3A_2474 : vector<13x128xi32>
    %min3A_2477 = arith.constant 63 : i32
    %min3A_2478 = vector.broadcast %min3A_2477 : i32 to vector<13x128xi32>
    %min3A_2479 = arith.minsi %min3A_2478, %add3A_2476 : vector<13x128xi32>
    %sub3A_2480 = vector.broadcast %convert_element_type3A_670 : vector<1x1xi32> to vector<13x128xi32>
    %sub3A_2481 = arith.subi %sub3A_2480, %select_n3A_2474 : vector<13x128xi32>
    %max3A_2482 = arith.constant 0 : i32
    %max3A_2483 = vector.broadcast %max3A_2482 : i32 to vector<13x128xi32>
    %max3A_2484 = arith.maxsi %max3A_2483, %sub3A_2481 : vector<13x128xi32>
    %sub3A_2485 = arith.subi %min3A_2479, %max3A_2484 : vector<13x128xi32>
    %add3A_2486 = arith.constant 1 : i32
    %add3A_2487 = vector.broadcast %add3A_2486 : i32 to vector<13x128xi32>
    %add3A_2488 = arith.addi %sub3A_2485, %add3A_2487 : vector<13x128xi32>
    %lt3A_2489 = arith.constant 0 : i32
    %lt3A_2490 = vector.broadcast %lt3A_2489 : i32 to vector<13x128xi32>
    %lt3A_2491 = arith.cmpi slt, %sub3A_2450, %lt3A_2490 : vector<13x128xi32>
    %jit3A_2492 = arith.constant 0 : i32
    %broadcast_in_dim3A_2493 = vector.broadcast %jit3A_2492 : i32 to vector<13x128xi32>
    %select_n3A_2494 = arith.select %lt3A_2491, %broadcast_in_dim3A_2493, %add3A_2488 : vector<13x128xi1>, vector<13x128xi32>
    %add3A_2495 = arith.addi %add3A_2438, %select_n3A_2494 : vector<13x128xi32>
    %sub3A_2496 = arith.constant 1 : i32
    %sub3A_2497 = vector.broadcast %sub3A_2496 : i32 to vector<13x128xi32>
    %sub3A_2498 = arith.subi %get3A_673, %sub3A_2497 : vector<13x128xi32>
    %sub3A_2499 = arith.constant 32 : i32
    %sub3A_2500 = vector.broadcast %sub3A_2499 : i32 to vector<1x1xi32>
    %sub3A_2501 = arith.subi %sub3A_2500, %convert_element_type3A_669 : vector<1x1xi32>
    %sub3A_2502 = arith.constant 32 : i32
    %sub3A_2503 = vector.broadcast %sub3A_2502 : i32 to vector<1x1xi32>
    %sub3A_2504 = arith.subi %sub3A_2503, %convert_element_type3A_669 : vector<1x1xi32>
    %mul3A_2505 = arith.muli %sub3A_2501, %sub3A_2504 : vector<1x1xi32>
    %sub3A_2506 = vector.broadcast %mul3A_2505 : vector<1x1xi32> to vector<13x128xi32>
    %sub3A_2507 = arith.subi %sub3A_2498, %sub3A_2506 : vector<13x128xi32>
    %max3A_2508 = arith.constant 0 : i32
    %max3A_2509 = vector.broadcast %max3A_2508 : i32 to vector<13x128xi32>
    %max3A_2510 = arith.maxsi %sub3A_2507, %max3A_2509 : vector<13x128xi32>
    %convert_element_type3A_2511 = arith.sitofp %max3A_2510 : vector<13x128xi32> to vector<13x128xf32>
    %sqrt3A_2512 = math.sqrt %convert_element_type3A_2511 : vector<13x128xf32>
    %convert_element_type3A_2513 = arith.fptosi %sqrt3A_2512 : vector<13x128xf32> to vector<13x128xi32>
    %mul3A_2514 = arith.muli %convert_element_type3A_2513, %convert_element_type3A_2513 : vector<13x128xi32>
    %gt3A_2515 = arith.cmpi sgt, %mul3A_2514, %max3A_2510 : vector<13x128xi32>
    %sub3A_2516 = arith.constant 1 : i32
    %sub3A_2517 = vector.broadcast %sub3A_2516 : i32 to vector<13x128xi32>
    %sub3A_2518 = arith.subi %convert_element_type3A_2513, %sub3A_2517 : vector<13x128xi32>
    %select_n3A_2519 = arith.select %gt3A_2515, %sub3A_2518, %convert_element_type3A_2513 : vector<13x128xi1>, vector<13x128xi32>
    %add3A_2520 = arith.constant 1 : i32
    %add3A_2521 = vector.broadcast %add3A_2520 : i32 to vector<13x128xi32>
    %add3A_2522 = arith.addi %select_n3A_2519, %add3A_2521 : vector<13x128xi32>
    %add3A_2523 = arith.constant 1 : i32
    %add3A_2524 = vector.broadcast %add3A_2523 : i32 to vector<13x128xi32>
    %add3A_2525 = arith.addi %select_n3A_2519, %add3A_2524 : vector<13x128xi32>
    %mul3A_2526 = arith.muli %add3A_2522, %add3A_2525 : vector<13x128xi32>
    %le3A_2527 = arith.cmpi sle, %mul3A_2526, %max3A_2510 : vector<13x128xi32>
    %add3A_2528 = arith.constant 1 : i32
    %add3A_2529 = vector.broadcast %add3A_2528 : i32 to vector<13x128xi32>
    %add3A_2530 = arith.addi %select_n3A_2519, %add3A_2529 : vector<13x128xi32>
    %select_n3A_2531 = arith.select %le3A_2527, %add3A_2530, %select_n3A_2519 : vector<13x128xi1>, vector<13x128xi32>
    %add3A_2532 = vector.broadcast %convert_element_type3A_670 : vector<1x1xi32> to vector<13x128xi32>
    %add3A_2533 = arith.addi %add3A_2532, %select_n3A_2531 : vector<13x128xi32>
    %min3A_2534 = arith.constant 63 : i32
    %min3A_2535 = vector.broadcast %min3A_2534 : i32 to vector<13x128xi32>
    %min3A_2536 = arith.minsi %min3A_2535, %add3A_2533 : vector<13x128xi32>
    %sub3A_2537 = vector.broadcast %convert_element_type3A_670 : vector<1x1xi32> to vector<13x128xi32>
    %sub3A_2538 = arith.subi %sub3A_2537, %select_n3A_2531 : vector<13x128xi32>
    %max3A_2539 = arith.constant 0 : i32
    %max3A_2540 = vector.broadcast %max3A_2539 : i32 to vector<13x128xi32>
    %max3A_2541 = arith.maxsi %max3A_2540, %sub3A_2538 : vector<13x128xi32>
    %sub3A_2542 = arith.subi %min3A_2536, %max3A_2541 : vector<13x128xi32>
    %add3A_2543 = arith.constant 1 : i32
    %add3A_2544 = vector.broadcast %add3A_2543 : i32 to vector<13x128xi32>
    %add3A_2545 = arith.addi %sub3A_2542, %add3A_2544 : vector<13x128xi32>
    %lt3A_2546 = arith.constant 0 : i32
    %lt3A_2547 = vector.broadcast %lt3A_2546 : i32 to vector<13x128xi32>
    %lt3A_2548 = arith.cmpi slt, %sub3A_2507, %lt3A_2547 : vector<13x128xi32>
    %jit3A_2549 = arith.constant 0 : i32
    %broadcast_in_dim3A_2550 = vector.broadcast %jit3A_2549 : i32 to vector<13x128xi32>
    %select_n3A_2551 = arith.select %lt3A_2548, %broadcast_in_dim3A_2550, %add3A_2545 : vector<13x128xi1>, vector<13x128xi32>
    %add3A_2552 = arith.addi %add3A_2495, %select_n3A_2551 : vector<13x128xi32>
    %sub3A_2553 = arith.constant 1 : i32
    %sub3A_2554 = vector.broadcast %sub3A_2553 : i32 to vector<13x128xi32>
    %sub3A_2555 = arith.subi %get3A_673, %sub3A_2554 : vector<13x128xi32>
    %sub3A_2556 = arith.constant 33 : i32
    %sub3A_2557 = vector.broadcast %sub3A_2556 : i32 to vector<1x1xi32>
    %sub3A_2558 = arith.subi %sub3A_2557, %convert_element_type3A_669 : vector<1x1xi32>
    %sub3A_2559 = arith.constant 33 : i32
    %sub3A_2560 = vector.broadcast %sub3A_2559 : i32 to vector<1x1xi32>
    %sub3A_2561 = arith.subi %sub3A_2560, %convert_element_type3A_669 : vector<1x1xi32>
    %mul3A_2562 = arith.muli %sub3A_2558, %sub3A_2561 : vector<1x1xi32>
    %sub3A_2563 = vector.broadcast %mul3A_2562 : vector<1x1xi32> to vector<13x128xi32>
    %sub3A_2564 = arith.subi %sub3A_2555, %sub3A_2563 : vector<13x128xi32>
    %max3A_2565 = arith.constant 0 : i32
    %max3A_2566 = vector.broadcast %max3A_2565 : i32 to vector<13x128xi32>
    %max3A_2567 = arith.maxsi %sub3A_2564, %max3A_2566 : vector<13x128xi32>
    %convert_element_type3A_2568 = arith.sitofp %max3A_2567 : vector<13x128xi32> to vector<13x128xf32>
    %sqrt3A_2569 = math.sqrt %convert_element_type3A_2568 : vector<13x128xf32>
    %convert_element_type3A_2570 = arith.fptosi %sqrt3A_2569 : vector<13x128xf32> to vector<13x128xi32>
    %mul3A_2571 = arith.muli %convert_element_type3A_2570, %convert_element_type3A_2570 : vector<13x128xi32>
    %gt3A_2572 = arith.cmpi sgt, %mul3A_2571, %max3A_2567 : vector<13x128xi32>
    %sub3A_2573 = arith.constant 1 : i32
    %sub3A_2574 = vector.broadcast %sub3A_2573 : i32 to vector<13x128xi32>
    %sub3A_2575 = arith.subi %convert_element_type3A_2570, %sub3A_2574 : vector<13x128xi32>
    %select_n3A_2576 = arith.select %gt3A_2572, %sub3A_2575, %convert_element_type3A_2570 : vector<13x128xi1>, vector<13x128xi32>
    %add3A_2577 = arith.constant 1 : i32
    %add3A_2578 = vector.broadcast %add3A_2577 : i32 to vector<13x128xi32>
    %add3A_2579 = arith.addi %select_n3A_2576, %add3A_2578 : vector<13x128xi32>
    %add3A_2580 = arith.constant 1 : i32
    %add3A_2581 = vector.broadcast %add3A_2580 : i32 to vector<13x128xi32>
    %add3A_2582 = arith.addi %select_n3A_2576, %add3A_2581 : vector<13x128xi32>
    %mul3A_2583 = arith.muli %add3A_2579, %add3A_2582 : vector<13x128xi32>
    %le3A_2584 = arith.cmpi sle, %mul3A_2583, %max3A_2567 : vector<13x128xi32>
    %add3A_2585 = arith.constant 1 : i32
    %add3A_2586 = vector.broadcast %add3A_2585 : i32 to vector<13x128xi32>
    %add3A_2587 = arith.addi %select_n3A_2576, %add3A_2586 : vector<13x128xi32>
    %select_n3A_2588 = arith.select %le3A_2584, %add3A_2587, %select_n3A_2576 : vector<13x128xi1>, vector<13x128xi32>
    %add3A_2589 = vector.broadcast %convert_element_type3A_670 : vector<1x1xi32> to vector<13x128xi32>
    %add3A_2590 = arith.addi %add3A_2589, %select_n3A_2588 : vector<13x128xi32>
    %min3A_2591 = arith.constant 63 : i32
    %min3A_2592 = vector.broadcast %min3A_2591 : i32 to vector<13x128xi32>
    %min3A_2593 = arith.minsi %min3A_2592, %add3A_2590 : vector<13x128xi32>
    %sub3A_2594 = vector.broadcast %convert_element_type3A_670 : vector<1x1xi32> to vector<13x128xi32>
    %sub3A_2595 = arith.subi %sub3A_2594, %select_n3A_2588 : vector<13x128xi32>
    %max3A_2596 = arith.constant 0 : i32
    %max3A_2597 = vector.broadcast %max3A_2596 : i32 to vector<13x128xi32>
    %max3A_2598 = arith.maxsi %max3A_2597, %sub3A_2595 : vector<13x128xi32>
    %sub3A_2599 = arith.subi %min3A_2593, %max3A_2598 : vector<13x128xi32>
    %add3A_2600 = arith.constant 1 : i32
    %add3A_2601 = vector.broadcast %add3A_2600 : i32 to vector<13x128xi32>
    %add3A_2602 = arith.addi %sub3A_2599, %add3A_2601 : vector<13x128xi32>
    %lt3A_2603 = arith.constant 0 : i32
    %lt3A_2604 = vector.broadcast %lt3A_2603 : i32 to vector<13x128xi32>
    %lt3A_2605 = arith.cmpi slt, %sub3A_2564, %lt3A_2604 : vector<13x128xi32>
    %jit3A_2606 = arith.constant 0 : i32
    %broadcast_in_dim3A_2607 = vector.broadcast %jit3A_2606 : i32 to vector<13x128xi32>
    %select_n3A_2608 = arith.select %lt3A_2605, %broadcast_in_dim3A_2607, %add3A_2602 : vector<13x128xi1>, vector<13x128xi32>
    %add3A_2609 = arith.addi %add3A_2552, %select_n3A_2608 : vector<13x128xi32>
    %sub3A_2610 = arith.constant 1 : i32
    %sub3A_2611 = vector.broadcast %sub3A_2610 : i32 to vector<13x128xi32>
    %sub3A_2612 = arith.subi %get3A_673, %sub3A_2611 : vector<13x128xi32>
    %sub3A_2613 = arith.constant 34 : i32
    %sub3A_2614 = vector.broadcast %sub3A_2613 : i32 to vector<1x1xi32>
    %sub3A_2615 = arith.subi %sub3A_2614, %convert_element_type3A_669 : vector<1x1xi32>
    %sub3A_2616 = arith.constant 34 : i32
    %sub3A_2617 = vector.broadcast %sub3A_2616 : i32 to vector<1x1xi32>
    %sub3A_2618 = arith.subi %sub3A_2617, %convert_element_type3A_669 : vector<1x1xi32>
    %mul3A_2619 = arith.muli %sub3A_2615, %sub3A_2618 : vector<1x1xi32>
    %sub3A_2620 = vector.broadcast %mul3A_2619 : vector<1x1xi32> to vector<13x128xi32>
    %sub3A_2621 = arith.subi %sub3A_2612, %sub3A_2620 : vector<13x128xi32>
    %max3A_2622 = arith.constant 0 : i32
    %max3A_2623 = vector.broadcast %max3A_2622 : i32 to vector<13x128xi32>
    %max3A_2624 = arith.maxsi %sub3A_2621, %max3A_2623 : vector<13x128xi32>
    %convert_element_type3A_2625 = arith.sitofp %max3A_2624 : vector<13x128xi32> to vector<13x128xf32>
    %sqrt3A_2626 = math.sqrt %convert_element_type3A_2625 : vector<13x128xf32>
    %convert_element_type3A_2627 = arith.fptosi %sqrt3A_2626 : vector<13x128xf32> to vector<13x128xi32>
    %mul3A_2628 = arith.muli %convert_element_type3A_2627, %convert_element_type3A_2627 : vector<13x128xi32>
    %gt3A_2629 = arith.cmpi sgt, %mul3A_2628, %max3A_2624 : vector<13x128xi32>
    %sub3A_2630 = arith.constant 1 : i32
    %sub3A_2631 = vector.broadcast %sub3A_2630 : i32 to vector<13x128xi32>
    %sub3A_2632 = arith.subi %convert_element_type3A_2627, %sub3A_2631 : vector<13x128xi32>
    %select_n3A_2633 = arith.select %gt3A_2629, %sub3A_2632, %convert_element_type3A_2627 : vector<13x128xi1>, vector<13x128xi32>
    %add3A_2634 = arith.constant 1 : i32
    %add3A_2635 = vector.broadcast %add3A_2634 : i32 to vector<13x128xi32>
    %add3A_2636 = arith.addi %select_n3A_2633, %add3A_2635 : vector<13x128xi32>
    %add3A_2637 = arith.constant 1 : i32
    %add3A_2638 = vector.broadcast %add3A_2637 : i32 to vector<13x128xi32>
    %add3A_2639 = arith.addi %select_n3A_2633, %add3A_2638 : vector<13x128xi32>
    %mul3A_2640 = arith.muli %add3A_2636, %add3A_2639 : vector<13x128xi32>
    %le3A_2641 = arith.cmpi sle, %mul3A_2640, %max3A_2624 : vector<13x128xi32>
    %add3A_2642 = arith.constant 1 : i32
    %add3A_2643 = vector.broadcast %add3A_2642 : i32 to vector<13x128xi32>
    %add3A_2644 = arith.addi %select_n3A_2633, %add3A_2643 : vector<13x128xi32>
    %select_n3A_2645 = arith.select %le3A_2641, %add3A_2644, %select_n3A_2633 : vector<13x128xi1>, vector<13x128xi32>
    %add3A_2646 = vector.broadcast %convert_element_type3A_670 : vector<1x1xi32> to vector<13x128xi32>
    %add3A_2647 = arith.addi %add3A_2646, %select_n3A_2645 : vector<13x128xi32>
    %min3A_2648 = arith.constant 63 : i32
    %min3A_2649 = vector.broadcast %min3A_2648 : i32 to vector<13x128xi32>
    %min3A_2650 = arith.minsi %min3A_2649, %add3A_2647 : vector<13x128xi32>
    %sub3A_2651 = vector.broadcast %convert_element_type3A_670 : vector<1x1xi32> to vector<13x128xi32>
    %sub3A_2652 = arith.subi %sub3A_2651, %select_n3A_2645 : vector<13x128xi32>
    %max3A_2653 = arith.constant 0 : i32
    %max3A_2654 = vector.broadcast %max3A_2653 : i32 to vector<13x128xi32>
    %max3A_2655 = arith.maxsi %max3A_2654, %sub3A_2652 : vector<13x128xi32>
    %sub3A_2656 = arith.subi %min3A_2650, %max3A_2655 : vector<13x128xi32>
    %add3A_2657 = arith.constant 1 : i32
    %add3A_2658 = vector.broadcast %add3A_2657 : i32 to vector<13x128xi32>
    %add3A_2659 = arith.addi %sub3A_2656, %add3A_2658 : vector<13x128xi32>
    %lt3A_2660 = arith.constant 0 : i32
    %lt3A_2661 = vector.broadcast %lt3A_2660 : i32 to vector<13x128xi32>
    %lt3A_2662 = arith.cmpi slt, %sub3A_2621, %lt3A_2661 : vector<13x128xi32>
    %jit3A_2663 = arith.constant 0 : i32
    %broadcast_in_dim3A_2664 = vector.broadcast %jit3A_2663 : i32 to vector<13x128xi32>
    %select_n3A_2665 = arith.select %lt3A_2662, %broadcast_in_dim3A_2664, %add3A_2659 : vector<13x128xi1>, vector<13x128xi32>
    %add3A_2666 = arith.addi %add3A_2609, %select_n3A_2665 : vector<13x128xi32>
    %sub3A_2667 = arith.constant 1 : i32
    %sub3A_2668 = vector.broadcast %sub3A_2667 : i32 to vector<13x128xi32>
    %sub3A_2669 = arith.subi %get3A_673, %sub3A_2668 : vector<13x128xi32>
    %sub3A_2670 = arith.constant 35 : i32
    %sub3A_2671 = vector.broadcast %sub3A_2670 : i32 to vector<1x1xi32>
    %sub3A_2672 = arith.subi %sub3A_2671, %convert_element_type3A_669 : vector<1x1xi32>
    %sub3A_2673 = arith.constant 35 : i32
    %sub3A_2674 = vector.broadcast %sub3A_2673 : i32 to vector<1x1xi32>
    %sub3A_2675 = arith.subi %sub3A_2674, %convert_element_type3A_669 : vector<1x1xi32>
    %mul3A_2676 = arith.muli %sub3A_2672, %sub3A_2675 : vector<1x1xi32>
    %sub3A_2677 = vector.broadcast %mul3A_2676 : vector<1x1xi32> to vector<13x128xi32>
    %sub3A_2678 = arith.subi %sub3A_2669, %sub3A_2677 : vector<13x128xi32>
    %max3A_2679 = arith.constant 0 : i32
    %max3A_2680 = vector.broadcast %max3A_2679 : i32 to vector<13x128xi32>
    %max3A_2681 = arith.maxsi %sub3A_2678, %max3A_2680 : vector<13x128xi32>
    %convert_element_type3A_2682 = arith.sitofp %max3A_2681 : vector<13x128xi32> to vector<13x128xf32>
    %sqrt3A_2683 = math.sqrt %convert_element_type3A_2682 : vector<13x128xf32>
    %convert_element_type3A_2684 = arith.fptosi %sqrt3A_2683 : vector<13x128xf32> to vector<13x128xi32>
    %mul3A_2685 = arith.muli %convert_element_type3A_2684, %convert_element_type3A_2684 : vector<13x128xi32>
    %gt3A_2686 = arith.cmpi sgt, %mul3A_2685, %max3A_2681 : vector<13x128xi32>
    %sub3A_2687 = arith.constant 1 : i32
    %sub3A_2688 = vector.broadcast %sub3A_2687 : i32 to vector<13x128xi32>
    %sub3A_2689 = arith.subi %convert_element_type3A_2684, %sub3A_2688 : vector<13x128xi32>
    %select_n3A_2690 = arith.select %gt3A_2686, %sub3A_2689, %convert_element_type3A_2684 : vector<13x128xi1>, vector<13x128xi32>
    %add3A_2691 = arith.constant 1 : i32
    %add3A_2692 = vector.broadcast %add3A_2691 : i32 to vector<13x128xi32>
    %add3A_2693 = arith.addi %select_n3A_2690, %add3A_2692 : vector<13x128xi32>
    %add3A_2694 = arith.constant 1 : i32
    %add3A_2695 = vector.broadcast %add3A_2694 : i32 to vector<13x128xi32>
    %add3A_2696 = arith.addi %select_n3A_2690, %add3A_2695 : vector<13x128xi32>
    %mul3A_2697 = arith.muli %add3A_2693, %add3A_2696 : vector<13x128xi32>
    %le3A_2698 = arith.cmpi sle, %mul3A_2697, %max3A_2681 : vector<13x128xi32>
    %add3A_2699 = arith.constant 1 : i32
    %add3A_2700 = vector.broadcast %add3A_2699 : i32 to vector<13x128xi32>
    %add3A_2701 = arith.addi %select_n3A_2690, %add3A_2700 : vector<13x128xi32>
    %select_n3A_2702 = arith.select %le3A_2698, %add3A_2701, %select_n3A_2690 : vector<13x128xi1>, vector<13x128xi32>
    %add3A_2703 = vector.broadcast %convert_element_type3A_670 : vector<1x1xi32> to vector<13x128xi32>
    %add3A_2704 = arith.addi %add3A_2703, %select_n3A_2702 : vector<13x128xi32>
    %min3A_2705 = arith.constant 63 : i32
    %min3A_2706 = vector.broadcast %min3A_2705 : i32 to vector<13x128xi32>
    %min3A_2707 = arith.minsi %min3A_2706, %add3A_2704 : vector<13x128xi32>
    %sub3A_2708 = vector.broadcast %convert_element_type3A_670 : vector<1x1xi32> to vector<13x128xi32>
    %sub3A_2709 = arith.subi %sub3A_2708, %select_n3A_2702 : vector<13x128xi32>
    %max3A_2710 = arith.constant 0 : i32
    %max3A_2711 = vector.broadcast %max3A_2710 : i32 to vector<13x128xi32>
    %max3A_2712 = arith.maxsi %max3A_2711, %sub3A_2709 : vector<13x128xi32>
    %sub3A_2713 = arith.subi %min3A_2707, %max3A_2712 : vector<13x128xi32>
    %add3A_2714 = arith.constant 1 : i32
    %add3A_2715 = vector.broadcast %add3A_2714 : i32 to vector<13x128xi32>
    %add3A_2716 = arith.addi %sub3A_2713, %add3A_2715 : vector<13x128xi32>
    %lt3A_2717 = arith.constant 0 : i32
    %lt3A_2718 = vector.broadcast %lt3A_2717 : i32 to vector<13x128xi32>
    %lt3A_2719 = arith.cmpi slt, %sub3A_2678, %lt3A_2718 : vector<13x128xi32>
    %jit3A_2720 = arith.constant 0 : i32
    %broadcast_in_dim3A_2721 = vector.broadcast %jit3A_2720 : i32 to vector<13x128xi32>
    %select_n3A_2722 = arith.select %lt3A_2719, %broadcast_in_dim3A_2721, %add3A_2716 : vector<13x128xi1>, vector<13x128xi32>
    %add3A_2723 = arith.addi %add3A_2666, %select_n3A_2722 : vector<13x128xi32>
    %sub3A_2724 = arith.constant 1 : i32
    %sub3A_2725 = vector.broadcast %sub3A_2724 : i32 to vector<13x128xi32>
    %sub3A_2726 = arith.subi %get3A_673, %sub3A_2725 : vector<13x128xi32>
    %sub3A_2727 = arith.constant 36 : i32
    %sub3A_2728 = vector.broadcast %sub3A_2727 : i32 to vector<1x1xi32>
    %sub3A_2729 = arith.subi %sub3A_2728, %convert_element_type3A_669 : vector<1x1xi32>
    %sub3A_2730 = arith.constant 36 : i32
    %sub3A_2731 = vector.broadcast %sub3A_2730 : i32 to vector<1x1xi32>
    %sub3A_2732 = arith.subi %sub3A_2731, %convert_element_type3A_669 : vector<1x1xi32>
    %mul3A_2733 = arith.muli %sub3A_2729, %sub3A_2732 : vector<1x1xi32>
    %sub3A_2734 = vector.broadcast %mul3A_2733 : vector<1x1xi32> to vector<13x128xi32>
    %sub3A_2735 = arith.subi %sub3A_2726, %sub3A_2734 : vector<13x128xi32>
    %max3A_2736 = arith.constant 0 : i32
    %max3A_2737 = vector.broadcast %max3A_2736 : i32 to vector<13x128xi32>
    %max3A_2738 = arith.maxsi %sub3A_2735, %max3A_2737 : vector<13x128xi32>
    %convert_element_type3A_2739 = arith.sitofp %max3A_2738 : vector<13x128xi32> to vector<13x128xf32>
    %sqrt3A_2740 = math.sqrt %convert_element_type3A_2739 : vector<13x128xf32>
    %convert_element_type3A_2741 = arith.fptosi %sqrt3A_2740 : vector<13x128xf32> to vector<13x128xi32>
    %mul3A_2742 = arith.muli %convert_element_type3A_2741, %convert_element_type3A_2741 : vector<13x128xi32>
    %gt3A_2743 = arith.cmpi sgt, %mul3A_2742, %max3A_2738 : vector<13x128xi32>
    %sub3A_2744 = arith.constant 1 : i32
    %sub3A_2745 = vector.broadcast %sub3A_2744 : i32 to vector<13x128xi32>
    %sub3A_2746 = arith.subi %convert_element_type3A_2741, %sub3A_2745 : vector<13x128xi32>
    %select_n3A_2747 = arith.select %gt3A_2743, %sub3A_2746, %convert_element_type3A_2741 : vector<13x128xi1>, vector<13x128xi32>
    %add3A_2748 = arith.constant 1 : i32
    %add3A_2749 = vector.broadcast %add3A_2748 : i32 to vector<13x128xi32>
    %add3A_2750 = arith.addi %select_n3A_2747, %add3A_2749 : vector<13x128xi32>
    %add3A_2751 = arith.constant 1 : i32
    %add3A_2752 = vector.broadcast %add3A_2751 : i32 to vector<13x128xi32>
    %add3A_2753 = arith.addi %select_n3A_2747, %add3A_2752 : vector<13x128xi32>
    %mul3A_2754 = arith.muli %add3A_2750, %add3A_2753 : vector<13x128xi32>
    %le3A_2755 = arith.cmpi sle, %mul3A_2754, %max3A_2738 : vector<13x128xi32>
    %add3A_2756 = arith.constant 1 : i32
    %add3A_2757 = vector.broadcast %add3A_2756 : i32 to vector<13x128xi32>
    %add3A_2758 = arith.addi %select_n3A_2747, %add3A_2757 : vector<13x128xi32>
    %select_n3A_2759 = arith.select %le3A_2755, %add3A_2758, %select_n3A_2747 : vector<13x128xi1>, vector<13x128xi32>
    %add3A_2760 = vector.broadcast %convert_element_type3A_670 : vector<1x1xi32> to vector<13x128xi32>
    %add3A_2761 = arith.addi %add3A_2760, %select_n3A_2759 : vector<13x128xi32>
    %min3A_2762 = arith.constant 63 : i32
    %min3A_2763 = vector.broadcast %min3A_2762 : i32 to vector<13x128xi32>
    %min3A_2764 = arith.minsi %min3A_2763, %add3A_2761 : vector<13x128xi32>
    %sub3A_2765 = vector.broadcast %convert_element_type3A_670 : vector<1x1xi32> to vector<13x128xi32>
    %sub3A_2766 = arith.subi %sub3A_2765, %select_n3A_2759 : vector<13x128xi32>
    %max3A_2767 = arith.constant 0 : i32
    %max3A_2768 = vector.broadcast %max3A_2767 : i32 to vector<13x128xi32>
    %max3A_2769 = arith.maxsi %max3A_2768, %sub3A_2766 : vector<13x128xi32>
    %sub3A_2770 = arith.subi %min3A_2764, %max3A_2769 : vector<13x128xi32>
    %add3A_2771 = arith.constant 1 : i32
    %add3A_2772 = vector.broadcast %add3A_2771 : i32 to vector<13x128xi32>
    %add3A_2773 = arith.addi %sub3A_2770, %add3A_2772 : vector<13x128xi32>
    %lt3A_2774 = arith.constant 0 : i32
    %lt3A_2775 = vector.broadcast %lt3A_2774 : i32 to vector<13x128xi32>
    %lt3A_2776 = arith.cmpi slt, %sub3A_2735, %lt3A_2775 : vector<13x128xi32>
    %jit3A_2777 = arith.constant 0 : i32
    %broadcast_in_dim3A_2778 = vector.broadcast %jit3A_2777 : i32 to vector<13x128xi32>
    %select_n3A_2779 = arith.select %lt3A_2776, %broadcast_in_dim3A_2778, %add3A_2773 : vector<13x128xi1>, vector<13x128xi32>
    %add3A_2780 = arith.addi %add3A_2723, %select_n3A_2779 : vector<13x128xi32>
    %sub3A_2781 = arith.constant 1 : i32
    %sub3A_2782 = vector.broadcast %sub3A_2781 : i32 to vector<13x128xi32>
    %sub3A_2783 = arith.subi %get3A_673, %sub3A_2782 : vector<13x128xi32>
    %sub3A_2784 = arith.constant 37 : i32
    %sub3A_2785 = vector.broadcast %sub3A_2784 : i32 to vector<1x1xi32>
    %sub3A_2786 = arith.subi %sub3A_2785, %convert_element_type3A_669 : vector<1x1xi32>
    %sub3A_2787 = arith.constant 37 : i32
    %sub3A_2788 = vector.broadcast %sub3A_2787 : i32 to vector<1x1xi32>
    %sub3A_2789 = arith.subi %sub3A_2788, %convert_element_type3A_669 : vector<1x1xi32>
    %mul3A_2790 = arith.muli %sub3A_2786, %sub3A_2789 : vector<1x1xi32>
    %sub3A_2791 = vector.broadcast %mul3A_2790 : vector<1x1xi32> to vector<13x128xi32>
    %sub3A_2792 = arith.subi %sub3A_2783, %sub3A_2791 : vector<13x128xi32>
    %max3A_2793 = arith.constant 0 : i32
    %max3A_2794 = vector.broadcast %max3A_2793 : i32 to vector<13x128xi32>
    %max3A_2795 = arith.maxsi %sub3A_2792, %max3A_2794 : vector<13x128xi32>
    %convert_element_type3A_2796 = arith.sitofp %max3A_2795 : vector<13x128xi32> to vector<13x128xf32>
    %sqrt3A_2797 = math.sqrt %convert_element_type3A_2796 : vector<13x128xf32>
    %convert_element_type3A_2798 = arith.fptosi %sqrt3A_2797 : vector<13x128xf32> to vector<13x128xi32>
    %mul3A_2799 = arith.muli %convert_element_type3A_2798, %convert_element_type3A_2798 : vector<13x128xi32>
    %gt3A_2800 = arith.cmpi sgt, %mul3A_2799, %max3A_2795 : vector<13x128xi32>
    %sub3A_2801 = arith.constant 1 : i32
    %sub3A_2802 = vector.broadcast %sub3A_2801 : i32 to vector<13x128xi32>
    %sub3A_2803 = arith.subi %convert_element_type3A_2798, %sub3A_2802 : vector<13x128xi32>
    %select_n3A_2804 = arith.select %gt3A_2800, %sub3A_2803, %convert_element_type3A_2798 : vector<13x128xi1>, vector<13x128xi32>
    %add3A_2805 = arith.constant 1 : i32
    %add3A_2806 = vector.broadcast %add3A_2805 : i32 to vector<13x128xi32>
    %add3A_2807 = arith.addi %select_n3A_2804, %add3A_2806 : vector<13x128xi32>
    %add3A_2808 = arith.constant 1 : i32
    %add3A_2809 = vector.broadcast %add3A_2808 : i32 to vector<13x128xi32>
    %add3A_2810 = arith.addi %select_n3A_2804, %add3A_2809 : vector<13x128xi32>
    %mul3A_2811 = arith.muli %add3A_2807, %add3A_2810 : vector<13x128xi32>
    %le3A_2812 = arith.cmpi sle, %mul3A_2811, %max3A_2795 : vector<13x128xi32>
    %add3A_2813 = arith.constant 1 : i32
    %add3A_2814 = vector.broadcast %add3A_2813 : i32 to vector<13x128xi32>
    %add3A_2815 = arith.addi %select_n3A_2804, %add3A_2814 : vector<13x128xi32>
    %select_n3A_2816 = arith.select %le3A_2812, %add3A_2815, %select_n3A_2804 : vector<13x128xi1>, vector<13x128xi32>
    %add3A_2817 = vector.broadcast %convert_element_type3A_670 : vector<1x1xi32> to vector<13x128xi32>
    %add3A_2818 = arith.addi %add3A_2817, %select_n3A_2816 : vector<13x128xi32>
    %min3A_2819 = arith.constant 63 : i32
    %min3A_2820 = vector.broadcast %min3A_2819 : i32 to vector<13x128xi32>
    %min3A_2821 = arith.minsi %min3A_2820, %add3A_2818 : vector<13x128xi32>
    %sub3A_2822 = vector.broadcast %convert_element_type3A_670 : vector<1x1xi32> to vector<13x128xi32>
    %sub3A_2823 = arith.subi %sub3A_2822, %select_n3A_2816 : vector<13x128xi32>
    %max3A_2824 = arith.constant 0 : i32
    %max3A_2825 = vector.broadcast %max3A_2824 : i32 to vector<13x128xi32>
    %max3A_2826 = arith.maxsi %max3A_2825, %sub3A_2823 : vector<13x128xi32>
    %sub3A_2827 = arith.subi %min3A_2821, %max3A_2826 : vector<13x128xi32>
    %add3A_2828 = arith.constant 1 : i32
    %add3A_2829 = vector.broadcast %add3A_2828 : i32 to vector<13x128xi32>
    %add3A_2830 = arith.addi %sub3A_2827, %add3A_2829 : vector<13x128xi32>
    %lt3A_2831 = arith.constant 0 : i32
    %lt3A_2832 = vector.broadcast %lt3A_2831 : i32 to vector<13x128xi32>
    %lt3A_2833 = arith.cmpi slt, %sub3A_2792, %lt3A_2832 : vector<13x128xi32>
    %jit3A_2834 = arith.constant 0 : i32
    %broadcast_in_dim3A_2835 = vector.broadcast %jit3A_2834 : i32 to vector<13x128xi32>
    %select_n3A_2836 = arith.select %lt3A_2833, %broadcast_in_dim3A_2835, %add3A_2830 : vector<13x128xi1>, vector<13x128xi32>
    %add3A_2837 = arith.addi %add3A_2780, %select_n3A_2836 : vector<13x128xi32>
    %sub3A_2838 = arith.constant 1 : i32
    %sub3A_2839 = vector.broadcast %sub3A_2838 : i32 to vector<13x128xi32>
    %sub3A_2840 = arith.subi %get3A_673, %sub3A_2839 : vector<13x128xi32>
    %sub3A_2841 = arith.constant 38 : i32
    %sub3A_2842 = vector.broadcast %sub3A_2841 : i32 to vector<1x1xi32>
    %sub3A_2843 = arith.subi %sub3A_2842, %convert_element_type3A_669 : vector<1x1xi32>
    %sub3A_2844 = arith.constant 38 : i32
    %sub3A_2845 = vector.broadcast %sub3A_2844 : i32 to vector<1x1xi32>
    %sub3A_2846 = arith.subi %sub3A_2845, %convert_element_type3A_669 : vector<1x1xi32>
    %mul3A_2847 = arith.muli %sub3A_2843, %sub3A_2846 : vector<1x1xi32>
    %sub3A_2848 = vector.broadcast %mul3A_2847 : vector<1x1xi32> to vector<13x128xi32>
    %sub3A_2849 = arith.subi %sub3A_2840, %sub3A_2848 : vector<13x128xi32>
    %max3A_2850 = arith.constant 0 : i32
    %max3A_2851 = vector.broadcast %max3A_2850 : i32 to vector<13x128xi32>
    %max3A_2852 = arith.maxsi %sub3A_2849, %max3A_2851 : vector<13x128xi32>
    %convert_element_type3A_2853 = arith.sitofp %max3A_2852 : vector<13x128xi32> to vector<13x128xf32>
    %sqrt3A_2854 = math.sqrt %convert_element_type3A_2853 : vector<13x128xf32>
    %convert_element_type3A_2855 = arith.fptosi %sqrt3A_2854 : vector<13x128xf32> to vector<13x128xi32>
    %mul3A_2856 = arith.muli %convert_element_type3A_2855, %convert_element_type3A_2855 : vector<13x128xi32>
    %gt3A_2857 = arith.cmpi sgt, %mul3A_2856, %max3A_2852 : vector<13x128xi32>
    %sub3A_2858 = arith.constant 1 : i32
    %sub3A_2859 = vector.broadcast %sub3A_2858 : i32 to vector<13x128xi32>
    %sub3A_2860 = arith.subi %convert_element_type3A_2855, %sub3A_2859 : vector<13x128xi32>
    %select_n3A_2861 = arith.select %gt3A_2857, %sub3A_2860, %convert_element_type3A_2855 : vector<13x128xi1>, vector<13x128xi32>
    %add3A_2862 = arith.constant 1 : i32
    %add3A_2863 = vector.broadcast %add3A_2862 : i32 to vector<13x128xi32>
    %add3A_2864 = arith.addi %select_n3A_2861, %add3A_2863 : vector<13x128xi32>
    %add3A_2865 = arith.constant 1 : i32
    %add3A_2866 = vector.broadcast %add3A_2865 : i32 to vector<13x128xi32>
    %add3A_2867 = arith.addi %select_n3A_2861, %add3A_2866 : vector<13x128xi32>
    %mul3A_2868 = arith.muli %add3A_2864, %add3A_2867 : vector<13x128xi32>
    %le3A_2869 = arith.cmpi sle, %mul3A_2868, %max3A_2852 : vector<13x128xi32>
    %add3A_2870 = arith.constant 1 : i32
    %add3A_2871 = vector.broadcast %add3A_2870 : i32 to vector<13x128xi32>
    %add3A_2872 = arith.addi %select_n3A_2861, %add3A_2871 : vector<13x128xi32>
    %select_n3A_2873 = arith.select %le3A_2869, %add3A_2872, %select_n3A_2861 : vector<13x128xi1>, vector<13x128xi32>
    %add3A_2874 = vector.broadcast %convert_element_type3A_670 : vector<1x1xi32> to vector<13x128xi32>
    %add3A_2875 = arith.addi %add3A_2874, %select_n3A_2873 : vector<13x128xi32>
    %min3A_2876 = arith.constant 63 : i32
    %min3A_2877 = vector.broadcast %min3A_2876 : i32 to vector<13x128xi32>
    %min3A_2878 = arith.minsi %min3A_2877, %add3A_2875 : vector<13x128xi32>
    %sub3A_2879 = vector.broadcast %convert_element_type3A_670 : vector<1x1xi32> to vector<13x128xi32>
    %sub3A_2880 = arith.subi %sub3A_2879, %select_n3A_2873 : vector<13x128xi32>
    %max3A_2881 = arith.constant 0 : i32
    %max3A_2882 = vector.broadcast %max3A_2881 : i32 to vector<13x128xi32>
    %max3A_2883 = arith.maxsi %max3A_2882, %sub3A_2880 : vector<13x128xi32>
    %sub3A_2884 = arith.subi %min3A_2878, %max3A_2883 : vector<13x128xi32>
    %add3A_2885 = arith.constant 1 : i32
    %add3A_2886 = vector.broadcast %add3A_2885 : i32 to vector<13x128xi32>
    %add3A_2887 = arith.addi %sub3A_2884, %add3A_2886 : vector<13x128xi32>
    %lt3A_2888 = arith.constant 0 : i32
    %lt3A_2889 = vector.broadcast %lt3A_2888 : i32 to vector<13x128xi32>
    %lt3A_2890 = arith.cmpi slt, %sub3A_2849, %lt3A_2889 : vector<13x128xi32>
    %jit3A_2891 = arith.constant 0 : i32
    %broadcast_in_dim3A_2892 = vector.broadcast %jit3A_2891 : i32 to vector<13x128xi32>
    %select_n3A_2893 = arith.select %lt3A_2890, %broadcast_in_dim3A_2892, %add3A_2887 : vector<13x128xi1>, vector<13x128xi32>
    %add3A_2894 = arith.addi %add3A_2837, %select_n3A_2893 : vector<13x128xi32>
    %sub3A_2895 = arith.constant 1 : i32
    %sub3A_2896 = vector.broadcast %sub3A_2895 : i32 to vector<13x128xi32>
    %sub3A_2897 = arith.subi %get3A_673, %sub3A_2896 : vector<13x128xi32>
    %sub3A_2898 = arith.constant 39 : i32
    %sub3A_2899 = vector.broadcast %sub3A_2898 : i32 to vector<1x1xi32>
    %sub3A_2900 = arith.subi %sub3A_2899, %convert_element_type3A_669 : vector<1x1xi32>
    %sub3A_2901 = arith.constant 39 : i32
    %sub3A_2902 = vector.broadcast %sub3A_2901 : i32 to vector<1x1xi32>
    %sub3A_2903 = arith.subi %sub3A_2902, %convert_element_type3A_669 : vector<1x1xi32>
    %mul3A_2904 = arith.muli %sub3A_2900, %sub3A_2903 : vector<1x1xi32>
    %sub3A_2905 = vector.broadcast %mul3A_2904 : vector<1x1xi32> to vector<13x128xi32>
    %sub3A_2906 = arith.subi %sub3A_2897, %sub3A_2905 : vector<13x128xi32>
    %max3A_2907 = arith.constant 0 : i32
    %max3A_2908 = vector.broadcast %max3A_2907 : i32 to vector<13x128xi32>
    %max3A_2909 = arith.maxsi %sub3A_2906, %max3A_2908 : vector<13x128xi32>
    %convert_element_type3A_2910 = arith.sitofp %max3A_2909 : vector<13x128xi32> to vector<13x128xf32>
    %sqrt3A_2911 = math.sqrt %convert_element_type3A_2910 : vector<13x128xf32>
    %convert_element_type3A_2912 = arith.fptosi %sqrt3A_2911 : vector<13x128xf32> to vector<13x128xi32>
    %mul3A_2913 = arith.muli %convert_element_type3A_2912, %convert_element_type3A_2912 : vector<13x128xi32>
    %gt3A_2914 = arith.cmpi sgt, %mul3A_2913, %max3A_2909 : vector<13x128xi32>
    %sub3A_2915 = arith.constant 1 : i32
    %sub3A_2916 = vector.broadcast %sub3A_2915 : i32 to vector<13x128xi32>
    %sub3A_2917 = arith.subi %convert_element_type3A_2912, %sub3A_2916 : vector<13x128xi32>
    %select_n3A_2918 = arith.select %gt3A_2914, %sub3A_2917, %convert_element_type3A_2912 : vector<13x128xi1>, vector<13x128xi32>
    %add3A_2919 = arith.constant 1 : i32
    %add3A_2920 = vector.broadcast %add3A_2919 : i32 to vector<13x128xi32>
    %add3A_2921 = arith.addi %select_n3A_2918, %add3A_2920 : vector<13x128xi32>
    %add3A_2922 = arith.constant 1 : i32
    %add3A_2923 = vector.broadcast %add3A_2922 : i32 to vector<13x128xi32>
    %add3A_2924 = arith.addi %select_n3A_2918, %add3A_2923 : vector<13x128xi32>
    %mul3A_2925 = arith.muli %add3A_2921, %add3A_2924 : vector<13x128xi32>
    %le3A_2926 = arith.cmpi sle, %mul3A_2925, %max3A_2909 : vector<13x128xi32>
    %add3A_2927 = arith.constant 1 : i32
    %add3A_2928 = vector.broadcast %add3A_2927 : i32 to vector<13x128xi32>
    %add3A_2929 = arith.addi %select_n3A_2918, %add3A_2928 : vector<13x128xi32>
    %select_n3A_2930 = arith.select %le3A_2926, %add3A_2929, %select_n3A_2918 : vector<13x128xi1>, vector<13x128xi32>
    %add3A_2931 = vector.broadcast %convert_element_type3A_670 : vector<1x1xi32> to vector<13x128xi32>
    %add3A_2932 = arith.addi %add3A_2931, %select_n3A_2930 : vector<13x128xi32>
    %min3A_2933 = arith.constant 63 : i32
    %min3A_2934 = vector.broadcast %min3A_2933 : i32 to vector<13x128xi32>
    %min3A_2935 = arith.minsi %min3A_2934, %add3A_2932 : vector<13x128xi32>
    %sub3A_2936 = vector.broadcast %convert_element_type3A_670 : vector<1x1xi32> to vector<13x128xi32>
    %sub3A_2937 = arith.subi %sub3A_2936, %select_n3A_2930 : vector<13x128xi32>
    %max3A_2938 = arith.constant 0 : i32
    %max3A_2939 = vector.broadcast %max3A_2938 : i32 to vector<13x128xi32>
    %max3A_2940 = arith.maxsi %max3A_2939, %sub3A_2937 : vector<13x128xi32>
    %sub3A_2941 = arith.subi %min3A_2935, %max3A_2940 : vector<13x128xi32>
    %add3A_2942 = arith.constant 1 : i32
    %add3A_2943 = vector.broadcast %add3A_2942 : i32 to vector<13x128xi32>
    %add3A_2944 = arith.addi %sub3A_2941, %add3A_2943 : vector<13x128xi32>
    %lt3A_2945 = arith.constant 0 : i32
    %lt3A_2946 = vector.broadcast %lt3A_2945 : i32 to vector<13x128xi32>
    %lt3A_2947 = arith.cmpi slt, %sub3A_2906, %lt3A_2946 : vector<13x128xi32>
    %jit3A_2948 = arith.constant 0 : i32
    %broadcast_in_dim3A_2949 = vector.broadcast %jit3A_2948 : i32 to vector<13x128xi32>
    %select_n3A_2950 = arith.select %lt3A_2947, %broadcast_in_dim3A_2949, %add3A_2944 : vector<13x128xi1>, vector<13x128xi32>
    %add3A_2951 = arith.addi %add3A_2894, %select_n3A_2950 : vector<13x128xi32>
    %sub3A_2952 = arith.constant 1 : i32
    %sub3A_2953 = vector.broadcast %sub3A_2952 : i32 to vector<13x128xi32>
    %sub3A_2954 = arith.subi %get3A_673, %sub3A_2953 : vector<13x128xi32>
    %sub3A_2955 = arith.constant 40 : i32
    %sub3A_2956 = vector.broadcast %sub3A_2955 : i32 to vector<1x1xi32>
    %sub3A_2957 = arith.subi %sub3A_2956, %convert_element_type3A_669 : vector<1x1xi32>
    %sub3A_2958 = arith.constant 40 : i32
    %sub3A_2959 = vector.broadcast %sub3A_2958 : i32 to vector<1x1xi32>
    %sub3A_2960 = arith.subi %sub3A_2959, %convert_element_type3A_669 : vector<1x1xi32>
    %mul3A_2961 = arith.muli %sub3A_2957, %sub3A_2960 : vector<1x1xi32>
    %sub3A_2962 = vector.broadcast %mul3A_2961 : vector<1x1xi32> to vector<13x128xi32>
    %sub3A_2963 = arith.subi %sub3A_2954, %sub3A_2962 : vector<13x128xi32>
    %max3A_2964 = arith.constant 0 : i32
    %max3A_2965 = vector.broadcast %max3A_2964 : i32 to vector<13x128xi32>
    %max3A_2966 = arith.maxsi %sub3A_2963, %max3A_2965 : vector<13x128xi32>
    %convert_element_type3A_2967 = arith.sitofp %max3A_2966 : vector<13x128xi32> to vector<13x128xf32>
    %sqrt3A_2968 = math.sqrt %convert_element_type3A_2967 : vector<13x128xf32>
    %convert_element_type3A_2969 = arith.fptosi %sqrt3A_2968 : vector<13x128xf32> to vector<13x128xi32>
    %mul3A_2970 = arith.muli %convert_element_type3A_2969, %convert_element_type3A_2969 : vector<13x128xi32>
    %gt3A_2971 = arith.cmpi sgt, %mul3A_2970, %max3A_2966 : vector<13x128xi32>
    %sub3A_2972 = arith.constant 1 : i32
    %sub3A_2973 = vector.broadcast %sub3A_2972 : i32 to vector<13x128xi32>
    %sub3A_2974 = arith.subi %convert_element_type3A_2969, %sub3A_2973 : vector<13x128xi32>
    %select_n3A_2975 = arith.select %gt3A_2971, %sub3A_2974, %convert_element_type3A_2969 : vector<13x128xi1>, vector<13x128xi32>
    %add3A_2976 = arith.constant 1 : i32
    %add3A_2977 = vector.broadcast %add3A_2976 : i32 to vector<13x128xi32>
    %add3A_2978 = arith.addi %select_n3A_2975, %add3A_2977 : vector<13x128xi32>
    %add3A_2979 = arith.constant 1 : i32
    %add3A_2980 = vector.broadcast %add3A_2979 : i32 to vector<13x128xi32>
    %add3A_2981 = arith.addi %select_n3A_2975, %add3A_2980 : vector<13x128xi32>
    %mul3A_2982 = arith.muli %add3A_2978, %add3A_2981 : vector<13x128xi32>
    %le3A_2983 = arith.cmpi sle, %mul3A_2982, %max3A_2966 : vector<13x128xi32>
    %add3A_2984 = arith.constant 1 : i32
    %add3A_2985 = vector.broadcast %add3A_2984 : i32 to vector<13x128xi32>
    %add3A_2986 = arith.addi %select_n3A_2975, %add3A_2985 : vector<13x128xi32>
    %select_n3A_2987 = arith.select %le3A_2983, %add3A_2986, %select_n3A_2975 : vector<13x128xi1>, vector<13x128xi32>
    %add3A_2988 = vector.broadcast %convert_element_type3A_670 : vector<1x1xi32> to vector<13x128xi32>
    %add3A_2989 = arith.addi %add3A_2988, %select_n3A_2987 : vector<13x128xi32>
    %min3A_2990 = arith.constant 63 : i32
    %min3A_2991 = vector.broadcast %min3A_2990 : i32 to vector<13x128xi32>
    %min3A_2992 = arith.minsi %min3A_2991, %add3A_2989 : vector<13x128xi32>
    %sub3A_2993 = vector.broadcast %convert_element_type3A_670 : vector<1x1xi32> to vector<13x128xi32>
    %sub3A_2994 = arith.subi %sub3A_2993, %select_n3A_2987 : vector<13x128xi32>
    %max3A_2995 = arith.constant 0 : i32
    %max3A_2996 = vector.broadcast %max3A_2995 : i32 to vector<13x128xi32>
    %max3A_2997 = arith.maxsi %max3A_2996, %sub3A_2994 : vector<13x128xi32>
    %sub3A_2998 = arith.subi %min3A_2992, %max3A_2997 : vector<13x128xi32>
    %add3A_2999 = arith.constant 1 : i32
    %add3A_3000 = vector.broadcast %add3A_2999 : i32 to vector<13x128xi32>
    %add3A_3001 = arith.addi %sub3A_2998, %add3A_3000 : vector<13x128xi32>
    %lt3A_3002 = arith.constant 0 : i32
    %lt3A_3003 = vector.broadcast %lt3A_3002 : i32 to vector<13x128xi32>
    %lt3A_3004 = arith.cmpi slt, %sub3A_2963, %lt3A_3003 : vector<13x128xi32>
    %jit3A_3005 = arith.constant 0 : i32
    %broadcast_in_dim3A_3006 = vector.broadcast %jit3A_3005 : i32 to vector<13x128xi32>
    %select_n3A_3007 = arith.select %lt3A_3004, %broadcast_in_dim3A_3006, %add3A_3001 : vector<13x128xi1>, vector<13x128xi32>
    %add3A_3008 = arith.addi %add3A_2951, %select_n3A_3007 : vector<13x128xi32>
    %sub3A_3009 = arith.constant 1 : i32
    %sub3A_3010 = vector.broadcast %sub3A_3009 : i32 to vector<13x128xi32>
    %sub3A_3011 = arith.subi %get3A_673, %sub3A_3010 : vector<13x128xi32>
    %sub3A_3012 = arith.constant 41 : i32
    %sub3A_3013 = vector.broadcast %sub3A_3012 : i32 to vector<1x1xi32>
    %sub3A_3014 = arith.subi %sub3A_3013, %convert_element_type3A_669 : vector<1x1xi32>
    %sub3A_3015 = arith.constant 41 : i32
    %sub3A_3016 = vector.broadcast %sub3A_3015 : i32 to vector<1x1xi32>
    %sub3A_3017 = arith.subi %sub3A_3016, %convert_element_type3A_669 : vector<1x1xi32>
    %mul3A_3018 = arith.muli %sub3A_3014, %sub3A_3017 : vector<1x1xi32>
    %sub3A_3019 = vector.broadcast %mul3A_3018 : vector<1x1xi32> to vector<13x128xi32>
    %sub3A_3020 = arith.subi %sub3A_3011, %sub3A_3019 : vector<13x128xi32>
    %max3A_3021 = arith.constant 0 : i32
    %max3A_3022 = vector.broadcast %max3A_3021 : i32 to vector<13x128xi32>
    %max3A_3023 = arith.maxsi %sub3A_3020, %max3A_3022 : vector<13x128xi32>
    %convert_element_type3A_3024 = arith.sitofp %max3A_3023 : vector<13x128xi32> to vector<13x128xf32>
    %sqrt3A_3025 = math.sqrt %convert_element_type3A_3024 : vector<13x128xf32>
    %convert_element_type3A_3026 = arith.fptosi %sqrt3A_3025 : vector<13x128xf32> to vector<13x128xi32>
    %mul3A_3027 = arith.muli %convert_element_type3A_3026, %convert_element_type3A_3026 : vector<13x128xi32>
    %gt3A_3028 = arith.cmpi sgt, %mul3A_3027, %max3A_3023 : vector<13x128xi32>
    %sub3A_3029 = arith.constant 1 : i32
    %sub3A_3030 = vector.broadcast %sub3A_3029 : i32 to vector<13x128xi32>
    %sub3A_3031 = arith.subi %convert_element_type3A_3026, %sub3A_3030 : vector<13x128xi32>
    %select_n3A_3032 = arith.select %gt3A_3028, %sub3A_3031, %convert_element_type3A_3026 : vector<13x128xi1>, vector<13x128xi32>
    %add3A_3033 = arith.constant 1 : i32
    %add3A_3034 = vector.broadcast %add3A_3033 : i32 to vector<13x128xi32>
    %add3A_3035 = arith.addi %select_n3A_3032, %add3A_3034 : vector<13x128xi32>
    %add3A_3036 = arith.constant 1 : i32
    %add3A_3037 = vector.broadcast %add3A_3036 : i32 to vector<13x128xi32>
    %add3A_3038 = arith.addi %select_n3A_3032, %add3A_3037 : vector<13x128xi32>
    %mul3A_3039 = arith.muli %add3A_3035, %add3A_3038 : vector<13x128xi32>
    %le3A_3040 = arith.cmpi sle, %mul3A_3039, %max3A_3023 : vector<13x128xi32>
    %add3A_3041 = arith.constant 1 : i32
    %add3A_3042 = vector.broadcast %add3A_3041 : i32 to vector<13x128xi32>
    %add3A_3043 = arith.addi %select_n3A_3032, %add3A_3042 : vector<13x128xi32>
    %select_n3A_3044 = arith.select %le3A_3040, %add3A_3043, %select_n3A_3032 : vector<13x128xi1>, vector<13x128xi32>
    %add3A_3045 = vector.broadcast %convert_element_type3A_670 : vector<1x1xi32> to vector<13x128xi32>
    %add3A_3046 = arith.addi %add3A_3045, %select_n3A_3044 : vector<13x128xi32>
    %min3A_3047 = arith.constant 63 : i32
    %min3A_3048 = vector.broadcast %min3A_3047 : i32 to vector<13x128xi32>
    %min3A_3049 = arith.minsi %min3A_3048, %add3A_3046 : vector<13x128xi32>
    %sub3A_3050 = vector.broadcast %convert_element_type3A_670 : vector<1x1xi32> to vector<13x128xi32>
    %sub3A_3051 = arith.subi %sub3A_3050, %select_n3A_3044 : vector<13x128xi32>
    %max3A_3052 = arith.constant 0 : i32
    %max3A_3053 = vector.broadcast %max3A_3052 : i32 to vector<13x128xi32>
    %max3A_3054 = arith.maxsi %max3A_3053, %sub3A_3051 : vector<13x128xi32>
    %sub3A_3055 = arith.subi %min3A_3049, %max3A_3054 : vector<13x128xi32>
    %add3A_3056 = arith.constant 1 : i32
    %add3A_3057 = vector.broadcast %add3A_3056 : i32 to vector<13x128xi32>
    %add3A_3058 = arith.addi %sub3A_3055, %add3A_3057 : vector<13x128xi32>
    %lt3A_3059 = arith.constant 0 : i32
    %lt3A_3060 = vector.broadcast %lt3A_3059 : i32 to vector<13x128xi32>
    %lt3A_3061 = arith.cmpi slt, %sub3A_3020, %lt3A_3060 : vector<13x128xi32>
    %jit3A_3062 = arith.constant 0 : i32
    %broadcast_in_dim3A_3063 = vector.broadcast %jit3A_3062 : i32 to vector<13x128xi32>
    %select_n3A_3064 = arith.select %lt3A_3061, %broadcast_in_dim3A_3063, %add3A_3058 : vector<13x128xi1>, vector<13x128xi32>
    %add3A_3065 = arith.addi %add3A_3008, %select_n3A_3064 : vector<13x128xi32>
    %sub3A_3066 = arith.constant 1 : i32
    %sub3A_3067 = vector.broadcast %sub3A_3066 : i32 to vector<13x128xi32>
    %sub3A_3068 = arith.subi %get3A_673, %sub3A_3067 : vector<13x128xi32>
    %sub3A_3069 = arith.constant 42 : i32
    %sub3A_3070 = vector.broadcast %sub3A_3069 : i32 to vector<1x1xi32>
    %sub3A_3071 = arith.subi %sub3A_3070, %convert_element_type3A_669 : vector<1x1xi32>
    %sub3A_3072 = arith.constant 42 : i32
    %sub3A_3073 = vector.broadcast %sub3A_3072 : i32 to vector<1x1xi32>
    %sub3A_3074 = arith.subi %sub3A_3073, %convert_element_type3A_669 : vector<1x1xi32>
    %mul3A_3075 = arith.muli %sub3A_3071, %sub3A_3074 : vector<1x1xi32>
    %sub3A_3076 = vector.broadcast %mul3A_3075 : vector<1x1xi32> to vector<13x128xi32>
    %sub3A_3077 = arith.subi %sub3A_3068, %sub3A_3076 : vector<13x128xi32>
    %max3A_3078 = arith.constant 0 : i32
    %max3A_3079 = vector.broadcast %max3A_3078 : i32 to vector<13x128xi32>
    %max3A_3080 = arith.maxsi %sub3A_3077, %max3A_3079 : vector<13x128xi32>
    %convert_element_type3A_3081 = arith.sitofp %max3A_3080 : vector<13x128xi32> to vector<13x128xf32>
    %sqrt3A_3082 = math.sqrt %convert_element_type3A_3081 : vector<13x128xf32>
    %convert_element_type3A_3083 = arith.fptosi %sqrt3A_3082 : vector<13x128xf32> to vector<13x128xi32>
    %mul3A_3084 = arith.muli %convert_element_type3A_3083, %convert_element_type3A_3083 : vector<13x128xi32>
    %gt3A_3085 = arith.cmpi sgt, %mul3A_3084, %max3A_3080 : vector<13x128xi32>
    %sub3A_3086 = arith.constant 1 : i32
    %sub3A_3087 = vector.broadcast %sub3A_3086 : i32 to vector<13x128xi32>
    %sub3A_3088 = arith.subi %convert_element_type3A_3083, %sub3A_3087 : vector<13x128xi32>
    %select_n3A_3089 = arith.select %gt3A_3085, %sub3A_3088, %convert_element_type3A_3083 : vector<13x128xi1>, vector<13x128xi32>
    %add3A_3090 = arith.constant 1 : i32
    %add3A_3091 = vector.broadcast %add3A_3090 : i32 to vector<13x128xi32>
    %add3A_3092 = arith.addi %select_n3A_3089, %add3A_3091 : vector<13x128xi32>
    %add3A_3093 = arith.constant 1 : i32
    %add3A_3094 = vector.broadcast %add3A_3093 : i32 to vector<13x128xi32>
    %add3A_3095 = arith.addi %select_n3A_3089, %add3A_3094 : vector<13x128xi32>
    %mul3A_3096 = arith.muli %add3A_3092, %add3A_3095 : vector<13x128xi32>
    %le3A_3097 = arith.cmpi sle, %mul3A_3096, %max3A_3080 : vector<13x128xi32>
    %add3A_3098 = arith.constant 1 : i32
    %add3A_3099 = vector.broadcast %add3A_3098 : i32 to vector<13x128xi32>
    %add3A_3100 = arith.addi %select_n3A_3089, %add3A_3099 : vector<13x128xi32>
    %select_n3A_3101 = arith.select %le3A_3097, %add3A_3100, %select_n3A_3089 : vector<13x128xi1>, vector<13x128xi32>
    %add3A_3102 = vector.broadcast %convert_element_type3A_670 : vector<1x1xi32> to vector<13x128xi32>
    %add3A_3103 = arith.addi %add3A_3102, %select_n3A_3101 : vector<13x128xi32>
    %min3A_3104 = arith.constant 63 : i32
    %min3A_3105 = vector.broadcast %min3A_3104 : i32 to vector<13x128xi32>
    %min3A_3106 = arith.minsi %min3A_3105, %add3A_3103 : vector<13x128xi32>
    %sub3A_3107 = vector.broadcast %convert_element_type3A_670 : vector<1x1xi32> to vector<13x128xi32>
    %sub3A_3108 = arith.subi %sub3A_3107, %select_n3A_3101 : vector<13x128xi32>
    %max3A_3109 = arith.constant 0 : i32
    %max3A_3110 = vector.broadcast %max3A_3109 : i32 to vector<13x128xi32>
    %max3A_3111 = arith.maxsi %max3A_3110, %sub3A_3108 : vector<13x128xi32>
    %sub3A_3112 = arith.subi %min3A_3106, %max3A_3111 : vector<13x128xi32>
    %add3A_3113 = arith.constant 1 : i32
    %add3A_3114 = vector.broadcast %add3A_3113 : i32 to vector<13x128xi32>
    %add3A_3115 = arith.addi %sub3A_3112, %add3A_3114 : vector<13x128xi32>
    %lt3A_3116 = arith.constant 0 : i32
    %lt3A_3117 = vector.broadcast %lt3A_3116 : i32 to vector<13x128xi32>
    %lt3A_3118 = arith.cmpi slt, %sub3A_3077, %lt3A_3117 : vector<13x128xi32>
    %jit3A_3119 = arith.constant 0 : i32
    %broadcast_in_dim3A_3120 = vector.broadcast %jit3A_3119 : i32 to vector<13x128xi32>
    %select_n3A_3121 = arith.select %lt3A_3118, %broadcast_in_dim3A_3120, %add3A_3115 : vector<13x128xi1>, vector<13x128xi32>
    %add3A_3122 = arith.addi %add3A_3065, %select_n3A_3121 : vector<13x128xi32>
    %sub3A_3123 = arith.constant 1 : i32
    %sub3A_3124 = vector.broadcast %sub3A_3123 : i32 to vector<13x128xi32>
    %sub3A_3125 = arith.subi %get3A_673, %sub3A_3124 : vector<13x128xi32>
    %sub3A_3126 = arith.constant 43 : i32
    %sub3A_3127 = vector.broadcast %sub3A_3126 : i32 to vector<1x1xi32>
    %sub3A_3128 = arith.subi %sub3A_3127, %convert_element_type3A_669 : vector<1x1xi32>
    %sub3A_3129 = arith.constant 43 : i32
    %sub3A_3130 = vector.broadcast %sub3A_3129 : i32 to vector<1x1xi32>
    %sub3A_3131 = arith.subi %sub3A_3130, %convert_element_type3A_669 : vector<1x1xi32>
    %mul3A_3132 = arith.muli %sub3A_3128, %sub3A_3131 : vector<1x1xi32>
    %sub3A_3133 = vector.broadcast %mul3A_3132 : vector<1x1xi32> to vector<13x128xi32>
    %sub3A_3134 = arith.subi %sub3A_3125, %sub3A_3133 : vector<13x128xi32>
    %max3A_3135 = arith.constant 0 : i32
    %max3A_3136 = vector.broadcast %max3A_3135 : i32 to vector<13x128xi32>
    %max3A_3137 = arith.maxsi %sub3A_3134, %max3A_3136 : vector<13x128xi32>
    %convert_element_type3A_3138 = arith.sitofp %max3A_3137 : vector<13x128xi32> to vector<13x128xf32>
    %sqrt3A_3139 = math.sqrt %convert_element_type3A_3138 : vector<13x128xf32>
    %convert_element_type3A_3140 = arith.fptosi %sqrt3A_3139 : vector<13x128xf32> to vector<13x128xi32>
    %mul3A_3141 = arith.muli %convert_element_type3A_3140, %convert_element_type3A_3140 : vector<13x128xi32>
    %gt3A_3142 = arith.cmpi sgt, %mul3A_3141, %max3A_3137 : vector<13x128xi32>
    %sub3A_3143 = arith.constant 1 : i32
    %sub3A_3144 = vector.broadcast %sub3A_3143 : i32 to vector<13x128xi32>
    %sub3A_3145 = arith.subi %convert_element_type3A_3140, %sub3A_3144 : vector<13x128xi32>
    %select_n3A_3146 = arith.select %gt3A_3142, %sub3A_3145, %convert_element_type3A_3140 : vector<13x128xi1>, vector<13x128xi32>
    %add3A_3147 = arith.constant 1 : i32
    %add3A_3148 = vector.broadcast %add3A_3147 : i32 to vector<13x128xi32>
    %add3A_3149 = arith.addi %select_n3A_3146, %add3A_3148 : vector<13x128xi32>
    %add3A_3150 = arith.constant 1 : i32
    %add3A_3151 = vector.broadcast %add3A_3150 : i32 to vector<13x128xi32>
    %add3A_3152 = arith.addi %select_n3A_3146, %add3A_3151 : vector<13x128xi32>
    %mul3A_3153 = arith.muli %add3A_3149, %add3A_3152 : vector<13x128xi32>
    %le3A_3154 = arith.cmpi sle, %mul3A_3153, %max3A_3137 : vector<13x128xi32>
    %add3A_3155 = arith.constant 1 : i32
    %add3A_3156 = vector.broadcast %add3A_3155 : i32 to vector<13x128xi32>
    %add3A_3157 = arith.addi %select_n3A_3146, %add3A_3156 : vector<13x128xi32>
    %select_n3A_3158 = arith.select %le3A_3154, %add3A_3157, %select_n3A_3146 : vector<13x128xi1>, vector<13x128xi32>
    %add3A_3159 = vector.broadcast %convert_element_type3A_670 : vector<1x1xi32> to vector<13x128xi32>
    %add3A_3160 = arith.addi %add3A_3159, %select_n3A_3158 : vector<13x128xi32>
    %min3A_3161 = arith.constant 63 : i32
    %min3A_3162 = vector.broadcast %min3A_3161 : i32 to vector<13x128xi32>
    %min3A_3163 = arith.minsi %min3A_3162, %add3A_3160 : vector<13x128xi32>
    %sub3A_3164 = vector.broadcast %convert_element_type3A_670 : vector<1x1xi32> to vector<13x128xi32>
    %sub3A_3165 = arith.subi %sub3A_3164, %select_n3A_3158 : vector<13x128xi32>
    %max3A_3166 = arith.constant 0 : i32
    %max3A_3167 = vector.broadcast %max3A_3166 : i32 to vector<13x128xi32>
    %max3A_3168 = arith.maxsi %max3A_3167, %sub3A_3165 : vector<13x128xi32>
    %sub3A_3169 = arith.subi %min3A_3163, %max3A_3168 : vector<13x128xi32>
    %add3A_3170 = arith.constant 1 : i32
    %add3A_3171 = vector.broadcast %add3A_3170 : i32 to vector<13x128xi32>
    %add3A_3172 = arith.addi %sub3A_3169, %add3A_3171 : vector<13x128xi32>
    %lt3A_3173 = arith.constant 0 : i32
    %lt3A_3174 = vector.broadcast %lt3A_3173 : i32 to vector<13x128xi32>
    %lt3A_3175 = arith.cmpi slt, %sub3A_3134, %lt3A_3174 : vector<13x128xi32>
    %jit3A_3176 = arith.constant 0 : i32
    %broadcast_in_dim3A_3177 = vector.broadcast %jit3A_3176 : i32 to vector<13x128xi32>
    %select_n3A_3178 = arith.select %lt3A_3175, %broadcast_in_dim3A_3177, %add3A_3172 : vector<13x128xi1>, vector<13x128xi32>
    %add3A_3179 = arith.addi %add3A_3122, %select_n3A_3178 : vector<13x128xi32>
    %sub3A_3180 = arith.constant 1 : i32
    %sub3A_3181 = vector.broadcast %sub3A_3180 : i32 to vector<13x128xi32>
    %sub3A_3182 = arith.subi %get3A_673, %sub3A_3181 : vector<13x128xi32>
    %sub3A_3183 = arith.constant 44 : i32
    %sub3A_3184 = vector.broadcast %sub3A_3183 : i32 to vector<1x1xi32>
    %sub3A_3185 = arith.subi %sub3A_3184, %convert_element_type3A_669 : vector<1x1xi32>
    %sub3A_3186 = arith.constant 44 : i32
    %sub3A_3187 = vector.broadcast %sub3A_3186 : i32 to vector<1x1xi32>
    %sub3A_3188 = arith.subi %sub3A_3187, %convert_element_type3A_669 : vector<1x1xi32>
    %mul3A_3189 = arith.muli %sub3A_3185, %sub3A_3188 : vector<1x1xi32>
    %sub3A_3190 = vector.broadcast %mul3A_3189 : vector<1x1xi32> to vector<13x128xi32>
    %sub3A_3191 = arith.subi %sub3A_3182, %sub3A_3190 : vector<13x128xi32>
    %max3A_3192 = arith.constant 0 : i32
    %max3A_3193 = vector.broadcast %max3A_3192 : i32 to vector<13x128xi32>
    %max3A_3194 = arith.maxsi %sub3A_3191, %max3A_3193 : vector<13x128xi32>
    %convert_element_type3A_3195 = arith.sitofp %max3A_3194 : vector<13x128xi32> to vector<13x128xf32>
    %sqrt3A_3196 = math.sqrt %convert_element_type3A_3195 : vector<13x128xf32>
    %convert_element_type3A_3197 = arith.fptosi %sqrt3A_3196 : vector<13x128xf32> to vector<13x128xi32>
    %mul3A_3198 = arith.muli %convert_element_type3A_3197, %convert_element_type3A_3197 : vector<13x128xi32>
    %gt3A_3199 = arith.cmpi sgt, %mul3A_3198, %max3A_3194 : vector<13x128xi32>
    %sub3A_3200 = arith.constant 1 : i32
    %sub3A_3201 = vector.broadcast %sub3A_3200 : i32 to vector<13x128xi32>
    %sub3A_3202 = arith.subi %convert_element_type3A_3197, %sub3A_3201 : vector<13x128xi32>
    %select_n3A_3203 = arith.select %gt3A_3199, %sub3A_3202, %convert_element_type3A_3197 : vector<13x128xi1>, vector<13x128xi32>
    %add3A_3204 = arith.constant 1 : i32
    %add3A_3205 = vector.broadcast %add3A_3204 : i32 to vector<13x128xi32>
    %add3A_3206 = arith.addi %select_n3A_3203, %add3A_3205 : vector<13x128xi32>
    %add3A_3207 = arith.constant 1 : i32
    %add3A_3208 = vector.broadcast %add3A_3207 : i32 to vector<13x128xi32>
    %add3A_3209 = arith.addi %select_n3A_3203, %add3A_3208 : vector<13x128xi32>
    %mul3A_3210 = arith.muli %add3A_3206, %add3A_3209 : vector<13x128xi32>
    %le3A_3211 = arith.cmpi sle, %mul3A_3210, %max3A_3194 : vector<13x128xi32>
    %add3A_3212 = arith.constant 1 : i32
    %add3A_3213 = vector.broadcast %add3A_3212 : i32 to vector<13x128xi32>
    %add3A_3214 = arith.addi %select_n3A_3203, %add3A_3213 : vector<13x128xi32>
    %select_n3A_3215 = arith.select %le3A_3211, %add3A_3214, %select_n3A_3203 : vector<13x128xi1>, vector<13x128xi32>
    %add3A_3216 = vector.broadcast %convert_element_type3A_670 : vector<1x1xi32> to vector<13x128xi32>
    %add3A_3217 = arith.addi %add3A_3216, %select_n3A_3215 : vector<13x128xi32>
    %min3A_3218 = arith.constant 63 : i32
    %min3A_3219 = vector.broadcast %min3A_3218 : i32 to vector<13x128xi32>
    %min3A_3220 = arith.minsi %min3A_3219, %add3A_3217 : vector<13x128xi32>
    %sub3A_3221 = vector.broadcast %convert_element_type3A_670 : vector<1x1xi32> to vector<13x128xi32>
    %sub3A_3222 = arith.subi %sub3A_3221, %select_n3A_3215 : vector<13x128xi32>
    %max3A_3223 = arith.constant 0 : i32
    %max3A_3224 = vector.broadcast %max3A_3223 : i32 to vector<13x128xi32>
    %max3A_3225 = arith.maxsi %max3A_3224, %sub3A_3222 : vector<13x128xi32>
    %sub3A_3226 = arith.subi %min3A_3220, %max3A_3225 : vector<13x128xi32>
    %add3A_3227 = arith.constant 1 : i32
    %add3A_3228 = vector.broadcast %add3A_3227 : i32 to vector<13x128xi32>
    %add3A_3229 = arith.addi %sub3A_3226, %add3A_3228 : vector<13x128xi32>
    %lt3A_3230 = arith.constant 0 : i32
    %lt3A_3231 = vector.broadcast %lt3A_3230 : i32 to vector<13x128xi32>
    %lt3A_3232 = arith.cmpi slt, %sub3A_3191, %lt3A_3231 : vector<13x128xi32>
    %jit3A_3233 = arith.constant 0 : i32
    %broadcast_in_dim3A_3234 = vector.broadcast %jit3A_3233 : i32 to vector<13x128xi32>
    %select_n3A_3235 = arith.select %lt3A_3232, %broadcast_in_dim3A_3234, %add3A_3229 : vector<13x128xi1>, vector<13x128xi32>
    %add3A_3236 = arith.addi %add3A_3179, %select_n3A_3235 : vector<13x128xi32>
    %sub3A_3237 = arith.constant 1 : i32
    %sub3A_3238 = vector.broadcast %sub3A_3237 : i32 to vector<13x128xi32>
    %sub3A_3239 = arith.subi %get3A_673, %sub3A_3238 : vector<13x128xi32>
    %sub3A_3240 = arith.constant 45 : i32
    %sub3A_3241 = vector.broadcast %sub3A_3240 : i32 to vector<1x1xi32>
    %sub3A_3242 = arith.subi %sub3A_3241, %convert_element_type3A_669 : vector<1x1xi32>
    %sub3A_3243 = arith.constant 45 : i32
    %sub3A_3244 = vector.broadcast %sub3A_3243 : i32 to vector<1x1xi32>
    %sub3A_3245 = arith.subi %sub3A_3244, %convert_element_type3A_669 : vector<1x1xi32>
    %mul3A_3246 = arith.muli %sub3A_3242, %sub3A_3245 : vector<1x1xi32>
    %sub3A_3247 = vector.broadcast %mul3A_3246 : vector<1x1xi32> to vector<13x128xi32>
    %sub3A_3248 = arith.subi %sub3A_3239, %sub3A_3247 : vector<13x128xi32>
    %max3A_3249 = arith.constant 0 : i32
    %max3A_3250 = vector.broadcast %max3A_3249 : i32 to vector<13x128xi32>
    %max3A_3251 = arith.maxsi %sub3A_3248, %max3A_3250 : vector<13x128xi32>
    %convert_element_type3A_3252 = arith.sitofp %max3A_3251 : vector<13x128xi32> to vector<13x128xf32>
    %sqrt3A_3253 = math.sqrt %convert_element_type3A_3252 : vector<13x128xf32>
    %convert_element_type3A_3254 = arith.fptosi %sqrt3A_3253 : vector<13x128xf32> to vector<13x128xi32>
    %mul3A_3255 = arith.muli %convert_element_type3A_3254, %convert_element_type3A_3254 : vector<13x128xi32>
    %gt3A_3256 = arith.cmpi sgt, %mul3A_3255, %max3A_3251 : vector<13x128xi32>
    %sub3A_3257 = arith.constant 1 : i32
    %sub3A_3258 = vector.broadcast %sub3A_3257 : i32 to vector<13x128xi32>
    %sub3A_3259 = arith.subi %convert_element_type3A_3254, %sub3A_3258 : vector<13x128xi32>
    %select_n3A_3260 = arith.select %gt3A_3256, %sub3A_3259, %convert_element_type3A_3254 : vector<13x128xi1>, vector<13x128xi32>
    %add3A_3261 = arith.constant 1 : i32
    %add3A_3262 = vector.broadcast %add3A_3261 : i32 to vector<13x128xi32>
    %add3A_3263 = arith.addi %select_n3A_3260, %add3A_3262 : vector<13x128xi32>
    %add3A_3264 = arith.constant 1 : i32
    %add3A_3265 = vector.broadcast %add3A_3264 : i32 to vector<13x128xi32>
    %add3A_3266 = arith.addi %select_n3A_3260, %add3A_3265 : vector<13x128xi32>
    %mul3A_3267 = arith.muli %add3A_3263, %add3A_3266 : vector<13x128xi32>
    %le3A_3268 = arith.cmpi sle, %mul3A_3267, %max3A_3251 : vector<13x128xi32>
    %add3A_3269 = arith.constant 1 : i32
    %add3A_3270 = vector.broadcast %add3A_3269 : i32 to vector<13x128xi32>
    %add3A_3271 = arith.addi %select_n3A_3260, %add3A_3270 : vector<13x128xi32>
    %select_n3A_3272 = arith.select %le3A_3268, %add3A_3271, %select_n3A_3260 : vector<13x128xi1>, vector<13x128xi32>
    %add3A_3273 = vector.broadcast %convert_element_type3A_670 : vector<1x1xi32> to vector<13x128xi32>
    %add3A_3274 = arith.addi %add3A_3273, %select_n3A_3272 : vector<13x128xi32>
    %min3A_3275 = arith.constant 63 : i32
    %min3A_3276 = vector.broadcast %min3A_3275 : i32 to vector<13x128xi32>
    %min3A_3277 = arith.minsi %min3A_3276, %add3A_3274 : vector<13x128xi32>
    %sub3A_3278 = vector.broadcast %convert_element_type3A_670 : vector<1x1xi32> to vector<13x128xi32>
    %sub3A_3279 = arith.subi %sub3A_3278, %select_n3A_3272 : vector<13x128xi32>
    %max3A_3280 = arith.constant 0 : i32
    %max3A_3281 = vector.broadcast %max3A_3280 : i32 to vector<13x128xi32>
    %max3A_3282 = arith.maxsi %max3A_3281, %sub3A_3279 : vector<13x128xi32>
    %sub3A_3283 = arith.subi %min3A_3277, %max3A_3282 : vector<13x128xi32>
    %add3A_3284 = arith.constant 1 : i32
    %add3A_3285 = vector.broadcast %add3A_3284 : i32 to vector<13x128xi32>
    %add3A_3286 = arith.addi %sub3A_3283, %add3A_3285 : vector<13x128xi32>
    %lt3A_3287 = arith.constant 0 : i32
    %lt3A_3288 = vector.broadcast %lt3A_3287 : i32 to vector<13x128xi32>
    %lt3A_3289 = arith.cmpi slt, %sub3A_3248, %lt3A_3288 : vector<13x128xi32>
    %jit3A_3290 = arith.constant 0 : i32
    %broadcast_in_dim3A_3291 = vector.broadcast %jit3A_3290 : i32 to vector<13x128xi32>
    %select_n3A_3292 = arith.select %lt3A_3289, %broadcast_in_dim3A_3291, %add3A_3286 : vector<13x128xi1>, vector<13x128xi32>
    %add3A_3293 = arith.addi %add3A_3236, %select_n3A_3292 : vector<13x128xi32>
    %sub3A_3294 = arith.constant 1 : i32
    %sub3A_3295 = vector.broadcast %sub3A_3294 : i32 to vector<13x128xi32>
    %sub3A_3296 = arith.subi %get3A_673, %sub3A_3295 : vector<13x128xi32>
    %sub3A_3297 = arith.constant 46 : i32
    %sub3A_3298 = vector.broadcast %sub3A_3297 : i32 to vector<1x1xi32>
    %sub3A_3299 = arith.subi %sub3A_3298, %convert_element_type3A_669 : vector<1x1xi32>
    %sub3A_3300 = arith.constant 46 : i32
    %sub3A_3301 = vector.broadcast %sub3A_3300 : i32 to vector<1x1xi32>
    %sub3A_3302 = arith.subi %sub3A_3301, %convert_element_type3A_669 : vector<1x1xi32>
    %mul3A_3303 = arith.muli %sub3A_3299, %sub3A_3302 : vector<1x1xi32>
    %sub3A_3304 = vector.broadcast %mul3A_3303 : vector<1x1xi32> to vector<13x128xi32>
    %sub3A_3305 = arith.subi %sub3A_3296, %sub3A_3304 : vector<13x128xi32>
    %max3A_3306 = arith.constant 0 : i32
    %max3A_3307 = vector.broadcast %max3A_3306 : i32 to vector<13x128xi32>
    %max3A_3308 = arith.maxsi %sub3A_3305, %max3A_3307 : vector<13x128xi32>
    %convert_element_type3A_3309 = arith.sitofp %max3A_3308 : vector<13x128xi32> to vector<13x128xf32>
    %sqrt3A_3310 = math.sqrt %convert_element_type3A_3309 : vector<13x128xf32>
    %convert_element_type3A_3311 = arith.fptosi %sqrt3A_3310 : vector<13x128xf32> to vector<13x128xi32>
    %mul3A_3312 = arith.muli %convert_element_type3A_3311, %convert_element_type3A_3311 : vector<13x128xi32>
    %gt3A_3313 = arith.cmpi sgt, %mul3A_3312, %max3A_3308 : vector<13x128xi32>
    %sub3A_3314 = arith.constant 1 : i32
    %sub3A_3315 = vector.broadcast %sub3A_3314 : i32 to vector<13x128xi32>
    %sub3A_3316 = arith.subi %convert_element_type3A_3311, %sub3A_3315 : vector<13x128xi32>
    %select_n3A_3317 = arith.select %gt3A_3313, %sub3A_3316, %convert_element_type3A_3311 : vector<13x128xi1>, vector<13x128xi32>
    %add3A_3318 = arith.constant 1 : i32
    %add3A_3319 = vector.broadcast %add3A_3318 : i32 to vector<13x128xi32>
    %add3A_3320 = arith.addi %select_n3A_3317, %add3A_3319 : vector<13x128xi32>
    %add3A_3321 = arith.constant 1 : i32
    %add3A_3322 = vector.broadcast %add3A_3321 : i32 to vector<13x128xi32>
    %add3A_3323 = arith.addi %select_n3A_3317, %add3A_3322 : vector<13x128xi32>
    %mul3A_3324 = arith.muli %add3A_3320, %add3A_3323 : vector<13x128xi32>
    %le3A_3325 = arith.cmpi sle, %mul3A_3324, %max3A_3308 : vector<13x128xi32>
    %add3A_3326 = arith.constant 1 : i32
    %add3A_3327 = vector.broadcast %add3A_3326 : i32 to vector<13x128xi32>
    %add3A_3328 = arith.addi %select_n3A_3317, %add3A_3327 : vector<13x128xi32>
    %select_n3A_3329 = arith.select %le3A_3325, %add3A_3328, %select_n3A_3317 : vector<13x128xi1>, vector<13x128xi32>
    %add3A_3330 = vector.broadcast %convert_element_type3A_670 : vector<1x1xi32> to vector<13x128xi32>
    %add3A_3331 = arith.addi %add3A_3330, %select_n3A_3329 : vector<13x128xi32>
    %min3A_3332 = arith.constant 63 : i32
    %min3A_3333 = vector.broadcast %min3A_3332 : i32 to vector<13x128xi32>
    %min3A_3334 = arith.minsi %min3A_3333, %add3A_3331 : vector<13x128xi32>
    %sub3A_3335 = vector.broadcast %convert_element_type3A_670 : vector<1x1xi32> to vector<13x128xi32>
    %sub3A_3336 = arith.subi %sub3A_3335, %select_n3A_3329 : vector<13x128xi32>
    %max3A_3337 = arith.constant 0 : i32
    %max3A_3338 = vector.broadcast %max3A_3337 : i32 to vector<13x128xi32>
    %max3A_3339 = arith.maxsi %max3A_3338, %sub3A_3336 : vector<13x128xi32>
    %sub3A_3340 = arith.subi %min3A_3334, %max3A_3339 : vector<13x128xi32>
    %add3A_3341 = arith.constant 1 : i32
    %add3A_3342 = vector.broadcast %add3A_3341 : i32 to vector<13x128xi32>
    %add3A_3343 = arith.addi %sub3A_3340, %add3A_3342 : vector<13x128xi32>
    %lt3A_3344 = arith.constant 0 : i32
    %lt3A_3345 = vector.broadcast %lt3A_3344 : i32 to vector<13x128xi32>
    %lt3A_3346 = arith.cmpi slt, %sub3A_3305, %lt3A_3345 : vector<13x128xi32>
    %jit3A_3347 = arith.constant 0 : i32
    %broadcast_in_dim3A_3348 = vector.broadcast %jit3A_3347 : i32 to vector<13x128xi32>
    %select_n3A_3349 = arith.select %lt3A_3346, %broadcast_in_dim3A_3348, %add3A_3343 : vector<13x128xi1>, vector<13x128xi32>
    %add3A_3350 = arith.addi %add3A_3293, %select_n3A_3349 : vector<13x128xi32>
    %sub3A_3351 = arith.constant 1 : i32
    %sub3A_3352 = vector.broadcast %sub3A_3351 : i32 to vector<13x128xi32>
    %sub3A_3353 = arith.subi %get3A_673, %sub3A_3352 : vector<13x128xi32>
    %sub3A_3354 = arith.constant 47 : i32
    %sub3A_3355 = vector.broadcast %sub3A_3354 : i32 to vector<1x1xi32>
    %sub3A_3356 = arith.subi %sub3A_3355, %convert_element_type3A_669 : vector<1x1xi32>
    %sub3A_3357 = arith.constant 47 : i32
    %sub3A_3358 = vector.broadcast %sub3A_3357 : i32 to vector<1x1xi32>
    %sub3A_3359 = arith.subi %sub3A_3358, %convert_element_type3A_669 : vector<1x1xi32>
    %mul3A_3360 = arith.muli %sub3A_3356, %sub3A_3359 : vector<1x1xi32>
    %sub3A_3361 = vector.broadcast %mul3A_3360 : vector<1x1xi32> to vector<13x128xi32>
    %sub3A_3362 = arith.subi %sub3A_3353, %sub3A_3361 : vector<13x128xi32>
    %max3A_3363 = arith.constant 0 : i32
    %max3A_3364 = vector.broadcast %max3A_3363 : i32 to vector<13x128xi32>
    %max3A_3365 = arith.maxsi %sub3A_3362, %max3A_3364 : vector<13x128xi32>
    %convert_element_type3A_3366 = arith.sitofp %max3A_3365 : vector<13x128xi32> to vector<13x128xf32>
    %sqrt3A_3367 = math.sqrt %convert_element_type3A_3366 : vector<13x128xf32>
    %convert_element_type3A_3368 = arith.fptosi %sqrt3A_3367 : vector<13x128xf32> to vector<13x128xi32>
    %mul3A_3369 = arith.muli %convert_element_type3A_3368, %convert_element_type3A_3368 : vector<13x128xi32>
    %gt3A_3370 = arith.cmpi sgt, %mul3A_3369, %max3A_3365 : vector<13x128xi32>
    %sub3A_3371 = arith.constant 1 : i32
    %sub3A_3372 = vector.broadcast %sub3A_3371 : i32 to vector<13x128xi32>
    %sub3A_3373 = arith.subi %convert_element_type3A_3368, %sub3A_3372 : vector<13x128xi32>
    %select_n3A_3374 = arith.select %gt3A_3370, %sub3A_3373, %convert_element_type3A_3368 : vector<13x128xi1>, vector<13x128xi32>
    %add3A_3375 = arith.constant 1 : i32
    %add3A_3376 = vector.broadcast %add3A_3375 : i32 to vector<13x128xi32>
    %add3A_3377 = arith.addi %select_n3A_3374, %add3A_3376 : vector<13x128xi32>
    %add3A_3378 = arith.constant 1 : i32
    %add3A_3379 = vector.broadcast %add3A_3378 : i32 to vector<13x128xi32>
    %add3A_3380 = arith.addi %select_n3A_3374, %add3A_3379 : vector<13x128xi32>
    %mul3A_3381 = arith.muli %add3A_3377, %add3A_3380 : vector<13x128xi32>
    %le3A_3382 = arith.cmpi sle, %mul3A_3381, %max3A_3365 : vector<13x128xi32>
    %add3A_3383 = arith.constant 1 : i32
    %add3A_3384 = vector.broadcast %add3A_3383 : i32 to vector<13x128xi32>
    %add3A_3385 = arith.addi %select_n3A_3374, %add3A_3384 : vector<13x128xi32>
    %select_n3A_3386 = arith.select %le3A_3382, %add3A_3385, %select_n3A_3374 : vector<13x128xi1>, vector<13x128xi32>
    %add3A_3387 = vector.broadcast %convert_element_type3A_670 : vector<1x1xi32> to vector<13x128xi32>
    %add3A_3388 = arith.addi %add3A_3387, %select_n3A_3386 : vector<13x128xi32>
    %min3A_3389 = arith.constant 63 : i32
    %min3A_3390 = vector.broadcast %min3A_3389 : i32 to vector<13x128xi32>
    %min3A_3391 = arith.minsi %min3A_3390, %add3A_3388 : vector<13x128xi32>
    %sub3A_3392 = vector.broadcast %convert_element_type3A_670 : vector<1x1xi32> to vector<13x128xi32>
    %sub3A_3393 = arith.subi %sub3A_3392, %select_n3A_3386 : vector<13x128xi32>
    %max3A_3394 = arith.constant 0 : i32
    %max3A_3395 = vector.broadcast %max3A_3394 : i32 to vector<13x128xi32>
    %max3A_3396 = arith.maxsi %max3A_3395, %sub3A_3393 : vector<13x128xi32>
    %sub3A_3397 = arith.subi %min3A_3391, %max3A_3396 : vector<13x128xi32>
    %add3A_3398 = arith.constant 1 : i32
    %add3A_3399 = vector.broadcast %add3A_3398 : i32 to vector<13x128xi32>
    %add3A_3400 = arith.addi %sub3A_3397, %add3A_3399 : vector<13x128xi32>
    %lt3A_3401 = arith.constant 0 : i32
    %lt3A_3402 = vector.broadcast %lt3A_3401 : i32 to vector<13x128xi32>
    %lt3A_3403 = arith.cmpi slt, %sub3A_3362, %lt3A_3402 : vector<13x128xi32>
    %jit3A_3404 = arith.constant 0 : i32
    %broadcast_in_dim3A_3405 = vector.broadcast %jit3A_3404 : i32 to vector<13x128xi32>
    %select_n3A_3406 = arith.select %lt3A_3403, %broadcast_in_dim3A_3405, %add3A_3400 : vector<13x128xi1>, vector<13x128xi32>
    %add3A_3407 = arith.addi %add3A_3350, %select_n3A_3406 : vector<13x128xi32>
    %sub3A_3408 = arith.constant 1 : i32
    %sub3A_3409 = vector.broadcast %sub3A_3408 : i32 to vector<13x128xi32>
    %sub3A_3410 = arith.subi %get3A_673, %sub3A_3409 : vector<13x128xi32>
    %sub3A_3411 = arith.constant 48 : i32
    %sub3A_3412 = vector.broadcast %sub3A_3411 : i32 to vector<1x1xi32>
    %sub3A_3413 = arith.subi %sub3A_3412, %convert_element_type3A_669 : vector<1x1xi32>
    %sub3A_3414 = arith.constant 48 : i32
    %sub3A_3415 = vector.broadcast %sub3A_3414 : i32 to vector<1x1xi32>
    %sub3A_3416 = arith.subi %sub3A_3415, %convert_element_type3A_669 : vector<1x1xi32>
    %mul3A_3417 = arith.muli %sub3A_3413, %sub3A_3416 : vector<1x1xi32>
    %sub3A_3418 = vector.broadcast %mul3A_3417 : vector<1x1xi32> to vector<13x128xi32>
    %sub3A_3419 = arith.subi %sub3A_3410, %sub3A_3418 : vector<13x128xi32>
    %max3A_3420 = arith.constant 0 : i32
    %max3A_3421 = vector.broadcast %max3A_3420 : i32 to vector<13x128xi32>
    %max3A_3422 = arith.maxsi %sub3A_3419, %max3A_3421 : vector<13x128xi32>
    %convert_element_type3A_3423 = arith.sitofp %max3A_3422 : vector<13x128xi32> to vector<13x128xf32>
    %sqrt3A_3424 = math.sqrt %convert_element_type3A_3423 : vector<13x128xf32>
    %convert_element_type3A_3425 = arith.fptosi %sqrt3A_3424 : vector<13x128xf32> to vector<13x128xi32>
    %mul3A_3426 = arith.muli %convert_element_type3A_3425, %convert_element_type3A_3425 : vector<13x128xi32>
    %gt3A_3427 = arith.cmpi sgt, %mul3A_3426, %max3A_3422 : vector<13x128xi32>
    %sub3A_3428 = arith.constant 1 : i32
    %sub3A_3429 = vector.broadcast %sub3A_3428 : i32 to vector<13x128xi32>
    %sub3A_3430 = arith.subi %convert_element_type3A_3425, %sub3A_3429 : vector<13x128xi32>
    %select_n3A_3431 = arith.select %gt3A_3427, %sub3A_3430, %convert_element_type3A_3425 : vector<13x128xi1>, vector<13x128xi32>
    %add3A_3432 = arith.constant 1 : i32
    %add3A_3433 = vector.broadcast %add3A_3432 : i32 to vector<13x128xi32>
    %add3A_3434 = arith.addi %select_n3A_3431, %add3A_3433 : vector<13x128xi32>
    %add3A_3435 = arith.constant 1 : i32
    %add3A_3436 = vector.broadcast %add3A_3435 : i32 to vector<13x128xi32>
    %add3A_3437 = arith.addi %select_n3A_3431, %add3A_3436 : vector<13x128xi32>
    %mul3A_3438 = arith.muli %add3A_3434, %add3A_3437 : vector<13x128xi32>
    %le3A_3439 = arith.cmpi sle, %mul3A_3438, %max3A_3422 : vector<13x128xi32>
    %add3A_3440 = arith.constant 1 : i32
    %add3A_3441 = vector.broadcast %add3A_3440 : i32 to vector<13x128xi32>
    %add3A_3442 = arith.addi %select_n3A_3431, %add3A_3441 : vector<13x128xi32>
    %select_n3A_3443 = arith.select %le3A_3439, %add3A_3442, %select_n3A_3431 : vector<13x128xi1>, vector<13x128xi32>
    %add3A_3444 = vector.broadcast %convert_element_type3A_670 : vector<1x1xi32> to vector<13x128xi32>
    %add3A_3445 = arith.addi %add3A_3444, %select_n3A_3443 : vector<13x128xi32>
    %min3A_3446 = arith.constant 63 : i32
    %min3A_3447 = vector.broadcast %min3A_3446 : i32 to vector<13x128xi32>
    %min3A_3448 = arith.minsi %min3A_3447, %add3A_3445 : vector<13x128xi32>
    %sub3A_3449 = vector.broadcast %convert_element_type3A_670 : vector<1x1xi32> to vector<13x128xi32>
    %sub3A_3450 = arith.subi %sub3A_3449, %select_n3A_3443 : vector<13x128xi32>
    %max3A_3451 = arith.constant 0 : i32
    %max3A_3452 = vector.broadcast %max3A_3451 : i32 to vector<13x128xi32>
    %max3A_3453 = arith.maxsi %max3A_3452, %sub3A_3450 : vector<13x128xi32>
    %sub3A_3454 = arith.subi %min3A_3448, %max3A_3453 : vector<13x128xi32>
    %add3A_3455 = arith.constant 1 : i32
    %add3A_3456 = vector.broadcast %add3A_3455 : i32 to vector<13x128xi32>
    %add3A_3457 = arith.addi %sub3A_3454, %add3A_3456 : vector<13x128xi32>
    %lt3A_3458 = arith.constant 0 : i32
    %lt3A_3459 = vector.broadcast %lt3A_3458 : i32 to vector<13x128xi32>
    %lt3A_3460 = arith.cmpi slt, %sub3A_3419, %lt3A_3459 : vector<13x128xi32>
    %jit3A_3461 = arith.constant 0 : i32
    %broadcast_in_dim3A_3462 = vector.broadcast %jit3A_3461 : i32 to vector<13x128xi32>
    %select_n3A_3463 = arith.select %lt3A_3460, %broadcast_in_dim3A_3462, %add3A_3457 : vector<13x128xi1>, vector<13x128xi32>
    %add3A_3464 = arith.addi %add3A_3407, %select_n3A_3463 : vector<13x128xi32>
    %sub3A_3465 = arith.constant 1 : i32
    %sub3A_3466 = vector.broadcast %sub3A_3465 : i32 to vector<13x128xi32>
    %sub3A_3467 = arith.subi %get3A_673, %sub3A_3466 : vector<13x128xi32>
    %sub3A_3468 = arith.constant 49 : i32
    %sub3A_3469 = vector.broadcast %sub3A_3468 : i32 to vector<1x1xi32>
    %sub3A_3470 = arith.subi %sub3A_3469, %convert_element_type3A_669 : vector<1x1xi32>
    %sub3A_3471 = arith.constant 49 : i32
    %sub3A_3472 = vector.broadcast %sub3A_3471 : i32 to vector<1x1xi32>
    %sub3A_3473 = arith.subi %sub3A_3472, %convert_element_type3A_669 : vector<1x1xi32>
    %mul3A_3474 = arith.muli %sub3A_3470, %sub3A_3473 : vector<1x1xi32>
    %sub3A_3475 = vector.broadcast %mul3A_3474 : vector<1x1xi32> to vector<13x128xi32>
    %sub3A_3476 = arith.subi %sub3A_3467, %sub3A_3475 : vector<13x128xi32>
    %max3A_3477 = arith.constant 0 : i32
    %max3A_3478 = vector.broadcast %max3A_3477 : i32 to vector<13x128xi32>
    %max3A_3479 = arith.maxsi %sub3A_3476, %max3A_3478 : vector<13x128xi32>
    %convert_element_type3A_3480 = arith.sitofp %max3A_3479 : vector<13x128xi32> to vector<13x128xf32>
    %sqrt3A_3481 = math.sqrt %convert_element_type3A_3480 : vector<13x128xf32>
    %convert_element_type3A_3482 = arith.fptosi %sqrt3A_3481 : vector<13x128xf32> to vector<13x128xi32>
    %mul3A_3483 = arith.muli %convert_element_type3A_3482, %convert_element_type3A_3482 : vector<13x128xi32>
    %gt3A_3484 = arith.cmpi sgt, %mul3A_3483, %max3A_3479 : vector<13x128xi32>
    %sub3A_3485 = arith.constant 1 : i32
    %sub3A_3486 = vector.broadcast %sub3A_3485 : i32 to vector<13x128xi32>
    %sub3A_3487 = arith.subi %convert_element_type3A_3482, %sub3A_3486 : vector<13x128xi32>
    %select_n3A_3488 = arith.select %gt3A_3484, %sub3A_3487, %convert_element_type3A_3482 : vector<13x128xi1>, vector<13x128xi32>
    %add3A_3489 = arith.constant 1 : i32
    %add3A_3490 = vector.broadcast %add3A_3489 : i32 to vector<13x128xi32>
    %add3A_3491 = arith.addi %select_n3A_3488, %add3A_3490 : vector<13x128xi32>
    %add3A_3492 = arith.constant 1 : i32
    %add3A_3493 = vector.broadcast %add3A_3492 : i32 to vector<13x128xi32>
    %add3A_3494 = arith.addi %select_n3A_3488, %add3A_3493 : vector<13x128xi32>
    %mul3A_3495 = arith.muli %add3A_3491, %add3A_3494 : vector<13x128xi32>
    %le3A_3496 = arith.cmpi sle, %mul3A_3495, %max3A_3479 : vector<13x128xi32>
    %add3A_3497 = arith.constant 1 : i32
    %add3A_3498 = vector.broadcast %add3A_3497 : i32 to vector<13x128xi32>
    %add3A_3499 = arith.addi %select_n3A_3488, %add3A_3498 : vector<13x128xi32>
    %select_n3A_3500 = arith.select %le3A_3496, %add3A_3499, %select_n3A_3488 : vector<13x128xi1>, vector<13x128xi32>
    %add3A_3501 = vector.broadcast %convert_element_type3A_670 : vector<1x1xi32> to vector<13x128xi32>
    %add3A_3502 = arith.addi %add3A_3501, %select_n3A_3500 : vector<13x128xi32>
    %min3A_3503 = arith.constant 63 : i32
    %min3A_3504 = vector.broadcast %min3A_3503 : i32 to vector<13x128xi32>
    %min3A_3505 = arith.minsi %min3A_3504, %add3A_3502 : vector<13x128xi32>
    %sub3A_3506 = vector.broadcast %convert_element_type3A_670 : vector<1x1xi32> to vector<13x128xi32>
    %sub3A_3507 = arith.subi %sub3A_3506, %select_n3A_3500 : vector<13x128xi32>
    %max3A_3508 = arith.constant 0 : i32
    %max3A_3509 = vector.broadcast %max3A_3508 : i32 to vector<13x128xi32>
    %max3A_3510 = arith.maxsi %max3A_3509, %sub3A_3507 : vector<13x128xi32>
    %sub3A_3511 = arith.subi %min3A_3505, %max3A_3510 : vector<13x128xi32>
    %add3A_3512 = arith.constant 1 : i32
    %add3A_3513 = vector.broadcast %add3A_3512 : i32 to vector<13x128xi32>
    %add3A_3514 = arith.addi %sub3A_3511, %add3A_3513 : vector<13x128xi32>
    %lt3A_3515 = arith.constant 0 : i32
    %lt3A_3516 = vector.broadcast %lt3A_3515 : i32 to vector<13x128xi32>
    %lt3A_3517 = arith.cmpi slt, %sub3A_3476, %lt3A_3516 : vector<13x128xi32>
    %jit3A_3518 = arith.constant 0 : i32
    %broadcast_in_dim3A_3519 = vector.broadcast %jit3A_3518 : i32 to vector<13x128xi32>
    %select_n3A_3520 = arith.select %lt3A_3517, %broadcast_in_dim3A_3519, %add3A_3514 : vector<13x128xi1>, vector<13x128xi32>
    %add3A_3521 = arith.addi %add3A_3464, %select_n3A_3520 : vector<13x128xi32>
    %sub3A_3522 = arith.constant 1 : i32
    %sub3A_3523 = vector.broadcast %sub3A_3522 : i32 to vector<13x128xi32>
    %sub3A_3524 = arith.subi %get3A_673, %sub3A_3523 : vector<13x128xi32>
    %sub3A_3525 = arith.constant 50 : i32
    %sub3A_3526 = vector.broadcast %sub3A_3525 : i32 to vector<1x1xi32>
    %sub3A_3527 = arith.subi %sub3A_3526, %convert_element_type3A_669 : vector<1x1xi32>
    %sub3A_3528 = arith.constant 50 : i32
    %sub3A_3529 = vector.broadcast %sub3A_3528 : i32 to vector<1x1xi32>
    %sub3A_3530 = arith.subi %sub3A_3529, %convert_element_type3A_669 : vector<1x1xi32>
    %mul3A_3531 = arith.muli %sub3A_3527, %sub3A_3530 : vector<1x1xi32>
    %sub3A_3532 = vector.broadcast %mul3A_3531 : vector<1x1xi32> to vector<13x128xi32>
    %sub3A_3533 = arith.subi %sub3A_3524, %sub3A_3532 : vector<13x128xi32>
    %max3A_3534 = arith.constant 0 : i32
    %max3A_3535 = vector.broadcast %max3A_3534 : i32 to vector<13x128xi32>
    %max3A_3536 = arith.maxsi %sub3A_3533, %max3A_3535 : vector<13x128xi32>
    %convert_element_type3A_3537 = arith.sitofp %max3A_3536 : vector<13x128xi32> to vector<13x128xf32>
    %sqrt3A_3538 = math.sqrt %convert_element_type3A_3537 : vector<13x128xf32>
    %convert_element_type3A_3539 = arith.fptosi %sqrt3A_3538 : vector<13x128xf32> to vector<13x128xi32>
    %mul3A_3540 = arith.muli %convert_element_type3A_3539, %convert_element_type3A_3539 : vector<13x128xi32>
    %gt3A_3541 = arith.cmpi sgt, %mul3A_3540, %max3A_3536 : vector<13x128xi32>
    %sub3A_3542 = arith.constant 1 : i32
    %sub3A_3543 = vector.broadcast %sub3A_3542 : i32 to vector<13x128xi32>
    %sub3A_3544 = arith.subi %convert_element_type3A_3539, %sub3A_3543 : vector<13x128xi32>
    %select_n3A_3545 = arith.select %gt3A_3541, %sub3A_3544, %convert_element_type3A_3539 : vector<13x128xi1>, vector<13x128xi32>
    %add3A_3546 = arith.constant 1 : i32
    %add3A_3547 = vector.broadcast %add3A_3546 : i32 to vector<13x128xi32>
    %add3A_3548 = arith.addi %select_n3A_3545, %add3A_3547 : vector<13x128xi32>
    %add3A_3549 = arith.constant 1 : i32
    %add3A_3550 = vector.broadcast %add3A_3549 : i32 to vector<13x128xi32>
    %add3A_3551 = arith.addi %select_n3A_3545, %add3A_3550 : vector<13x128xi32>
    %mul3A_3552 = arith.muli %add3A_3548, %add3A_3551 : vector<13x128xi32>
    %le3A_3553 = arith.cmpi sle, %mul3A_3552, %max3A_3536 : vector<13x128xi32>
    %add3A_3554 = arith.constant 1 : i32
    %add3A_3555 = vector.broadcast %add3A_3554 : i32 to vector<13x128xi32>
    %add3A_3556 = arith.addi %select_n3A_3545, %add3A_3555 : vector<13x128xi32>
    %select_n3A_3557 = arith.select %le3A_3553, %add3A_3556, %select_n3A_3545 : vector<13x128xi1>, vector<13x128xi32>
    %add3A_3558 = vector.broadcast %convert_element_type3A_670 : vector<1x1xi32> to vector<13x128xi32>
    %add3A_3559 = arith.addi %add3A_3558, %select_n3A_3557 : vector<13x128xi32>
    %min3A_3560 = arith.constant 63 : i32
    %min3A_3561 = vector.broadcast %min3A_3560 : i32 to vector<13x128xi32>
    %min3A_3562 = arith.minsi %min3A_3561, %add3A_3559 : vector<13x128xi32>
    %sub3A_3563 = vector.broadcast %convert_element_type3A_670 : vector<1x1xi32> to vector<13x128xi32>
    %sub3A_3564 = arith.subi %sub3A_3563, %select_n3A_3557 : vector<13x128xi32>
    %max3A_3565 = arith.constant 0 : i32
    %max3A_3566 = vector.broadcast %max3A_3565 : i32 to vector<13x128xi32>
    %max3A_3567 = arith.maxsi %max3A_3566, %sub3A_3564 : vector<13x128xi32>
    %sub3A_3568 = arith.subi %min3A_3562, %max3A_3567 : vector<13x128xi32>
    %add3A_3569 = arith.constant 1 : i32
    %add3A_3570 = vector.broadcast %add3A_3569 : i32 to vector<13x128xi32>
    %add3A_3571 = arith.addi %sub3A_3568, %add3A_3570 : vector<13x128xi32>
    %lt3A_3572 = arith.constant 0 : i32
    %lt3A_3573 = vector.broadcast %lt3A_3572 : i32 to vector<13x128xi32>
    %lt3A_3574 = arith.cmpi slt, %sub3A_3533, %lt3A_3573 : vector<13x128xi32>
    %jit3A_3575 = arith.constant 0 : i32
    %broadcast_in_dim3A_3576 = vector.broadcast %jit3A_3575 : i32 to vector<13x128xi32>
    %select_n3A_3577 = arith.select %lt3A_3574, %broadcast_in_dim3A_3576, %add3A_3571 : vector<13x128xi1>, vector<13x128xi32>
    %add3A_3578 = arith.addi %add3A_3521, %select_n3A_3577 : vector<13x128xi32>
    %sub3A_3579 = arith.constant 1 : i32
    %sub3A_3580 = vector.broadcast %sub3A_3579 : i32 to vector<13x128xi32>
    %sub3A_3581 = arith.subi %get3A_673, %sub3A_3580 : vector<13x128xi32>
    %sub3A_3582 = arith.constant 51 : i32
    %sub3A_3583 = vector.broadcast %sub3A_3582 : i32 to vector<1x1xi32>
    %sub3A_3584 = arith.subi %sub3A_3583, %convert_element_type3A_669 : vector<1x1xi32>
    %sub3A_3585 = arith.constant 51 : i32
    %sub3A_3586 = vector.broadcast %sub3A_3585 : i32 to vector<1x1xi32>
    %sub3A_3587 = arith.subi %sub3A_3586, %convert_element_type3A_669 : vector<1x1xi32>
    %mul3A_3588 = arith.muli %sub3A_3584, %sub3A_3587 : vector<1x1xi32>
    %sub3A_3589 = vector.broadcast %mul3A_3588 : vector<1x1xi32> to vector<13x128xi32>
    %sub3A_3590 = arith.subi %sub3A_3581, %sub3A_3589 : vector<13x128xi32>
    %max3A_3591 = arith.constant 0 : i32
    %max3A_3592 = vector.broadcast %max3A_3591 : i32 to vector<13x128xi32>
    %max3A_3593 = arith.maxsi %sub3A_3590, %max3A_3592 : vector<13x128xi32>
    %convert_element_type3A_3594 = arith.sitofp %max3A_3593 : vector<13x128xi32> to vector<13x128xf32>
    %sqrt3A_3595 = math.sqrt %convert_element_type3A_3594 : vector<13x128xf32>
    %convert_element_type3A_3596 = arith.fptosi %sqrt3A_3595 : vector<13x128xf32> to vector<13x128xi32>
    %mul3A_3597 = arith.muli %convert_element_type3A_3596, %convert_element_type3A_3596 : vector<13x128xi32>
    %gt3A_3598 = arith.cmpi sgt, %mul3A_3597, %max3A_3593 : vector<13x128xi32>
    %sub3A_3599 = arith.constant 1 : i32
    %sub3A_3600 = vector.broadcast %sub3A_3599 : i32 to vector<13x128xi32>
    %sub3A_3601 = arith.subi %convert_element_type3A_3596, %sub3A_3600 : vector<13x128xi32>
    %select_n3A_3602 = arith.select %gt3A_3598, %sub3A_3601, %convert_element_type3A_3596 : vector<13x128xi1>, vector<13x128xi32>
    %add3A_3603 = arith.constant 1 : i32
    %add3A_3604 = vector.broadcast %add3A_3603 : i32 to vector<13x128xi32>
    %add3A_3605 = arith.addi %select_n3A_3602, %add3A_3604 : vector<13x128xi32>
    %add3A_3606 = arith.constant 1 : i32
    %add3A_3607 = vector.broadcast %add3A_3606 : i32 to vector<13x128xi32>
    %add3A_3608 = arith.addi %select_n3A_3602, %add3A_3607 : vector<13x128xi32>
    %mul3A_3609 = arith.muli %add3A_3605, %add3A_3608 : vector<13x128xi32>
    %le3A_3610 = arith.cmpi sle, %mul3A_3609, %max3A_3593 : vector<13x128xi32>
    %add3A_3611 = arith.constant 1 : i32
    %add3A_3612 = vector.broadcast %add3A_3611 : i32 to vector<13x128xi32>
    %add3A_3613 = arith.addi %select_n3A_3602, %add3A_3612 : vector<13x128xi32>
    %select_n3A_3614 = arith.select %le3A_3610, %add3A_3613, %select_n3A_3602 : vector<13x128xi1>, vector<13x128xi32>
    %add3A_3615 = vector.broadcast %convert_element_type3A_670 : vector<1x1xi32> to vector<13x128xi32>
    %add3A_3616 = arith.addi %add3A_3615, %select_n3A_3614 : vector<13x128xi32>
    %min3A_3617 = arith.constant 63 : i32
    %min3A_3618 = vector.broadcast %min3A_3617 : i32 to vector<13x128xi32>
    %min3A_3619 = arith.minsi %min3A_3618, %add3A_3616 : vector<13x128xi32>
    %sub3A_3620 = vector.broadcast %convert_element_type3A_670 : vector<1x1xi32> to vector<13x128xi32>
    %sub3A_3621 = arith.subi %sub3A_3620, %select_n3A_3614 : vector<13x128xi32>
    %max3A_3622 = arith.constant 0 : i32
    %max3A_3623 = vector.broadcast %max3A_3622 : i32 to vector<13x128xi32>
    %max3A_3624 = arith.maxsi %max3A_3623, %sub3A_3621 : vector<13x128xi32>
    %sub3A_3625 = arith.subi %min3A_3619, %max3A_3624 : vector<13x128xi32>
    %add3A_3626 = arith.constant 1 : i32
    %add3A_3627 = vector.broadcast %add3A_3626 : i32 to vector<13x128xi32>
    %add3A_3628 = arith.addi %sub3A_3625, %add3A_3627 : vector<13x128xi32>
    %lt3A_3629 = arith.constant 0 : i32
    %lt3A_3630 = vector.broadcast %lt3A_3629 : i32 to vector<13x128xi32>
    %lt3A_3631 = arith.cmpi slt, %sub3A_3590, %lt3A_3630 : vector<13x128xi32>
    %jit3A_3632 = arith.constant 0 : i32
    %broadcast_in_dim3A_3633 = vector.broadcast %jit3A_3632 : i32 to vector<13x128xi32>
    %select_n3A_3634 = arith.select %lt3A_3631, %broadcast_in_dim3A_3633, %add3A_3628 : vector<13x128xi1>, vector<13x128xi32>
    %add3A_3635 = arith.addi %add3A_3578, %select_n3A_3634 : vector<13x128xi32>
    %sub3A_3636 = arith.constant 1 : i32
    %sub3A_3637 = vector.broadcast %sub3A_3636 : i32 to vector<13x128xi32>
    %sub3A_3638 = arith.subi %get3A_673, %sub3A_3637 : vector<13x128xi32>
    %sub3A_3639 = arith.constant 52 : i32
    %sub3A_3640 = vector.broadcast %sub3A_3639 : i32 to vector<1x1xi32>
    %sub3A_3641 = arith.subi %sub3A_3640, %convert_element_type3A_669 : vector<1x1xi32>
    %sub3A_3642 = arith.constant 52 : i32
    %sub3A_3643 = vector.broadcast %sub3A_3642 : i32 to vector<1x1xi32>
    %sub3A_3644 = arith.subi %sub3A_3643, %convert_element_type3A_669 : vector<1x1xi32>
    %mul3A_3645 = arith.muli %sub3A_3641, %sub3A_3644 : vector<1x1xi32>
    %sub3A_3646 = vector.broadcast %mul3A_3645 : vector<1x1xi32> to vector<13x128xi32>
    %sub3A_3647 = arith.subi %sub3A_3638, %sub3A_3646 : vector<13x128xi32>
    %max3A_3648 = arith.constant 0 : i32
    %max3A_3649 = vector.broadcast %max3A_3648 : i32 to vector<13x128xi32>
    %max3A_3650 = arith.maxsi %sub3A_3647, %max3A_3649 : vector<13x128xi32>
    %convert_element_type3A_3651 = arith.sitofp %max3A_3650 : vector<13x128xi32> to vector<13x128xf32>
    %sqrt3A_3652 = math.sqrt %convert_element_type3A_3651 : vector<13x128xf32>
    %convert_element_type3A_3653 = arith.fptosi %sqrt3A_3652 : vector<13x128xf32> to vector<13x128xi32>
    %mul3A_3654 = arith.muli %convert_element_type3A_3653, %convert_element_type3A_3653 : vector<13x128xi32>
    %gt3A_3655 = arith.cmpi sgt, %mul3A_3654, %max3A_3650 : vector<13x128xi32>
    %sub3A_3656 = arith.constant 1 : i32
    %sub3A_3657 = vector.broadcast %sub3A_3656 : i32 to vector<13x128xi32>
    %sub3A_3658 = arith.subi %convert_element_type3A_3653, %sub3A_3657 : vector<13x128xi32>
    %select_n3A_3659 = arith.select %gt3A_3655, %sub3A_3658, %convert_element_type3A_3653 : vector<13x128xi1>, vector<13x128xi32>
    %add3A_3660 = arith.constant 1 : i32
    %add3A_3661 = vector.broadcast %add3A_3660 : i32 to vector<13x128xi32>
    %add3A_3662 = arith.addi %select_n3A_3659, %add3A_3661 : vector<13x128xi32>
    %add3A_3663 = arith.constant 1 : i32
    %add3A_3664 = vector.broadcast %add3A_3663 : i32 to vector<13x128xi32>
    %add3A_3665 = arith.addi %select_n3A_3659, %add3A_3664 : vector<13x128xi32>
    %mul3A_3666 = arith.muli %add3A_3662, %add3A_3665 : vector<13x128xi32>
    %le3A_3667 = arith.cmpi sle, %mul3A_3666, %max3A_3650 : vector<13x128xi32>
    %add3A_3668 = arith.constant 1 : i32
    %add3A_3669 = vector.broadcast %add3A_3668 : i32 to vector<13x128xi32>
    %add3A_3670 = arith.addi %select_n3A_3659, %add3A_3669 : vector<13x128xi32>
    %select_n3A_3671 = arith.select %le3A_3667, %add3A_3670, %select_n3A_3659 : vector<13x128xi1>, vector<13x128xi32>
    %add3A_3672 = vector.broadcast %convert_element_type3A_670 : vector<1x1xi32> to vector<13x128xi32>
    %add3A_3673 = arith.addi %add3A_3672, %select_n3A_3671 : vector<13x128xi32>
    %min3A_3674 = arith.constant 63 : i32
    %min3A_3675 = vector.broadcast %min3A_3674 : i32 to vector<13x128xi32>
    %min3A_3676 = arith.minsi %min3A_3675, %add3A_3673 : vector<13x128xi32>
    %sub3A_3677 = vector.broadcast %convert_element_type3A_670 : vector<1x1xi32> to vector<13x128xi32>
    %sub3A_3678 = arith.subi %sub3A_3677, %select_n3A_3671 : vector<13x128xi32>
    %max3A_3679 = arith.constant 0 : i32
    %max3A_3680 = vector.broadcast %max3A_3679 : i32 to vector<13x128xi32>
    %max3A_3681 = arith.maxsi %max3A_3680, %sub3A_3678 : vector<13x128xi32>
    %sub3A_3682 = arith.subi %min3A_3676, %max3A_3681 : vector<13x128xi32>
    %add3A_3683 = arith.constant 1 : i32
    %add3A_3684 = vector.broadcast %add3A_3683 : i32 to vector<13x128xi32>
    %add3A_3685 = arith.addi %sub3A_3682, %add3A_3684 : vector<13x128xi32>
    %lt3A_3686 = arith.constant 0 : i32
    %lt3A_3687 = vector.broadcast %lt3A_3686 : i32 to vector<13x128xi32>
    %lt3A_3688 = arith.cmpi slt, %sub3A_3647, %lt3A_3687 : vector<13x128xi32>
    %jit3A_3689 = arith.constant 0 : i32
    %broadcast_in_dim3A_3690 = vector.broadcast %jit3A_3689 : i32 to vector<13x128xi32>
    %select_n3A_3691 = arith.select %lt3A_3688, %broadcast_in_dim3A_3690, %add3A_3685 : vector<13x128xi1>, vector<13x128xi32>
    %add3A_3692 = arith.addi %add3A_3635, %select_n3A_3691 : vector<13x128xi32>
    %sub3A_3693 = arith.constant 1 : i32
    %sub3A_3694 = vector.broadcast %sub3A_3693 : i32 to vector<13x128xi32>
    %sub3A_3695 = arith.subi %get3A_673, %sub3A_3694 : vector<13x128xi32>
    %sub3A_3696 = arith.constant 53 : i32
    %sub3A_3697 = vector.broadcast %sub3A_3696 : i32 to vector<1x1xi32>
    %sub3A_3698 = arith.subi %sub3A_3697, %convert_element_type3A_669 : vector<1x1xi32>
    %sub3A_3699 = arith.constant 53 : i32
    %sub3A_3700 = vector.broadcast %sub3A_3699 : i32 to vector<1x1xi32>
    %sub3A_3701 = arith.subi %sub3A_3700, %convert_element_type3A_669 : vector<1x1xi32>
    %mul3A_3702 = arith.muli %sub3A_3698, %sub3A_3701 : vector<1x1xi32>
    %sub3A_3703 = vector.broadcast %mul3A_3702 : vector<1x1xi32> to vector<13x128xi32>
    %sub3A_3704 = arith.subi %sub3A_3695, %sub3A_3703 : vector<13x128xi32>
    %max3A_3705 = arith.constant 0 : i32
    %max3A_3706 = vector.broadcast %max3A_3705 : i32 to vector<13x128xi32>
    %max3A_3707 = arith.maxsi %sub3A_3704, %max3A_3706 : vector<13x128xi32>
    %convert_element_type3A_3708 = arith.sitofp %max3A_3707 : vector<13x128xi32> to vector<13x128xf32>
    %sqrt3A_3709 = math.sqrt %convert_element_type3A_3708 : vector<13x128xf32>
    %convert_element_type3A_3710 = arith.fptosi %sqrt3A_3709 : vector<13x128xf32> to vector<13x128xi32>
    %mul3A_3711 = arith.muli %convert_element_type3A_3710, %convert_element_type3A_3710 : vector<13x128xi32>
    %gt3A_3712 = arith.cmpi sgt, %mul3A_3711, %max3A_3707 : vector<13x128xi32>
    %sub3A_3713 = arith.constant 1 : i32
    %sub3A_3714 = vector.broadcast %sub3A_3713 : i32 to vector<13x128xi32>
    %sub3A_3715 = arith.subi %convert_element_type3A_3710, %sub3A_3714 : vector<13x128xi32>
    %select_n3A_3716 = arith.select %gt3A_3712, %sub3A_3715, %convert_element_type3A_3710 : vector<13x128xi1>, vector<13x128xi32>
    %add3A_3717 = arith.constant 1 : i32
    %add3A_3718 = vector.broadcast %add3A_3717 : i32 to vector<13x128xi32>
    %add3A_3719 = arith.addi %select_n3A_3716, %add3A_3718 : vector<13x128xi32>
    %add3A_3720 = arith.constant 1 : i32
    %add3A_3721 = vector.broadcast %add3A_3720 : i32 to vector<13x128xi32>
    %add3A_3722 = arith.addi %select_n3A_3716, %add3A_3721 : vector<13x128xi32>
    %mul3A_3723 = arith.muli %add3A_3719, %add3A_3722 : vector<13x128xi32>
    %le3A_3724 = arith.cmpi sle, %mul3A_3723, %max3A_3707 : vector<13x128xi32>
    %add3A_3725 = arith.constant 1 : i32
    %add3A_3726 = vector.broadcast %add3A_3725 : i32 to vector<13x128xi32>
    %add3A_3727 = arith.addi %select_n3A_3716, %add3A_3726 : vector<13x128xi32>
    %select_n3A_3728 = arith.select %le3A_3724, %add3A_3727, %select_n3A_3716 : vector<13x128xi1>, vector<13x128xi32>
    %add3A_3729 = vector.broadcast %convert_element_type3A_670 : vector<1x1xi32> to vector<13x128xi32>
    %add3A_3730 = arith.addi %add3A_3729, %select_n3A_3728 : vector<13x128xi32>
    %min3A_3731 = arith.constant 63 : i32
    %min3A_3732 = vector.broadcast %min3A_3731 : i32 to vector<13x128xi32>
    %min3A_3733 = arith.minsi %min3A_3732, %add3A_3730 : vector<13x128xi32>
    %sub3A_3734 = vector.broadcast %convert_element_type3A_670 : vector<1x1xi32> to vector<13x128xi32>
    %sub3A_3735 = arith.subi %sub3A_3734, %select_n3A_3728 : vector<13x128xi32>
    %max3A_3736 = arith.constant 0 : i32
    %max3A_3737 = vector.broadcast %max3A_3736 : i32 to vector<13x128xi32>
    %max3A_3738 = arith.maxsi %max3A_3737, %sub3A_3735 : vector<13x128xi32>
    %sub3A_3739 = arith.subi %min3A_3733, %max3A_3738 : vector<13x128xi32>
    %add3A_3740 = arith.constant 1 : i32
    %add3A_3741 = vector.broadcast %add3A_3740 : i32 to vector<13x128xi32>
    %add3A_3742 = arith.addi %sub3A_3739, %add3A_3741 : vector<13x128xi32>
    %lt3A_3743 = arith.constant 0 : i32
    %lt3A_3744 = vector.broadcast %lt3A_3743 : i32 to vector<13x128xi32>
    %lt3A_3745 = arith.cmpi slt, %sub3A_3704, %lt3A_3744 : vector<13x128xi32>
    %jit3A_3746 = arith.constant 0 : i32
    %broadcast_in_dim3A_3747 = vector.broadcast %jit3A_3746 : i32 to vector<13x128xi32>
    %select_n3A_3748 = arith.select %lt3A_3745, %broadcast_in_dim3A_3747, %add3A_3742 : vector<13x128xi1>, vector<13x128xi32>
    %add3A_3749 = arith.addi %add3A_3692, %select_n3A_3748 : vector<13x128xi32>
    %sub3A_3750 = arith.constant 1 : i32
    %sub3A_3751 = vector.broadcast %sub3A_3750 : i32 to vector<13x128xi32>
    %sub3A_3752 = arith.subi %get3A_673, %sub3A_3751 : vector<13x128xi32>
    %sub3A_3753 = arith.constant 54 : i32
    %sub3A_3754 = vector.broadcast %sub3A_3753 : i32 to vector<1x1xi32>
    %sub3A_3755 = arith.subi %sub3A_3754, %convert_element_type3A_669 : vector<1x1xi32>
    %sub3A_3756 = arith.constant 54 : i32
    %sub3A_3757 = vector.broadcast %sub3A_3756 : i32 to vector<1x1xi32>
    %sub3A_3758 = arith.subi %sub3A_3757, %convert_element_type3A_669 : vector<1x1xi32>
    %mul3A_3759 = arith.muli %sub3A_3755, %sub3A_3758 : vector<1x1xi32>
    %sub3A_3760 = vector.broadcast %mul3A_3759 : vector<1x1xi32> to vector<13x128xi32>
    %sub3A_3761 = arith.subi %sub3A_3752, %sub3A_3760 : vector<13x128xi32>
    %max3A_3762 = arith.constant 0 : i32
    %max3A_3763 = vector.broadcast %max3A_3762 : i32 to vector<13x128xi32>
    %max3A_3764 = arith.maxsi %sub3A_3761, %max3A_3763 : vector<13x128xi32>
    %convert_element_type3A_3765 = arith.sitofp %max3A_3764 : vector<13x128xi32> to vector<13x128xf32>
    %sqrt3A_3766 = math.sqrt %convert_element_type3A_3765 : vector<13x128xf32>
    %convert_element_type3A_3767 = arith.fptosi %sqrt3A_3766 : vector<13x128xf32> to vector<13x128xi32>
    %mul3A_3768 = arith.muli %convert_element_type3A_3767, %convert_element_type3A_3767 : vector<13x128xi32>
    %gt3A_3769 = arith.cmpi sgt, %mul3A_3768, %max3A_3764 : vector<13x128xi32>
    %sub3A_3770 = arith.constant 1 : i32
    %sub3A_3771 = vector.broadcast %sub3A_3770 : i32 to vector<13x128xi32>
    %sub3A_3772 = arith.subi %convert_element_type3A_3767, %sub3A_3771 : vector<13x128xi32>
    %select_n3A_3773 = arith.select %gt3A_3769, %sub3A_3772, %convert_element_type3A_3767 : vector<13x128xi1>, vector<13x128xi32>
    %add3A_3774 = arith.constant 1 : i32
    %add3A_3775 = vector.broadcast %add3A_3774 : i32 to vector<13x128xi32>
    %add3A_3776 = arith.addi %select_n3A_3773, %add3A_3775 : vector<13x128xi32>
    %add3A_3777 = arith.constant 1 : i32
    %add3A_3778 = vector.broadcast %add3A_3777 : i32 to vector<13x128xi32>
    %add3A_3779 = arith.addi %select_n3A_3773, %add3A_3778 : vector<13x128xi32>
    %mul3A_3780 = arith.muli %add3A_3776, %add3A_3779 : vector<13x128xi32>
    %le3A_3781 = arith.cmpi sle, %mul3A_3780, %max3A_3764 : vector<13x128xi32>
    %add3A_3782 = arith.constant 1 : i32
    %add3A_3783 = vector.broadcast %add3A_3782 : i32 to vector<13x128xi32>
    %add3A_3784 = arith.addi %select_n3A_3773, %add3A_3783 : vector<13x128xi32>
    %select_n3A_3785 = arith.select %le3A_3781, %add3A_3784, %select_n3A_3773 : vector<13x128xi1>, vector<13x128xi32>
    %add3A_3786 = vector.broadcast %convert_element_type3A_670 : vector<1x1xi32> to vector<13x128xi32>
    %add3A_3787 = arith.addi %add3A_3786, %select_n3A_3785 : vector<13x128xi32>
    %min3A_3788 = arith.constant 63 : i32
    %min3A_3789 = vector.broadcast %min3A_3788 : i32 to vector<13x128xi32>
    %min3A_3790 = arith.minsi %min3A_3789, %add3A_3787 : vector<13x128xi32>
    %sub3A_3791 = vector.broadcast %convert_element_type3A_670 : vector<1x1xi32> to vector<13x128xi32>
    %sub3A_3792 = arith.subi %sub3A_3791, %select_n3A_3785 : vector<13x128xi32>
    %max3A_3793 = arith.constant 0 : i32
    %max3A_3794 = vector.broadcast %max3A_3793 : i32 to vector<13x128xi32>
    %max3A_3795 = arith.maxsi %max3A_3794, %sub3A_3792 : vector<13x128xi32>
    %sub3A_3796 = arith.subi %min3A_3790, %max3A_3795 : vector<13x128xi32>
    %add3A_3797 = arith.constant 1 : i32
    %add3A_3798 = vector.broadcast %add3A_3797 : i32 to vector<13x128xi32>
    %add3A_3799 = arith.addi %sub3A_3796, %add3A_3798 : vector<13x128xi32>
    %lt3A_3800 = arith.constant 0 : i32
    %lt3A_3801 = vector.broadcast %lt3A_3800 : i32 to vector<13x128xi32>
    %lt3A_3802 = arith.cmpi slt, %sub3A_3761, %lt3A_3801 : vector<13x128xi32>
    %jit3A_3803 = arith.constant 0 : i32
    %broadcast_in_dim3A_3804 = vector.broadcast %jit3A_3803 : i32 to vector<13x128xi32>
    %select_n3A_3805 = arith.select %lt3A_3802, %broadcast_in_dim3A_3804, %add3A_3799 : vector<13x128xi1>, vector<13x128xi32>
    %add3A_3806 = arith.addi %add3A_3749, %select_n3A_3805 : vector<13x128xi32>
    %sub3A_3807 = arith.constant 1 : i32
    %sub3A_3808 = vector.broadcast %sub3A_3807 : i32 to vector<13x128xi32>
    %sub3A_3809 = arith.subi %get3A_673, %sub3A_3808 : vector<13x128xi32>
    %sub3A_3810 = arith.constant 55 : i32
    %sub3A_3811 = vector.broadcast %sub3A_3810 : i32 to vector<1x1xi32>
    %sub3A_3812 = arith.subi %sub3A_3811, %convert_element_type3A_669 : vector<1x1xi32>
    %sub3A_3813 = arith.constant 55 : i32
    %sub3A_3814 = vector.broadcast %sub3A_3813 : i32 to vector<1x1xi32>
    %sub3A_3815 = arith.subi %sub3A_3814, %convert_element_type3A_669 : vector<1x1xi32>
    %mul3A_3816 = arith.muli %sub3A_3812, %sub3A_3815 : vector<1x1xi32>
    %sub3A_3817 = vector.broadcast %mul3A_3816 : vector<1x1xi32> to vector<13x128xi32>
    %sub3A_3818 = arith.subi %sub3A_3809, %sub3A_3817 : vector<13x128xi32>
    %max3A_3819 = arith.constant 0 : i32
    %max3A_3820 = vector.broadcast %max3A_3819 : i32 to vector<13x128xi32>
    %max3A_3821 = arith.maxsi %sub3A_3818, %max3A_3820 : vector<13x128xi32>
    %convert_element_type3A_3822 = arith.sitofp %max3A_3821 : vector<13x128xi32> to vector<13x128xf32>
    %sqrt3A_3823 = math.sqrt %convert_element_type3A_3822 : vector<13x128xf32>
    %convert_element_type3A_3824 = arith.fptosi %sqrt3A_3823 : vector<13x128xf32> to vector<13x128xi32>
    %mul3A_3825 = arith.muli %convert_element_type3A_3824, %convert_element_type3A_3824 : vector<13x128xi32>
    %gt3A_3826 = arith.cmpi sgt, %mul3A_3825, %max3A_3821 : vector<13x128xi32>
    %sub3A_3827 = arith.constant 1 : i32
    %sub3A_3828 = vector.broadcast %sub3A_3827 : i32 to vector<13x128xi32>
    %sub3A_3829 = arith.subi %convert_element_type3A_3824, %sub3A_3828 : vector<13x128xi32>
    %select_n3A_3830 = arith.select %gt3A_3826, %sub3A_3829, %convert_element_type3A_3824 : vector<13x128xi1>, vector<13x128xi32>
    %add3A_3831 = arith.constant 1 : i32
    %add3A_3832 = vector.broadcast %add3A_3831 : i32 to vector<13x128xi32>
    %add3A_3833 = arith.addi %select_n3A_3830, %add3A_3832 : vector<13x128xi32>
    %add3A_3834 = arith.constant 1 : i32
    %add3A_3835 = vector.broadcast %add3A_3834 : i32 to vector<13x128xi32>
    %add3A_3836 = arith.addi %select_n3A_3830, %add3A_3835 : vector<13x128xi32>
    %mul3A_3837 = arith.muli %add3A_3833, %add3A_3836 : vector<13x128xi32>
    %le3A_3838 = arith.cmpi sle, %mul3A_3837, %max3A_3821 : vector<13x128xi32>
    %add3A_3839 = arith.constant 1 : i32
    %add3A_3840 = vector.broadcast %add3A_3839 : i32 to vector<13x128xi32>
    %add3A_3841 = arith.addi %select_n3A_3830, %add3A_3840 : vector<13x128xi32>
    %select_n3A_3842 = arith.select %le3A_3838, %add3A_3841, %select_n3A_3830 : vector<13x128xi1>, vector<13x128xi32>
    %add3A_3843 = vector.broadcast %convert_element_type3A_670 : vector<1x1xi32> to vector<13x128xi32>
    %add3A_3844 = arith.addi %add3A_3843, %select_n3A_3842 : vector<13x128xi32>
    %min3A_3845 = arith.constant 63 : i32
    %min3A_3846 = vector.broadcast %min3A_3845 : i32 to vector<13x128xi32>
    %min3A_3847 = arith.minsi %min3A_3846, %add3A_3844 : vector<13x128xi32>
    %sub3A_3848 = vector.broadcast %convert_element_type3A_670 : vector<1x1xi32> to vector<13x128xi32>
    %sub3A_3849 = arith.subi %sub3A_3848, %select_n3A_3842 : vector<13x128xi32>
    %max3A_3850 = arith.constant 0 : i32
    %max3A_3851 = vector.broadcast %max3A_3850 : i32 to vector<13x128xi32>
    %max3A_3852 = arith.maxsi %max3A_3851, %sub3A_3849 : vector<13x128xi32>
    %sub3A_3853 = arith.subi %min3A_3847, %max3A_3852 : vector<13x128xi32>
    %add3A_3854 = arith.constant 1 : i32
    %add3A_3855 = vector.broadcast %add3A_3854 : i32 to vector<13x128xi32>
    %add3A_3856 = arith.addi %sub3A_3853, %add3A_3855 : vector<13x128xi32>
    %lt3A_3857 = arith.constant 0 : i32
    %lt3A_3858 = vector.broadcast %lt3A_3857 : i32 to vector<13x128xi32>
    %lt3A_3859 = arith.cmpi slt, %sub3A_3818, %lt3A_3858 : vector<13x128xi32>
    %jit3A_3860 = arith.constant 0 : i32
    %broadcast_in_dim3A_3861 = vector.broadcast %jit3A_3860 : i32 to vector<13x128xi32>
    %select_n3A_3862 = arith.select %lt3A_3859, %broadcast_in_dim3A_3861, %add3A_3856 : vector<13x128xi1>, vector<13x128xi32>
    %add3A_3863 = arith.addi %add3A_3806, %select_n3A_3862 : vector<13x128xi32>
    %sub3A_3864 = arith.constant 1 : i32
    %sub3A_3865 = vector.broadcast %sub3A_3864 : i32 to vector<13x128xi32>
    %sub3A_3866 = arith.subi %get3A_673, %sub3A_3865 : vector<13x128xi32>
    %sub3A_3867 = arith.constant 56 : i32
    %sub3A_3868 = vector.broadcast %sub3A_3867 : i32 to vector<1x1xi32>
    %sub3A_3869 = arith.subi %sub3A_3868, %convert_element_type3A_669 : vector<1x1xi32>
    %sub3A_3870 = arith.constant 56 : i32
    %sub3A_3871 = vector.broadcast %sub3A_3870 : i32 to vector<1x1xi32>
    %sub3A_3872 = arith.subi %sub3A_3871, %convert_element_type3A_669 : vector<1x1xi32>
    %mul3A_3873 = arith.muli %sub3A_3869, %sub3A_3872 : vector<1x1xi32>
    %sub3A_3874 = vector.broadcast %mul3A_3873 : vector<1x1xi32> to vector<13x128xi32>
    %sub3A_3875 = arith.subi %sub3A_3866, %sub3A_3874 : vector<13x128xi32>
    %max3A_3876 = arith.constant 0 : i32
    %max3A_3877 = vector.broadcast %max3A_3876 : i32 to vector<13x128xi32>
    %max3A_3878 = arith.maxsi %sub3A_3875, %max3A_3877 : vector<13x128xi32>
    %convert_element_type3A_3879 = arith.sitofp %max3A_3878 : vector<13x128xi32> to vector<13x128xf32>
    %sqrt3A_3880 = math.sqrt %convert_element_type3A_3879 : vector<13x128xf32>
    %convert_element_type3A_3881 = arith.fptosi %sqrt3A_3880 : vector<13x128xf32> to vector<13x128xi32>
    %mul3A_3882 = arith.muli %convert_element_type3A_3881, %convert_element_type3A_3881 : vector<13x128xi32>
    %gt3A_3883 = arith.cmpi sgt, %mul3A_3882, %max3A_3878 : vector<13x128xi32>
    %sub3A_3884 = arith.constant 1 : i32
    %sub3A_3885 = vector.broadcast %sub3A_3884 : i32 to vector<13x128xi32>
    %sub3A_3886 = arith.subi %convert_element_type3A_3881, %sub3A_3885 : vector<13x128xi32>
    %select_n3A_3887 = arith.select %gt3A_3883, %sub3A_3886, %convert_element_type3A_3881 : vector<13x128xi1>, vector<13x128xi32>
    %add3A_3888 = arith.constant 1 : i32
    %add3A_3889 = vector.broadcast %add3A_3888 : i32 to vector<13x128xi32>
    %add3A_3890 = arith.addi %select_n3A_3887, %add3A_3889 : vector<13x128xi32>
    %add3A_3891 = arith.constant 1 : i32
    %add3A_3892 = vector.broadcast %add3A_3891 : i32 to vector<13x128xi32>
    %add3A_3893 = arith.addi %select_n3A_3887, %add3A_3892 : vector<13x128xi32>
    %mul3A_3894 = arith.muli %add3A_3890, %add3A_3893 : vector<13x128xi32>
    %le3A_3895 = arith.cmpi sle, %mul3A_3894, %max3A_3878 : vector<13x128xi32>
    %add3A_3896 = arith.constant 1 : i32
    %add3A_3897 = vector.broadcast %add3A_3896 : i32 to vector<13x128xi32>
    %add3A_3898 = arith.addi %select_n3A_3887, %add3A_3897 : vector<13x128xi32>
    %select_n3A_3899 = arith.select %le3A_3895, %add3A_3898, %select_n3A_3887 : vector<13x128xi1>, vector<13x128xi32>
    %add3A_3900 = vector.broadcast %convert_element_type3A_670 : vector<1x1xi32> to vector<13x128xi32>
    %add3A_3901 = arith.addi %add3A_3900, %select_n3A_3899 : vector<13x128xi32>
    %min3A_3902 = arith.constant 63 : i32
    %min3A_3903 = vector.broadcast %min3A_3902 : i32 to vector<13x128xi32>
    %min3A_3904 = arith.minsi %min3A_3903, %add3A_3901 : vector<13x128xi32>
    %sub3A_3905 = vector.broadcast %convert_element_type3A_670 : vector<1x1xi32> to vector<13x128xi32>
    %sub3A_3906 = arith.subi %sub3A_3905, %select_n3A_3899 : vector<13x128xi32>
    %max3A_3907 = arith.constant 0 : i32
    %max3A_3908 = vector.broadcast %max3A_3907 : i32 to vector<13x128xi32>
    %max3A_3909 = arith.maxsi %max3A_3908, %sub3A_3906 : vector<13x128xi32>
    %sub3A_3910 = arith.subi %min3A_3904, %max3A_3909 : vector<13x128xi32>
    %add3A_3911 = arith.constant 1 : i32
    %add3A_3912 = vector.broadcast %add3A_3911 : i32 to vector<13x128xi32>
    %add3A_3913 = arith.addi %sub3A_3910, %add3A_3912 : vector<13x128xi32>
    %lt3A_3914 = arith.constant 0 : i32
    %lt3A_3915 = vector.broadcast %lt3A_3914 : i32 to vector<13x128xi32>
    %lt3A_3916 = arith.cmpi slt, %sub3A_3875, %lt3A_3915 : vector<13x128xi32>
    %jit3A_3917 = arith.constant 0 : i32
    %broadcast_in_dim3A_3918 = vector.broadcast %jit3A_3917 : i32 to vector<13x128xi32>
    %select_n3A_3919 = arith.select %lt3A_3916, %broadcast_in_dim3A_3918, %add3A_3913 : vector<13x128xi1>, vector<13x128xi32>
    %add3A_3920 = arith.addi %add3A_3863, %select_n3A_3919 : vector<13x128xi32>
    %sub3A_3921 = arith.constant 1 : i32
    %sub3A_3922 = vector.broadcast %sub3A_3921 : i32 to vector<13x128xi32>
    %sub3A_3923 = arith.subi %get3A_673, %sub3A_3922 : vector<13x128xi32>
    %sub3A_3924 = arith.constant 57 : i32
    %sub3A_3925 = vector.broadcast %sub3A_3924 : i32 to vector<1x1xi32>
    %sub3A_3926 = arith.subi %sub3A_3925, %convert_element_type3A_669 : vector<1x1xi32>
    %sub3A_3927 = arith.constant 57 : i32
    %sub3A_3928 = vector.broadcast %sub3A_3927 : i32 to vector<1x1xi32>
    %sub3A_3929 = arith.subi %sub3A_3928, %convert_element_type3A_669 : vector<1x1xi32>
    %mul3A_3930 = arith.muli %sub3A_3926, %sub3A_3929 : vector<1x1xi32>
    %sub3A_3931 = vector.broadcast %mul3A_3930 : vector<1x1xi32> to vector<13x128xi32>
    %sub3A_3932 = arith.subi %sub3A_3923, %sub3A_3931 : vector<13x128xi32>
    %max3A_3933 = arith.constant 0 : i32
    %max3A_3934 = vector.broadcast %max3A_3933 : i32 to vector<13x128xi32>
    %max3A_3935 = arith.maxsi %sub3A_3932, %max3A_3934 : vector<13x128xi32>
    %convert_element_type3A_3936 = arith.sitofp %max3A_3935 : vector<13x128xi32> to vector<13x128xf32>
    %sqrt3A_3937 = math.sqrt %convert_element_type3A_3936 : vector<13x128xf32>
    %convert_element_type3A_3938 = arith.fptosi %sqrt3A_3937 : vector<13x128xf32> to vector<13x128xi32>
    %mul3A_3939 = arith.muli %convert_element_type3A_3938, %convert_element_type3A_3938 : vector<13x128xi32>
    %gt3A_3940 = arith.cmpi sgt, %mul3A_3939, %max3A_3935 : vector<13x128xi32>
    %sub3A_3941 = arith.constant 1 : i32
    %sub3A_3942 = vector.broadcast %sub3A_3941 : i32 to vector<13x128xi32>
    %sub3A_3943 = arith.subi %convert_element_type3A_3938, %sub3A_3942 : vector<13x128xi32>
    %select_n3A_3944 = arith.select %gt3A_3940, %sub3A_3943, %convert_element_type3A_3938 : vector<13x128xi1>, vector<13x128xi32>
    %add3A_3945 = arith.constant 1 : i32
    %add3A_3946 = vector.broadcast %add3A_3945 : i32 to vector<13x128xi32>
    %add3A_3947 = arith.addi %select_n3A_3944, %add3A_3946 : vector<13x128xi32>
    %add3A_3948 = arith.constant 1 : i32
    %add3A_3949 = vector.broadcast %add3A_3948 : i32 to vector<13x128xi32>
    %add3A_3950 = arith.addi %select_n3A_3944, %add3A_3949 : vector<13x128xi32>
    %mul3A_3951 = arith.muli %add3A_3947, %add3A_3950 : vector<13x128xi32>
    %le3A_3952 = arith.cmpi sle, %mul3A_3951, %max3A_3935 : vector<13x128xi32>
    %add3A_3953 = arith.constant 1 : i32
    %add3A_3954 = vector.broadcast %add3A_3953 : i32 to vector<13x128xi32>
    %add3A_3955 = arith.addi %select_n3A_3944, %add3A_3954 : vector<13x128xi32>
    %select_n3A_3956 = arith.select %le3A_3952, %add3A_3955, %select_n3A_3944 : vector<13x128xi1>, vector<13x128xi32>
    %add3A_3957 = vector.broadcast %convert_element_type3A_670 : vector<1x1xi32> to vector<13x128xi32>
    %add3A_3958 = arith.addi %add3A_3957, %select_n3A_3956 : vector<13x128xi32>
    %min3A_3959 = arith.constant 63 : i32
    %min3A_3960 = vector.broadcast %min3A_3959 : i32 to vector<13x128xi32>
    %min3A_3961 = arith.minsi %min3A_3960, %add3A_3958 : vector<13x128xi32>
    %sub3A_3962 = vector.broadcast %convert_element_type3A_670 : vector<1x1xi32> to vector<13x128xi32>
    %sub3A_3963 = arith.subi %sub3A_3962, %select_n3A_3956 : vector<13x128xi32>
    %max3A_3964 = arith.constant 0 : i32
    %max3A_3965 = vector.broadcast %max3A_3964 : i32 to vector<13x128xi32>
    %max3A_3966 = arith.maxsi %max3A_3965, %sub3A_3963 : vector<13x128xi32>
    %sub3A_3967 = arith.subi %min3A_3961, %max3A_3966 : vector<13x128xi32>
    %add3A_3968 = arith.constant 1 : i32
    %add3A_3969 = vector.broadcast %add3A_3968 : i32 to vector<13x128xi32>
    %add3A_3970 = arith.addi %sub3A_3967, %add3A_3969 : vector<13x128xi32>
    %lt3A_3971 = arith.constant 0 : i32
    %lt3A_3972 = vector.broadcast %lt3A_3971 : i32 to vector<13x128xi32>
    %lt3A_3973 = arith.cmpi slt, %sub3A_3932, %lt3A_3972 : vector<13x128xi32>
    %jit3A_3974 = arith.constant 0 : i32
    %broadcast_in_dim3A_3975 = vector.broadcast %jit3A_3974 : i32 to vector<13x128xi32>
    %select_n3A_3976 = arith.select %lt3A_3973, %broadcast_in_dim3A_3975, %add3A_3970 : vector<13x128xi1>, vector<13x128xi32>
    %add3A_3977 = arith.addi %add3A_3920, %select_n3A_3976 : vector<13x128xi32>
    %sub3A_3978 = arith.constant 1 : i32
    %sub3A_3979 = vector.broadcast %sub3A_3978 : i32 to vector<13x128xi32>
    %sub3A_3980 = arith.subi %get3A_673, %sub3A_3979 : vector<13x128xi32>
    %sub3A_3981 = arith.constant 58 : i32
    %sub3A_3982 = vector.broadcast %sub3A_3981 : i32 to vector<1x1xi32>
    %sub3A_3983 = arith.subi %sub3A_3982, %convert_element_type3A_669 : vector<1x1xi32>
    %sub3A_3984 = arith.constant 58 : i32
    %sub3A_3985 = vector.broadcast %sub3A_3984 : i32 to vector<1x1xi32>
    %sub3A_3986 = arith.subi %sub3A_3985, %convert_element_type3A_669 : vector<1x1xi32>
    %mul3A_3987 = arith.muli %sub3A_3983, %sub3A_3986 : vector<1x1xi32>
    %sub3A_3988 = vector.broadcast %mul3A_3987 : vector<1x1xi32> to vector<13x128xi32>
    %sub3A_3989 = arith.subi %sub3A_3980, %sub3A_3988 : vector<13x128xi32>
    %max3A_3990 = arith.constant 0 : i32
    %max3A_3991 = vector.broadcast %max3A_3990 : i32 to vector<13x128xi32>
    %max3A_3992 = arith.maxsi %sub3A_3989, %max3A_3991 : vector<13x128xi32>
    %convert_element_type3A_3993 = arith.sitofp %max3A_3992 : vector<13x128xi32> to vector<13x128xf32>
    %sqrt3A_3994 = math.sqrt %convert_element_type3A_3993 : vector<13x128xf32>
    %convert_element_type3A_3995 = arith.fptosi %sqrt3A_3994 : vector<13x128xf32> to vector<13x128xi32>
    %mul3A_3996 = arith.muli %convert_element_type3A_3995, %convert_element_type3A_3995 : vector<13x128xi32>
    %gt3A_3997 = arith.cmpi sgt, %mul3A_3996, %max3A_3992 : vector<13x128xi32>
    %sub3A_3998 = arith.constant 1 : i32
    %sub3A_3999 = vector.broadcast %sub3A_3998 : i32 to vector<13x128xi32>
    %sub3A_4000 = arith.subi %convert_element_type3A_3995, %sub3A_3999 : vector<13x128xi32>
    %select_n3A_4001 = arith.select %gt3A_3997, %sub3A_4000, %convert_element_type3A_3995 : vector<13x128xi1>, vector<13x128xi32>
    %add3A_4002 = arith.constant 1 : i32
    %add3A_4003 = vector.broadcast %add3A_4002 : i32 to vector<13x128xi32>
    %add3A_4004 = arith.addi %select_n3A_4001, %add3A_4003 : vector<13x128xi32>
    %add3A_4005 = arith.constant 1 : i32
    %add3A_4006 = vector.broadcast %add3A_4005 : i32 to vector<13x128xi32>
    %add3A_4007 = arith.addi %select_n3A_4001, %add3A_4006 : vector<13x128xi32>
    %mul3A_4008 = arith.muli %add3A_4004, %add3A_4007 : vector<13x128xi32>
    %le3A_4009 = arith.cmpi sle, %mul3A_4008, %max3A_3992 : vector<13x128xi32>
    %add3A_4010 = arith.constant 1 : i32
    %add3A_4011 = vector.broadcast %add3A_4010 : i32 to vector<13x128xi32>
    %add3A_4012 = arith.addi %select_n3A_4001, %add3A_4011 : vector<13x128xi32>
    %select_n3A_4013 = arith.select %le3A_4009, %add3A_4012, %select_n3A_4001 : vector<13x128xi1>, vector<13x128xi32>
    %add3A_4014 = vector.broadcast %convert_element_type3A_670 : vector<1x1xi32> to vector<13x128xi32>
    %add3A_4015 = arith.addi %add3A_4014, %select_n3A_4013 : vector<13x128xi32>
    %min3A_4016 = arith.constant 63 : i32
    %min3A_4017 = vector.broadcast %min3A_4016 : i32 to vector<13x128xi32>
    %min3A_4018 = arith.minsi %min3A_4017, %add3A_4015 : vector<13x128xi32>
    %sub3A_4019 = vector.broadcast %convert_element_type3A_670 : vector<1x1xi32> to vector<13x128xi32>
    %sub3A_4020 = arith.subi %sub3A_4019, %select_n3A_4013 : vector<13x128xi32>
    %max3A_4021 = arith.constant 0 : i32
    %max3A_4022 = vector.broadcast %max3A_4021 : i32 to vector<13x128xi32>
    %max3A_4023 = arith.maxsi %max3A_4022, %sub3A_4020 : vector<13x128xi32>
    %sub3A_4024 = arith.subi %min3A_4018, %max3A_4023 : vector<13x128xi32>
    %add3A_4025 = arith.constant 1 : i32
    %add3A_4026 = vector.broadcast %add3A_4025 : i32 to vector<13x128xi32>
    %add3A_4027 = arith.addi %sub3A_4024, %add3A_4026 : vector<13x128xi32>
    %lt3A_4028 = arith.constant 0 : i32
    %lt3A_4029 = vector.broadcast %lt3A_4028 : i32 to vector<13x128xi32>
    %lt3A_4030 = arith.cmpi slt, %sub3A_3989, %lt3A_4029 : vector<13x128xi32>
    %jit3A_4031 = arith.constant 0 : i32
    %broadcast_in_dim3A_4032 = vector.broadcast %jit3A_4031 : i32 to vector<13x128xi32>
    %select_n3A_4033 = arith.select %lt3A_4030, %broadcast_in_dim3A_4032, %add3A_4027 : vector<13x128xi1>, vector<13x128xi32>
    %add3A_4034 = arith.addi %add3A_3977, %select_n3A_4033 : vector<13x128xi32>
    %sub3A_4035 = arith.constant 1 : i32
    %sub3A_4036 = vector.broadcast %sub3A_4035 : i32 to vector<13x128xi32>
    %sub3A_4037 = arith.subi %get3A_673, %sub3A_4036 : vector<13x128xi32>
    %sub3A_4038 = arith.constant 59 : i32
    %sub3A_4039 = vector.broadcast %sub3A_4038 : i32 to vector<1x1xi32>
    %sub3A_4040 = arith.subi %sub3A_4039, %convert_element_type3A_669 : vector<1x1xi32>
    %sub3A_4041 = arith.constant 59 : i32
    %sub3A_4042 = vector.broadcast %sub3A_4041 : i32 to vector<1x1xi32>
    %sub3A_4043 = arith.subi %sub3A_4042, %convert_element_type3A_669 : vector<1x1xi32>
    %mul3A_4044 = arith.muli %sub3A_4040, %sub3A_4043 : vector<1x1xi32>
    %sub3A_4045 = vector.broadcast %mul3A_4044 : vector<1x1xi32> to vector<13x128xi32>
    %sub3A_4046 = arith.subi %sub3A_4037, %sub3A_4045 : vector<13x128xi32>
    %max3A_4047 = arith.constant 0 : i32
    %max3A_4048 = vector.broadcast %max3A_4047 : i32 to vector<13x128xi32>
    %max3A_4049 = arith.maxsi %sub3A_4046, %max3A_4048 : vector<13x128xi32>
    %convert_element_type3A_4050 = arith.sitofp %max3A_4049 : vector<13x128xi32> to vector<13x128xf32>
    %sqrt3A_4051 = math.sqrt %convert_element_type3A_4050 : vector<13x128xf32>
    %convert_element_type3A_4052 = arith.fptosi %sqrt3A_4051 : vector<13x128xf32> to vector<13x128xi32>
    %mul3A_4053 = arith.muli %convert_element_type3A_4052, %convert_element_type3A_4052 : vector<13x128xi32>
    %gt3A_4054 = arith.cmpi sgt, %mul3A_4053, %max3A_4049 : vector<13x128xi32>
    %sub3A_4055 = arith.constant 1 : i32
    %sub3A_4056 = vector.broadcast %sub3A_4055 : i32 to vector<13x128xi32>
    %sub3A_4057 = arith.subi %convert_element_type3A_4052, %sub3A_4056 : vector<13x128xi32>
    %select_n3A_4058 = arith.select %gt3A_4054, %sub3A_4057, %convert_element_type3A_4052 : vector<13x128xi1>, vector<13x128xi32>
    %add3A_4059 = arith.constant 1 : i32
    %add3A_4060 = vector.broadcast %add3A_4059 : i32 to vector<13x128xi32>
    %add3A_4061 = arith.addi %select_n3A_4058, %add3A_4060 : vector<13x128xi32>
    %add3A_4062 = arith.constant 1 : i32
    %add3A_4063 = vector.broadcast %add3A_4062 : i32 to vector<13x128xi32>
    %add3A_4064 = arith.addi %select_n3A_4058, %add3A_4063 : vector<13x128xi32>
    %mul3A_4065 = arith.muli %add3A_4061, %add3A_4064 : vector<13x128xi32>
    %le3A_4066 = arith.cmpi sle, %mul3A_4065, %max3A_4049 : vector<13x128xi32>
    %add3A_4067 = arith.constant 1 : i32
    %add3A_4068 = vector.broadcast %add3A_4067 : i32 to vector<13x128xi32>
    %add3A_4069 = arith.addi %select_n3A_4058, %add3A_4068 : vector<13x128xi32>
    %select_n3A_4070 = arith.select %le3A_4066, %add3A_4069, %select_n3A_4058 : vector<13x128xi1>, vector<13x128xi32>
    %add3A_4071 = vector.broadcast %convert_element_type3A_670 : vector<1x1xi32> to vector<13x128xi32>
    %add3A_4072 = arith.addi %add3A_4071, %select_n3A_4070 : vector<13x128xi32>
    %min3A_4073 = arith.constant 63 : i32
    %min3A_4074 = vector.broadcast %min3A_4073 : i32 to vector<13x128xi32>
    %min3A_4075 = arith.minsi %min3A_4074, %add3A_4072 : vector<13x128xi32>
    %sub3A_4076 = vector.broadcast %convert_element_type3A_670 : vector<1x1xi32> to vector<13x128xi32>
    %sub3A_4077 = arith.subi %sub3A_4076, %select_n3A_4070 : vector<13x128xi32>
    %max3A_4078 = arith.constant 0 : i32
    %max3A_4079 = vector.broadcast %max3A_4078 : i32 to vector<13x128xi32>
    %max3A_4080 = arith.maxsi %max3A_4079, %sub3A_4077 : vector<13x128xi32>
    %sub3A_4081 = arith.subi %min3A_4075, %max3A_4080 : vector<13x128xi32>
    %add3A_4082 = arith.constant 1 : i32
    %add3A_4083 = vector.broadcast %add3A_4082 : i32 to vector<13x128xi32>
    %add3A_4084 = arith.addi %sub3A_4081, %add3A_4083 : vector<13x128xi32>
    %lt3A_4085 = arith.constant 0 : i32
    %lt3A_4086 = vector.broadcast %lt3A_4085 : i32 to vector<13x128xi32>
    %lt3A_4087 = arith.cmpi slt, %sub3A_4046, %lt3A_4086 : vector<13x128xi32>
    %jit3A_4088 = arith.constant 0 : i32
    %broadcast_in_dim3A_4089 = vector.broadcast %jit3A_4088 : i32 to vector<13x128xi32>
    %select_n3A_4090 = arith.select %lt3A_4087, %broadcast_in_dim3A_4089, %add3A_4084 : vector<13x128xi1>, vector<13x128xi32>
    %add3A_4091 = arith.addi %add3A_4034, %select_n3A_4090 : vector<13x128xi32>
    %sub3A_4092 = arith.constant 1 : i32
    %sub3A_4093 = vector.broadcast %sub3A_4092 : i32 to vector<13x128xi32>
    %sub3A_4094 = arith.subi %get3A_673, %sub3A_4093 : vector<13x128xi32>
    %sub3A_4095 = arith.constant 60 : i32
    %sub3A_4096 = vector.broadcast %sub3A_4095 : i32 to vector<1x1xi32>
    %sub3A_4097 = arith.subi %sub3A_4096, %convert_element_type3A_669 : vector<1x1xi32>
    %sub3A_4098 = arith.constant 60 : i32
    %sub3A_4099 = vector.broadcast %sub3A_4098 : i32 to vector<1x1xi32>
    %sub3A_4100 = arith.subi %sub3A_4099, %convert_element_type3A_669 : vector<1x1xi32>
    %mul3A_4101 = arith.muli %sub3A_4097, %sub3A_4100 : vector<1x1xi32>
    %sub3A_4102 = vector.broadcast %mul3A_4101 : vector<1x1xi32> to vector<13x128xi32>
    %sub3A_4103 = arith.subi %sub3A_4094, %sub3A_4102 : vector<13x128xi32>
    %max3A_4104 = arith.constant 0 : i32
    %max3A_4105 = vector.broadcast %max3A_4104 : i32 to vector<13x128xi32>
    %max3A_4106 = arith.maxsi %sub3A_4103, %max3A_4105 : vector<13x128xi32>
    %convert_element_type3A_4107 = arith.sitofp %max3A_4106 : vector<13x128xi32> to vector<13x128xf32>
    %sqrt3A_4108 = math.sqrt %convert_element_type3A_4107 : vector<13x128xf32>
    %convert_element_type3A_4109 = arith.fptosi %sqrt3A_4108 : vector<13x128xf32> to vector<13x128xi32>
    %mul3A_4110 = arith.muli %convert_element_type3A_4109, %convert_element_type3A_4109 : vector<13x128xi32>
    %gt3A_4111 = arith.cmpi sgt, %mul3A_4110, %max3A_4106 : vector<13x128xi32>
    %sub3A_4112 = arith.constant 1 : i32
    %sub3A_4113 = vector.broadcast %sub3A_4112 : i32 to vector<13x128xi32>
    %sub3A_4114 = arith.subi %convert_element_type3A_4109, %sub3A_4113 : vector<13x128xi32>
    %select_n3A_4115 = arith.select %gt3A_4111, %sub3A_4114, %convert_element_type3A_4109 : vector<13x128xi1>, vector<13x128xi32>
    %add3A_4116 = arith.constant 1 : i32
    %add3A_4117 = vector.broadcast %add3A_4116 : i32 to vector<13x128xi32>
    %add3A_4118 = arith.addi %select_n3A_4115, %add3A_4117 : vector<13x128xi32>
    %add3A_4119 = arith.constant 1 : i32
    %add3A_4120 = vector.broadcast %add3A_4119 : i32 to vector<13x128xi32>
    %add3A_4121 = arith.addi %select_n3A_4115, %add3A_4120 : vector<13x128xi32>
    %mul3A_4122 = arith.muli %add3A_4118, %add3A_4121 : vector<13x128xi32>
    %le3A_4123 = arith.cmpi sle, %mul3A_4122, %max3A_4106 : vector<13x128xi32>
    %add3A_4124 = arith.constant 1 : i32
    %add3A_4125 = vector.broadcast %add3A_4124 : i32 to vector<13x128xi32>
    %add3A_4126 = arith.addi %select_n3A_4115, %add3A_4125 : vector<13x128xi32>
    %select_n3A_4127 = arith.select %le3A_4123, %add3A_4126, %select_n3A_4115 : vector<13x128xi1>, vector<13x128xi32>
    %add3A_4128 = vector.broadcast %convert_element_type3A_670 : vector<1x1xi32> to vector<13x128xi32>
    %add3A_4129 = arith.addi %add3A_4128, %select_n3A_4127 : vector<13x128xi32>
    %min3A_4130 = arith.constant 63 : i32
    %min3A_4131 = vector.broadcast %min3A_4130 : i32 to vector<13x128xi32>
    %min3A_4132 = arith.minsi %min3A_4131, %add3A_4129 : vector<13x128xi32>
    %sub3A_4133 = vector.broadcast %convert_element_type3A_670 : vector<1x1xi32> to vector<13x128xi32>
    %sub3A_4134 = arith.subi %sub3A_4133, %select_n3A_4127 : vector<13x128xi32>
    %max3A_4135 = arith.constant 0 : i32
    %max3A_4136 = vector.broadcast %max3A_4135 : i32 to vector<13x128xi32>
    %max3A_4137 = arith.maxsi %max3A_4136, %sub3A_4134 : vector<13x128xi32>
    %sub3A_4138 = arith.subi %min3A_4132, %max3A_4137 : vector<13x128xi32>
    %add3A_4139 = arith.constant 1 : i32
    %add3A_4140 = vector.broadcast %add3A_4139 : i32 to vector<13x128xi32>
    %add3A_4141 = arith.addi %sub3A_4138, %add3A_4140 : vector<13x128xi32>
    %lt3A_4142 = arith.constant 0 : i32
    %lt3A_4143 = vector.broadcast %lt3A_4142 : i32 to vector<13x128xi32>
    %lt3A_4144 = arith.cmpi slt, %sub3A_4103, %lt3A_4143 : vector<13x128xi32>
    %jit3A_4145 = arith.constant 0 : i32
    %broadcast_in_dim3A_4146 = vector.broadcast %jit3A_4145 : i32 to vector<13x128xi32>
    %select_n3A_4147 = arith.select %lt3A_4144, %broadcast_in_dim3A_4146, %add3A_4141 : vector<13x128xi1>, vector<13x128xi32>
    %add3A_4148 = arith.addi %add3A_4091, %select_n3A_4147 : vector<13x128xi32>
    %sub3A_4149 = arith.constant 1 : i32
    %sub3A_4150 = vector.broadcast %sub3A_4149 : i32 to vector<13x128xi32>
    %sub3A_4151 = arith.subi %get3A_673, %sub3A_4150 : vector<13x128xi32>
    %sub3A_4152 = arith.constant 61 : i32
    %sub3A_4153 = vector.broadcast %sub3A_4152 : i32 to vector<1x1xi32>
    %sub3A_4154 = arith.subi %sub3A_4153, %convert_element_type3A_669 : vector<1x1xi32>
    %sub3A_4155 = arith.constant 61 : i32
    %sub3A_4156 = vector.broadcast %sub3A_4155 : i32 to vector<1x1xi32>
    %sub3A_4157 = arith.subi %sub3A_4156, %convert_element_type3A_669 : vector<1x1xi32>
    %mul3A_4158 = arith.muli %sub3A_4154, %sub3A_4157 : vector<1x1xi32>
    %sub3A_4159 = vector.broadcast %mul3A_4158 : vector<1x1xi32> to vector<13x128xi32>
    %sub3A_4160 = arith.subi %sub3A_4151, %sub3A_4159 : vector<13x128xi32>
    %max3A_4161 = arith.constant 0 : i32
    %max3A_4162 = vector.broadcast %max3A_4161 : i32 to vector<13x128xi32>
    %max3A_4163 = arith.maxsi %sub3A_4160, %max3A_4162 : vector<13x128xi32>
    %convert_element_type3A_4164 = arith.sitofp %max3A_4163 : vector<13x128xi32> to vector<13x128xf32>
    %sqrt3A_4165 = math.sqrt %convert_element_type3A_4164 : vector<13x128xf32>
    %convert_element_type3A_4166 = arith.fptosi %sqrt3A_4165 : vector<13x128xf32> to vector<13x128xi32>
    %mul3A_4167 = arith.muli %convert_element_type3A_4166, %convert_element_type3A_4166 : vector<13x128xi32>
    %gt3A_4168 = arith.cmpi sgt, %mul3A_4167, %max3A_4163 : vector<13x128xi32>
    %sub3A_4169 = arith.constant 1 : i32
    %sub3A_4170 = vector.broadcast %sub3A_4169 : i32 to vector<13x128xi32>
    %sub3A_4171 = arith.subi %convert_element_type3A_4166, %sub3A_4170 : vector<13x128xi32>
    %select_n3A_4172 = arith.select %gt3A_4168, %sub3A_4171, %convert_element_type3A_4166 : vector<13x128xi1>, vector<13x128xi32>
    %add3A_4173 = arith.constant 1 : i32
    %add3A_4174 = vector.broadcast %add3A_4173 : i32 to vector<13x128xi32>
    %add3A_4175 = arith.addi %select_n3A_4172, %add3A_4174 : vector<13x128xi32>
    %add3A_4176 = arith.constant 1 : i32
    %add3A_4177 = vector.broadcast %add3A_4176 : i32 to vector<13x128xi32>
    %add3A_4178 = arith.addi %select_n3A_4172, %add3A_4177 : vector<13x128xi32>
    %mul3A_4179 = arith.muli %add3A_4175, %add3A_4178 : vector<13x128xi32>
    %le3A_4180 = arith.cmpi sle, %mul3A_4179, %max3A_4163 : vector<13x128xi32>
    %add3A_4181 = arith.constant 1 : i32
    %add3A_4182 = vector.broadcast %add3A_4181 : i32 to vector<13x128xi32>
    %add3A_4183 = arith.addi %select_n3A_4172, %add3A_4182 : vector<13x128xi32>
    %select_n3A_4184 = arith.select %le3A_4180, %add3A_4183, %select_n3A_4172 : vector<13x128xi1>, vector<13x128xi32>
    %add3A_4185 = vector.broadcast %convert_element_type3A_670 : vector<1x1xi32> to vector<13x128xi32>
    %add3A_4186 = arith.addi %add3A_4185, %select_n3A_4184 : vector<13x128xi32>
    %min3A_4187 = arith.constant 63 : i32
    %min3A_4188 = vector.broadcast %min3A_4187 : i32 to vector<13x128xi32>
    %min3A_4189 = arith.minsi %min3A_4188, %add3A_4186 : vector<13x128xi32>
    %sub3A_4190 = vector.broadcast %convert_element_type3A_670 : vector<1x1xi32> to vector<13x128xi32>
    %sub3A_4191 = arith.subi %sub3A_4190, %select_n3A_4184 : vector<13x128xi32>
    %max3A_4192 = arith.constant 0 : i32
    %max3A_4193 = vector.broadcast %max3A_4192 : i32 to vector<13x128xi32>
    %max3A_4194 = arith.maxsi %max3A_4193, %sub3A_4191 : vector<13x128xi32>
    %sub3A_4195 = arith.subi %min3A_4189, %max3A_4194 : vector<13x128xi32>
    %add3A_4196 = arith.constant 1 : i32
    %add3A_4197 = vector.broadcast %add3A_4196 : i32 to vector<13x128xi32>
    %add3A_4198 = arith.addi %sub3A_4195, %add3A_4197 : vector<13x128xi32>
    %lt3A_4199 = arith.constant 0 : i32
    %lt3A_4200 = vector.broadcast %lt3A_4199 : i32 to vector<13x128xi32>
    %lt3A_4201 = arith.cmpi slt, %sub3A_4160, %lt3A_4200 : vector<13x128xi32>
    %jit3A_4202 = arith.constant 0 : i32
    %broadcast_in_dim3A_4203 = vector.broadcast %jit3A_4202 : i32 to vector<13x128xi32>
    %select_n3A_4204 = arith.select %lt3A_4201, %broadcast_in_dim3A_4203, %add3A_4198 : vector<13x128xi1>, vector<13x128xi32>
    %add3A_4205 = arith.addi %add3A_4148, %select_n3A_4204 : vector<13x128xi32>
    %sub3A_4206 = arith.constant 1 : i32
    %sub3A_4207 = vector.broadcast %sub3A_4206 : i32 to vector<13x128xi32>
    %sub3A_4208 = arith.subi %get3A_673, %sub3A_4207 : vector<13x128xi32>
    %sub3A_4209 = arith.constant 62 : i32
    %sub3A_4210 = vector.broadcast %sub3A_4209 : i32 to vector<1x1xi32>
    %sub3A_4211 = arith.subi %sub3A_4210, %convert_element_type3A_669 : vector<1x1xi32>
    %sub3A_4212 = arith.constant 62 : i32
    %sub3A_4213 = vector.broadcast %sub3A_4212 : i32 to vector<1x1xi32>
    %sub3A_4214 = arith.subi %sub3A_4213, %convert_element_type3A_669 : vector<1x1xi32>
    %mul3A_4215 = arith.muli %sub3A_4211, %sub3A_4214 : vector<1x1xi32>
    %sub3A_4216 = vector.broadcast %mul3A_4215 : vector<1x1xi32> to vector<13x128xi32>
    %sub3A_4217 = arith.subi %sub3A_4208, %sub3A_4216 : vector<13x128xi32>
    %max3A_4218 = arith.constant 0 : i32
    %max3A_4219 = vector.broadcast %max3A_4218 : i32 to vector<13x128xi32>
    %max3A_4220 = arith.maxsi %sub3A_4217, %max3A_4219 : vector<13x128xi32>
    %convert_element_type3A_4221 = arith.sitofp %max3A_4220 : vector<13x128xi32> to vector<13x128xf32>
    %sqrt3A_4222 = math.sqrt %convert_element_type3A_4221 : vector<13x128xf32>
    %convert_element_type3A_4223 = arith.fptosi %sqrt3A_4222 : vector<13x128xf32> to vector<13x128xi32>
    %mul3A_4224 = arith.muli %convert_element_type3A_4223, %convert_element_type3A_4223 : vector<13x128xi32>
    %gt3A_4225 = arith.cmpi sgt, %mul3A_4224, %max3A_4220 : vector<13x128xi32>
    %sub3A_4226 = arith.constant 1 : i32
    %sub3A_4227 = vector.broadcast %sub3A_4226 : i32 to vector<13x128xi32>
    %sub3A_4228 = arith.subi %convert_element_type3A_4223, %sub3A_4227 : vector<13x128xi32>
    %select_n3A_4229 = arith.select %gt3A_4225, %sub3A_4228, %convert_element_type3A_4223 : vector<13x128xi1>, vector<13x128xi32>
    %add3A_4230 = arith.constant 1 : i32
    %add3A_4231 = vector.broadcast %add3A_4230 : i32 to vector<13x128xi32>
    %add3A_4232 = arith.addi %select_n3A_4229, %add3A_4231 : vector<13x128xi32>
    %add3A_4233 = arith.constant 1 : i32
    %add3A_4234 = vector.broadcast %add3A_4233 : i32 to vector<13x128xi32>
    %add3A_4235 = arith.addi %select_n3A_4229, %add3A_4234 : vector<13x128xi32>
    %mul3A_4236 = arith.muli %add3A_4232, %add3A_4235 : vector<13x128xi32>
    %le3A_4237 = arith.cmpi sle, %mul3A_4236, %max3A_4220 : vector<13x128xi32>
    %add3A_4238 = arith.constant 1 : i32
    %add3A_4239 = vector.broadcast %add3A_4238 : i32 to vector<13x128xi32>
    %add3A_4240 = arith.addi %select_n3A_4229, %add3A_4239 : vector<13x128xi32>
    %select_n3A_4241 = arith.select %le3A_4237, %add3A_4240, %select_n3A_4229 : vector<13x128xi1>, vector<13x128xi32>
    %add3A_4242 = vector.broadcast %convert_element_type3A_670 : vector<1x1xi32> to vector<13x128xi32>
    %add3A_4243 = arith.addi %add3A_4242, %select_n3A_4241 : vector<13x128xi32>
    %min3A_4244 = arith.constant 63 : i32
    %min3A_4245 = vector.broadcast %min3A_4244 : i32 to vector<13x128xi32>
    %min3A_4246 = arith.minsi %min3A_4245, %add3A_4243 : vector<13x128xi32>
    %sub3A_4247 = vector.broadcast %convert_element_type3A_670 : vector<1x1xi32> to vector<13x128xi32>
    %sub3A_4248 = arith.subi %sub3A_4247, %select_n3A_4241 : vector<13x128xi32>
    %max3A_4249 = arith.constant 0 : i32
    %max3A_4250 = vector.broadcast %max3A_4249 : i32 to vector<13x128xi32>
    %max3A_4251 = arith.maxsi %max3A_4250, %sub3A_4248 : vector<13x128xi32>
    %sub3A_4252 = arith.subi %min3A_4246, %max3A_4251 : vector<13x128xi32>
    %add3A_4253 = arith.constant 1 : i32
    %add3A_4254 = vector.broadcast %add3A_4253 : i32 to vector<13x128xi32>
    %add3A_4255 = arith.addi %sub3A_4252, %add3A_4254 : vector<13x128xi32>
    %lt3A_4256 = arith.constant 0 : i32
    %lt3A_4257 = vector.broadcast %lt3A_4256 : i32 to vector<13x128xi32>
    %lt3A_4258 = arith.cmpi slt, %sub3A_4217, %lt3A_4257 : vector<13x128xi32>
    %jit3A_4259 = arith.constant 0 : i32
    %broadcast_in_dim3A_4260 = vector.broadcast %jit3A_4259 : i32 to vector<13x128xi32>
    %select_n3A_4261 = arith.select %lt3A_4258, %broadcast_in_dim3A_4260, %add3A_4255 : vector<13x128xi1>, vector<13x128xi32>
    %add3A_4262 = arith.addi %add3A_4205, %select_n3A_4261 : vector<13x128xi32>
    %sub3A_4263 = arith.constant 1 : i32
    %sub3A_4264 = vector.broadcast %sub3A_4263 : i32 to vector<13x128xi32>
    %sub3A_4265 = arith.subi %get3A_673, %sub3A_4264 : vector<13x128xi32>
    %sub3A_4266 = arith.constant 63 : i32
    %sub3A_4267 = vector.broadcast %sub3A_4266 : i32 to vector<1x1xi32>
    %sub3A_4268 = arith.subi %sub3A_4267, %convert_element_type3A_669 : vector<1x1xi32>
    %sub3A_4269 = arith.constant 63 : i32
    %sub3A_4270 = vector.broadcast %sub3A_4269 : i32 to vector<1x1xi32>
    %sub3A_4271 = arith.subi %sub3A_4270, %convert_element_type3A_669 : vector<1x1xi32>
    %mul3A_4272 = arith.muli %sub3A_4268, %sub3A_4271 : vector<1x1xi32>
    %sub3A_4273 = vector.broadcast %mul3A_4272 : vector<1x1xi32> to vector<13x128xi32>
    %sub3A_4274 = arith.subi %sub3A_4265, %sub3A_4273 : vector<13x128xi32>
    %max3A_4275 = arith.constant 0 : i32
    %max3A_4276 = vector.broadcast %max3A_4275 : i32 to vector<13x128xi32>
    %max3A_4277 = arith.maxsi %sub3A_4274, %max3A_4276 : vector<13x128xi32>
    %convert_element_type3A_4278 = arith.sitofp %max3A_4277 : vector<13x128xi32> to vector<13x128xf32>
    %sqrt3A_4279 = math.sqrt %convert_element_type3A_4278 : vector<13x128xf32>
    %convert_element_type3A_4280 = arith.fptosi %sqrt3A_4279 : vector<13x128xf32> to vector<13x128xi32>
    %mul3A_4281 = arith.muli %convert_element_type3A_4280, %convert_element_type3A_4280 : vector<13x128xi32>
    %gt3A_4282 = arith.cmpi sgt, %mul3A_4281, %max3A_4277 : vector<13x128xi32>
    %sub3A_4283 = arith.constant 1 : i32
    %sub3A_4284 = vector.broadcast %sub3A_4283 : i32 to vector<13x128xi32>
    %sub3A_4285 = arith.subi %convert_element_type3A_4280, %sub3A_4284 : vector<13x128xi32>
    %select_n3A_4286 = arith.select %gt3A_4282, %sub3A_4285, %convert_element_type3A_4280 : vector<13x128xi1>, vector<13x128xi32>
    %add3A_4287 = arith.constant 1 : i32
    %add3A_4288 = vector.broadcast %add3A_4287 : i32 to vector<13x128xi32>
    %add3A_4289 = arith.addi %select_n3A_4286, %add3A_4288 : vector<13x128xi32>
    %add3A_4290 = arith.constant 1 : i32
    %add3A_4291 = vector.broadcast %add3A_4290 : i32 to vector<13x128xi32>
    %add3A_4292 = arith.addi %select_n3A_4286, %add3A_4291 : vector<13x128xi32>
    %mul3A_4293 = arith.muli %add3A_4289, %add3A_4292 : vector<13x128xi32>
    %le3A_4294 = arith.cmpi sle, %mul3A_4293, %max3A_4277 : vector<13x128xi32>
    %add3A_4295 = arith.constant 1 : i32
    %add3A_4296 = vector.broadcast %add3A_4295 : i32 to vector<13x128xi32>
    %add3A_4297 = arith.addi %select_n3A_4286, %add3A_4296 : vector<13x128xi32>
    %select_n3A_4298 = arith.select %le3A_4294, %add3A_4297, %select_n3A_4286 : vector<13x128xi1>, vector<13x128xi32>
    %add3A_4299 = vector.broadcast %convert_element_type3A_670 : vector<1x1xi32> to vector<13x128xi32>
    %add3A_4300 = arith.addi %add3A_4299, %select_n3A_4298 : vector<13x128xi32>
    %min3A_4301 = arith.constant 63 : i32
    %min3A_4302 = vector.broadcast %min3A_4301 : i32 to vector<13x128xi32>
    %min3A_4303 = arith.minsi %min3A_4302, %add3A_4300 : vector<13x128xi32>
    %sub3A_4304 = vector.broadcast %convert_element_type3A_670 : vector<1x1xi32> to vector<13x128xi32>
    %sub3A_4305 = arith.subi %sub3A_4304, %select_n3A_4298 : vector<13x128xi32>
    %max3A_4306 = arith.constant 0 : i32
    %max3A_4307 = vector.broadcast %max3A_4306 : i32 to vector<13x128xi32>
    %max3A_4308 = arith.maxsi %max3A_4307, %sub3A_4305 : vector<13x128xi32>
    %sub3A_4309 = arith.subi %min3A_4303, %max3A_4308 : vector<13x128xi32>
    %add3A_4310 = arith.constant 1 : i32
    %add3A_4311 = vector.broadcast %add3A_4310 : i32 to vector<13x128xi32>
    %add3A_4312 = arith.addi %sub3A_4309, %add3A_4311 : vector<13x128xi32>
    %lt3A_4313 = arith.constant 0 : i32
    %lt3A_4314 = vector.broadcast %lt3A_4313 : i32 to vector<13x128xi32>
    %lt3A_4315 = arith.cmpi slt, %sub3A_4274, %lt3A_4314 : vector<13x128xi32>
    %jit3A_4316 = arith.constant 0 : i32
    %broadcast_in_dim3A_4317 = vector.broadcast %jit3A_4316 : i32 to vector<13x128xi32>
    %select_n3A_4318 = arith.select %lt3A_4315, %broadcast_in_dim3A_4317, %add3A_4312 : vector<13x128xi1>, vector<13x128xi32>
    %add3A_4319 = arith.addi %add3A_4262, %select_n3A_4318 : vector<13x128xi32>
    %sub3A_4320 = arith.constant 4096 : i32
    %sub3A_4321 = vector.broadcast %sub3A_4320 : i32 to vector<13x128xi32>
    %sub3A_4322 = arith.subi %sub3A_4321, %add3A_4319 : vector<13x128xi32>
    %convert_element_type3A_4323 = arith.sitofp %sub3A_4322 : vector<13x128xi32> to vector<13x128xf32>
    %swap3A_4324 = arith.constant 0 : index
    %swap3A_4325 = arith.constant 0 : index
    %swap3A_4326 = vector.load %arg10[%swap3A_4324, %swap3A_4325] : memref<13x128xf32, #tpu.memory_space<vmem>>, vector<13x128xf32>
    tpu.vector_store %arg10[%swap3A_4324, %swap3A_4325], %convert_element_type3A_4323 {strides = array<i32>} : memref<13x128xf32, #tpu.memory_space<vmem>>, vector<13x128xf32>,
    return
  }
}

</mosaic_0001>

<sc_bundles>
// kernel: kernel.5.cloned.1.call-start
scs
__scs_entry_jumppad:
0x0: {  	(pc) =	sbr.rel $0x88, $3  }
0x1: {  	(tag) =	ssettag $0x0;
	lr =	simm.s32 $0x1  }
0x2: {  	[smem:$0x3F9B] =	sst lr;
	_ =	strace $0xD0000000  }
0x3: {  	_ = 	snop  }
0x4: {  	_ = 	snop  }
0x5: {  	_ = 	snop  }
0x6: {  	_ = 	snop  }
0x7: {  	_ = 	snop  }
__scs_overlays_trampoline_lowered:
0x8: {  	[smem:$0x3FAA] =	sst s0  }
0x9: {  	[smem:$0x3FAB] =	sst s1  }
0xa: {  	[smem:$0x3FAC] =	sst s2  }
0xb: {  	[smem:$0x3FAD] =	sst s3  }
0xc: {  	[smem:$0x3FAE] =	sst s4  }
0xd: {  	[smem:$0x3FAF] =	sst s5  }
0xe: {  	[smem:$0x3FB0] =	sst s6  }
0xf: {  	[smem:$0x3FB1] =	sst s7  }
0x10: {  	[smem:$0x3FB2] =	sst s8  }
0x11: {  	[smem:$0x3FB3] =	sst s9;
	s0 =	simm.s32 @!p0 $0x0  }
0x12: {  	s1 =	sld [smem:$0x3F99];
	s0 =	simm.s32 @p0 $0x1  }
0x13: {  	[smem:$0x3FB4] =	sst s0;
	s0 =	simm.s32 @!p1 $0x0  }
0x14: {  	s2 =	sld [smem:$0x3F98];
	s0 =	simm.s32 @p1 $0x1  }
0x15: {  	[smem:$0x3FB5] =	sst s0;
	s0 =	simm.s32 @!p2 $0x0  }
0x16: {  	s3 =	sld [smem:$0x3FDB];
	s0 =	simm.s32 @p2 $0x1  }
0x17: {  	s4 =	simm.s32 $0x1BF5;
	[smem:$0x3FB7] =	sst s0  }
0x18: {  	s0 =	sld [smem:$0x3F9A];
	_ =	swait.ge [sflag:s4], $0x0  }
0x19: {  	s7 =	sld [smem:$0x3F9B]  }
0x1a: {  	s8 =	sadd.s32 $0xFFFFE003, lr  }
0x1b: {  	s9 =	sadd.s32 $0xFFFFFEF7, lr;
	s5 =	simm.s32 $0xFFFFFFFF;
	p2 =	slt.u32 s8, $0xFFFFF086  }
0x1c: {  	p1 =	slt.u32 s9, $0xF7A;
	s5 =	simm.s32 @!p2 $0x0  }
0x1d: {  	s5 =	simm.s32 @p1 $0x1;
	p0 =	seq.s32 s7, s2  }
0x1e: {  	s7 =	smul.u32 @!p0 $0xF7A, s2;
	p2 =	seq.s32 @!p0 s5, $0x0  }
0x1f: {  	s9 =	smul.u32 $0xF7A, s1;
	s8 =	simm.s32 @!p0 $0x1BF5;
	p2 =	por !p2, p0  }
0x20: {  	[sflag:s8] =	ssyncset.s32 @!p0 $0xFFFFF086;
	s6 =	sadd.s32 @!p0 s3, s7;
	s7 =	simm.s32 @!p0 $0x108  }
0x21: {  	s3 =	sadd.s32 s3, s9;
	s6 =	sadd.s32 @!p0 $0x88, s6;
	s7 =	simm.s32 @p2 $0x1082  }
0x22: {  	[simem:s7], [sflag:s8] =	dma.local @!p0 [hbm:s6], $0xF7A  }
0x23: {  	s9 =	sor.u32 $0xD0000000, s2;
	s6 =	simm.s32 $0x108;
	_ =	swait.ge @!p0 [sflag:s8], $0x0  }
0x24: {  	s3 =	sadd.s32 $0x88, s3;
	s6 =	simm.s32 @!p1 $0x1082;
	[sflag:s4] =	ssyncset.s32 $0xFFFFF086  }
0x25: {  	[simem:s6], [sflag:s4] =	dma.local [hbm:s3], $0xF7A  }
0x26: {  	[smem:$0x3F9B] =	sst s1;
	(tag) =	ssettag s2;
	_ =	strace s9  }
0x27: {  	s1 =	sld [smem:$0x3FAB]  }
0x28: {  	s2 =	sld [smem:$0x3FAC]  }
0x29: {  	s4 =	sld [smem:$0x3FAE]  }
0x2a: {  	p0 =	seq.s32 s5, $0x0;
	s5 =	sld [smem:$0x3FAF]  }
0x2b: {  	s6 =	sld [smem:$0x3FB0]  }
0x2c: {  	s7 =	sld [smem:$0x3FB1]  }
0x2d: {  	s3 =	simm.s32 $0x108;
	s8 =	sld [smem:$0x3FB2]  }
0x2e: {  	s3 =	simm.s32 @!p0 $0x1082;
	s9 =	sld [smem:$0x3FB3]  }
0x2f: {  	lr =	sadd.s32 s0, s3;
	s0 =	sld [smem:$0x3FAA]  }
0x30: {  	s3 =	sld [smem:$0x3FAD]  }
0x31: {  	[smem:$0x3FB6] =	sst s10  }
0x32: {  	s10 =	sld [smem:$0x3FB4];
	_ =	sdelay $0x3  }
0x33: {  	p0 =	seq.s32 s10, $0x1;
	s10 =	sld [smem:$0x3FB6];
	_ =	sdelay $0x3  }
0x34: {  	[smem:$0x3FB6] =	sst s10  }
0x35: {  	s10 =	sld [smem:$0x3FB5];
	_ =	sdelay $0x3  }
0x36: {  	p1 =	seq.s32 s10, $0x1;
	s10 =	sld [smem:$0x3FB6];
	_ =	sdelay $0x3  }
0x37: {  	[smem:$0x3FB6] =	sst s10  }
0x38: {  	s10 =	sld [smem:$0x3FB7]  }
0x39: {  	_ = 	snop;
	(pc) =	sbr.ind lr, $3  }
0x3a: {  	_ = 	snop  }
0x3b: {  	_ = 	snop  }
0x3c: {  	p2 =	seq.s32 s10, $0x1;
	s10 =	sld [smem:$0x3FB6]  }
0x3d: {  	_ =	shalt  }
0x3e: {  	_ =	shalt  }
0x3f: {  	_ =	shalt  }
0x40: {  	_ =	shalt  }
0x41: {  	_ =	shalt  }
0x42: {  	_ =	shalt  }
0x43: {  	_ =	shalt  }
0x44: {  	_ =	shalt  }
0x45: {  	_ =	shalt  }
0x46: {  	_ =	shalt  }
0x47: {  	_ =	shalt  }
0x48: {  	_ =	shalt  }
0x49: {  	_ =	shalt  }
0x4a: {  	_ =	shalt  }
0x4b: {  	_ =	shalt  }
0x4c: {  	_ =	shalt  }
0x4d: {  	_ =	shalt  }
0x4e: {  	_ =	shalt  }
0x4f: {  	_ =	shalt  }
0x50: {  	_ =	shalt  }
0x51: {  	_ =	shalt  }
0x52: {  	_ =	shalt  }
0x53: {  	_ =	shalt  }
0x54: {  	_ =	shalt  }
0x55: {  	_ =	shalt  }
0x56: {  	_ =	shalt  }
0x57: {  	_ =	shalt  }
0x58: {  	_ =	shalt  }
0x59: {  	_ =	shalt  }
0x5a: {  	_ =	shalt  }
0x5b: {  	_ =	shalt  }
0x5c: {  	_ =	shalt  }
0x5d: {  	_ =	shalt  }
0x5e: {  	_ =	shalt  }
0x5f: {  	_ =	shalt  }
0x60: {  	_ =	shalt  }
0x61: {  	_ =	shalt  }
0x62: {  	_ =	shalt  }
0x63: {  	_ =	shalt  }
0x64: {  	_ =	shalt  }
0x65: {  	_ =	shalt  }
0x66: {  	_ =	shalt  }
0x67: {  	_ =	shalt  }
0x68: {  	_ =	shalt  }
0x69: {  	_ =	shalt  }
0x6a: {  	_ =	shalt  }
0x6b: {  	_ =	shalt  }
0x6c: {  	_ =	shalt  }
0x6d: {  	_ =	shalt  }
0x6e: {  	_ =	shalt  }
0x6f: {  	_ =	shalt  }
0x70: {  	_ =	shalt  }
0x71: {  	_ =	shalt  }
0x72: {  	_ =	shalt  }
0x73: {  	_ =	shalt  }
0x74: {  	_ =	shalt  }
0x75: {  	_ =	shalt  }
0x76: {  	_ =	shalt  }
0x77: {  	_ =	shalt  }
0x78: {  	_ =	shalt  }
0x79: {  	_ =	shalt  }
0x7a: {  	_ =	shalt  }
0x7b: {  	_ =	shalt  }
0x7c: {  	_ =	shalt  }
0x7d: {  	_ =	shalt  }
0x7e: {  	_ =	shalt  }
0x7f: {  	_ =	shalt  }
0x80: {  	_ =	shalt  }
0x81: {  	_ =	shalt  }
0x82: {  	_ =	shalt  }
0x83: {  	_ =	shalt  }
0x84: {  	_ =	shalt  }
0x85: {  	_ =	shalt  }
0x86: {  	_ =	shalt  }
0x87: {  	_ =	shalt  }
.Lfunc_end0:
.L_simem_size_0:
called_computation_lowered:
.L_overlay_start_0:
0x88: {  	s0 =	sld [smem:$0x3FD9]  }
0x89: {  	s1 =	sld [smem:$0x3FFE];
	_ =	sdelay $0x3  }
0x8a: {  	s0 =	sadd.s32 s1, s0  }
0x8b: {  	[smem:$0x3FC2] =	sst s0  }
0x8c: {  	_ = 	snop  }
0x8d: {  	s0 =	sld [smem:$0x3FD0];
	_ =	sdelay $0x2  }
0x8e: {  	s2 =	simm.s32 $0xA;
	s3 =	simm.s32 $0x10;
	s13 =	sld [smem:$0x3FC7]  }
0x8f: {  	[smem:s3], [sflag:s2] =	dma.local [hbm:s0], $0x1  }
0x90: {  	_ =	swait.eq [sflag:s2], $0x1  }
0x91: {  	[sflag:s2] =	ssyncset.done $0x0  }
0x92: {  	s14 =	sld [smem:$0x10];
	[sflag:s2] =	ssyncadd.s32 $0xFFFFFFFF  }
0x93: {  	s15 =	sld [smem:$0x11];
	(tm) =	ssettm $0x1  }
0x94: {  	s16 =	sld [smem:$0x3FFB];
	_ =	sdelay $0x3  }
0x95: {  	_ =	strace s16  }
0x96: {  	s3 =	sld [smem:$0x3FFC];
	_ =	sdelay $0x3  }
0x97: {  	_ =	strace s3  }
0x98: {  	s3 =	sld [smem:$0x3FFD];
	_ =	sdelay $0x3  }
0x99: {  	_ =	strace s3  }
0x9a: {  	_ =	strace $0x8FFFFFFF  }
0x9b: {  	s17 =	sld [smem:$0x3FDB];
	_ =	sdelay $0x1  }
0x9c: {  	s4 =	simm.s32 $_scs_section_size  }
0x9d: {  	s5 =	simm.s32 $_size__tile_overlayer_lowered;
	s6 =	simm.s32 $_tile_overlayer_lowered  }
0x9e: {  	s20 =	simm.s32 $0x1BFF;
	s19 =	sshll.u32 s6, $0x1;
	s3 =	sadd.s32 s4, s17  }
0x9f: {  	s7 =	simm.s32 $0x0;
	s18 =	sshll.u32 s5, $0x1;
	s5 =	sadd.s32 s19, s3  }
0xa0: {  	[timem:s7], [sflag:s20] =	dma.local [hbm:s5], s18  }
0xa1: {  	_ =	swait.ge [sflag:s20], s18  }
0xa2: {  	s4 =	ssub.s32 $0x0, s18;
	[sflag:s20] =	ssyncset.done $0x0  }
0xa3: {  	[sflag:s20] =	ssyncadd.s32 s4;
	_ =	sdelay $0x1  }
0xa4: {  	s21 =	simm.s32 $0x1B8B  }
0xa5: {  	_ =	swait.ge [sflag:s21], $0x1  }
0xa6: {  	[sflag:s21] =	ssyncset.done $0x0  }
0xa7: {  	s23 =	simm.s32 $0x1B8E;
	s22 =	sld [smem:$0x3FFE];
	[sflag:s21] =	ssyncadd.s32 $0xFFFFFFFF  }
0xa8: {  	s24 =	simm.s32 $execute0_lowered;
	[smem:$0x3FD2] =	sst s23  }
0xa9: {  	s5 =	sshll.u32 s24, $0x1;
	_ =	strace $0x80000046;
	[dreg:$0x1] =	wrdreg $0xFFFFFFFF  }
0xaa: {  	s25 =	simm.s32 $_size_execute0_lowered;
	s3 =	sadd.s32 s3, s5;
	[dreg:$0x0] =	wrdreg $0x0  }
0xab: {  	s5 =	sshll.u32 s25, $0x1;
	[dreg:$0x2] =	wrdreg s3  }
0xac: {  	[dreg:$0x3] =	wrdreg s5  }
0xad: {  	[dreg:$0x4] =	wrdreg $0xC0  }
0xae: {  	_ =	task [dreg:s7], $0x5FFFF  }
0xaf: {  	[dreg:$0x1] =	wrdreg $0xFFFFFFFF  }
0xb0: {  	[dreg:$0x0] =	wrdreg $0x60  }
0xb1: {  	[dreg:$0x2] =	wrdreg s13  }
0xb2: {  	[dreg:$0x3] =	wrdreg s22  }
0xb3: {  	[dreg:$0x4] =	wrdreg s14  }
0xb4: {  	[dreg:$0x5] =	wrdreg s15  }
0xb5: {  	[dreg:$0x6] =	wrdreg $0xE8000  }
0xb6: {  	[dreg:$0x7] =	wrdreg $0x11C000  }
0xb7: {  	[dreg:$0x8] =	wrdreg $0x9  }
0xb8: {  	_ =	task.clear_ibuf [dreg:s7], $0x9FFFF;
	_ =	strace $0x90000046  }
0xb9: {  	s26 =	simm.s32 $0x9;
	_ =	strace $0x80000048  }
0xba: {  	_ =	swait.ge [sflag:s26], $0x1  }
0xbb: {  	[sflag:s26] =	ssyncadd.s32 $0xFFFFFFFF  }
0xbc: {  	_ =	strace $0x90000048  }
0xbd: {  	_ =	sfence  }
0xbe: {  	s28 =	sld [smem:$0x0];
	_ =	sdelay $0x1  }
0xbf: {  	s29 =	srdreg.scid  }
0xc0: {  	s30 =	sshll.u32 s29, $0xD;
	s31 =	sshrl.u32 s29, $0x2  }
0xc1: {  	s1 =	sand.u32 $0x1, s29;
	s2 =	sand.u32 $0x4000, s30;
	s0 =	sadd.s32 s31, s28  }
0xc2: {  	s1 =	sor.u32 s2, s1;
	s0 =	sshll.u32 s0, $0x11  }
0xc3: {  	s0 =	sor.u32 s0, s1  }
0xc4: {  	s0 =	sadd.s32 $0x8F2B, s0  }
0xc5: {  	[sflag:s0] =	ssyncadd.remote.s32 $0x1  }
0xc6: {  	_ =	sfence.sel $0xFFFF  }
0xc7: {  	[dreg:$0x0] =	wrdreg $0xFFFFFFFF;
	(pc) =	sbr.abs _section_cstart, $3  }
0xc8: {  	[dreg:$0x1] =	wrdreg $0xFFFFFFFF  }
0xc9: {  	_ =	task.clear_ibuf [dreg:s7], $0x2FFFF;
	_ =	strace $0x9FFFFFFF  }
0xca: {  	(tm) =	ssettm $0x7FFFFFFF  }
0xcb: {  	_ =	shalt  }
tec
execute0_lowered:
.L_overlay_start_1:
0x0: {  	(tag) =	ssettag $0x1  }
0x1: {  	s13 =	rddreg [dreg:$0x0]  }
0x2: {  	s8 =	rddreg [dreg:$0x1]  }
0x3: {  	s11 =	rddreg [dreg:$0x2]  }
0x4: {  	s1 =	rddreg [dreg:$0x3]  }
0x5: {  	s3 =	rddreg [dreg:$0x4]  }
0x6: {  	s9 =	rddreg [dreg:$0x5]  }
0x7: {  	s0 =	rddreg [dreg:$0x6];
	s7 =	simm.s32 $0x0  }
0x8: {  	[smem:$0x7FF] =	sst s7  }
0x9: {  	s10 =	simm.s32 $0x1;
	s2 =	sadd.s32 $0x2E00, s8;
	_ =	strace $0x80000047  }
0xa: {  	[tilespmem:s7], [sflag:$0x1] =	stream.linear.gather [hbm4b:s2+s7], $0x1F80, $0x38;
	[tilespmem:$0x11C80] =	vst v63  }
0xb: {  	_ =	swait.ge [sflag:s10], $0x1F80  }
0xc: {  	s5 =	simm.s32 $0xA180;
	[sflag:s10] =	ssyncset.done $0x0  }
0xd: {  	s4 =	sadd.s32 $0x2C00, s8;
	s2 =	stileid.u32;
	[sflag:s10] =	ssyncadd.s32 $0xFFFFE080  }
0xe: {  	[tilespmem:s5], [sflag:$0x1] =	stream.linear.gather [hbm4b:s4+s7], $0x680, $0x38;
	[tilespmem:$0x11C80] =	vst v63  }
0xf: {  	s6 =	sshll.u32 s2, $0x5;
	_ =	swait.ge [sflag:s10], $0x680  }
0x10: {  	s20 =	sadd.s32 s6, s8;
	[sflag:s10] =	ssyncset.done $0x0  }
0x11: {  	s21 =	simm.s32 $0x1F80;
	s4 =	sadd.s32 $0x2800, s20;
	[sflag:s10] =	ssyncadd.s32 $0xFFFFF980  }
0x12: {  	[tilespmem:s21], [sflag:$0x1] =	stream.linear.gather [hbm4b:s4+s7], $0x100, $0x38;
	[tilespmem:$0x11C80] =	vst v63  }
0x13: {  	_ =	swait.ge [sflag:s10], $0x100  }
0x14: {  	s5 =	sshll.u32 s2, $0xC;
	[sflag:s10] =	ssyncset.done $0x0  }
0x15: {  	s12 =	simm.s32 $0x2180;
	s22 =	sadd.s32 s13, s5;
	[sflag:s10] =	ssyncadd.s32 $0xFFFFFF00  }
0x16: {  	[tilespmem:s12], [sflag:$0x1] =	stream.linear.gather [hbm4b:s22+s7], $0x4000, $0x38;
	[tilespmem:$0x11C80] =	vst v63  }
0x17: {  	_ =	swait.ge [sflag:s10], $0x4000  }
0x18: {  	s4 =	sor.u32 $0x800, s5;
	[sflag:s10] =	ssyncset.done $0x0  }
0x19: {  	s23 =	simm.s32 $0x6180;
	s14 =	sadd.s32 s13, s4;
	[sflag:s10] =	ssyncadd.s32 $0xFFFFC000  }
0x1a: {  	[tilespmem:s23], [sflag:$0x1] =	stream.linear.gather [hbm4b:s14+s7], $0x4000, $0x38;
	[tilespmem:$0x11C80] =	vst v63  }
0x1b: {  	_ =	swait.ge [sflag:s10], $0x4000  }
0x1c: {  	[sflag:s10] =	ssyncset.done $0x0  }
0x1d: {  	[sflag:s10] =	ssyncadd.s32 $0xFFFFC000  }
0x1e: {  	v0 =	vld [tilespmem:$0x1F80];
	_ =	sdelay $0x5  }
0x1f: {  	v1 =	vld [tilespmem:$0x1F90];
	_ =	sdelay $0x1  }
0x20: {  	v0 =	vld.idx.msk [tilespmem:v0+s7+$0x0], $0xffff;
	_ =	sdelay $0x3  }
0x21: {  	v2 =	vld [tilespmem:$0x1FA0]  }
0x22: {  	[tilespmem:$0x2080] =	vst v0  }
0x23: {  	v0 =	vld.idx.msk [tilespmem:v1+s7+$0x0], $0xffff;
	_ =	sdelay $0x3  }
0x24: {  	v1 =	vld [tilespmem:$0x1FB0]  }
0x25: {  	[tilespmem:$0x2090] =	vst v0  }
0x26: {  	v0 =	vld.idx.msk [tilespmem:v2+s7+$0x0], $0xffff;
	_ =	sdelay $0x3  }
0x27: {  	v2 =	vld [tilespmem:$0x1FC0]  }
0x28: {  	[tilespmem:$0x20A0] =	vst v0  }
0x29: {  	v0 =	vld.idx.msk [tilespmem:v1+s7+$0x0], $0xffff;
	_ =	sdelay $0x3  }
0x2a: {  	v1 =	vld [tilespmem:$0x1FD0]  }
0x2b: {  	[tilespmem:$0x20B0] =	vst v0  }
0x2c: {  	v0 =	vld.idx.msk [tilespmem:v2+s7+$0x0], $0xffff;
	_ =	sdelay $0x3  }
0x2d: {  	v2 =	vld [tilespmem:$0x1FE0]  }
0x2e: {  	[tilespmem:$0x20C0] =	vst v0  }
0x2f: {  	v0 =	vld.idx.msk [tilespmem:v1+s7+$0x0], $0xffff;
	_ =	sdelay $0x3  }
0x30: {  	v1 =	vld [tilespmem:$0x1FF0]  }
0x31: {  	[tilespmem:$0x20D0] =	vst v0  }
0x32: {  	v0 =	vld.idx.msk [tilespmem:v2+s7+$0x0], $0xffff;
	_ =	sdelay $0x3  }
0x33: {  	v2 =	vld [tilespmem:$0x2000]  }
0x34: {  	[tilespmem:$0x20E0] =	vst v0  }
0x35: {  	v0 =	vld.idx.msk [tilespmem:v1+s7+$0x0], $0xffff;
	_ =	sdelay $0x3  }
0x36: {  	v1 =	vld [tilespmem:$0x2010]  }
0x37: {  	[tilespmem:$0x20F0] =	vst v0  }
0x38: {  	v0 =	vld.idx.msk [tilespmem:v2+s7+$0x0], $0xffff;
	_ =	sdelay $0x3  }
0x39: {  	v2 =	vld [tilespmem:$0x2020]  }
0x3a: {  	[tilespmem:$0x2100] =	vst v0  }
0x3b: {  	v0 =	vld.idx.msk [tilespmem:v1+s7+$0x0], $0xffff;
	_ =	sdelay $0x3  }
0x3c: {  	v1 =	vld [tilespmem:$0x2030]  }
0x3d: {  	[tilespmem:$0x2110] =	vst v0  }
0x3e: {  	v0 =	vld.idx.msk [tilespmem:v2+s7+$0x0], $0xffff;
	_ =	sdelay $0x3  }
0x3f: {  	v2 =	vld [tilespmem:$0x2040]  }
0x40: {  	[tilespmem:$0x2120] =	vst v0  }
0x41: {  	v0 =	vld.idx.msk [tilespmem:v1+s7+$0x0], $0xffff;
	_ =	sdelay $0x3  }
0x42: {  	v1 =	vld [tilespmem:$0x2050]  }
0x43: {  	[tilespmem:$0x2130] =	vst v0  }
0x44: {  	v0 =	vld.idx.msk [tilespmem:v2+s7+$0x0], $0xffff;
	_ =	sdelay $0x3  }
0x45: {  	v2 =	vld [tilespmem:$0x2060]  }
0x46: {  	[tilespmem:$0x2140] =	vst v0  }
0x47: {  	v0 =	vld.idx.msk [tilespmem:v1+s7+$0x0], $0xffff;
	_ =	sdelay $0x3  }
0x48: {  	v1 =	vld [tilespmem:$0x2070]  }
0x49: {  	[tilespmem:$0x2150] =	vst v0  }
0x4a: {  	v0 =	vld.idx.msk [tilespmem:v2+s7+$0x0], $0xffff;
	_ =	sdelay $0x4  }
0x4b: {  	[tilespmem:$0x2160] =	vst v0  }
0x4c: {  	v0 =	vld.idx.msk [tilespmem:v1+s7+$0x0], $0xffff  }
0x4d: {  	s24 =	smul.u32 $0xD000, s2;
	_ =	sdelay $0x1  }
0x4e: {  	s7 =	sshrl.u32 s24, $0x2  }
0x4f: {  	s25 =	sshll.u32 s2, $0x6;
	s7 =	sadd.s32 s7, s3  }
0x50: {  	s14 =	sor.u32 $0x1C01, s25;
	s15 =	sshrl.u32 s7, $0x3;
	[tilespmem:$0x2170] =	vst v0  }
0x51: {  	[spmem:s15], [sflag:s14] =	dma.local [hbm:s11], $0x680  }
0x52: {  	_ =	swait.ge [sflag:s10], $0x680  }
0x53: {  	[sflag:s10] =	ssyncset.done $0x0  }
0x54: {  	[sflag:s10] =	ssyncadd.s32 $0xFFFFF980  }
0x55: {  	s26 =	simm.s32 $0x80;
	s28 =	simm.s32 $0x2080;
	[bflag:$0x0] =	sbarrier.arrive $0xFFFF  }
0x56: {  	[spmem:s3] =	stream.indirect.scatter.add.f32 [tilespmem:s12], [sflag:$0x1], $0x80, s28, s26, $0xb8;
	[tilespmem:$0x11C80] =	vst v63  }
0x57: {  	_ =	swait.ge [sflag:s10], $0x4000  }
0x58: {  	[sflag:s10] =	ssyncset.done $0x0  }
0x59: {  	s29 =	simm.s32 $0x2100;
	[sflag:s10] =	ssyncadd.s32 $0xFFFFC000  }
0x5a: {  	[spmem:s3] =	stream.indirect.scatter.add.f32 [tilespmem:s23], [sflag:$0x1], $0x80, s29, s26, $0xb8;
	[tilespmem:$0x11C80] =	vst v63  }
0x5b: {  	_ =	swait.ge [sflag:s10], $0x4000  }
0x5c: {  	[sflag:s10] =	ssyncset.done $0x0  }
0x5d: {  	[sflag:s10] =	ssyncadd.s32 $0xFFFFC000  }
0x5e: {  	s30 =	simm.s32 $0xA980;
	[bflag:$0x0] =	sbarrier.arrive $0xFFFF  }
0x5f: {  	[tilespmem:s30], [sflag:$0x1] =	stream.linear.gather [spmem:s7], $0x3400, $0x38;
	[tilespmem:$0x11C80] =	vst v63  }
0x60: {  	_ =	swait.ge [sflag:s10], $0x3400  }
0x61: {  	[sflag:s10] =	ssyncset.done $0x0  }
0x62: {  	s31 =	simm.s32 $0x0;
	[sflag:s10] =	ssyncadd.s32 $0xFFFFCC00  }
0x63: {  	v0 =	vld [tilespmem:s31+$0xA9F0]  }
0x64: {  	v2 =	vld [tilespmem:s31+$0xA980]  }
0x65: {  	v3 =	vld [tilespmem:s31+$0xA990]  }
0x66: {  	v11 =	vld [tilespmem:s31+$0xA9A0]  }
0x67: {  	v9 =	vld [tilespmem:s31+$0xA9B0]  }
0x68: {  	v5 =	vimm.f32 $0.0e+00;
	v1 =	vimm.f32 $0.0e+00;
	v6 =	vld [tilespmem:s31+$0xA9C0]  }
0x69: {  	v10 =	vimm.f32 $0.0e+00;
	v7 =	vimm.f32 $0.0e+00;
	v8 =	vld [tilespmem:s31+$0xA9D0];
	v0 =	vadd.f32 v0, v1  }
0x6a: {  	s8 =	sadd.s32 $0x2A00, s8;
	s11 =	simm.s32 $0x400;
	s10 =	simm.s32 $0x80;
	v12 =	vld [tilespmem:s31+$0xA9E0];
	v4 =	vadd.f32 v2, v1;
	v3 =	vadd.f32 v3, v1;
	v2 =	vimm.f32 $0.0e+00  }
.LBB2_1:
0x6b: {  	p0 =	sne.s32 s11, $0xCE00;
	v13 =	vld [tilespmem:s10+$0xA9F0];
	v1 =	vadd.f32 v11, v1  }
0x6c: {  	v14 =	vld [tilespmem:s10+$0xA980];
	v5 =	vadd.f32 v9, v5  }
0x6d: {  	v15 =	vld [tilespmem:s10+$0xA990];
	v10 =	vadd.f32 v6, v10  }
.Ltmp0:
0x6e: {  	v11 =	vld [tilespmem:s10+$0xA9A0];
	v7 =	vadd.f32 v8, v7;
	(pc) =	sbr.rel @p0 .LBB2_1-.Ltmp0, $4  }
0x6f: {  	v9 =	vld [tilespmem:s10+$0xA9B0];
	v2 =	vadd.f32 v12, v2  }
0x70: {  	v6 =	vld [tilespmem:s10+$0xA9C0];
	v0 =	vadd.f32 v13, v0  }
0x71: {  	v4 =	vadd.f32 v14, v4;
	v8 =	vld [tilespmem:s10+$0xA9D0]  }
0x72: {  	v3 =	vadd.f32 v15, v3;
	v12 =	vld [tilespmem:s10+$0xA9E0];
	s10 =	sshra.s32 s11, $0x2;
	s11 =	sadd.s32 $0x200, s11  }
0x73: {  	v14 =	vld [tilespmem:s10+$0xA980]  }
0x74: {  	v15 =	vld [tilespmem:s10+$0xA990]  }
0x75: {  	v16 =	vld [tilespmem:s10+$0xA9A0]  }
0x76: {  	v17 =	vld [tilespmem:s10+$0xA9B0]  }
0x77: {  	v13 =	vld [tilespmem:s10+$0xA9F0];
	v1 =	vadd.f32 v11, v1  }
0x78: {  	v5 =	vadd.f32 v9, v5;
	v9 =	vld [tilespmem:s10+$0xA9E0];
	v4 =	vadd.f32 v14, v4  }
0x79: {  	v18 =	vld [tilespmem:s10+$0xA9C0];
	v3 =	vadd.f32 v15, v3  }
0x7a: {  	v11 =	vld [tilespmem:s10+$0xA9D0];
	v1 =	vadd.f32 v16, v1;
	[tilespmem:$0xDD80] =	vst v4  }
0x7b: {  	v2 =	vadd.f32 v12, v2;
	v5 =	vadd.f32 v17, v5;
	[tilespmem:$0xDD90] =	vst v3  }
0x7c: {  	v6 =	vadd.f32 v6, v10;
	v0 =	vadd.f32 v13, v0;
	[tilespmem:$0xDDA0] =	vst v1  }
0x7d: {  	v2 =	vadd.f32 v9, v2;
	v4 =	vadd.f32 v8, v7;
	[tilespmem:$0xDDB0] =	vst v5  }
0x7e: {  	v3 =	vadd.f32 v18, v6;
	[tilespmem:$0xDDF0] =	vst v0  }
0x7f: {  	[tilespmem:$0xDDE0] =	vst v2;
	v1 =	vadd.f32 v11, v4  }
0x80: {  	s29 =	sshll.u32 s2, $0x7;
	[tilespmem:$0xDDC0] =	vst v3  }
0x81: {  	s11 =	simm.s32 $0xDD80;
	s30 =	simm.s32 $0x1;
	s10 =	sadd.s32 s29, s9;
	[tilespmem:$0xDDD0] =	vst v1  }
0x82: {  	[spmem:s10] =	stream.linear.scatter [tilespmem:s11], [sflag:$0x1], $0x80, $0x38;
	[tilespmem:$0x11C80] =	vst v63  }
0x83: {  	_ =	swait.ge [sflag:s30], $0x80  }
0x84: {  	[sflag:s30] =	ssyncset.done $0x0  }
0x85: {  	[sflag:s30] =	ssyncadd.s32 $0xFFFFFF80  }
0x86: {  	s31 =	simm.s32 $0xDE00;
	[bflag:$0x0] =	sbarrier.arrive $0xFFFF  }
0x87: {  	[tilespmem:s31], [sflag:$0x1] =	stream.linear.gather [spmem:s9], $0x800, $0x38;
	[tilespmem:$0x11C80] =	vst v63  }
0x88: {  	_ =	swait.ge [sflag:s30], $0x800  }
0x89: {  	[sflag:s30] =	ssyncset.done $0x0  }
0x8a: {  	[sflag:s30] =	ssyncadd.s32 $0xFFFFF800  }
0x8b: {  	v1 =	vld [tilespmem:$0xDE00]  }
0x8c: {  	v2 =	vld [tilespmem:$0xDE10]  }
0x8d: {  	v4 =	vld [tilespmem:$0xDE20]  }
0x8e: {  	v6 =	vld [tilespmem:$0xDE30]  }
0x8f: {  	v7 =	vld [tilespmem:$0xDE40]  }
0x90: {  	v9 =	vld [tilespmem:$0xDE50]  }
0x91: {  	v12 =	vld [tilespmem:$0xDE60]  }
0x92: {  	v15 =	vld [tilespmem:$0xDE70]  }
0x93: {  	v61 =	vld [tilespmem:$0xDE80]  }
0x94: {  	v62 =	vld [tilespmem:$0xDE90]  }
0x95: {  	v19 =	vld [tilespmem:$0xDEA0]  }
0x96: {  	v20 =	vld [tilespmem:$0xDEB0]  }
0x97: {  	v21 =	vld [tilespmem:$0xDEC0]  }
0x98: {  	v23 =	vld [tilespmem:$0xDED0]  }
0x99: {  	v24 =	vld [tilespmem:$0xDEE0]  }
0x9a: {  	v25 =	vld [tilespmem:$0xDEF0]  }
0x9b: {  	v26 =	vld [tilespmem:$0xDF00]  }
0x9c: {  	v27 =	vld [tilespmem:$0xDF10]  }
0x9d: {  	v28 =	vld [tilespmem:$0xDF20]  }
0x9e: {  	v29 =	vld [tilespmem:$0xDF30]  }
0x9f: {  	v30 =	vld [tilespmem:$0xDF40]  }
0xa0: {  	v31 =	vld [tilespmem:$0xDF50]  }
0xa1: {  	v32 =	vld [tilespmem:$0xDF60]  }
0xa2: {  	v33 =	vld [tilespmem:$0xDF70]  }
0xa3: {  	v34 =	vld [tilespmem:$0xDF80]  }
0xa4: {  	v35 =	vld [tilespmem:$0xDF90]  }
0xa5: {  	v36 =	vld [tilespmem:$0xDFA0]  }
0xa6: {  	v37 =	vld [tilespmem:$0xDFB0]  }
0xa7: {  	v38 =	vld [tilespmem:$0xDFC0]  }
0xa8: {  	v39 =	vld [tilespmem:$0xDFD0]  }
0xa9: {  	v40 =	vld [tilespmem:$0xDFE0]  }
0xaa: {  	v41 =	vld [tilespmem:$0xDFF0]  }
0xab: {  	v42 =	vld [tilespmem:$0xE000]  }
0xac: {  	v43 =	vld [tilespmem:$0xE010]  }
0xad: {  	v44 =	vld [tilespmem:$0xE020]  }
0xae: {  	v45 =	vld [tilespmem:$0xE030]  }
0xaf: {  	v46 =	vld [tilespmem:$0xE040]  }
0xb0: {  	v47 =	vld [tilespmem:$0xE050]  }
0xb1: {  	v48 =	vld [tilespmem:$0xE060]  }
0xb2: {  	v49 =	vld [tilespmem:$0xE070]  }
0xb3: {  	v50 =	vld [tilespmem:$0xE080]  }
0xb4: {  	v22 =	vld [tilespmem:$0xE090]  }
0xb5: {  	v18 =	vld [tilespmem:$0xE0A0]  }
0xb6: {  	v13 =	vld [tilespmem:$0xE0B0]  }
0xb7: {  	v14 =	vld [tilespmem:$0xE0C0]  }
0xb8: {  	v10 =	vld [tilespmem:$0xE0D0]  }
0xb9: {  	v11 =	vld [tilespmem:$0xE0E0]  }
0xba: {  	v5 =	vld [tilespmem:$0xE0F0]  }
0xbb: {  	v3 =	vld [tilespmem:$0xE100]  }
0xbc: {  	v0 =	vld [tilespmem:$0xE110]  }
0xbd: {  	v8 =	vmul.f32 $0.0e+00, v1;
	v1 =	vld [tilespmem:$0xE120];
	v51 =	vmul.f32 $0.0e+00, v2  }
0xbe: {  	p0 =	seq.s32 s2, $0x0;
	s9 =	simm.f32 $1.000000000e+00;
	v4 =	vmul.f32 $0.0e+00, v4;
	v2 =	vld [tilespmem:$0xE130];
	v53 =	vmul.f32 $0.0e+00, v6  }
0xbf: {  	s9 =	simm.s32 @!p0 $0x0;
	v7 =	vmul.f32 $0.0e+00, v7;
	v9 =	vmul.f32 $0.0e+00, v9;
	v6 =	vld [tilespmem:$0xE150]  }
0xc0: {  	v16 =	vmul.f32 s9, v61;
	v63 =	vmul.f32 s9, v19;
	v19 =	vld [tilespmem:$0xE1B0]  }
0xc1: {  	v12 =	vmul.f32 $0.0e+00, v12;
	v17 =	vmul.f32 s9, v62;
	v52 =	vadd.f32 $0.0e+00, v8;
	v8 =	vld [tilespmem:$0xE140]  }
0xc2: {  	s10 =	simm.f32 $1.000000000e+00;
	p0 =	slt.u32 s2, $0x2;
	v15 =	vmul.f32 $0.0e+00, v15;
	v60 =	vmul.f32 s9, v20;
	v54 =	vadd.f32 $0.0e+00, v4;
	v4 =	vld [tilespmem:$0xE160]  }
0xc3: {  	s10 =	simm.s32 @!p0 $0x0;
	v61 =	vmul.f32 s9, v23;
	v62 =	vmul.f32 s9, v24;
	v55 =	vadd.f32 $0.0e+00, v7;
	v7 =	vld [tilespmem:$0xE170]  }
0xc4: {  	v58 =	vmul.f32 s10, v26;
	v51 =	vadd.f32 $0.0e+00, v51;
	v56 =	vadd.f32 $0.0e+00, v9;
	v9 =	vld [tilespmem:$0xE180]  }
0xc5: {  	v29 =	vmul.f32 s10, v29;
	v53 =	vadd.f32 $0.0e+00, v53;
	v57 =	vadd.f32 $0.0e+00, v12;
	v12 =	vld [tilespmem:$0xE190]  }
0xc6: {  	v20 =	vadd.f32 $0.0e+00, v15;
	v15 =	vmul.f32 s9, v21;
	v21 =	vld [tilespmem:$0xE1F0];
	v52 =	vadd.f32 v16, v52  }
0xc7: {  	v30 =	vmul.f32 s10, v30;
	v51 =	vadd.f32 v17, v51;
	v54 =	vadd.f32 v63, v54;
	v17 =	vld [tilespmem:$0xE1A0]  }
0xc8: {  	v53 =	vadd.f32 v60, v53;
	v23 =	vadd.f32 v15, v55;
	v63 =	vmul.f32 s9, v25;
	v15 =	vld [tilespmem:$0xE1C0]  }
0xc9: {  	v59 =	vadd.f32 v61, v56;
	v60 =	vadd.f32 v62, v57;
	v61 =	vmul.f32 s10, v27;
	v16 =	vld [tilespmem:$0xE1D0]  }
0xca: {  	v62 =	vmul.f32 s10, v28;
	v56 =	vmul.f32 s10, v33;
	v33 =	vld [tilespmem:$0xE210];
	v24 =	vadd.f32 v63, v20  }
0xcb: {  	p0 =	slt.u32 s2, $0x3;
	v31 =	vmul.f32 s10, v31;
	s9 =	simm.f32 $1.000000000e+00;
	v25 =	vadd.f32 v58, v52;
	v20 =	vld [tilespmem:$0xE1E0];
	v63 =	vadd.f32 v61, v51  }
0xcc: {  	v32 =	vmul.f32 s10, v32;
	s9 =	simm.s32 @!p0 $0x0;
	v27 =	vadd.f32 v62, v54;
	v51 =	vld [tilespmem:$0xE200];
	v29 =	vadd.f32 v29, v53  }
0xcd: {  	v26 =	vadd.f32 v31, v59;
	v58 =	vmul.f32 s9, v34;
	v34 =	vld [tilespmem:$0xE220];
	v59 =	vmul.f32 s9, v35  }
0xce: {  	s10 =	simm.f32 $1.000000000e+00;
	p0 =	slt.u32 s2, $0x4;
	v57 =	vadd.f32 v32, v60;
	v60 =	vmul.f32 s9, v36;
	v36 =	vld [tilespmem:$0xE230];
	v61 =	vmul.f32 s9, v37  }
0xcf: {  	v23 =	vadd.f32 v30, v23;
	v62 =	vmul.f32 s9, v38;
	v38 =	vld [tilespmem:$0xE240];
	s10 =	simm.s32 @!p0 $0x0;
	v52 =	vmul.f32 s9, v40  }
0xd0: {  	v35 =	vld [tilespmem:$0xE250];
	v53 =	vmul.f32 s9, v41;
	v54 =	vmul.f32 s10, v42;
	v24 =	vadd.f32 v56, v24  }
0xd1: {  	v37 =	vld [tilespmem:$0xE260];
	v55 =	vmul.f32 s10, v43;
	v25 =	vadd.f32 v58, v25;
	v28 =	vadd.f32 v59, v63  }
0xd2: {  	v40 =	vld [tilespmem:$0xE270];
	v27 =	vadd.f32 v60, v27;
	v63 =	vmul.f32 s9, v39;
	v29 =	vadd.f32 v61, v29  }
0xd3: {  	v41 =	vld [tilespmem:$0xE2A0];
	v31 =	vadd.f32 v52, v57;
	v56 =	vmul.f32 s10, v44;
	v57 =	vmul.f32 s10, v45  }
0xd4: {  	p0 =	slt.u32 s2, $0x5;
	v32 =	vld [tilespmem:$0xE2E0];
	v23 =	vadd.f32 v62, v23;
	s9 =	simm.f32 $1.000000000e+00;
	v58 =	vmul.f32 s10, v46;
	v59 =	vmul.f32 s10, v47  }
0xd5: {  	v42 =	vld [tilespmem:$0xE280];
	v60 =	vmul.f32 s10, v48;
	v61 =	vmul.f32 s10, v49;
	s9 =	simm.s32 @!p0 $0x0;
	v26 =	vadd.f32 v63, v26  }
0xd6: {  	v43 =	vld [tilespmem:$0xE300];
	v24 =	vadd.f32 v53, v24;
	v25 =	vadd.f32 v54, v25;
	v62 =	vmul.f32 s9, v50  }
0xd7: {  	v39 =	vld [tilespmem:$0xE290];
	v28 =	vadd.f32 v55, v28;
	v22 =	vmul.f32 s9, v22;
	v18 =	vmul.f32 s9, v18  }
0xd8: {  	v44 =	vld [tilespmem:$0xE2B0];
	s10 =	simm.f32 $1.000000000e+00;
	p0 =	slt.u32 s2, $0x6;
	v27 =	vadd.f32 v56, v27;
	v13 =	vmul.f32 s9, v13;
	v14 =	vmul.f32 s9, v14  }
0xd9: {  	v46 =	vld [tilespmem:$0xE2C0];
	v29 =	vadd.f32 v57, v29;
	v10 =	vmul.f32 s9, v10;
	v11 =	vmul.f32 s9, v11;
	s10 =	simm.s32 @!p0 $0x0  }
0xda: {  	v45 =	vld [tilespmem:$0xE310];
	v23 =	vadd.f32 v58, v23;
	v5 =	vmul.f32 s9, v5;
	v3 =	vmul.f32 s10, v3  }
0xdb: {  	v47 =	vld [tilespmem:$0xE320];
	v63 =	vadd.f32 v60, v31;
	v0 =	vmul.f32 s10, v0;
	v1 =	vmul.f32 s10, v1  }
0xdc: {  	v48 =	vld [tilespmem:$0xE330];
	v2 =	vmul.f32 s10, v2;
	v8 =	vmul.f32 s10, v8;
	v26 =	vadd.f32 v59, v26  }
0xdd: {  	v49 =	vld [tilespmem:$0xE340];
	v6 =	vmul.f32 s10, v6;
	v24 =	vadd.f32 v61, v24;
	v25 =	vadd.f32 v62, v25  }
0xde: {  	v52 =	vld [tilespmem:$0xE3B0];
	p0 =	slt.u32 s2, $0x7;
	s9 =	simm.f32 $1.000000000e+00;
	v4 =	vmul.f32 s10, v4;
	v22 =	vadd.f32 v22, v28;
	v18 =	vadd.f32 v18, v27  }
0xdf: {  	v31 =	vld [tilespmem:$0xE2D0];
	s9 =	simm.s32 @!p0 $0x0;
	v7 =	vmul.f32 s10, v7;
	p0 =	slt.u32 s2, $0x8;
	s10 =	simm.f32 $1.000000000e+00;
	v13 =	vadd.f32 v13, v29;
	v14 =	vadd.f32 v14, v23  }
0xe0: {  	v50 =	vld [tilespmem:$0xE350];
	v11 =	vadd.f32 v11, v63;
	v9 =	vmul.f32 s9, v9;
	s10 =	simm.s32 @!p0 $0x0;
	v10 =	vadd.f32 v10, v26  }
0xe1: {  	v54 =	vld [tilespmem:$0xE3C0];
	v53 =	vmul.f32 s10, v51;
	v5 =	vadd.f32 v5, v24;
	v3 =	vadd.f32 v3, v25  }
0xe2: {  	v55 =	vld [tilespmem:$0xE3E0];
	v56 =	vmul.f32 s10, v38;
	v0 =	vadd.f32 v0, v22;
	v1 =	vadd.f32 v1, v18  }
0xe3: {  	v57 =	vld [tilespmem:$0xE3F0];
	v58 =	vmul.f32 s10, v37;
	v2 =	vadd.f32 v2, v13;
	v8 =	vadd.f32 v8, v14  }
0xe4: {  	v60 =	vld [tilespmem:$0xE410];
	v4 =	vadd.f32 v4, v11;
	v11 =	vmul.f32 s9, v12;
	v12 =	vmul.f32 s9, v17  }
0xe5: {  	v28 =	vld [tilespmem:$0xE2F0];
	v6 =	vadd.f32 v6, v10;
	v5 =	vadd.f32 v7, v5;
	v7 =	vmul.f32 s9, v19  }
0xe6: {  	v59 =	vld [tilespmem:$0xE400];
	v3 =	vadd.f32 v9, v3;
	v0 =	vadd.f32 v11, v0;
	v11 =	vmul.f32 s9, v15  }
0xe7: {  	v61 =	vld [tilespmem:$0xE420];
	v15 =	vmul.f32 s9, v20;
	v2 =	vadd.f32 v7, v2;
	v7 =	vmul.f32 s9, v16  }
0xe8: {  	v63 =	vld [tilespmem:$0xE430];
	v1 =	vadd.f32 v12, v1;
	v8 =	vadd.f32 v11, v8;
	v11 =	vmul.f32 s9, v21  }
0xe9: {  	v37 =	vld [tilespmem:$0xE440];
	v4 =	vadd.f32 v15, v4;
	v6 =	vadd.f32 v7, v6;
	v7 =	vmul.f32 s10, v33  }
0xea: {  	p0 =	slt.u32 s2, $0x9;
	v38 =	vld [tilespmem:$0xE450];
	v3 =	vadd.f32 v53, v3;
	s9 =	simm.f32 $1.000000000e+00;
	v5 =	vadd.f32 v11, v5;
	v11 =	vmul.f32 s10, v34  }
0xeb: {  	v51 =	vld [tilespmem:$0xE550];
	s9 =	simm.s32 @!p0 $0x0;
	v4 =	vadd.f32 v58, v4;
	v0 =	vadd.f32 v7, v0;
	v7 =	vmul.f32 s10, v36  }
0xec: {  	v13 =	vld [tilespmem:$0xE360];
	v62 =	vmul.f32 s9, v41;
	v1 =	vadd.f32 v11, v1;
	v11 =	vmul.f32 s10, v35  }
0xed: {  	v14 =	vld [tilespmem:$0xE380];
	v2 =	vadd.f32 v7, v2;
	v7 =	vadd.f32 v56, v8;
	v8 =	vmul.f32 s10, v40  }
0xee: {  	v10 =	vld [tilespmem:$0xE370];
	v36 =	vmul.f32 s9, v46;
	v6 =	vadd.f32 v11, v6;
	v11 =	vmul.f32 s9, v42  }
0xef: {  	v9 =	vld [tilespmem:$0xE390];
	p0 =	slt.u32 s2, $0xA;
	s10 =	simm.f32 $1.000000000e+00;
	v1 =	vadd.f32 v62, v1;
	v5 =	vadd.f32 v8, v5;
	v8 =	vmul.f32 s9, v39  }
0xf0: {  	v12 =	vld [tilespmem:$0xE3A0];
	s10 =	simm.s32 @!p0 $0x0;
	v3 =	vadd.f32 v11, v3;
	v11 =	vmul.f32 s9, v44;
	v7 =	vadd.f32 v36, v7  }
0xf1: {  	v15 =	vld [tilespmem:$0xE3D0];
	v27 =	vmul.f32 s10, v43;
	v0 =	vadd.f32 v8, v0;
	v8 =	vmul.f32 s9, v31  }
0xf2: {  	v53 =	vld [tilespmem:$0xE570];
	v41 =	vmul.f32 s10, v47;
	v2 =	vadd.f32 v11, v2;
	v11 =	vmul.f32 s9, v32  }
0xf3: {  	v58 =	vld [tilespmem:$0xE5F0];
	v13 =	vmul.f32 s10, v13;
	v6 =	vadd.f32 v8, v6;
	v8 =	vmul.f32 s9, v28  }
0xf4: {  	v46 =	vld [tilespmem:$0xE500];
	v10 =	vmul.f32 s10, v10;
	v4 =	vadd.f32 v11, v4;
	v11 =	vmul.f32 s10, v45  }
0xf5: {  	v40 =	vld [tilespmem:$0xE470];
	v3 =	vadd.f32 v27, v3;
	v5 =	vadd.f32 v8, v5;
	v8 =	vmul.f32 s10, v48  }
0xf6: {  	v42 =	vld [tilespmem:$0xE480];
	p0 =	slt.u32 s2, $0xB;
	v1 =	vadd.f32 v41, v1;
	s9 =	simm.f32 $1.000000000e+00;
	v0 =	vadd.f32 v11, v0;
	v11 =	vmul.f32 s10, v49  }
0xf7: {  	v56 =	vld [tilespmem:$0xE590];
	s9 =	simm.s32 @!p0 $0x0;
	v4 =	vadd.f32 v13, v4;
	v2 =	vadd.f32 v8, v2;
	v8 =	vmul.f32 s10, v50  }
0xf8: {  	v39 =	vld [tilespmem:$0xE460];
	v7 =	vadd.f32 v11, v7;
	v5 =	vadd.f32 v10, v5;
	v10 =	vmul.f32 s9, v12  }
0xf9: {  	v43 =	vld [tilespmem:$0xE490];
	v11 =	vmul.f32 s9, v14;
	v6 =	vadd.f32 v8, v6;
	v8 =	vmul.f32 s9, v9  }
0xfa: {  	v44 =	vld [tilespmem:$0xE4A0];
	p0 =	slt.u32 s2, $0xC;
	v12 =	vmul.f32 s9, v54;
	s10 =	simm.f32 $1.000000000e+00;
	v1 =	vadd.f32 v10, v1;
	v10 =	vmul.f32 s9, v15  }
0xfb: {  	v45 =	vld [tilespmem:$0xE4B0];
	s10 =	simm.s32 @!p0 $0x0;
	v3 =	vadd.f32 v11, v3;
	v0 =	vadd.f32 v8, v0;
	v8 =	vmul.f32 s9, v52  }
0xfc: {  	v13 =	vld [tilespmem:$0xE4F0];
	v15 =	vmul.f32 s9, v55;
	v6 =	vadd.f32 v10, v6;
	v10 =	vmul.f32 s10, v59  }
0xfd: {  	v48 =	vld [tilespmem:$0xE530];
	v7 =	vadd.f32 v12, v7;
	v2 =	vadd.f32 v8, v2;
	v8 =	vmul.f32 s9, v57  }
0xfe: {  	v14 =	vld [tilespmem:$0xE4C0];
	v47 =	vmul.f32 s10, v61;
	v3 =	vadd.f32 v10, v3;
	v10 =	vmul.f32 s10, v63  }
0xff: {  	s11 =	simm.f32 $1.000000000e+00;
	v50 =	vld [tilespmem:$0xE540];
	p0 =	slt.u32 s2, $0xD;
	v49 =	vmul.f32 s10, v37;
	s9 =	smul.u32 $0x68, s2;
	v5 =	vadd.f32 v8, v5;
	v8 =	vmul.f32 s10, v60  }
0x100: {  	v12 =	vld [tilespmem:$0xE510];
	s11 =	simm.s32 @!p0 $0x0;
	v4 =	vadd.f32 v15, v4;
	v2 =	vadd.f32 v10, v2;
	v10 =	vmul.f32 s10, v39  }
0x101: {  	v11 =	vld [tilespmem:$0xE4E0];
	v24 =	vmul.f32 s11, v43;
	s12 =	sadd.s32 $0x67, s9;
	v0 =	vadd.f32 v8, v0;
	v8 =	vmul.f32 s10, v38  }
0x102: {  	v9 =	vld [tilespmem:$0xE4D0];
	v54 =	vmov s12;
	v4 =	vadd.f32 v10, v4;
	v10 =	vmul.f32 s11, v42  }
0x103: {  	p0 =	slt.u32 s2, $0xE;
	v15 =	vld [tilespmem:$0xE520];
	v1 =	vadd.f32 v47, v1;
	s12 =	simm.f32 $1.000000000e+00;
	v6 =	vadd.f32 v8, v6;
	v8 =	vmul.f32 s10, v40  }
0x104: {  	v55 =	vld [tilespmem:$0xE580];
	v7 =	vadd.f32 v49, v7;
	s12 =	simm.s32 @!p0 $0x0;
	v3 =	vadd.f32 v10, v3;
	v10 =	vmul.f32 s11, v14  }
0x105: {  	v52 =	vld [tilespmem:$0xE560];
	v12 =	vmul.f32 s12, v12;
	v5 =	vadd.f32 v8, v5;
	v8 =	vmul.f32 s11, v44  }
0x106: {  	v57 =	vld [tilespmem:$0xE5C0];
	v0 =	vadd.f32 v24, v0;
	s10 =	simm.s32 $0xA180;
	v7 =	vadd.f32 v10, v7;
	v10 =	vmul.f32 s11, v11  }
0x107: {  	v11 =	vmul.f32 s11, v13;
	v13 =	vld.idx.msk [tilespmem:v54+s10+$0x0], $0xffff;
	v1 =	vadd.f32 v8, v1;
	v8 =	vmul.f32 s11, v9  }
0x108: {  	v18 =	vmul.f32 s11, v45;
	v14 =	vld [tilespmem:$0xE5A0];
	v4 =	vadd.f32 v10, v4;
	v10 =	vmul.f32 s12, v15  }
0x109: {  	v0 =	vadd.f32 v12, v0;
	v12 =	vld [tilespmem:$0xE5E0];
	v6 =	vadd.f32 v8, v6;
	v8 =	vmul.f32 s12, v46  }
0x10a: {  	v2 =	vadd.f32 v18, v2;
	v9 =	vld [tilespmem:$0xE5B0];
	v1 =	vadd.f32 v10, v1;
	v10 =	vmul.f32 s12, v50  }
0x10b: {  	v5 =	vadd.f32 v11, v5;
	v11 =	vld [tilespmem:$0xE5D0];
	s11 =	simm.s32 $0xDD70;
	v3 =	vadd.f32 v8, v3;
	v8 =	vmul.f32 s12, v48  }
0x10c: {  	s13 =	simm.f32 $0.0e+00;
	p0 =	seq.s32 s2, $0xF;
	v60 =	vld [tilespmem:s11+$0xFFFFFF90];
	(erf) = vrcp.f32 v13;
	v7 =	vadd.f32 v10, v7;
	v10 =	vmul.f32 s12, v53  }
0x10d: {  	s13 =	simm.s32 @!p0 $0x3F800000;
	v15 =	vmul.f32 s12, v51;
	v61 =	vld [tilespmem:s11+$0xFFFFFFA0];
	v2 =	vadd.f32 v8, v2;
	v8 =	vmul.f32 s12, v52  }
0x10e: {  	v59 =	vmul.f32 s13, v55;
	v62 =	vld [tilespmem:s11+$0xFFFFFFD0];
	v5 =	vadd.f32 v10, v5;
	v10 =	vmul.f32 s13, v14  }
0x10f: {  	v13 =	vld [tilespmem:s11+$0xFFFFFFF0];
	v6 =	vadd.f32 v15, v6;
	v4 =	vadd.f32 v8, v4;
	v8 =	vmul.f32 s13, v56  }
0x110: {  	v14 =	vld [tilespmem:s11+$0xFFFFFFC0];
	v1 =	vadd.f32 v10, v1;
	v10 =	vmul.f32 s13, v11;
	v11 =	vmul.f32 s13, v12  }
0x111: {  	v3 =	vadd.f32 v59, v3;
	v12 =	vld [tilespmem:s11+$0xFFFFFFB0];
	v8 =	vadd.f32 v8, v0;
	v0 =	vmul.f32 s13, v9  }
0x112: {  	v15 =	vld [tilespmem:s11+$0xFFFFFFE0];
	v9 =	vmul.f32 s13, v57;
	v10 =	vadd.f32 v10, v6;
	v4 =	vadd.f32 v11, v4  }
0x113: {  	v11 =	vld [tilespmem:s11+$0x0];
	v6 =	vadd.f32 v60, v3;
	v2 =	vadd.f32 v0, v2;
	v0 =	vmul.f32 s13, v58  }
0x114: {  	v9 =	vadd.f32 v9, v7;
	v7 =	vadd.f32 v61, v8  }
0x115: {  	v63 =	vadd.f32 v0, v5;
	v0 =	vadd.f32 v13, v4;
	v13 =	vpop (erf)  }
0x116: {  	v4 =	vadd.f32 v12, v1;
	v3 =	vadd.f32 v14, v2;
	v12 =	vmul.f32 v13, v6  }
0x117: {  	v2 =	vadd.f32 v15, v10;
	v5 =	vadd.f32 v62, v9;
	v14 =	vmul.f32 v13, v7  }
0x118: {  	v1 =	vadd.f32 v11, v63;
	v15 =	vmul.f32 v13, v4;
	v8 =	vmul.f32 v13, v3;
	[tilespmem:s11+$0xFFFFFF90] =	vst v12  }
0x119: {  	v10 =	vmul.f32 v13, v5;
	v9 =	vmul.f32 v13, v2;
	[tilespmem:s11+$0xFFFFFFA0] =	vst v14  }
0x11a: {  	s12 =	simm.s32 $0x65;
	s13 =	sadd.s32 $0x66, s9;
	v12 =	vmul.f32 v13, v0;
	v11 =	vmul.f32 v13, v1;
	[tilespmem:s11+$0xFFFFFFB0] =	vst v15  }
.LBB2_3:
0x11b: {  	p0 =	sne.s32 s12, $0x0;
	v13 =	vmov s13;
	[tilespmem:s11+$0xFFFFFFC0] =	vst v8  }
0x11c: {  	[tilespmem:s11+$0xFFFFFFD0] =	vst v10  }
0x11d: {  	[tilespmem:s11+$0xFFFFFFE0] =	vst v9  }
0x11e: {  	[tilespmem:s11+$0xFFFFFFF0] =	vst v12  }
0x11f: {  	[tilespmem:s11+$0x0] =	vst v11  }
0x120: {  	v8 =	vld.idx.msk [tilespmem:v13+s10+$0x0], $0xffff;
	_ =	sdelay $0x3  }
0x121: {  	s11 =	sadd.s32 $0xFFFFFF80, s11  }
0x122: {  	v9 =	vld [tilespmem:s11+$0xFFFFFFF0]  }
0x123: {  	v10 =	vld [tilespmem:s11+$0xFFFFFF90];
	(erf) = vrcp.f32 v8  }
0x124: {  	v8 =	vld [tilespmem:s11+$0xFFFFFFE0]  }
0x125: {  	v11 =	vld [tilespmem:s11+$0xFFFFFFC0]  }
0x126: {  	v12 =	vld [tilespmem:s11+$0xFFFFFFA0]  }
0x127: {  	v13 =	vld [tilespmem:s11+$0xFFFFFFB0]  }
0x128: {  	v14 =	vld [tilespmem:s11+$0xFFFFFFD0]  }
0x129: {  	v15 =	vld [tilespmem:s11+$0x0]  }
0x12a: {  	v0 =	vadd.f32 v9, v0;
	v6 =	vadd.f32 v10, v6  }
0x12b: {  	v2 =	vadd.f32 v8, v2;
	v7 =	vadd.f32 v12, v7  }
0x12c: {  	v3 =	vadd.f32 v11, v3;
	v4 =	vadd.f32 v13, v4;
	v11 =	vpop (erf)  }
.Ltmp1:
0x12d: {  	v5 =	vadd.f32 v14, v5;
	v9 =	vmul.f32 v11, v6;
	v12 =	vmul.f32 v11, v7;
	(pc) =	sbr.rel @p0 .LBB2_3-.Ltmp1, $4  }
0x12e: {  	v8 =	vmul.f32 v11, v3;
	v1 =	vadd.f32 v15, v1;
	v13 =	vmul.f32 v11, v4  }
0x12f: {  	[tilespmem:s11+$0xFFFFFF90] =	vst v9;
	v10 =	vmul.f32 v11, v5;
	v9 =	vmul.f32 v11, v2  }
0x130: {  	[tilespmem:s11+$0xFFFFFFA0] =	vst v12;
	v12 =	vmul.f32 v11, v0;
	v11 =	vmul.f32 v11, v1  }
0x131: {  	s13 =	sadd.s32 s12, s9;
	s12 =	sadd.s32 $0xFFFFFFFF, s12;
	[tilespmem:s11+$0xFFFFFFB0] =	vst v13  }
0x132: {  	v13 =	vmov s13;
	[tilespmem:s11+$0xFFFFFFC0] =	vst v8  }
0x133: {  	[tilespmem:s11+$0xFFFFFFD0] =	vst v10  }
0x134: {  	[tilespmem:s11+$0xFFFFFFE0] =	vst v9  }
0x135: {  	[tilespmem:s11+$0xFFFFFFF0] =	vst v12  }
0x136: {  	[tilespmem:s11+$0x0] =	vst v11  }
0x137: {  	v8 =	vld.idx.msk [tilespmem:v13+s10+$0x0], $0xffff;
	_ =	sdelay $0x4  }
0x138: {  	(erf) = vrcp.f32 v8;
	_ =	sdelay $0x1  }
0x139: {  	s9 =	sadd.s32 $0xFFFFFF80, s11  }
0x13a: {  	v42 =	vld [tilespmem:s9+$0xFFFFFF90]  }
0x13b: {  	v43 =	vld [tilespmem:s9+$0xFFFFFFA0]  }
0x13c: {  	v10 =	vld [tilespmem:s9+$0xFFFFFFB0]  }
0x13d: {  	v44 =	vld [tilespmem:s9+$0xFFFFFFC0]  }
0x13e: {  	v12 =	vld [tilespmem:s9+$0xFFFFFFD0]  }
0x13f: {  	v45 =	vld [tilespmem:s9+$0xFFFFFFE0];
	v6 =	vadd.f32 v42, v6  }
0x140: {  	v46 =	vld [tilespmem:s9+$0xFFFFFFF0];
	v7 =	vadd.f32 v43, v7;
	v47 =	vpop (erf)  }
0x141: {  	v14 =	vld [tilespmem:s9+$0x0];
	v4 =	vadd.f32 v10, v4;
	v6 =	vmul.f32 v47, v6  }
0x142: {  	v3 =	vadd.f32 v44, v3;
	v7 =	vmul.f32 v47, v7  }
0x143: {  	v5 =	vadd.f32 v12, v5;
	v4 =	vmul.f32 v47, v4;
	[tilespmem:s9+$0xFFFFFF90] =	vst v6  }
0x144: {  	v2 =	vadd.f32 v45, v2;
	v3 =	vmul.f32 v47, v3;
	[tilespmem:s9+$0xFFFFFFA0] =	vst v7  }
0x145: {  	v0 =	vadd.f32 v46, v0;
	v5 =	vmul.f32 v47, v5;
	[tilespmem:s9+$0xFFFFFFB0] =	vst v4  }
0x146: {  	v1 =	vadd.f32 v14, v1;
	v2 =	vmul.f32 v47, v2;
	[tilespmem:s9+$0xFFFFFFC0] =	vst v3  }
0x147: {  	v0 =	vmul.f32 v47, v0;
	[tilespmem:s9+$0xFFFFFFD0] =	vst v5  }
0x148: {  	v1 =	vmul.f32 v47, v1;
	[tilespmem:s9+$0xFFFFFFE0] =	vst v2  }
0x149: {  	[tilespmem:s9+$0xFFFFFFF0] =	vst v0  }
0x14a: {  	s21 =	simm.s32 $0xA980;
	s22 =	simm.s32 $0x1;
	[tilespmem:s9+$0x0] =	vst v1  }
0x14b: {  	[spmem:s7] =	stream.linear.scatter [tilespmem:s21], [sflag:$0x1], $0x3400, $0x38;
	[tilespmem:$0x11C80] =	vst v63  }
0x14c: {  	_ =	swait.ge [sflag:s22], $0x3400  }
0x14d: {  	[sflag:s22] =	ssyncset.done $0x0  }
0x14e: {  	s8 =	sadd.s32 s8, s6;
	[sflag:s22] =	ssyncadd.s32 $0xFFFFCC00  }
0x14f: {  	s23 =	simm.s32 $0x0;
	s24 =	simm.s32 $0xE600;
	[bflag:$0x0] =	sbarrier.arrive $0xFFFF  }
0x150: {  	[tilespmem:s24], [sflag:$0x1] =	stream.linear.gather [hbm4b:s8+s23], $0x100, $0x38;
	[tilespmem:$0x11C80] =	vst v63  }
0x151: {  	_ =	swait.ge [sflag:s22], $0x100  }
0x152: {  	[sflag:s22] =	ssyncset.done $0x0  }
0x153: {  	[sflag:s22] =	ssyncadd.s32 $0xFFFFFF00  }
0x154: {  	v48 =	vld [tilespmem:$0xE600];
	_ =	sdelay $0x5  }
0x155: {  	v49 =	vld [tilespmem:$0xE610];
	_ =	sdelay $0x1  }
0x156: {  	v0 =	vld.idx.msk [tilespmem:v48+s23+$0x0], $0xffff;
	_ =	sdelay $0x3  }
0x157: {  	v50 =	vld [tilespmem:$0xE620]  }
0x158: {  	[tilespmem:$0xE700] =	vst v0  }
0x159: {  	v0 =	vld.idx.msk [tilespmem:v49+s23+$0x0], $0xffff;
	_ =	sdelay $0x3  }
0x15a: {  	v51 =	vld [tilespmem:$0xE630]  }
0x15b: {  	[tilespmem:$0xE710] =	vst v0  }
0x15c: {  	v0 =	vld.idx.msk [tilespmem:v50+s23+$0x0], $0xffff;
	_ =	sdelay $0x3  }
0x15d: {  	v52 =	vld [tilespmem:$0xE640]  }
0x15e: {  	[tilespmem:$0xE720] =	vst v0  }
0x15f: {  	v0 =	vld.idx.msk [tilespmem:v51+s23+$0x0], $0xffff;
	_ =	sdelay $0x3  }
0x160: {  	v53 =	vld [tilespmem:$0xE650]  }
0x161: {  	[tilespmem:$0xE730] =	vst v0  }
0x162: {  	v0 =	vld.idx.msk [tilespmem:v52+s23+$0x0], $0xffff;
	_ =	sdelay $0x3  }
0x163: {  	v54 =	vld [tilespmem:$0xE660]  }
0x164: {  	[tilespmem:$0xE740] =	vst v0  }
0x165: {  	v0 =	vld.idx.msk [tilespmem:v53+s23+$0x0], $0xffff;
	_ =	sdelay $0x3  }
0x166: {  	v55 =	vld [tilespmem:$0xE670]  }
0x167: {  	[tilespmem:$0xE750] =	vst v0  }
0x168: {  	v0 =	vld.idx.msk [tilespmem:v54+s23+$0x0], $0xffff;
	_ =	sdelay $0x3  }
0x169: {  	v56 =	vld [tilespmem:$0xE680]  }
0x16a: {  	[tilespmem:$0xE760] =	vst v0  }
0x16b: {  	v0 =	vld.idx.msk [tilespmem:v55+s23+$0x0], $0xffff;
	_ =	sdelay $0x3  }
0x16c: {  	v57 =	vld [tilespmem:$0xE690]  }
0x16d: {  	[tilespmem:$0xE770] =	vst v0  }
0x16e: {  	v0 =	vld.idx.msk [tilespmem:v56+s23+$0x0], $0xffff;
	_ =	sdelay $0x3  }
0x16f: {  	v58 =	vld [tilespmem:$0xE6A0]  }
0x170: {  	[tilespmem:$0xE780] =	vst v0  }
0x171: {  	v0 =	vld.idx.msk [tilespmem:v57+s23+$0x0], $0xffff;
	_ =	sdelay $0x3  }
0x172: {  	v59 =	vld [tilespmem:$0xE6B0]  }
0x173: {  	[tilespmem:$0xE790] =	vst v0  }
0x174: {  	v0 =	vld.idx.msk [tilespmem:v58+s23+$0x0], $0xffff;
	_ =	sdelay $0x3  }
0x175: {  	v60 =	vld [tilespmem:$0xE6C0]  }
0x176: {  	[tilespmem:$0xE7A0] =	vst v0  }
0x177: {  	v0 =	vld.idx.msk [tilespmem:v59+s23+$0x0], $0xffff;
	_ =	sdelay $0x3  }
0x178: {  	v61 =	vld [tilespmem:$0xE6D0]  }
0x179: {  	[tilespmem:$0xE7B0] =	vst v0  }
0x17a: {  	v0 =	vld.idx.msk [tilespmem:v60+s23+$0x0], $0xffff;
	_ =	sdelay $0x3  }
0x17b: {  	v62 =	vld [tilespmem:$0xE6E0]  }
0x17c: {  	[tilespmem:$0xE7C0] =	vst v0  }
0x17d: {  	v0 =	vld.idx.msk [tilespmem:v61+s23+$0x0], $0xffff;
	_ =	sdelay $0x3  }
0x17e: {  	v63 =	vld [tilespmem:$0xE6F0]  }
0x17f: {  	[tilespmem:$0xE7D0] =	vst v0  }
0x180: {  	v0 =	vld.idx.msk [tilespmem:v62+s23+$0x0], $0xffff;
	_ =	sdelay $0x4  }
0x181: {  	[tilespmem:$0xE7E0] =	vst v0  }
0x182: {  	v0 =	vld.idx.msk [tilespmem:v63+s23+$0x0], $0xffff;
	_ =	sdelay $0x4  }
0x183: {  	s25 =	simm.s32 $0x80;
	s26 =	simm.s32 $0xE700;
	s28 =	simm.s32 $0x2180;
	[tilespmem:$0xE7F0] =	vst v0  }
0x184: {  	[tilespmem:s28], [sflag:$0x1] =	stream.indirect.gather [spmem:s3], $0x80, s26, s25, $0xb8;
	[tilespmem:$0x11C80] =	vst v63  }
0x185: {  	_ =	swait.ge [sflag:s22], $0x4000  }
0x186: {  	[sflag:s22] =	ssyncset.done $0x0  }
0x187: {  	s5 =	sadd.s32 s1, s5;
	[sflag:s22] =	ssyncadd.s32 $0xFFFFC000  }
0x188: {  	[hbm4b:s5+s23] =	stream.linear.scatter [tilespmem:s28], [sflag:$0x1], $0x4000, $0x38;
	[tilespmem:$0x11C80] =	vst v63  }
0x189: {  	_ =	swait.ge [sflag:s22], $0x4000  }
0x18a: {  	[sflag:s22] =	ssyncset.done $0x0  }
0x18b: {  	s29 =	simm.s32 $0xE780;
	s30 =	simm.s32 $0x6180;
	[sflag:s22] =	ssyncadd.s32 $0xFFFFC000  }
0x18c: {  	[tilespmem:s30], [sflag:$0x1] =	stream.indirect.gather [spmem:s3], $0x80, s29, s25, $0xb8;
	[tilespmem:$0x11C80] =	vst v63  }
0x18d: {  	_ =	swait.ge [sflag:s22], $0x4000  }
0x18e: {  	[sflag:s22] =	ssyncset.done $0x0  }
0x18f: {  	s31 =	sadd.s32 s1, s4;
	[sflag:s22] =	ssyncadd.s32 $0xFFFFC000  }
0x190: {  	[hbm4b:s31+s23] =	stream.linear.scatter [tilespmem:s30], [sflag:$0x1], $0x4000, $0x38;
	[tilespmem:$0x11C80] =	vst v63  }
0x191: {  	_ =	swait.ge [sflag:s22], $0x4000  }
0x192: {  	[sflag:s22] =	ssyncset.done $0x0  }
0x193: {  	[sflag:s22] =	ssyncadd.s32 $0xFFFFC000  }
0x194: {  	_ =	sfence.sel $0x180000  }
0x195: {  	[bflag:$0x0] =	sbarrier.arrive $0xFFFF  }
0x196: {  	p0 =	sne.s32 s2, $0x0;
	_ =	strace $0x90000047  }
0x197: {  	s0 =	sadd.s32 @!p0 $0x100000, s0;
	[bflag:$0x2] =	sbarrier.arrive $0xFFFF  }
0x198: {  	[sflag:s0] =	ssyncadd.tile.s32 @!p0 $0x1;
	_ =	shalt  }
.Lfunc_end2:
_tile_overlayer_lowered:
.L_overlay_start_2:
0x199: {  	(tag) =	ssettag $0x2  }
0x19a: {  	s0 =	rddreg [dreg:$0x0];
	s2 =	stileid.u32  }
0x19b: {  	s1 =	rddreg [dreg:$0x1];
	p0 =	sne.s32 s2, $0x0  }
0x19c: {  	s3 =	rddreg [dreg:$0x2];
	[bflag:$0x3] =	sbarrier.arrive $0xFFFF;
	s2 =	simm.s32 @!p0 $0x1C01  }
0x19d: {  	[timem:s3], [sflag:s2] =	dma.local @!p0 [hbm:s0], s1  }
0x19e: {  	s0 =	simm.s32 @!p0 $0x1  }
0x19f: {  	_ =	swait.ge @!p0 [sflag:s0], s1  }
0x1a0: {  	s1 =	ssub.s32 @!p0 $0x0, s1;
	[sflag:s0] =	ssyncset.done @!p0 $0x0  }
0x1a1: {  	[sflag:s0] =	ssyncadd.s32 @!p0 s1  }
0x1a2: {  	[bflag:$0x3] =	sbarrier.arrive $0xFFFF  }
0x1a3: {  	_ =	shalt  }

</sc_bundles>
